<compile_context>
chip_gen: v7x
topology: tpu7x:2x2x1
jax: 0.10.2.dev20260603
libtpu: 0.0.44.dev20260713+nightly
codegen_flags: <defaults>
</compile_context>

<pallas_src>
import jax
import jax.numpy as jnp
from jax import lax
from jax.experimental import pallas as pl
from jax.experimental.pallas import tpu as pltpu
from jax.experimental.pallas import tpu_sc as plsc

_R = 256
_BIG = 3.0e38

_NW = 32
_CHUNK = 128


def _nn_body(ub_ref, a2_ref, k2_ref, b2_2_ref, k3_ref, b2_3_ref,
             k4_ref, b2_4_ref, mb_ref, b2_m_ref,
             idx2_ref, w2_ref, idx3_ref, w3_ref, idx4_ref, w4_ref,
             gt_ref):
    ub = ub_ref[...]
    a2 = a2_ref[...]

    def sqdist(kbT, b2):
        dots = jax.lax.dot_general(
            ub, kbT, (((1,), (0,)), ((), ())),
            preferred_element_type=jnp.float32)
        return jnp.maximum((a2 + b2) - 2.0 * dots, 0.0)

    def top3(kbT, b2, idx_ref, w_ref):
        d2 = sqdist(kbT, b2)
        m = kbT.shape[1]
        big = jnp.full((_R, 128), _BIG, jnp.float32)
        zero = jnp.zeros((_R, 128), jnp.int32)
        a0, a1, a2 = big, big, big
        i0, i1, i2 = zero, zero, zero
        for g in range(m // 128):
            x = d2[:, 128 * g:128 * (g + 1)]
            c0 = x < a0
            c1 = x < a1
            c2 = x < a2
            na1 = jnp.where(c0, a0, jnp.where(c1, x, a1))
            ni1 = jnp.where(c0, i0, jnp.where(c1, g, i1))
            na2 = jnp.where(c1, a1, jnp.where(c2, x, a2))
            ni2 = jnp.where(c1, i1, jnp.where(c2, g, i2))
            a0 = jnp.minimum(a0, x)
            i0 = jnp.where(c0, g, i0)
            a1, i1, a2, i2 = na1, ni1, na2, ni2
        lane = lax.broadcasted_iota(jnp.int32, (_R, 128), 1)
        c0 = i0 * 128 + lane
        c1 = i1 * 128 + lane
        c2 = i2 * 128 + lane
        bigi = jnp.int32(1 << 30)
        idxs = []
        dists = []
        for _ in range(3):
            mn = jnp.min(a0, axis=1, keepdims=True)
            idx = jnp.min(jnp.where(a0 == mn, c0, bigi), axis=1,
                          keepdims=True)
            rem = c0 == idx
            a0 = jnp.where(rem, a1, a0)
            c0 = jnp.where(rem, c1, c0)
            a1 = jnp.where(rem, a2, a1)
            c1 = jnp.where(rem, c2, c1)
            a2 = jnp.where(rem, _BIG, a2)
            idxs.append(idx)
            dists.append(jnp.sqrt(mn))
        r0 = 1.0 / (dists[0] + 1e-8)
        r1 = 1.0 / (dists[1] + 1e-8)
        r2 = 1.0 / (dists[2] + 1e-8)
        norm = r0 + r1 + r2
        idx_ref[...] = jnp.concatenate(idxs, axis=1)
        w_ref[...] = jnp.concatenate(
            [r0 / norm, r1 / norm, r2 / norm], axis=1)

    top3(k2_ref[...], b2_2_ref[...], idx2_ref, w2_ref)
    top3(k3_ref[...], b2_3_ref[...], idx3_ref, w3_ref)
    top3(k4_ref[...], b2_4_ref[...], idx4_ref, w4_ref)

    d2m = sqdist(mb_ref[...], b2_m_ref[...])
    mn = jnp.min(d2m, axis=1, keepdims=True)
    gt_ref[...] = (jnp.sqrt(mn) < 0.5).astype(jnp.float32)


def _combine_body(g2_ref, w2_ref, g3_ref, w3_ref, g4_ref, w4_ref,
                  wfc_ref, wcls_ref, pred_ref):
    def part(g_ref, w_ref):
        return ((g_ref[0] * w_ref[:, 0:1]
                 + g_ref[1] * w_ref[:, 1:2])
                + g_ref[2] * w_ref[:, 2:3])[:, 0:32]

    x96 = jnp.concatenate(
        [part(g2_ref, w2_ref), part(g3_ref, w3_ref),
         part(g4_ref, w4_ref)], axis=1)
    pointwise = jax.lax.dot_general(
        x96.astype(jnp.bfloat16), wfc_ref[...],
        (((1,), (1,)), ((), ())), preferred_element_type=jnp.float32)
    pred8 = jax.lax.dot_general(
        pointwise.astype(jnp.bfloat16), wcls_ref[...],
        (((1,), (1,)), ((), ())), preferred_element_type=jnp.float32)
    pred_ref[...] = pred8[:, 0:1]


def _sc_gather(idx2_h, f2_h, idx3_h, f3_h, idx4_h, f4_h,
               out2, out3, out4, idx_v, rows_v, sem):
    wid = lax.axis_index("s") * 2 + lax.axis_index("c")
    nchunk = idx_v.shape[0]
    rows_per_w = nchunk * _CHUNK
    base = wid * rows_per_w
    for idx_h, tab, out in ((idx2_h, f2_h, out2), (idx3_h, f3_h, out3),
                            (idx4_h, f4_h, out4)):
        pltpu.sync_copy(idx_h.at[wid], idx_v)
        copies = [pltpu.async_copy(tab.at[idx_v.at[j]],
                                   rows_v.at[pl.ds(j * _CHUNK, _CHUNK)],
                                   sem)
                  for j in range(nchunk)]
        for c in copies:
            c.wait()
        pltpu.sync_copy(rows_v, out.at[pl.ds(base, rows_per_w)])


def kernel(unknown, known2, feats2, known3, feats3, known4, feats4,
           match_points, W_fc, W_cls):
    n = unknown.shape[0]
    nk = 3 * n
    rows_per_w = nk // _NW
    nchunk = rows_per_w // _CHUNK

    def row_norm(x):
        return jnp.sum(x * x, axis=1, keepdims=True).T

    bf = jnp.bfloat16
    full = lambda shape: pl.BlockSpec(shape, lambda i: (0, 0))
    rblk = lambda w: pl.BlockSpec((_R, w), lambda i: (i, 0))
    idx2, w2, idx3, w3, idx4, w4, gt = pl.pallas_call(
        _nn_body,
        grid=(n // _R,),
        in_specs=[
            rblk(3), rblk(1),
            full((3, 8192)), full((1, 8192)),
            full((3, 4096)), full((1, 4096)),
            full((3, 2048)), full((1, 2048)),
            full((3, 2048)), full((1, 2048)),
        ],
        out_specs=[rblk(3), rblk(3), rblk(3), rblk(3), rblk(3), rblk(3),
                   rblk(1)],
        out_shape=[
            jax.ShapeDtypeStruct((n, 3), jnp.int32),
            jax.ShapeDtypeStruct((n, 3), jnp.float32),
            jax.ShapeDtypeStruct((n, 3), jnp.int32),
            jax.ShapeDtypeStruct((n, 3), jnp.float32),
            jax.ShapeDtypeStruct((n, 3), jnp.int32),
            jax.ShapeDtypeStruct((n, 3), jnp.float32),
            jax.ShapeDtypeStruct((n, 1), jnp.float32),
        ],
    )(unknown.astype(bf),
      jnp.sum(unknown * unknown, axis=1, keepdims=True),
      known2.astype(bf).T, row_norm(known2),
      known3.astype(bf).T, row_norm(known3),
      known4.astype(bf).T, row_norm(known4),
      match_points.astype(bf).T, row_norm(match_points))

    def sc_idx(idx):
        return idx.T.reshape(_NW, nchunk, _CHUNK)

    gather = pl.kernel(
        _sc_gather,
        mesh=plsc.VectorSubcoreMesh(core_axis_name="c",
                                    subcore_axis_name="s"),
        out_type=[jax.ShapeDtypeStruct((nk, 128), jnp.float32)] * 3,
        scratch_types=[
            pltpu.VMEM((nchunk, _CHUNK), jnp.int32),
            pltpu.VMEM((rows_per_w, 128), jnp.float32),
            pltpu.SemaphoreType.DMA,
        ],
    )

    def pad128(f):
        return jnp.pad(f, ((0, 0), (0, 96)))

    g2, g3, g4 = gather(sc_idx(idx2), pad128(feats2),
                        sc_idx(idx3), pad128(feats3),
                        sc_idx(idx4), pad128(feats4))

    rc = 1024
    gblk = pl.BlockSpec((3, rc, 128), lambda i: (0, i, 0))
    wblk = pl.BlockSpec((rc, 3), lambda i: (i, 0))
    pred = pl.pallas_call(
        _combine_body,
        grid=(n // rc,),
        in_specs=[
            gblk, wblk, gblk, wblk, gblk, wblk,
            full((64, 96)), full((8, 64)),
        ],
        out_specs=[pl.BlockSpec((rc, 1), lambda i: (i, 0))],
        out_shape=[jax.ShapeDtypeStruct((n, 1), jnp.float32)],
    )(g2.reshape(3, n, 128), w2, g3.reshape(3, n, 128), w3,
      g4.reshape(3, n, 128), w4,
      W_fc.astype(bf),
      jnp.concatenate([W_cls, jnp.zeros((7, 64), W_cls.dtype)], 0).astype(bf))[0]
    return pred, gt.reshape(n)

# --- scband reference (transcript-rebuilt; emitter-appended) ---
"""Pipeline reference for scband-height-compression-25984552140992 (READ-ONLY COPY).

The authoritative reference and input builder live on the scoring server;
editing this copy changes nothing except your own understanding.
"""

import jax, jax.numpy as jnp
import numpy as np


def _pairwise_sqdist(a, b):
    a2 = jnp.sum(a * a, axis=1, keepdims=True)
    b2 = jnp.sum(b * b, axis=1, keepdims=True)
    d2 = a2 + b2.T - 2.0 * (a @ b.T)
    return jnp.maximum(d2, 0.0)


def _three_interpolate(unknown, known, known_feats):
    # three_nn: find 3 nearest known points for every unknown point
    d2 = _pairwise_sqdist(unknown, known)
    neg_top, idx = jax.lax.top_k(-d2, 3)
    dist = jnp.sqrt(jnp.maximum(-neg_top, 0.0))
    # inverse-distance weighting (as in pointnet2 three_interpolate)
    dist_recip = 1.0 / (dist + 1e-08)
    norm = jnp.sum(dist_recip, axis=1, keepdims=True)
    weight = dist_recip / norm
    gathered = known_feats[idx]  # [N, 3, C] gather
    return jnp.sum(gathered * weight[:, :, None], axis=1)  # [N, C]


def setup_inputs(seed: int = 0):
    key = jax.random.key(seed)
    ks = jax.random.split(key, 12)
    scale = jnp.array([70.0, 80.0, 4.0], dtype=jnp.float32)
    off = jnp.array([0.0, -40.0, -3.0], dtype=jnp.float32)
    unknown = jax.random.uniform(ks[0], (8192, 3), dtype=jnp.float32) * scale + off
    known2 = jax.random.uniform(ks[1], (8192, 3), dtype=jnp.float32) * scale + off
    feats2 = jax.random.normal(ks[2], (8192, 32), dtype=jnp.float32)
    known3 = jax.random.uniform(ks[3], (4096, 3), dtype=jnp.float32) * scale + off
    feats3 = jax.random.normal(ks[4], (4096, 32), dtype=jnp.float32)
    known4 = jax.random.uniform(ks[5], (2048, 3), dtype=jnp.float32) * scale + off
    feats4 = jax.random.normal(ks[6], (2048, 32), dtype=jnp.float32)
    match_points = jax.random.uniform(ks[7], (2048, 3), dtype=jnp.float32) * scale + off
    W_fc = jax.random.normal(ks[8], (64, 96), dtype=jnp.float32) * 0.05
    W_cls = jax.random.normal(ks[9], (1, 64), dtype=jnp.float32) * 0.05
    return {
        'unknown': unknown,
        'known2': known2, 'feats2': feats2,
        'known3': known3, 'feats3': feats3,
        'known4': known4, 'feats4': feats4,
        'match_points': match_points,
        'W_fc': W_fc, 'W_cls': W_cls,
    }


def reference(unknown, known2, feats2, known3, feats3, known4, feats4, match_points, W_fc, W_cls):
    # multi-scale 3-NN inverse-distance interpolation (conv2/conv3/conv4 scales)
    p0 = _three_interpolate(unknown, known2, feats2)
    p1 = _three_interpolate(unknown, known3, feats3)
    p2 = _three_interpolate(unknown, known4, feats4)
    pointwise = jnp.concatenate([p0, p1, p2], axis=-1) @ W_fc.T  # point_fc (96->64, no bias)
    pred_hm = pointwise @ W_cls.T  # point_cls (64->1, no bias)
    # generate_valid_points_mask: 1-NN distance threshold 0.5m against match points
    d2m = _pairwise_sqdist(unknown, match_points)
    min_d = jnp.sqrt(jnp.min(d2m, axis=1))
    gt_hm = (min_d < 0.5).astype(jnp.float32)
    return pred_hm, gt_hm

if __name__ == "__main__":
    import jax
    _d = setup_inputs()
    print(jax.jit(kernel)(*tuple(_d.values())))

</pallas_src>

<mosaic_0001>
#map = affine_map<(d0, d1) -> (0, 0, 0)>
#map1 = affine_map<(d0, d1) -> (0, 0)>
module attributes {stable_mosaic.version = 14 : i64} {
  func.func @_sc_gather(%arg0: i32, %arg1: i32, %arg2: memref<32x6x128xi32, #tpu.memory_space<hbm>>, %arg3: memref<8192x128xf32, #tpu.memory_space<hbm>>, %arg4: memref<32x6x128xi32, #tpu.memory_space<hbm>>, %arg5: memref<4096x128xf32, #tpu.memory_space<hbm>>, %arg6: memref<32x6x128xi32, #tpu.memory_space<hbm>>, %arg7: memref<2048x128xf32, #tpu.memory_space<hbm>>, %arg8: memref<24576x128xf32, #tpu.memory_space<hbm>>, %arg9: memref<24576x128xf32, #tpu.memory_space<hbm>>, %arg10: memref<24576x128xf32, #tpu.memory_space<hbm>>, %arg11: memref<6x128xi32, #tpu.memory_space<vmem>>, %arg12: memref<768x128xf32, #tpu.memory_space<vmem>>, %arg13: memref<!tpu.dma_semaphore, #tpu.memory_space<semaphore_mem>>) attributes {dimension_semantics = [#tpu.dimension_semantics<core_parallel>, #tpu.dimension_semantics<subcore_parallel>], iteration_bounds = array<i64: 2, 16>, scalar_prefetch = 0 : i64, scratch_operands = 3 : i64, tpu.core_type = #tpu.core_type<sc_vector_subcore>, window_params = [{transform_indices = #map}, {transform_indices = #map1}, {transform_indices = #map}, {transform_indices = #map1}, {transform_indices = #map}, {transform_indices = #map1}, {transform_indices = #map1}, {transform_indices = #map1}, {transform_indices = #map1}]} {
    %mul3A = arith.constant 2 : i32
    %mul3A_0 = arith.muli %arg1, %mul3A : i32
    %add3A = arith.addi %mul3A_0, %arg0 : i32
    %mul3A_1 = arith.constant 768 : i32
    %mul3A_2 = arith.muli %add3A, %mul3A_1 : i32
    "tpu.region"() ({
      %run_scoped3A = tpu.sem_alloc : memref<!tpu.dma_semaphore, #tpu.memory_space<semaphore_mem>>
      %dma_start3A_361 = arith.constant 0 : i32
      %dma_start3A_362 = arith.constant 0 : i32
      %dma_start3A_363 = tpu.memref_slice %arg2[%add3A, %dma_start3A_361, %dma_start3A_362] : memref<32x6x128xi32, #tpu.memory_space<hbm>> -> memref<1x6x128xi32, #tpu.memory_space<hbm>>
      %dma_start3A_364 = tpu.memref_squeeze %dma_start3A_363 : memref<1x6x128xi32, #tpu.memory_space<hbm>> -> memref<6x128xi32, #tpu.memory_space<hbm>>
      %dma_start3A_365 = arith.constant 0 : i32
      %dma_start3A_366 = arith.constant 0 : i32
      %dma_start3A_367 = tpu.memref_slice %arg2[%add3A, %dma_start3A_365, %dma_start3A_366] : memref<32x6x128xi32, #tpu.memory_space<hbm>> -> memref<1x6x128xi32, #tpu.memory_space<hbm>>
      %dma_start3A_368 = tpu.memref_squeeze %dma_start3A_367 : memref<1x6x128xi32, #tpu.memory_space<hbm>> -> memref<6x128xi32, #tpu.memory_space<hbm>>
      tpu.enqueue_dma source(%dma_start3A_368 : memref<6x128xi32, #tpu.memory_space<hbm>>) target(%arg11 : memref<6x128xi32, #tpu.memory_space<vmem>>) target_semaphore(%run_scoped3A : memref<!tpu.dma_semaphore, #tpu.memory_space<semaphore_mem>>)
      %dma_wait3A_369 = arith.constant 0 : i32
      %dma_wait3A_370 = arith.constant 0 : i32
      %dma_wait3A_371 = tpu.memref_slice %arg2[%add3A, %dma_wait3A_369, %dma_wait3A_370] : memref<32x6x128xi32, #tpu.memory_space<hbm>> -> memref<1x6x128xi32, #tpu.memory_space<hbm>>
      %dma_wait3A_372 = tpu.memref_squeeze %dma_wait3A_371 : memref<1x6x128xi32, #tpu.memory_space<hbm>> -> memref<6x128xi32, #tpu.memory_space<hbm>>
      %dma_wait3A_373 = arith.constant 0 : i32
      %dma_wait3A_374 = arith.constant 0 : i32
      %dma_wait3A_375 = tpu.memref_slice %arg2[%add3A, %dma_wait3A_373, %dma_wait3A_374] : memref<32x6x128xi32, #tpu.memory_space<hbm>> -> memref<1x6x128xi32, #tpu.memory_space<hbm>>
      %dma_wait3A_376 = tpu.memref_squeeze %dma_wait3A_375 : memref<1x6x128xi32, #tpu.memory_space<hbm>> -> memref<6x128xi32, #tpu.memory_space<hbm>>
      tpu.wait_dma2 semaphore(%run_scoped3A : memref<!tpu.dma_semaphore, #tpu.memory_space<semaphore_mem>>) src(%dma_wait3A_376 : memref<6x128xi32, #tpu.memory_space<hbm>>) dst(%arg11 : memref<6x128xi32, #tpu.memory_space<vmem>>)
      tpu.yield
    }) : () -> ()
    %dma_start3A = arith.constant 0 : i32
    %dma_start3A_3 = arith.constant 0 : i32
    %dma_start3A_4 = arith.constant 0 : i32
    %dma_start3A_5 = tpu.memref_slice %arg12[%dma_start3A_3, %dma_start3A_4] : memref<768x128xf32, #tpu.memory_space<vmem>> -> memref<128x128xf32, #tpu.memory_space<vmem>>
    %dma_start3A_6 = arith.constant 0 : i32
    %dma_start3A_7 = tpu.memref_slice %arg11[%dma_start3A, %dma_start3A_6] : memref<6x128xi32, #tpu.memory_space<vmem>> -> memref<1x128xi32, #tpu.memory_space<vmem>>
    %dma_start3A_8 = tpu.memref_squeeze %dma_start3A_7 : memref<1x128xi32, #tpu.memory_space<vmem>> -> memref<128xi32, #tpu.memory_space<vmem>>
    %dma_start3A_9 = arith.constant 0 : i32
    %dma_start3A_10 = arith.constant 0 : i32
    %dma_start3A_11 = tpu.memref_slice %arg3[%dma_start3A_9, %dma_start3A_10] : memref<8192x128xf32, #tpu.memory_space<hbm>> -> memref<8192x128xf32, #tpu.memory_space<hbm>>
    tpu.enqueue_indirect_dma source(%dma_start3A_11 : memref<8192x128xf32, #tpu.memory_space<hbm>>) target(%dma_start3A_5 : memref<128x128xf32, #tpu.memory_space<vmem>>) offsets(%dma_start3A_8 : memref<128xi32, #tpu.memory_space<vmem>>) semaphore(%arg13 : memref<!tpu.dma_semaphore, #tpu.memory_space<semaphore_mem>>)
    %dma_start3A_12 = arith.constant 1 : i32
    %dma_start3A_13 = arith.constant 128 : i32
    %dma_start3A_14 = arith.constant 0 : i32
    %dma_start3A_15 = tpu.memref_slice %arg12[%dma_start3A_13, %dma_start3A_14] : memref<768x128xf32, #tpu.memory_space<vmem>> -> memref<128x128xf32, #tpu.memory_space<vmem>>
    %dma_start3A_16 = arith.constant 0 : i32
    %dma_start3A_17 = tpu.memref_slice %arg11[%dma_start3A_12, %dma_start3A_16] : memref<6x128xi32, #tpu.memory_space<vmem>> -> memref<1x128xi32, #tpu.memory_space<vmem>>
    %dma_start3A_18 = tpu.memref_squeeze %dma_start3A_17 : memref<1x128xi32, #tpu.memory_space<vmem>> -> memref<128xi32, #tpu.memory_space<vmem>>
    %dma_start3A_19 = arith.constant 0 : i32
    %dma_start3A_20 = arith.constant 0 : i32
    %dma_start3A_21 = tpu.memref_slice %arg3[%dma_start3A_19, %dma_start3A_20] : memref<8192x128xf32, #tpu.memory_space<hbm>> -> memref<8192x128xf32, #tpu.memory_space<hbm>>
    tpu.enqueue_indirect_dma source(%dma_start3A_21 : memref<8192x128xf32, #tpu.memory_space<hbm>>) target(%dma_start3A_15 : memref<128x128xf32, #tpu.memory_space<vmem>>) offsets(%dma_start3A_18 : memref<128xi32, #tpu.memory_space<vmem>>) semaphore(%arg13 : memref<!tpu.dma_semaphore, #tpu.memory_space<semaphore_mem>>)
    %dma_start3A_22 = arith.constant 2 : i32
    %dma_start3A_23 = arith.constant 256 : i32
    %dma_start3A_24 = arith.constant 0 : i32
    %dma_start3A_25 = tpu.memref_slice %arg12[%dma_start3A_23, %dma_start3A_24] : memref<768x128xf32, #tpu.memory_space<vmem>> -> memref<128x128xf32, #tpu.memory_space<vmem>>
    %dma_start3A_26 = arith.constant 0 : i32
    %dma_start3A_27 = tpu.memref_slice %arg11[%dma_start3A_22, %dma_start3A_26] : memref<6x128xi32, #tpu.memory_space<vmem>> -> memref<1x128xi32, #tpu.memory_space<vmem>>
    %dma_start3A_28 = tpu.memref_squeeze %dma_start3A_27 : memref<1x128xi32, #tpu.memory_space<vmem>> -> memref<128xi32, #tpu.memory_space<vmem>>
    %dma_start3A_29 = arith.constant 0 : i32
    %dma_start3A_30 = arith.constant 0 : i32
    %dma_start3A_31 = tpu.memref_slice %arg3[%dma_start3A_29, %dma_start3A_30] : memref<8192x128xf32, #tpu.memory_space<hbm>> -> memref<8192x128xf32, #tpu.memory_space<hbm>>
    tpu.enqueue_indirect_dma source(%dma_start3A_31 : memref<8192x128xf32, #tpu.memory_space<hbm>>) target(%dma_start3A_25 : memref<128x128xf32, #tpu.memory_space<vmem>>) offsets(%dma_start3A_28 : memref<128xi32, #tpu.memory_space<vmem>>) semaphore(%arg13 : memref<!tpu.dma_semaphore, #tpu.memory_space<semaphore_mem>>)
    %dma_start3A_32 = arith.constant 3 : i32
    %dma_start3A_33 = arith.constant 384 : i32
    %dma_start3A_34 = arith.constant 0 : i32
    %dma_start3A_35 = tpu.memref_slice %arg12[%dma_start3A_33, %dma_start3A_34] : memref<768x128xf32, #tpu.memory_space<vmem>> -> memref<128x128xf32, #tpu.memory_space<vmem>>
    %dma_start3A_36 = arith.constant 0 : i32
    %dma_start3A_37 = tpu.memref_slice %arg11[%dma_start3A_32, %dma_start3A_36] : memref<6x128xi32, #tpu.memory_space<vmem>> -> memref<1x128xi32, #tpu.memory_space<vmem>>
    %dma_start3A_38 = tpu.memref_squeeze %dma_start3A_37 : memref<1x128xi32, #tpu.memory_space<vmem>> -> memref<128xi32, #tpu.memory_space<vmem>>
    %dma_start3A_39 = arith.constant 0 : i32
    %dma_start3A_40 = arith.constant 0 : i32
    %dma_start3A_41 = tpu.memref_slice %arg3[%dma_start3A_39, %dma_start3A_40] : memref<8192x128xf32, #tpu.memory_space<hbm>> -> memref<8192x128xf32, #tpu.memory_space<hbm>>
    tpu.enqueue_indirect_dma source(%dma_start3A_41 : memref<8192x128xf32, #tpu.memory_space<hbm>>) target(%dma_start3A_35 : memref<128x128xf32, #tpu.memory_space<vmem>>) offsets(%dma_start3A_38 : memref<128xi32, #tpu.memory_space<vmem>>) semaphore(%arg13 : memref<!tpu.dma_semaphore, #tpu.memory_space<semaphore_mem>>)
    %dma_start3A_42 = arith.constant 4 : i32
    %dma_start3A_43 = arith.constant 512 : i32
    %dma_start3A_44 = arith.constant 0 : i32
    %dma_start3A_45 = tpu.memref_slice %arg12[%dma_start3A_43, %dma_start3A_44] : memref<768x128xf32, #tpu.memory_space<vmem>> -> memref<128x128xf32, #tpu.memory_space<vmem>>
    %dma_start3A_46 = arith.constant 0 : i32
    %dma_start3A_47 = tpu.memref_slice %arg11[%dma_start3A_42, %dma_start3A_46] : memref<6x128xi32, #tpu.memory_space<vmem>> -> memref<1x128xi32, #tpu.memory_space<vmem>>
    %dma_start3A_48 = tpu.memref_squeeze %dma_start3A_47 : memref<1x128xi32, #tpu.memory_space<vmem>> -> memref<128xi32, #tpu.memory_space<vmem>>
    %dma_start3A_49 = arith.constant 0 : i32
    %dma_start3A_50 = arith.constant 0 : i32
    %dma_start3A_51 = tpu.memref_slice %arg3[%dma_start3A_49, %dma_start3A_50] : memref<8192x128xf32, #tpu.memory_space<hbm>> -> memref<8192x128xf32, #tpu.memory_space<hbm>>
    tpu.enqueue_indirect_dma source(%dma_start3A_51 : memref<8192x128xf32, #tpu.memory_space<hbm>>) target(%dma_start3A_45 : memref<128x128xf32, #tpu.memory_space<vmem>>) offsets(%dma_start3A_48 : memref<128xi32, #tpu.memory_space<vmem>>) semaphore(%arg13 : memref<!tpu.dma_semaphore, #tpu.memory_space<semaphore_mem>>)
    %dma_start3A_52 = arith.constant 5 : i32
    %dma_start3A_53 = arith.constant 640 : i32
    %dma_start3A_54 = arith.constant 0 : i32
    %dma_start3A_55 = tpu.memref_slice %arg12[%dma_start3A_53, %dma_start3A_54] : memref<768x128xf32, #tpu.memory_space<vmem>> -> memref<128x128xf32, #tpu.memory_space<vmem>>
    %dma_start3A_56 = arith.constant 0 : i32
    %dma_start3A_57 = tpu.memref_slice %arg11[%dma_start3A_52, %dma_start3A_56] : memref<6x128xi32, #tpu.memory_space<vmem>> -> memref<1x128xi32, #tpu.memory_space<vmem>>
    %dma_start3A_58 = tpu.memref_squeeze %dma_start3A_57 : memref<1x128xi32, #tpu.memory_space<vmem>> -> memref<128xi32, #tpu.memory_space<vmem>>
    %dma_start3A_59 = arith.constant 0 : i32
    %dma_start3A_60 = arith.constant 0 : i32
    %dma_start3A_61 = tpu.memref_slice %arg3[%dma_start3A_59, %dma_start3A_60] : memref<8192x128xf32, #tpu.memory_space<hbm>> -> memref<8192x128xf32, #tpu.memory_space<hbm>>
    tpu.enqueue_indirect_dma source(%dma_start3A_61 : memref<8192x128xf32, #tpu.memory_space<hbm>>) target(%dma_start3A_55 : memref<128x128xf32, #tpu.memory_space<vmem>>) offsets(%dma_start3A_58 : memref<128xi32, #tpu.memory_space<vmem>>) semaphore(%arg13 : memref<!tpu.dma_semaphore, #tpu.memory_space<semaphore_mem>>)
    %dma_wait3A = arith.constant 0 : i32
    %dma_wait3A_62 = arith.constant 0 : i32
    %dma_wait3A_63 = arith.constant 0 : i32
    %dma_wait3A_64 = tpu.memref_slice %arg12[%dma_wait3A_62, %dma_wait3A_63] : memref<768x128xf32, #tpu.memory_space<vmem>> -> memref<128x128xf32, #tpu.memory_space<vmem>>
    %dma_wait3A_65 = arith.constant 0 : i32
    %dma_wait3A_66 = tpu.memref_slice %arg11[%dma_wait3A, %dma_wait3A_65] : memref<6x128xi32, #tpu.memory_space<vmem>> -> memref<1x128xi32, #tpu.memory_space<vmem>>
    %dma_wait3A_67 = tpu.memref_squeeze %dma_wait3A_66 : memref<1x128xi32, #tpu.memory_space<vmem>> -> memref<128xi32, #tpu.memory_space<vmem>>
    %dma_wait3A_68 = arith.constant 0 : i32
    %dma_wait3A_69 = arith.constant 0 : i32
    %dma_wait3A_70 = tpu.memref_slice %arg3[%dma_wait3A_68, %dma_wait3A_69] : memref<8192x128xf32, #tpu.memory_space<hbm>> -> memref<8192x128xf32, #tpu.memory_space<hbm>>
    tpu.wait_indirect_dma semaphore(%arg13 : memref<!tpu.dma_semaphore, #tpu.memory_space<semaphore_mem>>) src(%dma_wait3A_70 : memref<8192x128xf32, #tpu.memory_space<hbm>>) dst(%dma_wait3A_64 : memref<128x128xf32, #tpu.memory_space<vmem>>)
    %dma_wait3A_71 = arith.constant 1 : i32
    %dma_wait3A_72 = arith.constant 128 : i32
    %dma_wait3A_73 = arith.constant 0 : i32
    %dma_wait3A_74 = tpu.memref_slice %arg12[%dma_wait3A_72, %dma_wait3A_73] : memref<768x128xf32, #tpu.memory_space<vmem>> -> memref<128x128xf32, #tpu.memory_space<vmem>>
    %dma_wait3A_75 = arith.constant 0 : i32
    %dma_wait3A_76 = tpu.memref_slice %arg11[%dma_wait3A_71, %dma_wait3A_75] : memref<6x128xi32, #tpu.memory_space<vmem>> -> memref<1x128xi32, #tpu.memory_space<vmem>>
    %dma_wait3A_77 = tpu.memref_squeeze %dma_wait3A_76 : memref<1x128xi32, #tpu.memory_space<vmem>> -> memref<128xi32, #tpu.memory_space<vmem>>
    %dma_wait3A_78 = arith.constant 0 : i32
    %dma_wait3A_79 = arith.constant 0 : i32
    %dma_wait3A_80 = tpu.memref_slice %arg3[%dma_wait3A_78, %dma_wait3A_79] : memref<8192x128xf32, #tpu.memory_space<hbm>> -> memref<8192x128xf32, #tpu.memory_space<hbm>>
    tpu.wait_indirect_dma semaphore(%arg13 : memref<!tpu.dma_semaphore, #tpu.memory_space<semaphore_mem>>) src(%dma_wait3A_80 : memref<8192x128xf32, #tpu.memory_space<hbm>>) dst(%dma_wait3A_74 : memref<128x128xf32, #tpu.memory_space<vmem>>)
    %dma_wait3A_81 = arith.constant 2 : i32
    %dma_wait3A_82 = arith.constant 256 : i32
    %dma_wait3A_83 = arith.constant 0 : i32
    %dma_wait3A_84 = tpu.memref_slice %arg12[%dma_wait3A_82, %dma_wait3A_83] : memref<768x128xf32, #tpu.memory_space<vmem>> -> memref<128x128xf32, #tpu.memory_space<vmem>>
    %dma_wait3A_85 = arith.constant 0 : i32
    %dma_wait3A_86 = tpu.memref_slice %arg11[%dma_wait3A_81, %dma_wait3A_85] : memref<6x128xi32, #tpu.memory_space<vmem>> -> memref<1x128xi32, #tpu.memory_space<vmem>>
    %dma_wait3A_87 = tpu.memref_squeeze %dma_wait3A_86 : memref<1x128xi32, #tpu.memory_space<vmem>> -> memref<128xi32, #tpu.memory_space<vmem>>
    %dma_wait3A_88 = arith.constant 0 : i32
    %dma_wait3A_89 = arith.constant 0 : i32
    %dma_wait3A_90 = tpu.memref_slice %arg3[%dma_wait3A_88, %dma_wait3A_89] : memref<8192x128xf32, #tpu.memory_space<hbm>> -> memref<8192x128xf32, #tpu.memory_space<hbm>>
    tpu.wait_indirect_dma semaphore(%arg13 : memref<!tpu.dma_semaphore, #tpu.memory_space<semaphore_mem>>) src(%dma_wait3A_90 : memref<8192x128xf32, #tpu.memory_space<hbm>>) dst(%dma_wait3A_84 : memref<128x128xf32, #tpu.memory_space<vmem>>)
    %dma_wait3A_91 = arith.constant 3 : i32
    %dma_wait3A_92 = arith.constant 384 : i32
    %dma_wait3A_93 = arith.constant 0 : i32
    %dma_wait3A_94 = tpu.memref_slice %arg12[%dma_wait3A_92, %dma_wait3A_93] : memref<768x128xf32, #tpu.memory_space<vmem>> -> memref<128x128xf32, #tpu.memory_space<vmem>>
    %dma_wait3A_95 = arith.constant 0 : i32
    %dma_wait3A_96 = tpu.memref_slice %arg11[%dma_wait3A_91, %dma_wait3A_95] : memref<6x128xi32, #tpu.memory_space<vmem>> -> memref<1x128xi32, #tpu.memory_space<vmem>>
    %dma_wait3A_97 = tpu.memref_squeeze %dma_wait3A_96 : memref<1x128xi32, #tpu.memory_space<vmem>> -> memref<128xi32, #tpu.memory_space<vmem>>
    %dma_wait3A_98 = arith.constant 0 : i32
    %dma_wait3A_99 = arith.constant 0 : i32
    %dma_wait3A_100 = tpu.memref_slice %arg3[%dma_wait3A_98, %dma_wait3A_99] : memref<8192x128xf32, #tpu.memory_space<hbm>> -> memref<8192x128xf32, #tpu.memory_space<hbm>>
    tpu.wait_indirect_dma semaphore(%arg13 : memref<!tpu.dma_semaphore, #tpu.memory_space<semaphore_mem>>) src(%dma_wait3A_100 : memref<8192x128xf32, #tpu.memory_space<hbm>>) dst(%dma_wait3A_94 : memref<128x128xf32, #tpu.memory_space<vmem>>)
    %dma_wait3A_101 = arith.constant 4 : i32
    %dma_wait3A_102 = arith.constant 512 : i32
    %dma_wait3A_103 = arith.constant 0 : i32
    %dma_wait3A_104 = tpu.memref_slice %arg12[%dma_wait3A_102, %dma_wait3A_103] : memref<768x128xf32, #tpu.memory_space<vmem>> -> memref<128x128xf32, #tpu.memory_space<vmem>>
    %dma_wait3A_105 = arith.constant 0 : i32
    %dma_wait3A_106 = tpu.memref_slice %arg11[%dma_wait3A_101, %dma_wait3A_105] : memref<6x128xi32, #tpu.memory_space<vmem>> -> memref<1x128xi32, #tpu.memory_space<vmem>>
    %dma_wait3A_107 = tpu.memref_squeeze %dma_wait3A_106 : memref<1x128xi32, #tpu.memory_space<vmem>> -> memref<128xi32, #tpu.memory_space<vmem>>
    %dma_wait3A_108 = arith.constant 0 : i32
    %dma_wait3A_109 = arith.constant 0 : i32
    %dma_wait3A_110 = tpu.memref_slice %arg3[%dma_wait3A_108, %dma_wait3A_109] : memref<8192x128xf32, #tpu.memory_space<hbm>> -> memref<8192x128xf32, #tpu.memory_space<hbm>>
    tpu.wait_indirect_dma semaphore(%arg13 : memref<!tpu.dma_semaphore, #tpu.memory_space<semaphore_mem>>) src(%dma_wait3A_110 : memref<8192x128xf32, #tpu.memory_space<hbm>>) dst(%dma_wait3A_104 : memref<128x128xf32, #tpu.memory_space<vmem>>)
    %dma_wait3A_111 = arith.constant 5 : i32
    %dma_wait3A_112 = arith.constant 640 : i32
    %dma_wait3A_113 = arith.constant 0 : i32
    %dma_wait3A_114 = tpu.memref_slice %arg12[%dma_wait3A_112, %dma_wait3A_113] : memref<768x128xf32, #tpu.memory_space<vmem>> -> memref<128x128xf32, #tpu.memory_space<vmem>>
    %dma_wait3A_115 = arith.constant 0 : i32
    %dma_wait3A_116 = tpu.memref_slice %arg11[%dma_wait3A_111, %dma_wait3A_115] : memref<6x128xi32, #tpu.memory_space<vmem>> -> memref<1x128xi32, #tpu.memory_space<vmem>>
    %dma_wait3A_117 = tpu.memref_squeeze %dma_wait3A_116 : memref<1x128xi32, #tpu.memory_space<vmem>> -> memref<128xi32, #tpu.memory_space<vmem>>
    %dma_wait3A_118 = arith.constant 0 : i32
    %dma_wait3A_119 = arith.constant 0 : i32
    %dma_wait3A_120 = tpu.memref_slice %arg3[%dma_wait3A_118, %dma_wait3A_119] : memref<8192x128xf32, #tpu.memory_space<hbm>> -> memref<8192x128xf32, #tpu.memory_space<hbm>>
    tpu.wait_indirect_dma semaphore(%arg13 : memref<!tpu.dma_semaphore, #tpu.memory_space<semaphore_mem>>) src(%dma_wait3A_120 : memref<8192x128xf32, #tpu.memory_space<hbm>>) dst(%dma_wait3A_114 : memref<128x128xf32, #tpu.memory_space<vmem>>)
    "tpu.region"() ({
      %run_scoped3A = tpu.sem_alloc : memref<!tpu.dma_semaphore, #tpu.memory_space<semaphore_mem>>
      %dma_start3A_361 = arith.constant 0 : i32
      %dma_start3A_362 = tpu.memref_slice %arg8[%mul3A_2, %dma_start3A_361] : memref<24576x128xf32, #tpu.memory_space<hbm>> -> memref<768x128xf32, #tpu.memory_space<hbm>>
      %dma_start3A_363 = arith.constant 0 : i32
      %dma_start3A_364 = tpu.memref_slice %arg8[%mul3A_2, %dma_start3A_363] : memref<24576x128xf32, #tpu.memory_space<hbm>> -> memref<768x128xf32, #tpu.memory_space<hbm>>
      tpu.enqueue_dma source(%arg12 : memref<768x128xf32, #tpu.memory_space<vmem>>) target(%dma_start3A_364 : memref<768x128xf32, #tpu.memory_space<hbm>>) target_semaphore(%run_scoped3A : memref<!tpu.dma_semaphore, #tpu.memory_space<semaphore_mem>>)
      %dma_wait3A_365 = arith.constant 0 : i32
      %dma_wait3A_366 = tpu.memref_slice %arg8[%mul3A_2, %dma_wait3A_365] : memref<24576x128xf32, #tpu.memory_space<hbm>> -> memref<768x128xf32, #tpu.memory_space<hbm>>
      %dma_wait3A_367 = arith.constant 0 : i32
      %dma_wait3A_368 = tpu.memref_slice %arg8[%mul3A_2, %dma_wait3A_367] : memref<24576x128xf32, #tpu.memory_space<hbm>> -> memref<768x128xf32, #tpu.memory_space<hbm>>
      tpu.wait_dma2 semaphore(%run_scoped3A : memref<!tpu.dma_semaphore, #tpu.memory_space<semaphore_mem>>) src(%arg12 : memref<768x128xf32, #tpu.memory_space<vmem>>) dst(%dma_wait3A_368 : memref<768x128xf32, #tpu.memory_space<hbm>>)
      tpu.yield
    }) : () -> ()
    "tpu.region"() ({
      %run_scoped3A = tpu.sem_alloc : memref<!tpu.dma_semaphore, #tpu.memory_space<semaphore_mem>>
      %dma_start3A_361 = arith.constant 0 : i32
      %dma_start3A_362 = arith.constant 0 : i32
      %dma_start3A_363 = tpu.memref_slice %arg4[%add3A, %dma_start3A_361, %dma_start3A_362] : memref<32x6x128xi32, #tpu.memory_space<hbm>> -> memref<1x6x128xi32, #tpu.memory_space<hbm>>
      %dma_start3A_364 = tpu.memref_squeeze %dma_start3A_363 : memref<1x6x128xi32, #tpu.memory_space<hbm>> -> memref<6x128xi32, #tpu.memory_space<hbm>>
      %dma_start3A_365 = arith.constant 0 : i32
      %dma_start3A_366 = arith.constant 0 : i32
      %dma_start3A_367 = tpu.memref_slice %arg4[%add3A, %dma_start3A_365, %dma_start3A_366] : memref<32x6x128xi32, #tpu.memory_space<hbm>> -> memref<1x6x128xi32, #tpu.memory_space<hbm>>
      %dma_start3A_368 = tpu.memref_squeeze %dma_start3A_367 : memref<1x6x128xi32, #tpu.memory_space<hbm>> -> memref<6x128xi32, #tpu.memory_space<hbm>>
      tpu.enqueue_dma source(%dma_start3A_368 : memref<6x128xi32, #tpu.memory_space<hbm>>) target(%arg11 : memref<6x128xi32, #tpu.memory_space<vmem>>) target_semaphore(%run_scoped3A : memref<!tpu.dma_semaphore, #tpu.memory_space<semaphore_mem>>)
      %dma_wait3A_369 = arith.constant 0 : i32
      %dma_wait3A_370 = arith.constant 0 : i32
      %dma_wait3A_371 = tpu.memref_slice %arg4[%add3A, %dma_wait3A_369, %dma_wait3A_370] : memref<32x6x128xi32, #tpu.memory_space<hbm>> -> memref<1x6x128xi32, #tpu.memory_space<hbm>>
      %dma_wait3A_372 = tpu.memref_squeeze %dma_wait3A_371 : memref<1x6x128xi32, #tpu.memory_space<hbm>> -> memref<6x128xi32, #tpu.memory_space<hbm>>
      %dma_wait3A_373 = arith.constant 0 : i32
      %dma_wait3A_374 = arith.constant 0 : i32
      %dma_wait3A_375 = tpu.memref_slice %arg4[%add3A, %dma_wait3A_373, %dma_wait3A_374] : memref<32x6x128xi32, #tpu.memory_space<hbm>> -> memref<1x6x128xi32, #tpu.memory_space<hbm>>
      %dma_wait3A_376 = tpu.memref_squeeze %dma_wait3A_375 : memref<1x6x128xi32, #tpu.memory_space<hbm>> -> memref<6x128xi32, #tpu.memory_space<hbm>>
      tpu.wait_dma2 semaphore(%run_scoped3A : memref<!tpu.dma_semaphore, #tpu.memory_space<semaphore_mem>>) src(%dma_wait3A_376 : memref<6x128xi32, #tpu.memory_space<hbm>>) dst(%arg11 : memref<6x128xi32, #tpu.memory_space<vmem>>)
      tpu.yield
    }) : () -> ()
    %dma_start3A_121 = arith.constant 0 : i32
    %dma_start3A_122 = arith.constant 0 : i32
    %dma_start3A_123 = arith.constant 0 : i32
    %dma_start3A_124 = tpu.memref_slice %arg12[%dma_start3A_122, %dma_start3A_123] : memref<768x128xf32, #tpu.memory_space<vmem>> -> memref<128x128xf32, #tpu.memory_space<vmem>>
    %dma_start3A_125 = arith.constant 0 : i32
    %dma_start3A_126 = tpu.memref_slice %arg11[%dma_start3A_121, %dma_start3A_125] : memref<6x128xi32, #tpu.memory_space<vmem>> -> memref<1x128xi32, #tpu.memory_space<vmem>>
    %dma_start3A_127 = tpu.memref_squeeze %dma_start3A_126 : memref<1x128xi32, #tpu.memory_space<vmem>> -> memref<128xi32, #tpu.memory_space<vmem>>
    %dma_start3A_128 = arith.constant 0 : i32
    %dma_start3A_129 = arith.constant 0 : i32
    %dma_start3A_130 = tpu.memref_slice %arg5[%dma_start3A_128, %dma_start3A_129] : memref<4096x128xf32, #tpu.memory_space<hbm>> -> memref<4096x128xf32, #tpu.memory_space<hbm>>
    tpu.enqueue_indirect_dma source(%dma_start3A_130 : memref<4096x128xf32, #tpu.memory_space<hbm>>) target(%dma_start3A_124 : memref<128x128xf32, #tpu.memory_space<vmem>>) offsets(%dma_start3A_127 : memref<128xi32, #tpu.memory_space<vmem>>) semaphore(%arg13 : memref<!tpu.dma_semaphore, #tpu.memory_space<semaphore_mem>>)
    %dma_start3A_131 = arith.constant 1 : i32
    %dma_start3A_132 = arith.constant 128 : i32
    %dma_start3A_133 = arith.constant 0 : i32
    %dma_start3A_134 = tpu.memref_slice %arg12[%dma_start3A_132, %dma_start3A_133] : memref<768x128xf32, #tpu.memory_space<vmem>> -> memref<128x128xf32, #tpu.memory_space<vmem>>
    %dma_start3A_135 = arith.constant 0 : i32
    %dma_start3A_136 = tpu.memref_slice %arg11[%dma_start3A_131, %dma_start3A_135] : memref<6x128xi32, #tpu.memory_space<vmem>> -> memref<1x128xi32, #tpu.memory_space<vmem>>
    %dma_start3A_137 = tpu.memref_squeeze %dma_start3A_136 : memref<1x128xi32, #tpu.memory_space<vmem>> -> memref<128xi32, #tpu.memory_space<vmem>>
    %dma_start3A_138 = arith.constant 0 : i32
    %dma_start3A_139 = arith.constant 0 : i32
    %dma_start3A_140 = tpu.memref_slice %arg5[%dma_start3A_138, %dma_start3A_139] : memref<4096x128xf32, #tpu.memory_space<hbm>> -> memref<4096x128xf32, #tpu.memory_space<hbm>>
    tpu.enqueue_indirect_dma source(%dma_start3A_140 : memref<4096x128xf32, #tpu.memory_space<hbm>>) target(%dma_start3A_134 : memref<128x128xf32, #tpu.memory_space<vmem>>) offsets(%dma_start3A_137 : memref<128xi32, #tpu.memory_space<vmem>>) semaphore(%arg13 : memref<!tpu.dma_semaphore, #tpu.memory_space<semaphore_mem>>)
    %dma_start3A_141 = arith.constant 2 : i32
    %dma_start3A_142 = arith.constant 256 : i32
    %dma_start3A_143 = arith.constant 0 : i32
    %dma_start3A_144 = tpu.memref_slice %arg12[%dma_start3A_142, %dma_start3A_143] : memref<768x128xf32, #tpu.memory_space<vmem>> -> memref<128x128xf32, #tpu.memory_space<vmem>>
    %dma_start3A_145 = arith.constant 0 : i32
    %dma_start3A_146 = tpu.memref_slice %arg11[%dma_start3A_141, %dma_start3A_145] : memref<6x128xi32, #tpu.memory_space<vmem>> -> memref<1x128xi32, #tpu.memory_space<vmem>>
    %dma_start3A_147 = tpu.memref_squeeze %dma_start3A_146 : memref<1x128xi32, #tpu.memory_space<vmem>> -> memref<128xi32, #tpu.memory_space<vmem>>
    %dma_start3A_148 = arith.constant 0 : i32
    %dma_start3A_149 = arith.constant 0 : i32
    %dma_start3A_150 = tpu.memref_slice %arg5[%dma_start3A_148, %dma_start3A_149] : memref<4096x128xf32, #tpu.memory_space<hbm>> -> memref<4096x128xf32, #tpu.memory_space<hbm>>
    tpu.enqueue_indirect_dma source(%dma_start3A_150 : memref<4096x128xf32, #tpu.memory_space<hbm>>) target(%dma_start3A_144 : memref<128x128xf32, #tpu.memory_space<vmem>>) offsets(%dma_start3A_147 : memref<128xi32, #tpu.memory_space<vmem>>) semaphore(%arg13 : memref<!tpu.dma_semaphore, #tpu.memory_space<semaphore_mem>>)
    %dma_start3A_151 = arith.constant 3 : i32
    %dma_start3A_152 = arith.constant 384 : i32
    %dma_start3A_153 = arith.constant 0 : i32
    %dma_start3A_154 = tpu.memref_slice %arg12[%dma_start3A_152, %dma_start3A_153] : memref<768x128xf32, #tpu.memory_space<vmem>> -> memref<128x128xf32, #tpu.memory_space<vmem>>
    %dma_start3A_155 = arith.constant 0 : i32
    %dma_start3A_156 = tpu.memref_slice %arg11[%dma_start3A_151, %dma_start3A_155] : memref<6x128xi32, #tpu.memory_space<vmem>> -> memref<1x128xi32, #tpu.memory_space<vmem>>
    %dma_start3A_157 = tpu.memref_squeeze %dma_start3A_156 : memref<1x128xi32, #tpu.memory_space<vmem>> -> memref<128xi32, #tpu.memory_space<vmem>>
    %dma_start3A_158 = arith.constant 0 : i32
    %dma_start3A_159 = arith.constant 0 : i32
    %dma_start3A_160 = tpu.memref_slice %arg5[%dma_start3A_158, %dma_start3A_159] : memref<4096x128xf32, #tpu.memory_space<hbm>> -> memref<4096x128xf32, #tpu.memory_space<hbm>>
    tpu.enqueue_indirect_dma source(%dma_start3A_160 : memref<4096x128xf32, #tpu.memory_space<hbm>>) target(%dma_start3A_154 : memref<128x128xf32, #tpu.memory_space<vmem>>) offsets(%dma_start3A_157 : memref<128xi32, #tpu.memory_space<vmem>>) semaphore(%arg13 : memref<!tpu.dma_semaphore, #tpu.memory_space<semaphore_mem>>)
    %dma_start3A_161 = arith.constant 4 : i32
    %dma_start3A_162 = arith.constant 512 : i32
    %dma_start3A_163 = arith.constant 0 : i32
    %dma_start3A_164 = tpu.memref_slice %arg12[%dma_start3A_162, %dma_start3A_163] : memref<768x128xf32, #tpu.memory_space<vmem>> -> memref<128x128xf32, #tpu.memory_space<vmem>>
    %dma_start3A_165 = arith.constant 0 : i32
    %dma_start3A_166 = tpu.memref_slice %arg11[%dma_start3A_161, %dma_start3A_165] : memref<6x128xi32, #tpu.memory_space<vmem>> -> memref<1x128xi32, #tpu.memory_space<vmem>>
    %dma_start3A_167 = tpu.memref_squeeze %dma_start3A_166 : memref<1x128xi32, #tpu.memory_space<vmem>> -> memref<128xi32, #tpu.memory_space<vmem>>
    %dma_start3A_168 = arith.constant 0 : i32
    %dma_start3A_169 = arith.constant 0 : i32
    %dma_start3A_170 = tpu.memref_slice %arg5[%dma_start3A_168, %dma_start3A_169] : memref<4096x128xf32, #tpu.memory_space<hbm>> -> memref<4096x128xf32, #tpu.memory_space<hbm>>
    tpu.enqueue_indirect_dma source(%dma_start3A_170 : memref<4096x128xf32, #tpu.memory_space<hbm>>) target(%dma_start3A_164 : memref<128x128xf32, #tpu.memory_space<vmem>>) offsets(%dma_start3A_167 : memref<128xi32, #tpu.memory_space<vmem>>) semaphore(%arg13 : memref<!tpu.dma_semaphore, #tpu.memory_space<semaphore_mem>>)
    %dma_start3A_171 = arith.constant 5 : i32
    %dma_start3A_172 = arith.constant 640 : i32
    %dma_start3A_173 = arith.constant 0 : i32
    %dma_start3A_174 = tpu.memref_slice %arg12[%dma_start3A_172, %dma_start3A_173] : memref<768x128xf32, #tpu.memory_space<vmem>> -> memref<128x128xf32, #tpu.memory_space<vmem>>
    %dma_start3A_175 = arith.constant 0 : i32
    %dma_start3A_176 = tpu.memref_slice %arg11[%dma_start3A_171, %dma_start3A_175] : memref<6x128xi32, #tpu.memory_space<vmem>> -> memref<1x128xi32, #tpu.memory_space<vmem>>
    %dma_start3A_177 = tpu.memref_squeeze %dma_start3A_176 : memref<1x128xi32, #tpu.memory_space<vmem>> -> memref<128xi32, #tpu.memory_space<vmem>>
    %dma_start3A_178 = arith.constant 0 : i32
    %dma_start3A_179 = arith.constant 0 : i32
    %dma_start3A_180 = tpu.memref_slice %arg5[%dma_start3A_178, %dma_start3A_179] : memref<4096x128xf32, #tpu.memory_space<hbm>> -> memref<4096x128xf32, #tpu.memory_space<hbm>>
    tpu.enqueue_indirect_dma source(%dma_start3A_180 : memref<4096x128xf32, #tpu.memory_space<hbm>>) target(%dma_start3A_174 : memref<128x128xf32, #tpu.memory_space<vmem>>) offsets(%dma_start3A_177 : memref<128xi32, #tpu.memory_space<vmem>>) semaphore(%arg13 : memref<!tpu.dma_semaphore, #tpu.memory_space<semaphore_mem>>)
    %dma_wait3A_181 = arith.constant 0 : i32
    %dma_wait3A_182 = arith.constant 0 : i32
    %dma_wait3A_183 = arith.constant 0 : i32
    %dma_wait3A_184 = tpu.memref_slice %arg12[%dma_wait3A_182, %dma_wait3A_183] : memref<768x128xf32, #tpu.memory_space<vmem>> -> memref<128x128xf32, #tpu.memory_space<vmem>>
    %dma_wait3A_185 = arith.constant 0 : i32
    %dma_wait3A_186 = tpu.memref_slice %arg11[%dma_wait3A_181, %dma_wait3A_185] : memref<6x128xi32, #tpu.memory_space<vmem>> -> memref<1x128xi32, #tpu.memory_space<vmem>>
    %dma_wait3A_187 = tpu.memref_squeeze %dma_wait3A_186 : memref<1x128xi32, #tpu.memory_space<vmem>> -> memref<128xi32, #tpu.memory_space<vmem>>
    %dma_wait3A_188 = arith.constant 0 : i32
    %dma_wait3A_189 = arith.constant 0 : i32
    %dma_wait3A_190 = tpu.memref_slice %arg5[%dma_wait3A_188, %dma_wait3A_189] : memref<4096x128xf32, #tpu.memory_space<hbm>> -> memref<4096x128xf32, #tpu.memory_space<hbm>>
    tpu.wait_indirect_dma semaphore(%arg13 : memref<!tpu.dma_semaphore, #tpu.memory_space<semaphore_mem>>) src(%dma_wait3A_190 : memref<4096x128xf32, #tpu.memory_space<hbm>>) dst(%dma_wait3A_184 : memref<128x128xf32, #tpu.memory_space<vmem>>)
    %dma_wait3A_191 = arith.constant 1 : i32
    %dma_wait3A_192 = arith.constant 128 : i32
    %dma_wait3A_193 = arith.constant 0 : i32
    %dma_wait3A_194 = tpu.memref_slice %arg12[%dma_wait3A_192, %dma_wait3A_193] : memref<768x128xf32, #tpu.memory_space<vmem>> -> memref<128x128xf32, #tpu.memory_space<vmem>>
    %dma_wait3A_195 = arith.constant 0 : i32
    %dma_wait3A_196 = tpu.memref_slice %arg11[%dma_wait3A_191, %dma_wait3A_195] : memref<6x128xi32, #tpu.memory_space<vmem>> -> memref<1x128xi32, #tpu.memory_space<vmem>>
    %dma_wait3A_197 = tpu.memref_squeeze %dma_wait3A_196 : memref<1x128xi32, #tpu.memory_space<vmem>> -> memref<128xi32, #tpu.memory_space<vmem>>
    %dma_wait3A_198 = arith.constant 0 : i32
    %dma_wait3A_199 = arith.constant 0 : i32
    %dma_wait3A_200 = tpu.memref_slice %arg5[%dma_wait3A_198, %dma_wait3A_199] : memref<4096x128xf32, #tpu.memory_space<hbm>> -> memref<4096x128xf32, #tpu.memory_space<hbm>>
    tpu.wait_indirect_dma semaphore(%arg13 : memref<!tpu.dma_semaphore, #tpu.memory_space<semaphore_mem>>) src(%dma_wait3A_200 : memref<4096x128xf32, #tpu.memory_space<hbm>>) dst(%dma_wait3A_194 : memref<128x128xf32, #tpu.memory_space<vmem>>)
    %dma_wait3A_201 = arith.constant 2 : i32
    %dma_wait3A_202 = arith.constant 256 : i32
    %dma_wait3A_203 = arith.constant 0 : i32
    %dma_wait3A_204 = tpu.memref_slice %arg12[%dma_wait3A_202, %dma_wait3A_203] : memref<768x128xf32, #tpu.memory_space<vmem>> -> memref<128x128xf32, #tpu.memory_space<vmem>>
    %dma_wait3A_205 = arith.constant 0 : i32
    %dma_wait3A_206 = tpu.memref_slice %arg11[%dma_wait3A_201, %dma_wait3A_205] : memref<6x128xi32, #tpu.memory_space<vmem>> -> memref<1x128xi32, #tpu.memory_space<vmem>>
    %dma_wait3A_207 = tpu.memref_squeeze %dma_wait3A_206 : memref<1x128xi32, #tpu.memory_space<vmem>> -> memref<128xi32, #tpu.memory_space<vmem>>
    %dma_wait3A_208 = arith.constant 0 : i32
    %dma_wait3A_209 = arith.constant 0 : i32
    %dma_wait3A_210 = tpu.memref_slice %arg5[%dma_wait3A_208, %dma_wait3A_209] : memref<4096x128xf32, #tpu.memory_space<hbm>> -> memref<4096x128xf32, #tpu.memory_space<hbm>>
    tpu.wait_indirect_dma semaphore(%arg13 : memref<!tpu.dma_semaphore, #tpu.memory_space<semaphore_mem>>) src(%dma_wait3A_210 : memref<4096x128xf32, #tpu.memory_space<hbm>>) dst(%dma_wait3A_204 : memref<128x128xf32, #tpu.memory_space<vmem>>)
    %dma_wait3A_211 = arith.constant 3 : i32
    %dma_wait3A_212 = arith.constant 384 : i32
    %dma_wait3A_213 = arith.constant 0 : i32
    %dma_wait3A_214 = tpu.memref_slice %arg12[%dma_wait3A_212, %dma_wait3A_213] : memref<768x128xf32, #tpu.memory_space<vmem>> -> memref<128x128xf32, #tpu.memory_space<vmem>>
    %dma_wait3A_215 = arith.constant 0 : i32
    %dma_wait3A_216 = tpu.memref_slice %arg11[%dma_wait3A_211, %dma_wait3A_215] : memref<6x128xi32, #tpu.memory_space<vmem>> -> memref<1x128xi32, #tpu.memory_space<vmem>>
    %dma_wait3A_217 = tpu.memref_squeeze %dma_wait3A_216 : memref<1x128xi32, #tpu.memory_space<vmem>> -> memref<128xi32, #tpu.memory_space<vmem>>
    %dma_wait3A_218 = arith.constant 0 : i32
    %dma_wait3A_219 = arith.constant 0 : i32
    %dma_wait3A_220 = tpu.memref_slice %arg5[%dma_wait3A_218, %dma_wait3A_219] : memref<4096x128xf32, #tpu.memory_space<hbm>> -> memref<4096x128xf32, #tpu.memory_space<hbm>>
    tpu.wait_indirect_dma semaphore(%arg13 : memref<!tpu.dma_semaphore, #tpu.memory_space<semaphore_mem>>) src(%dma_wait3A_220 : memref<4096x128xf32, #tpu.memory_space<hbm>>) dst(%dma_wait3A_214 : memref<128x128xf32, #tpu.memory_space<vmem>>)
    %dma_wait3A_221 = arith.constant 4 : i32
    %dma_wait3A_222 = arith.constant 512 : i32
    %dma_wait3A_223 = arith.constant 0 : i32
    %dma_wait3A_224 = tpu.memref_slice %arg12[%dma_wait3A_222, %dma_wait3A_223] : memref<768x128xf32, #tpu.memory_space<vmem>> -> memref<128x128xf32, #tpu.memory_space<vmem>>
    %dma_wait3A_225 = arith.constant 0 : i32
    %dma_wait3A_226 = tpu.memref_slice %arg11[%dma_wait3A_221, %dma_wait3A_225] : memref<6x128xi32, #tpu.memory_space<vmem>> -> memref<1x128xi32, #tpu.memory_space<vmem>>
    %dma_wait3A_227 = tpu.memref_squeeze %dma_wait3A_226 : memref<1x128xi32, #tpu.memory_space<vmem>> -> memref<128xi32, #tpu.memory_space<vmem>>
    %dma_wait3A_228 = arith.constant 0 : i32
    %dma_wait3A_229 = arith.constant 0 : i32
    %dma_wait3A_230 = tpu.memref_slice %arg5[%dma_wait3A_228, %dma_wait3A_229] : memref<4096x128xf32, #tpu.memory_space<hbm>> -> memref<4096x128xf32, #tpu.memory_space<hbm>>
    tpu.wait_indirect_dma semaphore(%arg13 : memref<!tpu.dma_semaphore, #tpu.memory_space<semaphore_mem>>) src(%dma_wait3A_230 : memref<4096x128xf32, #tpu.memory_space<hbm>>) dst(%dma_wait3A_224 : memref<128x128xf32, #tpu.memory_space<vmem>>)
    %dma_wait3A_231 = arith.constant 5 : i32
    %dma_wait3A_232 = arith.constant 640 : i32
    %dma_wait3A_233 = arith.constant 0 : i32
    %dma_wait3A_234 = tpu.memref_slice %arg12[%dma_wait3A_232, %dma_wait3A_233] : memref<768x128xf32, #tpu.memory_space<vmem>> -> memref<128x128xf32, #tpu.memory_space<vmem>>
    %dma_wait3A_235 = arith.constant 0 : i32
    %dma_wait3A_236 = tpu.memref_slice %arg11[%dma_wait3A_231, %dma_wait3A_235] : memref<6x128xi32, #tpu.memory_space<vmem>> -> memref<1x128xi32, #tpu.memory_space<vmem>>
    %dma_wait3A_237 = tpu.memref_squeeze %dma_wait3A_236 : memref<1x128xi32, #tpu.memory_space<vmem>> -> memref<128xi32, #tpu.memory_space<vmem>>
    %dma_wait3A_238 = arith.constant 0 : i32
    %dma_wait3A_239 = arith.constant 0 : i32
    %dma_wait3A_240 = tpu.memref_slice %arg5[%dma_wait3A_238, %dma_wait3A_239] : memref<4096x128xf32, #tpu.memory_space<hbm>> -> memref<4096x128xf32, #tpu.memory_space<hbm>>
    tpu.wait_indirect_dma semaphore(%arg13 : memref<!tpu.dma_semaphore, #tpu.memory_space<semaphore_mem>>) src(%dma_wait3A_240 : memref<4096x128xf32, #tpu.memory_space<hbm>>) dst(%dma_wait3A_234 : memref<128x128xf32, #tpu.memory_space<vmem>>)
    "tpu.region"() ({
      %run_scoped3A = tpu.sem_alloc : memref<!tpu.dma_semaphore, #tpu.memory_space<semaphore_mem>>
      %dma_start3A_361 = arith.constant 0 : i32
      %dma_start3A_362 = tpu.memref_slice %arg9[%mul3A_2, %dma_start3A_361] : memref<24576x128xf32, #tpu.memory_space<hbm>> -> memref<768x128xf32, #tpu.memory_space<hbm>>
      %dma_start3A_363 = arith.constant 0 : i32
      %dma_start3A_364 = tpu.memref_slice %arg9[%mul3A_2, %dma_start3A_363] : memref<24576x128xf32, #tpu.memory_space<hbm>> -> memref<768x128xf32, #tpu.memory_space<hbm>>
      tpu.enqueue_dma source(%arg12 : memref<768x128xf32, #tpu.memory_space<vmem>>) target(%dma_start3A_364 : memref<768x128xf32, #tpu.memory_space<hbm>>) target_semaphore(%run_scoped3A : memref<!tpu.dma_semaphore, #tpu.memory_space<semaphore_mem>>)
      %dma_wait3A_365 = arith.constant 0 : i32
      %dma_wait3A_366 = tpu.memref_slice %arg9[%mul3A_2, %dma_wait3A_365] : memref<24576x128xf32, #tpu.memory_space<hbm>> -> memref<768x128xf32, #tpu.memory_space<hbm>>
      %dma_wait3A_367 = arith.constant 0 : i32
      %dma_wait3A_368 = tpu.memref_slice %arg9[%mul3A_2, %dma_wait3A_367] : memref<24576x128xf32, #tpu.memory_space<hbm>> -> memref<768x128xf32, #tpu.memory_space<hbm>>
      tpu.wait_dma2 semaphore(%run_scoped3A : memref<!tpu.dma_semaphore, #tpu.memory_space<semaphore_mem>>) src(%arg12 : memref<768x128xf32, #tpu.memory_space<vmem>>) dst(%dma_wait3A_368 : memref<768x128xf32, #tpu.memory_space<hbm>>)
      tpu.yield
    }) : () -> ()
    "tpu.region"() ({
      %run_scoped3A = tpu.sem_alloc : memref<!tpu.dma_semaphore, #tpu.memory_space<semaphore_mem>>
      %dma_start3A_361 = arith.constant 0 : i32
      %dma_start3A_362 = arith.constant 0 : i32
      %dma_start3A_363 = tpu.memref_slice %arg6[%add3A, %dma_start3A_361, %dma_start3A_362] : memref<32x6x128xi32, #tpu.memory_space<hbm>> -> memref<1x6x128xi32, #tpu.memory_space<hbm>>
      %dma_start3A_364 = tpu.memref_squeeze %dma_start3A_363 : memref<1x6x128xi32, #tpu.memory_space<hbm>> -> memref<6x128xi32, #tpu.memory_space<hbm>>
      %dma_start3A_365 = arith.constant 0 : i32
      %dma_start3A_366 = arith.constant 0 : i32
      %dma_start3A_367 = tpu.memref_slice %arg6[%add3A, %dma_start3A_365, %dma_start3A_366] : memref<32x6x128xi32, #tpu.memory_space<hbm>> -> memref<1x6x128xi32, #tpu.memory_space<hbm>>
      %dma_start3A_368 = tpu.memref_squeeze %dma_start3A_367 : memref<1x6x128xi32, #tpu.memory_space<hbm>> -> memref<6x128xi32, #tpu.memory_space<hbm>>
      tpu.enqueue_dma source(%dma_start3A_368 : memref<6x128xi32, #tpu.memory_space<hbm>>) target(%arg11 : memref<6x128xi32, #tpu.memory_space<vmem>>) target_semaphore(%run_scoped3A : memref<!tpu.dma_semaphore, #tpu.memory_space<semaphore_mem>>)
      %dma_wait3A_369 = arith.constant 0 : i32
      %dma_wait3A_370 = arith.constant 0 : i32
      %dma_wait3A_371 = tpu.memref_slice %arg6[%add3A, %dma_wait3A_369, %dma_wait3A_370] : memref<32x6x128xi32, #tpu.memory_space<hbm>> -> memref<1x6x128xi32, #tpu.memory_space<hbm>>
      %dma_wait3A_372 = tpu.memref_squeeze %dma_wait3A_371 : memref<1x6x128xi32, #tpu.memory_space<hbm>> -> memref<6x128xi32, #tpu.memory_space<hbm>>
      %dma_wait3A_373 = arith.constant 0 : i32
      %dma_wait3A_374 = arith.constant 0 : i32
      %dma_wait3A_375 = tpu.memref_slice %arg6[%add3A, %dma_wait3A_373, %dma_wait3A_374] : memref<32x6x128xi32, #tpu.memory_space<hbm>> -> memref<1x6x128xi32, #tpu.memory_space<hbm>>
      %dma_wait3A_376 = tpu.memref_squeeze %dma_wait3A_375 : memref<1x6x128xi32, #tpu.memory_space<hbm>> -> memref<6x128xi32, #tpu.memory_space<hbm>>
      tpu.wait_dma2 semaphore(%run_scoped3A : memref<!tpu.dma_semaphore, #tpu.memory_space<semaphore_mem>>) src(%dma_wait3A_376 : memref<6x128xi32, #tpu.memory_space<hbm>>) dst(%arg11 : memref<6x128xi32, #tpu.memory_space<vmem>>)
      tpu.yield
    }) : () -> ()
    %dma_start3A_241 = arith.constant 0 : i32
    %dma_start3A_242 = arith.constant 0 : i32
    %dma_start3A_243 = arith.constant 0 : i32
    %dma_start3A_244 = tpu.memref_slice %arg12[%dma_start3A_242, %dma_start3A_243] : memref<768x128xf32, #tpu.memory_space<vmem>> -> memref<128x128xf32, #tpu.memory_space<vmem>>
    %dma_start3A_245 = arith.constant 0 : i32
    %dma_start3A_246 = tpu.memref_slice %arg11[%dma_start3A_241, %dma_start3A_245] : memref<6x128xi32, #tpu.memory_space<vmem>> -> memref<1x128xi32, #tpu.memory_space<vmem>>
    %dma_start3A_247 = tpu.memref_squeeze %dma_start3A_246 : memref<1x128xi32, #tpu.memory_space<vmem>> -> memref<128xi32, #tpu.memory_space<vmem>>
    %dma_start3A_248 = arith.constant 0 : i32
    %dma_start3A_249 = arith.constant 0 : i32
    %dma_start3A_250 = tpu.memref_slice %arg7[%dma_start3A_248, %dma_start3A_249] : memref<2048x128xf32, #tpu.memory_space<hbm>> -> memref<2048x128xf32, #tpu.memory_space<hbm>>
    tpu.enqueue_indirect_dma source(%dma_start3A_250 : memref<2048x128xf32, #tpu.memory_space<hbm>>) target(%dma_start3A_244 : memref<128x128xf32, #tpu.memory_space<vmem>>) offsets(%dma_start3A_247 : memref<128xi32, #tpu.memory_space<vmem>>) semaphore(%arg13 : memref<!tpu.dma_semaphore, #tpu.memory_space<semaphore_mem>>)
    %dma_start3A_251 = arith.constant 1 : i32
    %dma_start3A_252 = arith.constant 128 : i32
    %dma_start3A_253 = arith.constant 0 : i32
    %dma_start3A_254 = tpu.memref_slice %arg12[%dma_start3A_252, %dma_start3A_253] : memref<768x128xf32, #tpu.memory_space<vmem>> -> memref<128x128xf32, #tpu.memory_space<vmem>>
    %dma_start3A_255 = arith.constant 0 : i32
    %dma_start3A_256 = tpu.memref_slice %arg11[%dma_start3A_251, %dma_start3A_255] : memref<6x128xi32, #tpu.memory_space<vmem>> -> memref<1x128xi32, #tpu.memory_space<vmem>>
    %dma_start3A_257 = tpu.memref_squeeze %dma_start3A_256 : memref<1x128xi32, #tpu.memory_space<vmem>> -> memref<128xi32, #tpu.memory_space<vmem>>
    %dma_start3A_258 = arith.constant 0 : i32
    %dma_start3A_259 = arith.constant 0 : i32
    %dma_start3A_260 = tpu.memref_slice %arg7[%dma_start3A_258, %dma_start3A_259] : memref<2048x128xf32, #tpu.memory_space<hbm>> -> memref<2048x128xf32, #tpu.memory_space<hbm>>
    tpu.enqueue_indirect_dma source(%dma_start3A_260 : memref<2048x128xf32, #tpu.memory_space<hbm>>) target(%dma_start3A_254 : memref<128x128xf32, #tpu.memory_space<vmem>>) offsets(%dma_start3A_257 : memref<128xi32, #tpu.memory_space<vmem>>) semaphore(%arg13 : memref<!tpu.dma_semaphore, #tpu.memory_space<semaphore_mem>>)
    %dma_start3A_261 = arith.constant 2 : i32
    %dma_start3A_262 = arith.constant 256 : i32
    %dma_start3A_263 = arith.constant 0 : i32
    %dma_start3A_264 = tpu.memref_slice %arg12[%dma_start3A_262, %dma_start3A_263] : memref<768x128xf32, #tpu.memory_space<vmem>> -> memref<128x128xf32, #tpu.memory_space<vmem>>
    %dma_start3A_265 = arith.constant 0 : i32
    %dma_start3A_266 = tpu.memref_slice %arg11[%dma_start3A_261, %dma_start3A_265] : memref<6x128xi32, #tpu.memory_space<vmem>> -> memref<1x128xi32, #tpu.memory_space<vmem>>
    %dma_start3A_267 = tpu.memref_squeeze %dma_start3A_266 : memref<1x128xi32, #tpu.memory_space<vmem>> -> memref<128xi32, #tpu.memory_space<vmem>>
    %dma_start3A_268 = arith.constant 0 : i32
    %dma_start3A_269 = arith.constant 0 : i32
    %dma_start3A_270 = tpu.memref_slice %arg7[%dma_start3A_268, %dma_start3A_269] : memref<2048x128xf32, #tpu.memory_space<hbm>> -> memref<2048x128xf32, #tpu.memory_space<hbm>>
    tpu.enqueue_indirect_dma source(%dma_start3A_270 : memref<2048x128xf32, #tpu.memory_space<hbm>>) target(%dma_start3A_264 : memref<128x128xf32, #tpu.memory_space<vmem>>) offsets(%dma_start3A_267 : memref<128xi32, #tpu.memory_space<vmem>>) semaphore(%arg13 : memref<!tpu.dma_semaphore, #tpu.memory_space<semaphore_mem>>)
    %dma_start3A_271 = arith.constant 3 : i32
    %dma_start3A_272 = arith.constant 384 : i32
    %dma_start3A_273 = arith.constant 0 : i32
    %dma_start3A_274 = tpu.memref_slice %arg12[%dma_start3A_272, %dma_start3A_273] : memref<768x128xf32, #tpu.memory_space<vmem>> -> memref<128x128xf32, #tpu.memory_space<vmem>>
    %dma_start3A_275 = arith.constant 0 : i32
    %dma_start3A_276 = tpu.memref_slice %arg11[%dma_start3A_271, %dma_start3A_275] : memref<6x128xi32, #tpu.memory_space<vmem>> -> memref<1x128xi32, #tpu.memory_space<vmem>>
    %dma_start3A_277 = tpu.memref_squeeze %dma_start3A_276 : memref<1x128xi32, #tpu.memory_space<vmem>> -> memref<128xi32, #tpu.memory_space<vmem>>
    %dma_start3A_278 = arith.constant 0 : i32
    %dma_start3A_279 = arith.constant 0 : i32
    %dma_start3A_280 = tpu.memref_slice %arg7[%dma_start3A_278, %dma_start3A_279] : memref<2048x128xf32, #tpu.memory_space<hbm>> -> memref<2048x128xf32, #tpu.memory_space<hbm>>
    tpu.enqueue_indirect_dma source(%dma_start3A_280 : memref<2048x128xf32, #tpu.memory_space<hbm>>) target(%dma_start3A_274 : memref<128x128xf32, #tpu.memory_space<vmem>>) offsets(%dma_start3A_277 : memref<128xi32, #tpu.memory_space<vmem>>) semaphore(%arg13 : memref<!tpu.dma_semaphore, #tpu.memory_space<semaphore_mem>>)
    %dma_start3A_281 = arith.constant 4 : i32
    %dma_start3A_282 = arith.constant 512 : i32
    %dma_start3A_283 = arith.constant 0 : i32
    %dma_start3A_284 = tpu.memref_slice %arg12[%dma_start3A_282, %dma_start3A_283] : memref<768x128xf32, #tpu.memory_space<vmem>> -> memref<128x128xf32, #tpu.memory_space<vmem>>
    %dma_start3A_285 = arith.constant 0 : i32
    %dma_start3A_286 = tpu.memref_slice %arg11[%dma_start3A_281, %dma_start3A_285] : memref<6x128xi32, #tpu.memory_space<vmem>> -> memref<1x128xi32, #tpu.memory_space<vmem>>
    %dma_start3A_287 = tpu.memref_squeeze %dma_start3A_286 : memref<1x128xi32, #tpu.memory_space<vmem>> -> memref<128xi32, #tpu.memory_space<vmem>>
    %dma_start3A_288 = arith.constant 0 : i32
    %dma_start3A_289 = arith.constant 0 : i32
    %dma_start3A_290 = tpu.memref_slice %arg7[%dma_start3A_288, %dma_start3A_289] : memref<2048x128xf32, #tpu.memory_space<hbm>> -> memref<2048x128xf32, #tpu.memory_space<hbm>>
    tpu.enqueue_indirect_dma source(%dma_start3A_290 : memref<2048x128xf32, #tpu.memory_space<hbm>>) target(%dma_start3A_284 : memref<128x128xf32, #tpu.memory_space<vmem>>) offsets(%dma_start3A_287 : memref<128xi32, #tpu.memory_space<vmem>>) semaphore(%arg13 : memref<!tpu.dma_semaphore, #tpu.memory_space<semaphore_mem>>)
    %dma_start3A_291 = arith.constant 5 : i32
    %dma_start3A_292 = arith.constant 640 : i32
    %dma_start3A_293 = arith.constant 0 : i32
    %dma_start3A_294 = tpu.memref_slice %arg12[%dma_start3A_292, %dma_start3A_293] : memref<768x128xf32, #tpu.memory_space<vmem>> -> memref<128x128xf32, #tpu.memory_space<vmem>>
    %dma_start3A_295 = arith.constant 0 : i32
    %dma_start3A_296 = tpu.memref_slice %arg11[%dma_start3A_291, %dma_start3A_295] : memref<6x128xi32, #tpu.memory_space<vmem>> -> memref<1x128xi32, #tpu.memory_space<vmem>>
    %dma_start3A_297 = tpu.memref_squeeze %dma_start3A_296 : memref<1x128xi32, #tpu.memory_space<vmem>> -> memref<128xi32, #tpu.memory_space<vmem>>
    %dma_start3A_298 = arith.constant 0 : i32
    %dma_start3A_299 = arith.constant 0 : i32
    %dma_start3A_300 = tpu.memref_slice %arg7[%dma_start3A_298, %dma_start3A_299] : memref<2048x128xf32, #tpu.memory_space<hbm>> -> memref<2048x128xf32, #tpu.memory_space<hbm>>
    tpu.enqueue_indirect_dma source(%dma_start3A_300 : memref<2048x128xf32, #tpu.memory_space<hbm>>) target(%dma_start3A_294 : memref<128x128xf32, #tpu.memory_space<vmem>>) offsets(%dma_start3A_297 : memref<128xi32, #tpu.memory_space<vmem>>) semaphore(%arg13 : memref<!tpu.dma_semaphore, #tpu.memory_space<semaphore_mem>>)
    %dma_wait3A_301 = arith.constant 0 : i32
    %dma_wait3A_302 = arith.constant 0 : i32
    %dma_wait3A_303 = arith.constant 0 : i32
    %dma_wait3A_304 = tpu.memref_slice %arg12[%dma_wait3A_302, %dma_wait3A_303] : memref<768x128xf32, #tpu.memory_space<vmem>> -> memref<128x128xf32, #tpu.memory_space<vmem>>
    %dma_wait3A_305 = arith.constant 0 : i32
    %dma_wait3A_306 = tpu.memref_slice %arg11[%dma_wait3A_301, %dma_wait3A_305] : memref<6x128xi32, #tpu.memory_space<vmem>> -> memref<1x128xi32, #tpu.memory_space<vmem>>
    %dma_wait3A_307 = tpu.memref_squeeze %dma_wait3A_306 : memref<1x128xi32, #tpu.memory_space<vmem>> -> memref<128xi32, #tpu.memory_space<vmem>>
    %dma_wait3A_308 = arith.constant 0 : i32
    %dma_wait3A_309 = arith.constant 0 : i32
    %dma_wait3A_310 = tpu.memref_slice %arg7[%dma_wait3A_308, %dma_wait3A_309] : memref<2048x128xf32, #tpu.memory_space<hbm>> -> memref<2048x128xf32, #tpu.memory_space<hbm>>
    tpu.wait_indirect_dma semaphore(%arg13 : memref<!tpu.dma_semaphore, #tpu.memory_space<semaphore_mem>>) src(%dma_wait3A_310 : memref<2048x128xf32, #tpu.memory_space<hbm>>) dst(%dma_wait3A_304 : memref<128x128xf32, #tpu.memory_space<vmem>>)
    %dma_wait3A_311 = arith.constant 1 : i32
    %dma_wait3A_312 = arith.constant 128 : i32
    %dma_wait3A_313 = arith.constant 0 : i32
    %dma_wait3A_314 = tpu.memref_slice %arg12[%dma_wait3A_312, %dma_wait3A_313] : memref<768x128xf32, #tpu.memory_space<vmem>> -> memref<128x128xf32, #tpu.memory_space<vmem>>
    %dma_wait3A_315 = arith.constant 0 : i32
    %dma_wait3A_316 = tpu.memref_slice %arg11[%dma_wait3A_311, %dma_wait3A_315] : memref<6x128xi32, #tpu.memory_space<vmem>> -> memref<1x128xi32, #tpu.memory_space<vmem>>
    %dma_wait3A_317 = tpu.memref_squeeze %dma_wait3A_316 : memref<1x128xi32, #tpu.memory_space<vmem>> -> memref<128xi32, #tpu.memory_space<vmem>>
    %dma_wait3A_318 = arith.constant 0 : i32
    %dma_wait3A_319 = arith.constant 0 : i32
    %dma_wait3A_320 = tpu.memref_slice %arg7[%dma_wait3A_318, %dma_wait3A_319] : memref<2048x128xf32, #tpu.memory_space<hbm>> -> memref<2048x128xf32, #tpu.memory_space<hbm>>
    tpu.wait_indirect_dma semaphore(%arg13 : memref<!tpu.dma_semaphore, #tpu.memory_space<semaphore_mem>>) src(%dma_wait3A_320 : memref<2048x128xf32, #tpu.memory_space<hbm>>) dst(%dma_wait3A_314 : memref<128x128xf32, #tpu.memory_space<vmem>>)
    %dma_wait3A_321 = arith.constant 2 : i32
    %dma_wait3A_322 = arith.constant 256 : i32
    %dma_wait3A_323 = arith.constant 0 : i32
    %dma_wait3A_324 = tpu.memref_slice %arg12[%dma_wait3A_322, %dma_wait3A_323] : memref<768x128xf32, #tpu.memory_space<vmem>> -> memref<128x128xf32, #tpu.memory_space<vmem>>
    %dma_wait3A_325 = arith.constant 0 : i32
    %dma_wait3A_326 = tpu.memref_slice %arg11[%dma_wait3A_321, %dma_wait3A_325] : memref<6x128xi32, #tpu.memory_space<vmem>> -> memref<1x128xi32, #tpu.memory_space<vmem>>
    %dma_wait3A_327 = tpu.memref_squeeze %dma_wait3A_326 : memref<1x128xi32, #tpu.memory_space<vmem>> -> memref<128xi32, #tpu.memory_space<vmem>>
    %dma_wait3A_328 = arith.constant 0 : i32
    %dma_wait3A_329 = arith.constant 0 : i32
    %dma_wait3A_330 = tpu.memref_slice %arg7[%dma_wait3A_328, %dma_wait3A_329] : memref<2048x128xf32, #tpu.memory_space<hbm>> -> memref<2048x128xf32, #tpu.memory_space<hbm>>
    tpu.wait_indirect_dma semaphore(%arg13 : memref<!tpu.dma_semaphore, #tpu.memory_space<semaphore_mem>>) src(%dma_wait3A_330 : memref<2048x128xf32, #tpu.memory_space<hbm>>) dst(%dma_wait3A_324 : memref<128x128xf32, #tpu.memory_space<vmem>>)
    %dma_wait3A_331 = arith.constant 3 : i32
    %dma_wait3A_332 = arith.constant 384 : i32
    %dma_wait3A_333 = arith.constant 0 : i32
    %dma_wait3A_334 = tpu.memref_slice %arg12[%dma_wait3A_332, %dma_wait3A_333] : memref<768x128xf32, #tpu.memory_space<vmem>> -> memref<128x128xf32, #tpu.memory_space<vmem>>
    %dma_wait3A_335 = arith.constant 0 : i32
    %dma_wait3A_336 = tpu.memref_slice %arg11[%dma_wait3A_331, %dma_wait3A_335] : memref<6x128xi32, #tpu.memory_space<vmem>> -> memref<1x128xi32, #tpu.memory_space<vmem>>
    %dma_wait3A_337 = tpu.memref_squeeze %dma_wait3A_336 : memref<1x128xi32, #tpu.memory_space<vmem>> -> memref<128xi32, #tpu.memory_space<vmem>>
    %dma_wait3A_338 = arith.constant 0 : i32
    %dma_wait3A_339 = arith.constant 0 : i32
    %dma_wait3A_340 = tpu.memref_slice %arg7[%dma_wait3A_338, %dma_wait3A_339] : memref<2048x128xf32, #tpu.memory_space<hbm>> -> memref<2048x128xf32, #tpu.memory_space<hbm>>
    tpu.wait_indirect_dma semaphore(%arg13 : memref<!tpu.dma_semaphore, #tpu.memory_space<semaphore_mem>>) src(%dma_wait3A_340 : memref<2048x128xf32, #tpu.memory_space<hbm>>) dst(%dma_wait3A_334 : memref<128x128xf32, #tpu.memory_space<vmem>>)
    %dma_wait3A_341 = arith.constant 4 : i32
    %dma_wait3A_342 = arith.constant 512 : i32
    %dma_wait3A_343 = arith.constant 0 : i32
    %dma_wait3A_344 = tpu.memref_slice %arg12[%dma_wait3A_342, %dma_wait3A_343] : memref<768x128xf32, #tpu.memory_space<vmem>> -> memref<128x128xf32, #tpu.memory_space<vmem>>
    %dma_wait3A_345 = arith.constant 0 : i32
    %dma_wait3A_346 = tpu.memref_slice %arg11[%dma_wait3A_341, %dma_wait3A_345] : memref<6x128xi32, #tpu.memory_space<vmem>> -> memref<1x128xi32, #tpu.memory_space<vmem>>
    %dma_wait3A_347 = tpu.memref_squeeze %dma_wait3A_346 : memref<1x128xi32, #tpu.memory_space<vmem>> -> memref<128xi32, #tpu.memory_space<vmem>>
    %dma_wait3A_348 = arith.constant 0 : i32
    %dma_wait3A_349 = arith.constant 0 : i32
    %dma_wait3A_350 = tpu.memref_slice %arg7[%dma_wait3A_348, %dma_wait3A_349] : memref<2048x128xf32, #tpu.memory_space<hbm>> -> memref<2048x128xf32, #tpu.memory_space<hbm>>
    tpu.wait_indirect_dma semaphore(%arg13 : memref<!tpu.dma_semaphore, #tpu.memory_space<semaphore_mem>>) src(%dma_wait3A_350 : memref<2048x128xf32, #tpu.memory_space<hbm>>) dst(%dma_wait3A_344 : memref<128x128xf32, #tpu.memory_space<vmem>>)
    %dma_wait3A_351 = arith.constant 5 : i32
    %dma_wait3A_352 = arith.constant 640 : i32
    %dma_wait3A_353 = arith.constant 0 : i32
    %dma_wait3A_354 = tpu.memref_slice %arg12[%dma_wait3A_352, %dma_wait3A_353] : memref<768x128xf32, #tpu.memory_space<vmem>> -> memref<128x128xf32, #tpu.memory_space<vmem>>
    %dma_wait3A_355 = arith.constant 0 : i32
    %dma_wait3A_356 = tpu.memref_slice %arg11[%dma_wait3A_351, %dma_wait3A_355] : memref<6x128xi32, #tpu.memory_space<vmem>> -> memref<1x128xi32, #tpu.memory_space<vmem>>
    %dma_wait3A_357 = tpu.memref_squeeze %dma_wait3A_356 : memref<1x128xi32, #tpu.memory_space<vmem>> -> memref<128xi32, #tpu.memory_space<vmem>>
    %dma_wait3A_358 = arith.constant 0 : i32
    %dma_wait3A_359 = arith.constant 0 : i32
    %dma_wait3A_360 = tpu.memref_slice %arg7[%dma_wait3A_358, %dma_wait3A_359] : memref<2048x128xf32, #tpu.memory_space<hbm>> -> memref<2048x128xf32, #tpu.memory_space<hbm>>
    tpu.wait_indirect_dma semaphore(%arg13 : memref<!tpu.dma_semaphore, #tpu.memory_space<semaphore_mem>>) src(%dma_wait3A_360 : memref<2048x128xf32, #tpu.memory_space<hbm>>) dst(%dma_wait3A_354 : memref<128x128xf32, #tpu.memory_space<vmem>>)
    "tpu.region"() ({
      %run_scoped3A = tpu.sem_alloc : memref<!tpu.dma_semaphore, #tpu.memory_space<semaphore_mem>>
      %dma_start3A_361 = arith.constant 0 : i32
      %dma_start3A_362 = tpu.memref_slice %arg10[%mul3A_2, %dma_start3A_361] : memref<24576x128xf32, #tpu.memory_space<hbm>> -> memref<768x128xf32, #tpu.memory_space<hbm>>
      %dma_start3A_363 = arith.constant 0 : i32
      %dma_start3A_364 = tpu.memref_slice %arg10[%mul3A_2, %dma_start3A_363] : memref<24576x128xf32, #tpu.memory_space<hbm>> -> memref<768x128xf32, #tpu.memory_space<hbm>>
      tpu.enqueue_dma source(%arg12 : memref<768x128xf32, #tpu.memory_space<vmem>>) target(%dma_start3A_364 : memref<768x128xf32, #tpu.memory_space<hbm>>) target_semaphore(%run_scoped3A : memref<!tpu.dma_semaphore, #tpu.memory_space<semaphore_mem>>)
      %dma_wait3A_365 = arith.constant 0 : i32
      %dma_wait3A_366 = tpu.memref_slice %arg10[%mul3A_2, %dma_wait3A_365] : memref<24576x128xf32, #tpu.memory_space<hbm>> -> memref<768x128xf32, #tpu.memory_space<hbm>>
      %dma_wait3A_367 = arith.constant 0 : i32
      %dma_wait3A_368 = tpu.memref_slice %arg10[%mul3A_2, %dma_wait3A_367] : memref<24576x128xf32, #tpu.memory_space<hbm>> -> memref<768x128xf32, #tpu.memory_space<hbm>>
      tpu.wait_dma2 semaphore(%run_scoped3A : memref<!tpu.dma_semaphore, #tpu.memory_space<semaphore_mem>>) src(%arg12 : memref<768x128xf32, #tpu.memory_space<vmem>>) dst(%dma_wait3A_368 : memref<768x128xf32, #tpu.memory_space<hbm>>)
      tpu.yield
    }) : () -> ()
    return
  }
}

module attributes {stable_mosaic.version = 14 : i64} {
  func.func @_nn_body(%arg0: i32, %arg1: memref<256x3xbf16, #tpu.memory_space<vmem>>, %arg2: memref<256x1xf32, #tpu.memory_space<vmem>>, %arg3: memref<3x8192xbf16, #tpu.memory_space<vmem>>, %arg4: memref<1x8192xf32, #tpu.memory_space<vmem>>, %arg5: memref<3x4096xbf16, #tpu.memory_space<vmem>>, %arg6: memref<1x4096xf32, #tpu.memory_space<vmem>>, %arg7: memref<3x2048xbf16, #tpu.memory_space<vmem>>, %arg8: memref<1x2048xf32, #tpu.memory_space<vmem>>, %arg9: memref<3x2048xbf16, #tpu.memory_space<vmem>>, %arg10: memref<1x2048xf32, #tpu.memory_space<vmem>>, %arg11: memref<256x3xi32, #tpu.memory_space<vmem>>, %arg12: memref<256x3xf32, #tpu.memory_space<vmem>>, %arg13: memref<256x3xi32, #tpu.memory_space<vmem>>, %arg14: memref<256x3xf32, #tpu.memory_space<vmem>>, %arg15: memref<256x3xi32, #tpu.memory_space<vmem>>, %arg16: memref<256x3xf32, #tpu.memory_space<vmem>>, %arg17: memref<256x1xf32, #tpu.memory_space<vmem>>) attributes {dimension_semantics = [#tpu.dimension_semantics<arbitrary>], iteration_bounds = array<i64: 32>, scalar_prefetch = 0 : i64, scratch_operands = 0 : i64, tpu.core_type = #tpu.core_type<tc>, window_params = [{transform_indices = @transform_0, window_bounds = array<i64: 256, 3>}, {transform_indices = @transform_1, window_bounds = array<i64: 256, 1>}, {pipeline_mode = #tpu.pipeline_mode<synchronous>, transform_indices = @transform_2, window_bounds = array<i64: 3, 8192>}, {pipeline_mode = #tpu.pipeline_mode<synchronous>, transform_indices = @transform_3, window_bounds = array<i64: 1, 8192>}, {pipeline_mode = #tpu.pipeline_mode<synchronous>, transform_indices = @transform_4, window_bounds = array<i64: 3, 4096>}, {pipeline_mode = #tpu.pipeline_mode<synchronous>, transform_indices = @transform_5, window_bounds = array<i64: 1, 4096>}, {pipeline_mode = #tpu.pipeline_mode<synchronous>, transform_indices = @transform_6, window_bounds = array<i64: 3, 2048>}, {pipeline_mode = #tpu.pipeline_mode<synchronous>, transform_indices = @transform_7, window_bounds = array<i64: 1, 2048>}, {pipeline_mode = #tpu.pipeline_mode<synchronous>, transform_indices = @transform_8, window_bounds = array<i64: 3, 2048>}, {pipeline_mode = #tpu.pipeline_mode<synchronous>, transform_indices = @transform_9, window_bounds = array<i64: 1, 2048>}, {transform_indices = @transform_10, window_bounds = array<i64: 256, 3>}, {transform_indices = @transform_11, window_bounds = array<i64: 256, 3>}, {transform_indices = @transform_12, window_bounds = array<i64: 256, 3>}, {transform_indices = @transform_13, window_bounds = array<i64: 256, 3>}, {transform_indices = @transform_14, window_bounds = array<i64: 256, 3>}, {transform_indices = @transform_15, window_bounds = array<i64: 256, 3>}, {transform_indices = @transform_16, window_bounds = array<i64: 256, 1>}]} {
    %get3A = arith.constant 0 : index
    %get3A_0 = arith.constant 0 : index
    %get3A_1 = vector.load %arg1[%get3A, %get3A_0] : memref<256x3xbf16, #tpu.memory_space<vmem>>, vector<256x3xbf16>
    %get3A_2 = arith.constant 0 : index
    %get3A_3 = arith.constant 0 : index
    %get3A_4 = vector.load %arg2[%get3A_2, %get3A_3] : memref<256x1xf32, #tpu.memory_space<vmem>>, vector<256x1xf32>
    %get3A_5 = arith.constant 0 : index
    %get3A_6 = arith.constant 0 : index
    %get3A_7 = vector.load %arg3[%get3A_5, %get3A_6] : memref<3x8192xbf16, #tpu.memory_space<vmem>>, vector<3x8192xbf16>
    %get3A_8 = arith.constant 0 : index
    %get3A_9 = arith.constant 0 : index
    %get3A_10 = vector.load %arg4[%get3A_8, %get3A_9] : memref<1x8192xf32, #tpu.memory_space<vmem>>, vector<1x8192xf32>
    %dot_general3A = arith.constant dense<0.000000e+00> : vector<256x8192xf32>
    %dot_general3A_11 = tpu.matmul %get3A_1, %get3A_7, %dot_general3A {dimension_numbers = #tpu.dot_dimension_numbers<[1], [0], [0], [1], [0, 0, 1, 1], [], []>, transpose_lhs_hint = false} : vector<256x3xbf16>, vector<3x8192xbf16>, vector<256x8192xf32> -> vector<256x8192xf32>
    %add3A = vector.broadcast %get3A_4 : vector<256x1xf32> to vector<256x8192xf32>
    %add3A_12 = vector.broadcast %get3A_10 : vector<1x8192xf32> to vector<256x8192xf32>
    %add3A_13 = arith.addf %add3A, %add3A_12 : vector<256x8192xf32>
    %mul3A = arith.constant 2.000000e+00 : f32
    %mul3A_14 = vector.broadcast %mul3A : f32 to vector<256x8192xf32>
    %mul3A_15 = arith.mulf %mul3A_14, %dot_general3A_11 : vector<256x8192xf32>
    %sub3A = arith.subf %add3A_13, %mul3A_15 : vector<256x8192xf32>
    %max3A = arith.constant 0.000000e+00 : f32
    %max3A_16 = vector.broadcast %max3A : f32 to vector<256x8192xf32>
    %max3A_17 = arith.maximumf %sub3A, %max3A_16 : vector<256x8192xf32>
    %broadcast_in_dim3A = arith.constant 3.000000e+38 : f32
    %broadcast_in_dim3A_18 = vector.broadcast %broadcast_in_dim3A : f32 to vector<256x128xf32>
    %broadcast_in_dim3A_19 = arith.constant 0 : i32
    %broadcast_in_dim3A_20 = vector.broadcast %broadcast_in_dim3A_19 : i32 to vector<256x128xi32>
    %slice3A = vector.extract_strided_slice %max3A_17 {offsets = [0, 0], sizes = [256, 128], strides = [1, 1]} : vector<256x8192xf32> to vector<256x128xf32>
    %lt3A = arith.cmpf olt, %slice3A, %broadcast_in_dim3A_18 : vector<256x128xf32>
    %lt3A_21 = arith.cmpf olt, %slice3A, %broadcast_in_dim3A_18 : vector<256x128xf32>
    %lt3A_22 = arith.cmpf olt, %slice3A, %broadcast_in_dim3A_18 : vector<256x128xf32>
    %select_n3A = arith.select %lt3A_21, %slice3A, %broadcast_in_dim3A_18 : vector<256x128xi1>, vector<256x128xf32>
    %select_n3A_23 = arith.select %lt3A, %broadcast_in_dim3A_18, %select_n3A : vector<256x128xi1>, vector<256x128xf32>
    %jit3A = arith.constant 0 : i32
    %broadcast_in_dim3A_24 = vector.broadcast %jit3A : i32 to vector<256x128xi32>
    %select_n3A_25 = arith.select %lt3A_21, %broadcast_in_dim3A_24, %broadcast_in_dim3A_20 : vector<256x128xi1>, vector<256x128xi32>
    %select_n3A_26 = arith.select %lt3A, %broadcast_in_dim3A_20, %select_n3A_25 : vector<256x128xi1>, vector<256x128xi32>
    %select_n3A_27 = arith.select %lt3A_22, %slice3A, %broadcast_in_dim3A_18 : vector<256x128xi1>, vector<256x128xf32>
    %select_n3A_28 = arith.select %lt3A_21, %broadcast_in_dim3A_18, %select_n3A_27 : vector<256x128xi1>, vector<256x128xf32>
    %jit3A_29 = arith.constant 0 : i32
    %broadcast_in_dim3A_30 = vector.broadcast %jit3A_29 : i32 to vector<256x128xi32>
    %select_n3A_31 = arith.select %lt3A_22, %broadcast_in_dim3A_30, %broadcast_in_dim3A_20 : vector<256x128xi1>, vector<256x128xi32>
    %select_n3A_32 = arith.select %lt3A_21, %broadcast_in_dim3A_20, %select_n3A_31 : vector<256x128xi1>, vector<256x128xi32>
    %min3A = arith.minimumf %broadcast_in_dim3A_18, %slice3A : vector<256x128xf32>
    %jit3A_33 = arith.constant 0 : i32
    %broadcast_in_dim3A_34 = vector.broadcast %jit3A_33 : i32 to vector<256x128xi32>
    %select_n3A_35 = arith.select %lt3A, %broadcast_in_dim3A_34, %broadcast_in_dim3A_20 : vector<256x128xi1>, vector<256x128xi32>
    %slice3A_36 = vector.extract_strided_slice %max3A_17 {offsets = [0, 128], sizes = [256, 128], strides = [1, 1]} : vector<256x8192xf32> to vector<256x128xf32>
    %lt3A_37 = arith.cmpf olt, %slice3A_36, %min3A : vector<256x128xf32>
    %lt3A_38 = arith.cmpf olt, %slice3A_36, %select_n3A_23 : vector<256x128xf32>
    %lt3A_39 = arith.cmpf olt, %slice3A_36, %select_n3A_28 : vector<256x128xf32>
    %select_n3A_40 = arith.select %lt3A_38, %slice3A_36, %select_n3A_23 : vector<256x128xi1>, vector<256x128xf32>
    %select_n3A_41 = arith.select %lt3A_37, %min3A, %select_n3A_40 : vector<256x128xi1>, vector<256x128xf32>
    %jit3A_42 = arith.constant 1 : i32
    %broadcast_in_dim3A_43 = vector.broadcast %jit3A_42 : i32 to vector<256x128xi32>
    %select_n3A_44 = arith.select %lt3A_38, %broadcast_in_dim3A_43, %select_n3A_26 : vector<256x128xi1>, vector<256x128xi32>
    %select_n3A_45 = arith.select %lt3A_37, %select_n3A_35, %select_n3A_44 : vector<256x128xi1>, vector<256x128xi32>
    %select_n3A_46 = arith.select %lt3A_39, %slice3A_36, %select_n3A_28 : vector<256x128xi1>, vector<256x128xf32>
    %select_n3A_47 = arith.select %lt3A_38, %select_n3A_23, %select_n3A_46 : vector<256x128xi1>, vector<256x128xf32>
    %jit3A_48 = arith.constant 1 : i32
    %broadcast_in_dim3A_49 = vector.broadcast %jit3A_48 : i32 to vector<256x128xi32>
    %select_n3A_50 = arith.select %lt3A_39, %broadcast_in_dim3A_49, %select_n3A_32 : vector<256x128xi1>, vector<256x128xi32>
    %select_n3A_51 = arith.select %lt3A_38, %select_n3A_26, %select_n3A_50 : vector<256x128xi1>, vector<256x128xi32>
    %min3A_52 = arith.minimumf %min3A, %slice3A_36 : vector<256x128xf32>
    %jit3A_53 = arith.constant 1 : i32
    %broadcast_in_dim3A_54 = vector.broadcast %jit3A_53 : i32 to vector<256x128xi32>
    %select_n3A_55 = arith.select %lt3A_37, %broadcast_in_dim3A_54, %select_n3A_35 : vector<256x128xi1>, vector<256x128xi32>
    %slice3A_56 = vector.extract_strided_slice %max3A_17 {offsets = [0, 256], sizes = [256, 128], strides = [1, 1]} : vector<256x8192xf32> to vector<256x128xf32>
    %lt3A_57 = arith.cmpf olt, %slice3A_56, %min3A_52 : vector<256x128xf32>
    %lt3A_58 = arith.cmpf olt, %slice3A_56, %select_n3A_41 : vector<256x128xf32>
    %lt3A_59 = arith.cmpf olt, %slice3A_56, %select_n3A_47 : vector<256x128xf32>
    %select_n3A_60 = arith.select %lt3A_58, %slice3A_56, %select_n3A_41 : vector<256x128xi1>, vector<256x128xf32>
    %select_n3A_61 = arith.select %lt3A_57, %min3A_52, %select_n3A_60 : vector<256x128xi1>, vector<256x128xf32>
    %jit3A_62 = arith.constant 2 : i32
    %broadcast_in_dim3A_63 = vector.broadcast %jit3A_62 : i32 to vector<256x128xi32>
    %select_n3A_64 = arith.select %lt3A_58, %broadcast_in_dim3A_63, %select_n3A_45 : vector<256x128xi1>, vector<256x128xi32>
    %select_n3A_65 = arith.select %lt3A_57, %select_n3A_55, %select_n3A_64 : vector<256x128xi1>, vector<256x128xi32>
    %select_n3A_66 = arith.select %lt3A_59, %slice3A_56, %select_n3A_47 : vector<256x128xi1>, vector<256x128xf32>
    %select_n3A_67 = arith.select %lt3A_58, %select_n3A_41, %select_n3A_66 : vector<256x128xi1>, vector<256x128xf32>
    %jit3A_68 = arith.constant 2 : i32
    %broadcast_in_dim3A_69 = vector.broadcast %jit3A_68 : i32 to vector<256x128xi32>
    %select_n3A_70 = arith.select %lt3A_59, %broadcast_in_dim3A_69, %select_n3A_51 : vector<256x128xi1>, vector<256x128xi32>
    %select_n3A_71 = arith.select %lt3A_58, %select_n3A_45, %select_n3A_70 : vector<256x128xi1>, vector<256x128xi32>
    %min3A_72 = arith.minimumf %min3A_52, %slice3A_56 : vector<256x128xf32>
    %jit3A_73 = arith.constant 2 : i32
    %broadcast_in_dim3A_74 = vector.broadcast %jit3A_73 : i32 to vector<256x128xi32>
    %select_n3A_75 = arith.select %lt3A_57, %broadcast_in_dim3A_74, %select_n3A_55 : vector<256x128xi1>, vector<256x128xi32>
    %slice3A_76 = vector.extract_strided_slice %max3A_17 {offsets = [0, 384], sizes = [256, 128], strides = [1, 1]} : vector<256x8192xf32> to vector<256x128xf32>
    %lt3A_77 = arith.cmpf olt, %slice3A_76, %min3A_72 : vector<256x128xf32>
    %lt3A_78 = arith.cmpf olt, %slice3A_76, %select_n3A_61 : vector<256x128xf32>
    %lt3A_79 = arith.cmpf olt, %slice3A_76, %select_n3A_67 : vector<256x128xf32>
    %select_n3A_80 = arith.select %lt3A_78, %slice3A_76, %select_n3A_61 : vector<256x128xi1>, vector<256x128xf32>
    %select_n3A_81 = arith.select %lt3A_77, %min3A_72, %select_n3A_80 : vector<256x128xi1>, vector<256x128xf32>
    %jit3A_82 = arith.constant 3 : i32
    %broadcast_in_dim3A_83 = vector.broadcast %jit3A_82 : i32 to vector<256x128xi32>
    %select_n3A_84 = arith.select %lt3A_78, %broadcast_in_dim3A_83, %select_n3A_65 : vector<256x128xi1>, vector<256x128xi32>
    %select_n3A_85 = arith.select %lt3A_77, %select_n3A_75, %select_n3A_84 : vector<256x128xi1>, vector<256x128xi32>
    %select_n3A_86 = arith.select %lt3A_79, %slice3A_76, %select_n3A_67 : vector<256x128xi1>, vector<256x128xf32>
    %select_n3A_87 = arith.select %lt3A_78, %select_n3A_61, %select_n3A_86 : vector<256x128xi1>, vector<256x128xf32>
    %jit3A_88 = arith.constant 3 : i32
    %broadcast_in_dim3A_89 = vector.broadcast %jit3A_88 : i32 to vector<256x128xi32>
    %select_n3A_90 = arith.select %lt3A_79, %broadcast_in_dim3A_89, %select_n3A_71 : vector<256x128xi1>, vector<256x128xi32>
    %select_n3A_91 = arith.select %lt3A_78, %select_n3A_65, %select_n3A_90 : vector<256x128xi1>, vector<256x128xi32>
    %min3A_92 = arith.minimumf %min3A_72, %slice3A_76 : vector<256x128xf32>
    %jit3A_93 = arith.constant 3 : i32
    %broadcast_in_dim3A_94 = vector.broadcast %jit3A_93 : i32 to vector<256x128xi32>
    %select_n3A_95 = arith.select %lt3A_77, %broadcast_in_dim3A_94, %select_n3A_75 : vector<256x128xi1>, vector<256x128xi32>
    %slice3A_96 = vector.extract_strided_slice %max3A_17 {offsets = [0, 512], sizes = [256, 128], strides = [1, 1]} : vector<256x8192xf32> to vector<256x128xf32>
    %lt3A_97 = arith.cmpf olt, %slice3A_96, %min3A_92 : vector<256x128xf32>
    %lt3A_98 = arith.cmpf olt, %slice3A_96, %select_n3A_81 : vector<256x128xf32>
    %lt3A_99 = arith.cmpf olt, %slice3A_96, %select_n3A_87 : vector<256x128xf32>
    %select_n3A_100 = arith.select %lt3A_98, %slice3A_96, %select_n3A_81 : vector<256x128xi1>, vector<256x128xf32>
    %select_n3A_101 = arith.select %lt3A_97, %min3A_92, %select_n3A_100 : vector<256x128xi1>, vector<256x128xf32>
    %jit3A_102 = arith.constant 4 : i32
    %broadcast_in_dim3A_103 = vector.broadcast %jit3A_102 : i32 to vector<256x128xi32>
    %select_n3A_104 = arith.select %lt3A_98, %broadcast_in_dim3A_103, %select_n3A_85 : vector<256x128xi1>, vector<256x128xi32>
    %select_n3A_105 = arith.select %lt3A_97, %select_n3A_95, %select_n3A_104 : vector<256x128xi1>, vector<256x128xi32>
    %select_n3A_106 = arith.select %lt3A_99, %slice3A_96, %select_n3A_87 : vector<256x128xi1>, vector<256x128xf32>
    %select_n3A_107 = arith.select %lt3A_98, %select_n3A_81, %select_n3A_106 : vector<256x128xi1>, vector<256x128xf32>
    %jit3A_108 = arith.constant 4 : i32
    %broadcast_in_dim3A_109 = vector.broadcast %jit3A_108 : i32 to vector<256x128xi32>
    %select_n3A_110 = arith.select %lt3A_99, %broadcast_in_dim3A_109, %select_n3A_91 : vector<256x128xi1>, vector<256x128xi32>
    %select_n3A_111 = arith.select %lt3A_98, %select_n3A_85, %select_n3A_110 : vector<256x128xi1>, vector<256x128xi32>
    %min3A_112 = arith.minimumf %min3A_92, %slice3A_96 : vector<256x128xf32>
    %jit3A_113 = arith.constant 4 : i32
    %broadcast_in_dim3A_114 = vector.broadcast %jit3A_113 : i32 to vector<256x128xi32>
    %select_n3A_115 = arith.select %lt3A_97, %broadcast_in_dim3A_114, %select_n3A_95 : vector<256x128xi1>, vector<256x128xi32>
    %slice3A_116 = vector.extract_strided_slice %max3A_17 {offsets = [0, 640], sizes = [256, 128], strides = [1, 1]} : vector<256x8192xf32> to vector<256x128xf32>
    %lt3A_117 = arith.cmpf olt, %slice3A_116, %min3A_112 : vector<256x128xf32>
    %lt3A_118 = arith.cmpf olt, %slice3A_116, %select_n3A_101 : vector<256x128xf32>
    %lt3A_119 = arith.cmpf olt, %slice3A_116, %select_n3A_107 : vector<256x128xf32>
    %select_n3A_120 = arith.select %lt3A_118, %slice3A_116, %select_n3A_101 : vector<256x128xi1>, vector<256x128xf32>
    %select_n3A_121 = arith.select %lt3A_117, %min3A_112, %select_n3A_120 : vector<256x128xi1>, vector<256x128xf32>
    %jit3A_122 = arith.constant 5 : i32
    %broadcast_in_dim3A_123 = vector.broadcast %jit3A_122 : i32 to vector<256x128xi32>
    %select_n3A_124 = arith.select %lt3A_118, %broadcast_in_dim3A_123, %select_n3A_105 : vector<256x128xi1>, vector<256x128xi32>
    %select_n3A_125 = arith.select %lt3A_117, %select_n3A_115, %select_n3A_124 : vector<256x128xi1>, vector<256x128xi32>
    %select_n3A_126 = arith.select %lt3A_119, %slice3A_116, %select_n3A_107 : vector<256x128xi1>, vector<256x128xf32>
    %select_n3A_127 = arith.select %lt3A_118, %select_n3A_101, %select_n3A_126 : vector<256x128xi1>, vector<256x128xf32>
    %jit3A_128 = arith.constant 5 : i32
    %broadcast_in_dim3A_129 = vector.broadcast %jit3A_128 : i32 to vector<256x128xi32>
    %select_n3A_130 = arith.select %lt3A_119, %broadcast_in_dim3A_129, %select_n3A_111 : vector<256x128xi1>, vector<256x128xi32>
    %select_n3A_131 = arith.select %lt3A_118, %select_n3A_105, %select_n3A_130 : vector<256x128xi1>, vector<256x128xi32>
    %min3A_132 = arith.minimumf %min3A_112, %slice3A_116 : vector<256x128xf32>
    %jit3A_133 = arith.constant 5 : i32
    %broadcast_in_dim3A_134 = vector.broadcast %jit3A_133 : i32 to vector<256x128xi32>
    %select_n3A_135 = arith.select %lt3A_117, %broadcast_in_dim3A_134, %select_n3A_115 : vector<256x128xi1>, vector<256x128xi32>
    %slice3A_136 = vector.extract_strided_slice %max3A_17 {offsets = [0, 768], sizes = [256, 128], strides = [1, 1]} : vector<256x8192xf32> to vector<256x128xf32>
    %lt3A_137 = arith.cmpf olt, %slice3A_136, %min3A_132 : vector<256x128xf32>
    %lt3A_138 = arith.cmpf olt, %slice3A_136, %select_n3A_121 : vector<256x128xf32>
    %lt3A_139 = arith.cmpf olt, %slice3A_136, %select_n3A_127 : vector<256x128xf32>
    %select_n3A_140 = arith.select %lt3A_138, %slice3A_136, %select_n3A_121 : vector<256x128xi1>, vector<256x128xf32>
    %select_n3A_141 = arith.select %lt3A_137, %min3A_132, %select_n3A_140 : vector<256x128xi1>, vector<256x128xf32>
    %jit3A_142 = arith.constant 6 : i32
    %broadcast_in_dim3A_143 = vector.broadcast %jit3A_142 : i32 to vector<256x128xi32>
    %select_n3A_144 = arith.select %lt3A_138, %broadcast_in_dim3A_143, %select_n3A_125 : vector<256x128xi1>, vector<256x128xi32>
    %select_n3A_145 = arith.select %lt3A_137, %select_n3A_135, %select_n3A_144 : vector<256x128xi1>, vector<256x128xi32>
    %select_n3A_146 = arith.select %lt3A_139, %slice3A_136, %select_n3A_127 : vector<256x128xi1>, vector<256x128xf32>
    %select_n3A_147 = arith.select %lt3A_138, %select_n3A_121, %select_n3A_146 : vector<256x128xi1>, vector<256x128xf32>
    %jit3A_148 = arith.constant 6 : i32
    %broadcast_in_dim3A_149 = vector.broadcast %jit3A_148 : i32 to vector<256x128xi32>
    %select_n3A_150 = arith.select %lt3A_139, %broadcast_in_dim3A_149, %select_n3A_131 : vector<256x128xi1>, vector<256x128xi32>
    %select_n3A_151 = arith.select %lt3A_138, %select_n3A_125, %select_n3A_150 : vector<256x128xi1>, vector<256x128xi32>
    %min3A_152 = arith.minimumf %min3A_132, %slice3A_136 : vector<256x128xf32>
    %jit3A_153 = arith.constant 6 : i32
    %broadcast_in_dim3A_154 = vector.broadcast %jit3A_153 : i32 to vector<256x128xi32>
    %select_n3A_155 = arith.select %lt3A_137, %broadcast_in_dim3A_154, %select_n3A_135 : vector<256x128xi1>, vector<256x128xi32>
    %slice3A_156 = vector.extract_strided_slice %max3A_17 {offsets = [0, 896], sizes = [256, 128], strides = [1, 1]} : vector<256x8192xf32> to vector<256x128xf32>
    %lt3A_157 = arith.cmpf olt, %slice3A_156, %min3A_152 : vector<256x128xf32>
    %lt3A_158 = arith.cmpf olt, %slice3A_156, %select_n3A_141 : vector<256x128xf32>
    %lt3A_159 = arith.cmpf olt, %slice3A_156, %select_n3A_147 : vector<256x128xf32>
    %select_n3A_160 = arith.select %lt3A_158, %slice3A_156, %select_n3A_141 : vector<256x128xi1>, vector<256x128xf32>
    %select_n3A_161 = arith.select %lt3A_157, %min3A_152, %select_n3A_160 : vector<256x128xi1>, vector<256x128xf32>
    %jit3A_162 = arith.constant 7 : i32
    %broadcast_in_dim3A_163 = vector.broadcast %jit3A_162 : i32 to vector<256x128xi32>
    %select_n3A_164 = arith.select %lt3A_158, %broadcast_in_dim3A_163, %select_n3A_145 : vector<256x128xi1>, vector<256x128xi32>
    %select_n3A_165 = arith.select %lt3A_157, %select_n3A_155, %select_n3A_164 : vector<256x128xi1>, vector<256x128xi32>
    %select_n3A_166 = arith.select %lt3A_159, %slice3A_156, %select_n3A_147 : vector<256x128xi1>, vector<256x128xf32>
    %select_n3A_167 = arith.select %lt3A_158, %select_n3A_141, %select_n3A_166 : vector<256x128xi1>, vector<256x128xf32>
    %jit3A_168 = arith.constant 7 : i32
    %broadcast_in_dim3A_169 = vector.broadcast %jit3A_168 : i32 to vector<256x128xi32>
    %select_n3A_170 = arith.select %lt3A_159, %broadcast_in_dim3A_169, %select_n3A_151 : vector<256x128xi1>, vector<256x128xi32>
    %select_n3A_171 = arith.select %lt3A_158, %select_n3A_145, %select_n3A_170 : vector<256x128xi1>, vector<256x128xi32>
    %min3A_172 = arith.minimumf %min3A_152, %slice3A_156 : vector<256x128xf32>
    %jit3A_173 = arith.constant 7 : i32
    %broadcast_in_dim3A_174 = vector.broadcast %jit3A_173 : i32 to vector<256x128xi32>
    %select_n3A_175 = arith.select %lt3A_157, %broadcast_in_dim3A_174, %select_n3A_155 : vector<256x128xi1>, vector<256x128xi32>
    %slice3A_176 = vector.extract_strided_slice %max3A_17 {offsets = [0, 1024], sizes = [256, 128], strides = [1, 1]} : vector<256x8192xf32> to vector<256x128xf32>
    %lt3A_177 = arith.cmpf olt, %slice3A_176, %min3A_172 : vector<256x128xf32>
    %lt3A_178 = arith.cmpf olt, %slice3A_176, %select_n3A_161 : vector<256x128xf32>
    %lt3A_179 = arith.cmpf olt, %slice3A_176, %select_n3A_167 : vector<256x128xf32>
    %select_n3A_180 = arith.select %lt3A_178, %slice3A_176, %select_n3A_161 : vector<256x128xi1>, vector<256x128xf32>
    %select_n3A_181 = arith.select %lt3A_177, %min3A_172, %select_n3A_180 : vector<256x128xi1>, vector<256x128xf32>
    %jit3A_182 = arith.constant 8 : i32
    %broadcast_in_dim3A_183 = vector.broadcast %jit3A_182 : i32 to vector<256x128xi32>
    %select_n3A_184 = arith.select %lt3A_178, %broadcast_in_dim3A_183, %select_n3A_165 : vector<256x128xi1>, vector<256x128xi32>
    %select_n3A_185 = arith.select %lt3A_177, %select_n3A_175, %select_n3A_184 : vector<256x128xi1>, vector<256x128xi32>
    %select_n3A_186 = arith.select %lt3A_179, %slice3A_176, %select_n3A_167 : vector<256x128xi1>, vector<256x128xf32>
    %select_n3A_187 = arith.select %lt3A_178, %select_n3A_161, %select_n3A_186 : vector<256x128xi1>, vector<256x128xf32>
    %jit3A_188 = arith.constant 8 : i32
    %broadcast_in_dim3A_189 = vector.broadcast %jit3A_188 : i32 to vector<256x128xi32>
    %select_n3A_190 = arith.select %lt3A_179, %broadcast_in_dim3A_189, %select_n3A_171 : vector<256x128xi1>, vector<256x128xi32>
    %select_n3A_191 = arith.select %lt3A_178, %select_n3A_165, %select_n3A_190 : vector<256x128xi1>, vector<256x128xi32>
    %min3A_192 = arith.minimumf %min3A_172, %slice3A_176 : vector<256x128xf32>
    %jit3A_193 = arith.constant 8 : i32
    %broadcast_in_dim3A_194 = vector.broadcast %jit3A_193 : i32 to vector<256x128xi32>
    %select_n3A_195 = arith.select %lt3A_177, %broadcast_in_dim3A_194, %select_n3A_175 : vector<256x128xi1>, vector<256x128xi32>
    %slice3A_196 = vector.extract_strided_slice %max3A_17 {offsets = [0, 1152], sizes = [256, 128], strides = [1, 1]} : vector<256x8192xf32> to vector<256x128xf32>
    %lt3A_197 = arith.cmpf olt, %slice3A_196, %min3A_192 : vector<256x128xf32>
    %lt3A_198 = arith.cmpf olt, %slice3A_196, %select_n3A_181 : vector<256x128xf32>
    %lt3A_199 = arith.cmpf olt, %slice3A_196, %select_n3A_187 : vector<256x128xf32>
    %select_n3A_200 = arith.select %lt3A_198, %slice3A_196, %select_n3A_181 : vector<256x128xi1>, vector<256x128xf32>
    %select_n3A_201 = arith.select %lt3A_197, %min3A_192, %select_n3A_200 : vector<256x128xi1>, vector<256x128xf32>
    %jit3A_202 = arith.constant 9 : i32
    %broadcast_in_dim3A_203 = vector.broadcast %jit3A_202 : i32 to vector<256x128xi32>
    %select_n3A_204 = arith.select %lt3A_198, %broadcast_in_dim3A_203, %select_n3A_185 : vector<256x128xi1>, vector<256x128xi32>
    %select_n3A_205 = arith.select %lt3A_197, %select_n3A_195, %select_n3A_204 : vector<256x128xi1>, vector<256x128xi32>
    %select_n3A_206 = arith.select %lt3A_199, %slice3A_196, %select_n3A_187 : vector<256x128xi1>, vector<256x128xf32>
    %select_n3A_207 = arith.select %lt3A_198, %select_n3A_181, %select_n3A_206 : vector<256x128xi1>, vector<256x128xf32>
    %jit3A_208 = arith.constant 9 : i32
    %broadcast_in_dim3A_209 = vector.broadcast %jit3A_208 : i32 to vector<256x128xi32>
    %select_n3A_210 = arith.select %lt3A_199, %broadcast_in_dim3A_209, %select_n3A_191 : vector<256x128xi1>, vector<256x128xi32>
    %select_n3A_211 = arith.select %lt3A_198, %select_n3A_185, %select_n3A_210 : vector<256x128xi1>, vector<256x128xi32>
    %min3A_212 = arith.minimumf %min3A_192, %slice3A_196 : vector<256x128xf32>
    %jit3A_213 = arith.constant 9 : i32
    %broadcast_in_dim3A_214 = vector.broadcast %jit3A_213 : i32 to vector<256x128xi32>
    %select_n3A_215 = arith.select %lt3A_197, %broadcast_in_dim3A_214, %select_n3A_195 : vector<256x128xi1>, vector<256x128xi32>
    %slice3A_216 = vector.extract_strided_slice %max3A_17 {offsets = [0, 1280], sizes = [256, 128], strides = [1, 1]} : vector<256x8192xf32> to vector<256x128xf32>
    %lt3A_217 = arith.cmpf olt, %slice3A_216, %min3A_212 : vector<256x128xf32>
    %lt3A_218 = arith.cmpf olt, %slice3A_216, %select_n3A_201 : vector<256x128xf32>
    %lt3A_219 = arith.cmpf olt, %slice3A_216, %select_n3A_207 : vector<256x128xf32>
    %select_n3A_220 = arith.select %lt3A_218, %slice3A_216, %select_n3A_201 : vector<256x128xi1>, vector<256x128xf32>
    %select_n3A_221 = arith.select %lt3A_217, %min3A_212, %select_n3A_220 : vector<256x128xi1>, vector<256x128xf32>
    %jit3A_222 = arith.constant 10 : i32
    %broadcast_in_dim3A_223 = vector.broadcast %jit3A_222 : i32 to vector<256x128xi32>
    %select_n3A_224 = arith.select %lt3A_218, %broadcast_in_dim3A_223, %select_n3A_205 : vector<256x128xi1>, vector<256x128xi32>
    %select_n3A_225 = arith.select %lt3A_217, %select_n3A_215, %select_n3A_224 : vector<256x128xi1>, vector<256x128xi32>
    %select_n3A_226 = arith.select %lt3A_219, %slice3A_216, %select_n3A_207 : vector<256x128xi1>, vector<256x128xf32>
    %select_n3A_227 = arith.select %lt3A_218, %select_n3A_201, %select_n3A_226 : vector<256x128xi1>, vector<256x128xf32>
    %jit3A_228 = arith.constant 10 : i32
    %broadcast_in_dim3A_229 = vector.broadcast %jit3A_228 : i32 to vector<256x128xi32>
    %select_n3A_230 = arith.select %lt3A_219, %broadcast_in_dim3A_229, %select_n3A_211 : vector<256x128xi1>, vector<256x128xi32>
    %select_n3A_231 = arith.select %lt3A_218, %select_n3A_205, %select_n3A_230 : vector<256x128xi1>, vector<256x128xi32>
    %min3A_232 = arith.minimumf %min3A_212, %slice3A_216 : vector<256x128xf32>
    %jit3A_233 = arith.constant 10 : i32
    %broadcast_in_dim3A_234 = vector.broadcast %jit3A_233 : i32 to vector<256x128xi32>
    %select_n3A_235 = arith.select %lt3A_217, %broadcast_in_dim3A_234, %select_n3A_215 : vector<256x128xi1>, vector<256x128xi32>
    %slice3A_236 = vector.extract_strided_slice %max3A_17 {offsets = [0, 1408], sizes = [256, 128], strides = [1, 1]} : vector<256x8192xf32> to vector<256x128xf32>
    %lt3A_237 = arith.cmpf olt, %slice3A_236, %min3A_232 : vector<256x128xf32>
    %lt3A_238 = arith.cmpf olt, %slice3A_236, %select_n3A_221 : vector<256x128xf32>
    %lt3A_239 = arith.cmpf olt, %slice3A_236, %select_n3A_227 : vector<256x128xf32>
    %select_n3A_240 = arith.select %lt3A_238, %slice3A_236, %select_n3A_221 : vector<256x128xi1>, vector<256x128xf32>
    %select_n3A_241 = arith.select %lt3A_237, %min3A_232, %select_n3A_240 : vector<256x128xi1>, vector<256x128xf32>
    %jit3A_242 = arith.constant 11 : i32
    %broadcast_in_dim3A_243 = vector.broadcast %jit3A_242 : i32 to vector<256x128xi32>
    %select_n3A_244 = arith.select %lt3A_238, %broadcast_in_dim3A_243, %select_n3A_225 : vector<256x128xi1>, vector<256x128xi32>
    %select_n3A_245 = arith.select %lt3A_237, %select_n3A_235, %select_n3A_244 : vector<256x128xi1>, vector<256x128xi32>
    %select_n3A_246 = arith.select %lt3A_239, %slice3A_236, %select_n3A_227 : vector<256x128xi1>, vector<256x128xf32>
    %select_n3A_247 = arith.select %lt3A_238, %select_n3A_221, %select_n3A_246 : vector<256x128xi1>, vector<256x128xf32>
    %jit3A_248 = arith.constant 11 : i32
    %broadcast_in_dim3A_249 = vector.broadcast %jit3A_248 : i32 to vector<256x128xi32>
    %select_n3A_250 = arith.select %lt3A_239, %broadcast_in_dim3A_249, %select_n3A_231 : vector<256x128xi1>, vector<256x128xi32>
    %select_n3A_251 = arith.select %lt3A_238, %select_n3A_225, %select_n3A_250 : vector<256x128xi1>, vector<256x128xi32>
    %min3A_252 = arith.minimumf %min3A_232, %slice3A_236 : vector<256x128xf32>
    %jit3A_253 = arith.constant 11 : i32
    %broadcast_in_dim3A_254 = vector.broadcast %jit3A_253 : i32 to vector<256x128xi32>
    %select_n3A_255 = arith.select %lt3A_237, %broadcast_in_dim3A_254, %select_n3A_235 : vector<256x128xi1>, vector<256x128xi32>
    %slice3A_256 = vector.extract_strided_slice %max3A_17 {offsets = [0, 1536], sizes = [256, 128], strides = [1, 1]} : vector<256x8192xf32> to vector<256x128xf32>
    %lt3A_257 = arith.cmpf olt, %slice3A_256, %min3A_252 : vector<256x128xf32>
    %lt3A_258 = arith.cmpf olt, %slice3A_256, %select_n3A_241 : vector<256x128xf32>
    %lt3A_259 = arith.cmpf olt, %slice3A_256, %select_n3A_247 : vector<256x128xf32>
    %select_n3A_260 = arith.select %lt3A_258, %slice3A_256, %select_n3A_241 : vector<256x128xi1>, vector<256x128xf32>
    %select_n3A_261 = arith.select %lt3A_257, %min3A_252, %select_n3A_260 : vector<256x128xi1>, vector<256x128xf32>
    %jit3A_262 = arith.constant 12 : i32
    %broadcast_in_dim3A_263 = vector.broadcast %jit3A_262 : i32 to vector<256x128xi32>
    %select_n3A_264 = arith.select %lt3A_258, %broadcast_in_dim3A_263, %select_n3A_245 : vector<256x128xi1>, vector<256x128xi32>
    %select_n3A_265 = arith.select %lt3A_257, %select_n3A_255, %select_n3A_264 : vector<256x128xi1>, vector<256x128xi32>
    %select_n3A_266 = arith.select %lt3A_259, %slice3A_256, %select_n3A_247 : vector<256x128xi1>, vector<256x128xf32>
    %select_n3A_267 = arith.select %lt3A_258, %select_n3A_241, %select_n3A_266 : vector<256x128xi1>, vector<256x128xf32>
    %jit3A_268 = arith.constant 12 : i32
    %broadcast_in_dim3A_269 = vector.broadcast %jit3A_268 : i32 to vector<256x128xi32>
    %select_n3A_270 = arith.select %lt3A_259, %broadcast_in_dim3A_269, %select_n3A_251 : vector<256x128xi1>, vector<256x128xi32>
    %select_n3A_271 = arith.select %lt3A_258, %select_n3A_245, %select_n3A_270 : vector<256x128xi1>, vector<256x128xi32>
    %min3A_272 = arith.minimumf %min3A_252, %slice3A_256 : vector<256x128xf32>
    %jit3A_273 = arith.constant 12 : i32
    %broadcast_in_dim3A_274 = vector.broadcast %jit3A_273 : i32 to vector<256x128xi32>
    %select_n3A_275 = arith.select %lt3A_257, %broadcast_in_dim3A_274, %select_n3A_255 : vector<256x128xi1>, vector<256x128xi32>
    %slice3A_276 = vector.extract_strided_slice %max3A_17 {offsets = [0, 1664], sizes = [256, 128], strides = [1, 1]} : vector<256x8192xf32> to vector<256x128xf32>
    %lt3A_277 = arith.cmpf olt, %slice3A_276, %min3A_272 : vector<256x128xf32>
    %lt3A_278 = arith.cmpf olt, %slice3A_276, %select_n3A_261 : vector<256x128xf32>
    %lt3A_279 = arith.cmpf olt, %slice3A_276, %select_n3A_267 : vector<256x128xf32>
    %select_n3A_280 = arith.select %lt3A_278, %slice3A_276, %select_n3A_261 : vector<256x128xi1>, vector<256x128xf32>
    %select_n3A_281 = arith.select %lt3A_277, %min3A_272, %select_n3A_280 : vector<256x128xi1>, vector<256x128xf32>
    %jit3A_282 = arith.constant 13 : i32
    %broadcast_in_dim3A_283 = vector.broadcast %jit3A_282 : i32 to vector<256x128xi32>
    %select_n3A_284 = arith.select %lt3A_278, %broadcast_in_dim3A_283, %select_n3A_265 : vector<256x128xi1>, vector<256x128xi32>
    %select_n3A_285 = arith.select %lt3A_277, %select_n3A_275, %select_n3A_284 : vector<256x128xi1>, vector<256x128xi32>
    %select_n3A_286 = arith.select %lt3A_279, %slice3A_276, %select_n3A_267 : vector<256x128xi1>, vector<256x128xf32>
    %select_n3A_287 = arith.select %lt3A_278, %select_n3A_261, %select_n3A_286 : vector<256x128xi1>, vector<256x128xf32>
    %jit3A_288 = arith.constant 13 : i32
    %broadcast_in_dim3A_289 = vector.broadcast %jit3A_288 : i32 to vector<256x128xi32>
    %select_n3A_290 = arith.select %lt3A_279, %broadcast_in_dim3A_289, %select_n3A_271 : vector<256x128xi1>, vector<256x128xi32>
    %select_n3A_291 = arith.select %lt3A_278, %select_n3A_265, %select_n3A_290 : vector<256x128xi1>, vector<256x128xi32>
    %min3A_292 = arith.minimumf %min3A_272, %slice3A_276 : vector<256x128xf32>
    %jit3A_293 = arith.constant 13 : i32
    %broadcast_in_dim3A_294 = vector.broadcast %jit3A_293 : i32 to vector<256x128xi32>
    %select_n3A_295 = arith.select %lt3A_277, %broadcast_in_dim3A_294, %select_n3A_275 : vector<256x128xi1>, vector<256x128xi32>
    %slice3A_296 = vector.extract_strided_slice %max3A_17 {offsets = [0, 1792], sizes = [256, 128], strides = [1, 1]} : vector<256x8192xf32> to vector<256x128xf32>
    %lt3A_297 = arith.cmpf olt, %slice3A_296, %min3A_292 : vector<256x128xf32>
    %lt3A_298 = arith.cmpf olt, %slice3A_296, %select_n3A_281 : vector<256x128xf32>
    %lt3A_299 = arith.cmpf olt, %slice3A_296, %select_n3A_287 : vector<256x128xf32>
    %select_n3A_300 = arith.select %lt3A_298, %slice3A_296, %select_n3A_281 : vector<256x128xi1>, vector<256x128xf32>
    %select_n3A_301 = arith.select %lt3A_297, %min3A_292, %select_n3A_300 : vector<256x128xi1>, vector<256x128xf32>
    %jit3A_302 = arith.constant 14 : i32
    %broadcast_in_dim3A_303 = vector.broadcast %jit3A_302 : i32 to vector<256x128xi32>
    %select_n3A_304 = arith.select %lt3A_298, %broadcast_in_dim3A_303, %select_n3A_285 : vector<256x128xi1>, vector<256x128xi32>
    %select_n3A_305 = arith.select %lt3A_297, %select_n3A_295, %select_n3A_304 : vector<256x128xi1>, vector<256x128xi32>
    %select_n3A_306 = arith.select %lt3A_299, %slice3A_296, %select_n3A_287 : vector<256x128xi1>, vector<256x128xf32>
    %select_n3A_307 = arith.select %lt3A_298, %select_n3A_281, %select_n3A_306 : vector<256x128xi1>, vector<256x128xf32>
    %jit3A_308 = arith.constant 14 : i32
    %broadcast_in_dim3A_309 = vector.broadcast %jit3A_308 : i32 to vector<256x128xi32>
    %select_n3A_310 = arith.select %lt3A_299, %broadcast_in_dim3A_309, %select_n3A_291 : vector<256x128xi1>, vector<256x128xi32>
    %select_n3A_311 = arith.select %lt3A_298, %select_n3A_285, %select_n3A_310 : vector<256x128xi1>, vector<256x128xi32>
    %min3A_312 = arith.minimumf %min3A_292, %slice3A_296 : vector<256x128xf32>
    %jit3A_313 = arith.constant 14 : i32
    %broadcast_in_dim3A_314 = vector.broadcast %jit3A_313 : i32 to vector<256x128xi32>
    %select_n3A_315 = arith.select %lt3A_297, %broadcast_in_dim3A_314, %select_n3A_295 : vector<256x128xi1>, vector<256x128xi32>
    %slice3A_316 = vector.extract_strided_slice %max3A_17 {offsets = [0, 1920], sizes = [256, 128], strides = [1, 1]} : vector<256x8192xf32> to vector<256x128xf32>
    %lt3A_317 = arith.cmpf olt, %slice3A_316, %min3A_312 : vector<256x128xf32>
    %lt3A_318 = arith.cmpf olt, %slice3A_316, %select_n3A_301 : vector<256x128xf32>
    %lt3A_319 = arith.cmpf olt, %slice3A_316, %select_n3A_307 : vector<256x128xf32>
    %select_n3A_320 = arith.select %lt3A_318, %slice3A_316, %select_n3A_301 : vector<256x128xi1>, vector<256x128xf32>
    %select_n3A_321 = arith.select %lt3A_317, %min3A_312, %select_n3A_320 : vector<256x128xi1>, vector<256x128xf32>
    %jit3A_322 = arith.constant 15 : i32
    %broadcast_in_dim3A_323 = vector.broadcast %jit3A_322 : i32 to vector<256x128xi32>
    %select_n3A_324 = arith.select %lt3A_318, %broadcast_in_dim3A_323, %select_n3A_305 : vector<256x128xi1>, vector<256x128xi32>
    %select_n3A_325 = arith.select %lt3A_317, %select_n3A_315, %select_n3A_324 : vector<256x128xi1>, vector<256x128xi32>
    %select_n3A_326 = arith.select %lt3A_319, %slice3A_316, %select_n3A_307 : vector<256x128xi1>, vector<256x128xf32>
    %select_n3A_327 = arith.select %lt3A_318, %select_n3A_301, %select_n3A_326 : vector<256x128xi1>, vector<256x128xf32>
    %jit3A_328 = arith.constant 15 : i32
    %broadcast_in_dim3A_329 = vector.broadcast %jit3A_328 : i32 to vector<256x128xi32>
    %select_n3A_330 = arith.select %lt3A_319, %broadcast_in_dim3A_329, %select_n3A_311 : vector<256x128xi1>, vector<256x128xi32>
    %select_n3A_331 = arith.select %lt3A_318, %select_n3A_305, %select_n3A_330 : vector<256x128xi1>, vector<256x128xi32>
    %min3A_332 = arith.minimumf %min3A_312, %slice3A_316 : vector<256x128xf32>
    %jit3A_333 = arith.constant 15 : i32
    %broadcast_in_dim3A_334 = vector.broadcast %jit3A_333 : i32 to vector<256x128xi32>
    %select_n3A_335 = arith.select %lt3A_317, %broadcast_in_dim3A_334, %select_n3A_315 : vector<256x128xi1>, vector<256x128xi32>
    %slice3A_336 = vector.extract_strided_slice %max3A_17 {offsets = [0, 2048], sizes = [256, 128], strides = [1, 1]} : vector<256x8192xf32> to vector<256x128xf32>
    %lt3A_337 = arith.cmpf olt, %slice3A_336, %min3A_332 : vector<256x128xf32>
    %lt3A_338 = arith.cmpf olt, %slice3A_336, %select_n3A_321 : vector<256x128xf32>
    %lt3A_339 = arith.cmpf olt, %slice3A_336, %select_n3A_327 : vector<256x128xf32>
    %select_n3A_340 = arith.select %lt3A_338, %slice3A_336, %select_n3A_321 : vector<256x128xi1>, vector<256x128xf32>
    %select_n3A_341 = arith.select %lt3A_337, %min3A_332, %select_n3A_340 : vector<256x128xi1>, vector<256x128xf32>
    %jit3A_342 = arith.constant 16 : i32
    %broadcast_in_dim3A_343 = vector.broadcast %jit3A_342 : i32 to vector<256x128xi32>
    %select_n3A_344 = arith.select %lt3A_338, %broadcast_in_dim3A_343, %select_n3A_325 : vector<256x128xi1>, vector<256x128xi32>
    %select_n3A_345 = arith.select %lt3A_337, %select_n3A_335, %select_n3A_344 : vector<256x128xi1>, vector<256x128xi32>
    %select_n3A_346 = arith.select %lt3A_339, %slice3A_336, %select_n3A_327 : vector<256x128xi1>, vector<256x128xf32>
    %select_n3A_347 = arith.select %lt3A_338, %select_n3A_321, %select_n3A_346 : vector<256x128xi1>, vector<256x128xf32>
    %jit3A_348 = arith.constant 16 : i32
    %broadcast_in_dim3A_349 = vector.broadcast %jit3A_348 : i32 to vector<256x128xi32>
    %select_n3A_350 = arith.select %lt3A_339, %broadcast_in_dim3A_349, %select_n3A_331 : vector<256x128xi1>, vector<256x128xi32>
    %select_n3A_351 = arith.select %lt3A_338, %select_n3A_325, %select_n3A_350 : vector<256x128xi1>, vector<256x128xi32>
    %min3A_352 = arith.minimumf %min3A_332, %slice3A_336 : vector<256x128xf32>
    %jit3A_353 = arith.constant 16 : i32
    %broadcast_in_dim3A_354 = vector.broadcast %jit3A_353 : i32 to vector<256x128xi32>
    %select_n3A_355 = arith.select %lt3A_337, %broadcast_in_dim3A_354, %select_n3A_335 : vector<256x128xi1>, vector<256x128xi32>
    %slice3A_356 = vector.extract_strided_slice %max3A_17 {offsets = [0, 2176], sizes = [256, 128], strides = [1, 1]} : vector<256x8192xf32> to vector<256x128xf32>
    %lt3A_357 = arith.cmpf olt, %slice3A_356, %min3A_352 : vector<256x128xf32>
    %lt3A_358 = arith.cmpf olt, %slice3A_356, %select_n3A_341 : vector<256x128xf32>
    %lt3A_359 = arith.cmpf olt, %slice3A_356, %select_n3A_347 : vector<256x128xf32>
    %select_n3A_360 = arith.select %lt3A_358, %slice3A_356, %select_n3A_341 : vector<256x128xi1>, vector<256x128xf32>
    %select_n3A_361 = arith.select %lt3A_357, %min3A_352, %select_n3A_360 : vector<256x128xi1>, vector<256x128xf32>
    %jit3A_362 = arith.constant 17 : i32
    %broadcast_in_dim3A_363 = vector.broadcast %jit3A_362 : i32 to vector<256x128xi32>
    %select_n3A_364 = arith.select %lt3A_358, %broadcast_in_dim3A_363, %select_n3A_345 : vector<256x128xi1>, vector<256x128xi32>
    %select_n3A_365 = arith.select %lt3A_357, %select_n3A_355, %select_n3A_364 : vector<256x128xi1>, vector<256x128xi32>
    %select_n3A_366 = arith.select %lt3A_359, %slice3A_356, %select_n3A_347 : vector<256x128xi1>, vector<256x128xf32>
    %select_n3A_367 = arith.select %lt3A_358, %select_n3A_341, %select_n3A_366 : vector<256x128xi1>, vector<256x128xf32>
    %jit3A_368 = arith.constant 17 : i32
    %broadcast_in_dim3A_369 = vector.broadcast %jit3A_368 : i32 to vector<256x128xi32>
    %select_n3A_370 = arith.select %lt3A_359, %broadcast_in_dim3A_369, %select_n3A_351 : vector<256x128xi1>, vector<256x128xi32>
    %select_n3A_371 = arith.select %lt3A_358, %select_n3A_345, %select_n3A_370 : vector<256x128xi1>, vector<256x128xi32>
    %min3A_372 = arith.minimumf %min3A_352, %slice3A_356 : vector<256x128xf32>
    %jit3A_373 = arith.constant 17 : i32
    %broadcast_in_dim3A_374 = vector.broadcast %jit3A_373 : i32 to vector<256x128xi32>
    %select_n3A_375 = arith.select %lt3A_357, %broadcast_in_dim3A_374, %select_n3A_355 : vector<256x128xi1>, vector<256x128xi32>
    %slice3A_376 = vector.extract_strided_slice %max3A_17 {offsets = [0, 2304], sizes = [256, 128], strides = [1, 1]} : vector<256x8192xf32> to vector<256x128xf32>
    %lt3A_377 = arith.cmpf olt, %slice3A_376, %min3A_372 : vector<256x128xf32>
    %lt3A_378 = arith.cmpf olt, %slice3A_376, %select_n3A_361 : vector<256x128xf32>
    %lt3A_379 = arith.cmpf olt, %slice3A_376, %select_n3A_367 : vector<256x128xf32>
    %select_n3A_380 = arith.select %lt3A_378, %slice3A_376, %select_n3A_361 : vector<256x128xi1>, vector<256x128xf32>
    %select_n3A_381 = arith.select %lt3A_377, %min3A_372, %select_n3A_380 : vector<256x128xi1>, vector<256x128xf32>
    %jit3A_382 = arith.constant 18 : i32
    %broadcast_in_dim3A_383 = vector.broadcast %jit3A_382 : i32 to vector<256x128xi32>
    %select_n3A_384 = arith.select %lt3A_378, %broadcast_in_dim3A_383, %select_n3A_365 : vector<256x128xi1>, vector<256x128xi32>
    %select_n3A_385 = arith.select %lt3A_377, %select_n3A_375, %select_n3A_384 : vector<256x128xi1>, vector<256x128xi32>
    %select_n3A_386 = arith.select %lt3A_379, %slice3A_376, %select_n3A_367 : vector<256x128xi1>, vector<256x128xf32>
    %select_n3A_387 = arith.select %lt3A_378, %select_n3A_361, %select_n3A_386 : vector<256x128xi1>, vector<256x128xf32>
    %jit3A_388 = arith.constant 18 : i32
    %broadcast_in_dim3A_389 = vector.broadcast %jit3A_388 : i32 to vector<256x128xi32>
    %select_n3A_390 = arith.select %lt3A_379, %broadcast_in_dim3A_389, %select_n3A_371 : vector<256x128xi1>, vector<256x128xi32>
    %select_n3A_391 = arith.select %lt3A_378, %select_n3A_365, %select_n3A_390 : vector<256x128xi1>, vector<256x128xi32>
    %min3A_392 = arith.minimumf %min3A_372, %slice3A_376 : vector<256x128xf32>
    %jit3A_393 = arith.constant 18 : i32
    %broadcast_in_dim3A_394 = vector.broadcast %jit3A_393 : i32 to vector<256x128xi32>
    %select_n3A_395 = arith.select %lt3A_377, %broadcast_in_dim3A_394, %select_n3A_375 : vector<256x128xi1>, vector<256x128xi32>
    %slice3A_396 = vector.extract_strided_slice %max3A_17 {offsets = [0, 2432], sizes = [256, 128], strides = [1, 1]} : vector<256x8192xf32> to vector<256x128xf32>
    %lt3A_397 = arith.cmpf olt, %slice3A_396, %min3A_392 : vector<256x128xf32>
    %lt3A_398 = arith.cmpf olt, %slice3A_396, %select_n3A_381 : vector<256x128xf32>
    %lt3A_399 = arith.cmpf olt, %slice3A_396, %select_n3A_387 : vector<256x128xf32>
    %select_n3A_400 = arith.select %lt3A_398, %slice3A_396, %select_n3A_381 : vector<256x128xi1>, vector<256x128xf32>
    %select_n3A_401 = arith.select %lt3A_397, %min3A_392, %select_n3A_400 : vector<256x128xi1>, vector<256x128xf32>
    %jit3A_402 = arith.constant 19 : i32
    %broadcast_in_dim3A_403 = vector.broadcast %jit3A_402 : i32 to vector<256x128xi32>
    %select_n3A_404 = arith.select %lt3A_398, %broadcast_in_dim3A_403, %select_n3A_385 : vector<256x128xi1>, vector<256x128xi32>
    %select_n3A_405 = arith.select %lt3A_397, %select_n3A_395, %select_n3A_404 : vector<256x128xi1>, vector<256x128xi32>
    %select_n3A_406 = arith.select %lt3A_399, %slice3A_396, %select_n3A_387 : vector<256x128xi1>, vector<256x128xf32>
    %select_n3A_407 = arith.select %lt3A_398, %select_n3A_381, %select_n3A_406 : vector<256x128xi1>, vector<256x128xf32>
    %jit3A_408 = arith.constant 19 : i32
    %broadcast_in_dim3A_409 = vector.broadcast %jit3A_408 : i32 to vector<256x128xi32>
    %select_n3A_410 = arith.select %lt3A_399, %broadcast_in_dim3A_409, %select_n3A_391 : vector<256x128xi1>, vector<256x128xi32>
    %select_n3A_411 = arith.select %lt3A_398, %select_n3A_385, %select_n3A_410 : vector<256x128xi1>, vector<256x128xi32>
    %min3A_412 = arith.minimumf %min3A_392, %slice3A_396 : vector<256x128xf32>
    %jit3A_413 = arith.constant 19 : i32
    %broadcast_in_dim3A_414 = vector.broadcast %jit3A_413 : i32 to vector<256x128xi32>
    %select_n3A_415 = arith.select %lt3A_397, %broadcast_in_dim3A_414, %select_n3A_395 : vector<256x128xi1>, vector<256x128xi32>
    %slice3A_416 = vector.extract_strided_slice %max3A_17 {offsets = [0, 2560], sizes = [256, 128], strides = [1, 1]} : vector<256x8192xf32> to vector<256x128xf32>
    %lt3A_417 = arith.cmpf olt, %slice3A_416, %min3A_412 : vector<256x128xf32>
    %lt3A_418 = arith.cmpf olt, %slice3A_416, %select_n3A_401 : vector<256x128xf32>
    %lt3A_419 = arith.cmpf olt, %slice3A_416, %select_n3A_407 : vector<256x128xf32>
    %select_n3A_420 = arith.select %lt3A_418, %slice3A_416, %select_n3A_401 : vector<256x128xi1>, vector<256x128xf32>
    %select_n3A_421 = arith.select %lt3A_417, %min3A_412, %select_n3A_420 : vector<256x128xi1>, vector<256x128xf32>
    %jit3A_422 = arith.constant 20 : i32
    %broadcast_in_dim3A_423 = vector.broadcast %jit3A_422 : i32 to vector<256x128xi32>
    %select_n3A_424 = arith.select %lt3A_418, %broadcast_in_dim3A_423, %select_n3A_405 : vector<256x128xi1>, vector<256x128xi32>
    %select_n3A_425 = arith.select %lt3A_417, %select_n3A_415, %select_n3A_424 : vector<256x128xi1>, vector<256x128xi32>
    %select_n3A_426 = arith.select %lt3A_419, %slice3A_416, %select_n3A_407 : vector<256x128xi1>, vector<256x128xf32>
    %select_n3A_427 = arith.select %lt3A_418, %select_n3A_401, %select_n3A_426 : vector<256x128xi1>, vector<256x128xf32>
    %jit3A_428 = arith.constant 20 : i32
    %broadcast_in_dim3A_429 = vector.broadcast %jit3A_428 : i32 to vector<256x128xi32>
    %select_n3A_430 = arith.select %lt3A_419, %broadcast_in_dim3A_429, %select_n3A_411 : vector<256x128xi1>, vector<256x128xi32>
    %select_n3A_431 = arith.select %lt3A_418, %select_n3A_405, %select_n3A_430 : vector<256x128xi1>, vector<256x128xi32>
    %min3A_432 = arith.minimumf %min3A_412, %slice3A_416 : vector<256x128xf32>
    %jit3A_433 = arith.constant 20 : i32
    %broadcast_in_dim3A_434 = vector.broadcast %jit3A_433 : i32 to vector<256x128xi32>
    %select_n3A_435 = arith.select %lt3A_417, %broadcast_in_dim3A_434, %select_n3A_415 : vector<256x128xi1>, vector<256x128xi32>
    %slice3A_436 = vector.extract_strided_slice %max3A_17 {offsets = [0, 2688], sizes = [256, 128], strides = [1, 1]} : vector<256x8192xf32> to vector<256x128xf32>
    %lt3A_437 = arith.cmpf olt, %slice3A_436, %min3A_432 : vector<256x128xf32>
    %lt3A_438 = arith.cmpf olt, %slice3A_436, %select_n3A_421 : vector<256x128xf32>
    %lt3A_439 = arith.cmpf olt, %slice3A_436, %select_n3A_427 : vector<256x128xf32>
    %select_n3A_440 = arith.select %lt3A_438, %slice3A_436, %select_n3A_421 : vector<256x128xi1>, vector<256x128xf32>
    %select_n3A_441 = arith.select %lt3A_437, %min3A_432, %select_n3A_440 : vector<256x128xi1>, vector<256x128xf32>
    %jit3A_442 = arith.constant 21 : i32
    %broadcast_in_dim3A_443 = vector.broadcast %jit3A_442 : i32 to vector<256x128xi32>
    %select_n3A_444 = arith.select %lt3A_438, %broadcast_in_dim3A_443, %select_n3A_425 : vector<256x128xi1>, vector<256x128xi32>
    %select_n3A_445 = arith.select %lt3A_437, %select_n3A_435, %select_n3A_444 : vector<256x128xi1>, vector<256x128xi32>
    %select_n3A_446 = arith.select %lt3A_439, %slice3A_436, %select_n3A_427 : vector<256x128xi1>, vector<256x128xf32>
    %select_n3A_447 = arith.select %lt3A_438, %select_n3A_421, %select_n3A_446 : vector<256x128xi1>, vector<256x128xf32>
    %jit3A_448 = arith.constant 21 : i32
    %broadcast_in_dim3A_449 = vector.broadcast %jit3A_448 : i32 to vector<256x128xi32>
    %select_n3A_450 = arith.select %lt3A_439, %broadcast_in_dim3A_449, %select_n3A_431 : vector<256x128xi1>, vector<256x128xi32>
    %select_n3A_451 = arith.select %lt3A_438, %select_n3A_425, %select_n3A_450 : vector<256x128xi1>, vector<256x128xi32>
    %min3A_452 = arith.minimumf %min3A_432, %slice3A_436 : vector<256x128xf32>
    %jit3A_453 = arith.constant 21 : i32
    %broadcast_in_dim3A_454 = vector.broadcast %jit3A_453 : i32 to vector<256x128xi32>
    %select_n3A_455 = arith.select %lt3A_437, %broadcast_in_dim3A_454, %select_n3A_435 : vector<256x128xi1>, vector<256x128xi32>
    %slice3A_456 = vector.extract_strided_slice %max3A_17 {offsets = [0, 2816], sizes = [256, 128], strides = [1, 1]} : vector<256x8192xf32> to vector<256x128xf32>
    %lt3A_457 = arith.cmpf olt, %slice3A_456, %min3A_452 : vector<256x128xf32>
    %lt3A_458 = arith.cmpf olt, %slice3A_456, %select_n3A_441 : vector<256x128xf32>
    %lt3A_459 = arith.cmpf olt, %slice3A_456, %select_n3A_447 : vector<256x128xf32>
    %select_n3A_460 = arith.select %lt3A_458, %slice3A_456, %select_n3A_441 : vector<256x128xi1>, vector<256x128xf32>
    %select_n3A_461 = arith.select %lt3A_457, %min3A_452, %select_n3A_460 : vector<256x128xi1>, vector<256x128xf32>
    %jit3A_462 = arith.constant 22 : i32
    %broadcast_in_dim3A_463 = vector.broadcast %jit3A_462 : i32 to vector<256x128xi32>
    %select_n3A_464 = arith.select %lt3A_458, %broadcast_in_dim3A_463, %select_n3A_445 : vector<256x128xi1>, vector<256x128xi32>
    %select_n3A_465 = arith.select %lt3A_457, %select_n3A_455, %select_n3A_464 : vector<256x128xi1>, vector<256x128xi32>
    %select_n3A_466 = arith.select %lt3A_459, %slice3A_456, %select_n3A_447 : vector<256x128xi1>, vector<256x128xf32>
    %select_n3A_467 = arith.select %lt3A_458, %select_n3A_441, %select_n3A_466 : vector<256x128xi1>, vector<256x128xf32>
    %jit3A_468 = arith.constant 22 : i32
    %broadcast_in_dim3A_469 = vector.broadcast %jit3A_468 : i32 to vector<256x128xi32>
    %select_n3A_470 = arith.select %lt3A_459, %broadcast_in_dim3A_469, %select_n3A_451 : vector<256x128xi1>, vector<256x128xi32>
    %select_n3A_471 = arith.select %lt3A_458, %select_n3A_445, %select_n3A_470 : vector<256x128xi1>, vector<256x128xi32>
    %min3A_472 = arith.minimumf %min3A_452, %slice3A_456 : vector<256x128xf32>
    %jit3A_473 = arith.constant 22 : i32
    %broadcast_in_dim3A_474 = vector.broadcast %jit3A_473 : i32 to vector<256x128xi32>
    %select_n3A_475 = arith.select %lt3A_457, %broadcast_in_dim3A_474, %select_n3A_455 : vector<256x128xi1>, vector<256x128xi32>
    %slice3A_476 = vector.extract_strided_slice %max3A_17 {offsets = [0, 2944], sizes = [256, 128], strides = [1, 1]} : vector<256x8192xf32> to vector<256x128xf32>
    %lt3A_477 = arith.cmpf olt, %slice3A_476, %min3A_472 : vector<256x128xf32>
    %lt3A_478 = arith.cmpf olt, %slice3A_476, %select_n3A_461 : vector<256x128xf32>
    %lt3A_479 = arith.cmpf olt, %slice3A_476, %select_n3A_467 : vector<256x128xf32>
    %select_n3A_480 = arith.select %lt3A_478, %slice3A_476, %select_n3A_461 : vector<256x128xi1>, vector<256x128xf32>
    %select_n3A_481 = arith.select %lt3A_477, %min3A_472, %select_n3A_480 : vector<256x128xi1>, vector<256x128xf32>
    %jit3A_482 = arith.constant 23 : i32
    %broadcast_in_dim3A_483 = vector.broadcast %jit3A_482 : i32 to vector<256x128xi32>
    %select_n3A_484 = arith.select %lt3A_478, %broadcast_in_dim3A_483, %select_n3A_465 : vector<256x128xi1>, vector<256x128xi32>
    %select_n3A_485 = arith.select %lt3A_477, %select_n3A_475, %select_n3A_484 : vector<256x128xi1>, vector<256x128xi32>
    %select_n3A_486 = arith.select %lt3A_479, %slice3A_476, %select_n3A_467 : vector<256x128xi1>, vector<256x128xf32>
    %select_n3A_487 = arith.select %lt3A_478, %select_n3A_461, %select_n3A_486 : vector<256x128xi1>, vector<256x128xf32>
    %jit3A_488 = arith.constant 23 : i32
    %broadcast_in_dim3A_489 = vector.broadcast %jit3A_488 : i32 to vector<256x128xi32>
    %select_n3A_490 = arith.select %lt3A_479, %broadcast_in_dim3A_489, %select_n3A_471 : vector<256x128xi1>, vector<256x128xi32>
    %select_n3A_491 = arith.select %lt3A_478, %select_n3A_465, %select_n3A_490 : vector<256x128xi1>, vector<256x128xi32>
    %min3A_492 = arith.minimumf %min3A_472, %slice3A_476 : vector<256x128xf32>
    %jit3A_493 = arith.constant 23 : i32
    %broadcast_in_dim3A_494 = vector.broadcast %jit3A_493 : i32 to vector<256x128xi32>
    %select_n3A_495 = arith.select %lt3A_477, %broadcast_in_dim3A_494, %select_n3A_475 : vector<256x128xi1>, vector<256x128xi32>
    %slice3A_496 = vector.extract_strided_slice %max3A_17 {offsets = [0, 3072], sizes = [256, 128], strides = [1, 1]} : vector<256x8192xf32> to vector<256x128xf32>
    %lt3A_497 = arith.cmpf olt, %slice3A_496, %min3A_492 : vector<256x128xf32>
    %lt3A_498 = arith.cmpf olt, %slice3A_496, %select_n3A_481 : vector<256x128xf32>
    %lt3A_499 = arith.cmpf olt, %slice3A_496, %select_n3A_487 : vector<256x128xf32>
    %select_n3A_500 = arith.select %lt3A_498, %slice3A_496, %select_n3A_481 : vector<256x128xi1>, vector<256x128xf32>
    %select_n3A_501 = arith.select %lt3A_497, %min3A_492, %select_n3A_500 : vector<256x128xi1>, vector<256x128xf32>
    %jit3A_502 = arith.constant 24 : i32
    %broadcast_in_dim3A_503 = vector.broadcast %jit3A_502 : i32 to vector<256x128xi32>
    %select_n3A_504 = arith.select %lt3A_498, %broadcast_in_dim3A_503, %select_n3A_485 : vector<256x128xi1>, vector<256x128xi32>
    %select_n3A_505 = arith.select %lt3A_497, %select_n3A_495, %select_n3A_504 : vector<256x128xi1>, vector<256x128xi32>
    %select_n3A_506 = arith.select %lt3A_499, %slice3A_496, %select_n3A_487 : vector<256x128xi1>, vector<256x128xf32>
    %select_n3A_507 = arith.select %lt3A_498, %select_n3A_481, %select_n3A_506 : vector<256x128xi1>, vector<256x128xf32>
    %jit3A_508 = arith.constant 24 : i32
    %broadcast_in_dim3A_509 = vector.broadcast %jit3A_508 : i32 to vector<256x128xi32>
    %select_n3A_510 = arith.select %lt3A_499, %broadcast_in_dim3A_509, %select_n3A_491 : vector<256x128xi1>, vector<256x128xi32>
    %select_n3A_511 = arith.select %lt3A_498, %select_n3A_485, %select_n3A_510 : vector<256x128xi1>, vector<256x128xi32>
    %min3A_512 = arith.minimumf %min3A_492, %slice3A_496 : vector<256x128xf32>
    %jit3A_513 = arith.constant 24 : i32
    %broadcast_in_dim3A_514 = vector.broadcast %jit3A_513 : i32 to vector<256x128xi32>
    %select_n3A_515 = arith.select %lt3A_497, %broadcast_in_dim3A_514, %select_n3A_495 : vector<256x128xi1>, vector<256x128xi32>
    %slice3A_516 = vector.extract_strided_slice %max3A_17 {offsets = [0, 3200], sizes = [256, 128], strides = [1, 1]} : vector<256x8192xf32> to vector<256x128xf32>
    %lt3A_517 = arith.cmpf olt, %slice3A_516, %min3A_512 : vector<256x128xf32>
    %lt3A_518 = arith.cmpf olt, %slice3A_516, %select_n3A_501 : vector<256x128xf32>
    %lt3A_519 = arith.cmpf olt, %slice3A_516, %select_n3A_507 : vector<256x128xf32>
    %select_n3A_520 = arith.select %lt3A_518, %slice3A_516, %select_n3A_501 : vector<256x128xi1>, vector<256x128xf32>
    %select_n3A_521 = arith.select %lt3A_517, %min3A_512, %select_n3A_520 : vector<256x128xi1>, vector<256x128xf32>
    %jit3A_522 = arith.constant 25 : i32
    %broadcast_in_dim3A_523 = vector.broadcast %jit3A_522 : i32 to vector<256x128xi32>
    %select_n3A_524 = arith.select %lt3A_518, %broadcast_in_dim3A_523, %select_n3A_505 : vector<256x128xi1>, vector<256x128xi32>
    %select_n3A_525 = arith.select %lt3A_517, %select_n3A_515, %select_n3A_524 : vector<256x128xi1>, vector<256x128xi32>
    %select_n3A_526 = arith.select %lt3A_519, %slice3A_516, %select_n3A_507 : vector<256x128xi1>, vector<256x128xf32>
    %select_n3A_527 = arith.select %lt3A_518, %select_n3A_501, %select_n3A_526 : vector<256x128xi1>, vector<256x128xf32>
    %jit3A_528 = arith.constant 25 : i32
    %broadcast_in_dim3A_529 = vector.broadcast %jit3A_528 : i32 to vector<256x128xi32>
    %select_n3A_530 = arith.select %lt3A_519, %broadcast_in_dim3A_529, %select_n3A_511 : vector<256x128xi1>, vector<256x128xi32>
    %select_n3A_531 = arith.select %lt3A_518, %select_n3A_505, %select_n3A_530 : vector<256x128xi1>, vector<256x128xi32>
    %min3A_532 = arith.minimumf %min3A_512, %slice3A_516 : vector<256x128xf32>
    %jit3A_533 = arith.constant 25 : i32
    %broadcast_in_dim3A_534 = vector.broadcast %jit3A_533 : i32 to vector<256x128xi32>
    %select_n3A_535 = arith.select %lt3A_517, %broadcast_in_dim3A_534, %select_n3A_515 : vector<256x128xi1>, vector<256x128xi32>
    %slice3A_536 = vector.extract_strided_slice %max3A_17 {offsets = [0, 3328], sizes = [256, 128], strides = [1, 1]} : vector<256x8192xf32> to vector<256x128xf32>
    %lt3A_537 = arith.cmpf olt, %slice3A_536, %min3A_532 : vector<256x128xf32>
    %lt3A_538 = arith.cmpf olt, %slice3A_536, %select_n3A_521 : vector<256x128xf32>
    %lt3A_539 = arith.cmpf olt, %slice3A_536, %select_n3A_527 : vector<256x128xf32>
    %select_n3A_540 = arith.select %lt3A_538, %slice3A_536, %select_n3A_521 : vector<256x128xi1>, vector<256x128xf32>
    %select_n3A_541 = arith.select %lt3A_537, %min3A_532, %select_n3A_540 : vector<256x128xi1>, vector<256x128xf32>
    %jit3A_542 = arith.constant 26 : i32
    %broadcast_in_dim3A_543 = vector.broadcast %jit3A_542 : i32 to vector<256x128xi32>
    %select_n3A_544 = arith.select %lt3A_538, %broadcast_in_dim3A_543, %select_n3A_525 : vector<256x128xi1>, vector<256x128xi32>
    %select_n3A_545 = arith.select %lt3A_537, %select_n3A_535, %select_n3A_544 : vector<256x128xi1>, vector<256x128xi32>
    %select_n3A_546 = arith.select %lt3A_539, %slice3A_536, %select_n3A_527 : vector<256x128xi1>, vector<256x128xf32>
    %select_n3A_547 = arith.select %lt3A_538, %select_n3A_521, %select_n3A_546 : vector<256x128xi1>, vector<256x128xf32>
    %jit3A_548 = arith.constant 26 : i32
    %broadcast_in_dim3A_549 = vector.broadcast %jit3A_548 : i32 to vector<256x128xi32>
    %select_n3A_550 = arith.select %lt3A_539, %broadcast_in_dim3A_549, %select_n3A_531 : vector<256x128xi1>, vector<256x128xi32>
    %select_n3A_551 = arith.select %lt3A_538, %select_n3A_525, %select_n3A_550 : vector<256x128xi1>, vector<256x128xi32>
    %min3A_552 = arith.minimumf %min3A_532, %slice3A_536 : vector<256x128xf32>
    %jit3A_553 = arith.constant 26 : i32
    %broadcast_in_dim3A_554 = vector.broadcast %jit3A_553 : i32 to vector<256x128xi32>
    %select_n3A_555 = arith.select %lt3A_537, %broadcast_in_dim3A_554, %select_n3A_535 : vector<256x128xi1>, vector<256x128xi32>
    %slice3A_556 = vector.extract_strided_slice %max3A_17 {offsets = [0, 3456], sizes = [256, 128], strides = [1, 1]} : vector<256x8192xf32> to vector<256x128xf32>
    %lt3A_557 = arith.cmpf olt, %slice3A_556, %min3A_552 : vector<256x128xf32>
    %lt3A_558 = arith.cmpf olt, %slice3A_556, %select_n3A_541 : vector<256x128xf32>
    %lt3A_559 = arith.cmpf olt, %slice3A_556, %select_n3A_547 : vector<256x128xf32>
    %select_n3A_560 = arith.select %lt3A_558, %slice3A_556, %select_n3A_541 : vector<256x128xi1>, vector<256x128xf32>
    %select_n3A_561 = arith.select %lt3A_557, %min3A_552, %select_n3A_560 : vector<256x128xi1>, vector<256x128xf32>
    %jit3A_562 = arith.constant 27 : i32
    %broadcast_in_dim3A_563 = vector.broadcast %jit3A_562 : i32 to vector<256x128xi32>
    %select_n3A_564 = arith.select %lt3A_558, %broadcast_in_dim3A_563, %select_n3A_545 : vector<256x128xi1>, vector<256x128xi32>
    %select_n3A_565 = arith.select %lt3A_557, %select_n3A_555, %select_n3A_564 : vector<256x128xi1>, vector<256x128xi32>
    %select_n3A_566 = arith.select %lt3A_559, %slice3A_556, %select_n3A_547 : vector<256x128xi1>, vector<256x128xf32>
    %select_n3A_567 = arith.select %lt3A_558, %select_n3A_541, %select_n3A_566 : vector<256x128xi1>, vector<256x128xf32>
    %jit3A_568 = arith.constant 27 : i32
    %broadcast_in_dim3A_569 = vector.broadcast %jit3A_568 : i32 to vector<256x128xi32>
    %select_n3A_570 = arith.select %lt3A_559, %broadcast_in_dim3A_569, %select_n3A_551 : vector<256x128xi1>, vector<256x128xi32>
    %select_n3A_571 = arith.select %lt3A_558, %select_n3A_545, %select_n3A_570 : vector<256x128xi1>, vector<256x128xi32>
    %min3A_572 = arith.minimumf %min3A_552, %slice3A_556 : vector<256x128xf32>
    %jit3A_573 = arith.constant 27 : i32
    %broadcast_in_dim3A_574 = vector.broadcast %jit3A_573 : i32 to vector<256x128xi32>
    %select_n3A_575 = arith.select %lt3A_557, %broadcast_in_dim3A_574, %select_n3A_555 : vector<256x128xi1>, vector<256x128xi32>
    %slice3A_576 = vector.extract_strided_slice %max3A_17 {offsets = [0, 3584], sizes = [256, 128], strides = [1, 1]} : vector<256x8192xf32> to vector<256x128xf32>
    %lt3A_577 = arith.cmpf olt, %slice3A_576, %min3A_572 : vector<256x128xf32>
    %lt3A_578 = arith.cmpf olt, %slice3A_576, %select_n3A_561 : vector<256x128xf32>
    %lt3A_579 = arith.cmpf olt, %slice3A_576, %select_n3A_567 : vector<256x128xf32>
    %select_n3A_580 = arith.select %lt3A_578, %slice3A_576, %select_n3A_561 : vector<256x128xi1>, vector<256x128xf32>
    %select_n3A_581 = arith.select %lt3A_577, %min3A_572, %select_n3A_580 : vector<256x128xi1>, vector<256x128xf32>
    %jit3A_582 = arith.constant 28 : i32
    %broadcast_in_dim3A_583 = vector.broadcast %jit3A_582 : i32 to vector<256x128xi32>
    %select_n3A_584 = arith.select %lt3A_578, %broadcast_in_dim3A_583, %select_n3A_565 : vector<256x128xi1>, vector<256x128xi32>
    %select_n3A_585 = arith.select %lt3A_577, %select_n3A_575, %select_n3A_584 : vector<256x128xi1>, vector<256x128xi32>
    %select_n3A_586 = arith.select %lt3A_579, %slice3A_576, %select_n3A_567 : vector<256x128xi1>, vector<256x128xf32>
    %select_n3A_587 = arith.select %lt3A_578, %select_n3A_561, %select_n3A_586 : vector<256x128xi1>, vector<256x128xf32>
    %jit3A_588 = arith.constant 28 : i32
    %broadcast_in_dim3A_589 = vector.broadcast %jit3A_588 : i32 to vector<256x128xi32>
    %select_n3A_590 = arith.select %lt3A_579, %broadcast_in_dim3A_589, %select_n3A_571 : vector<256x128xi1>, vector<256x128xi32>
    %select_n3A_591 = arith.select %lt3A_578, %select_n3A_565, %select_n3A_590 : vector<256x128xi1>, vector<256x128xi32>
    %min3A_592 = arith.minimumf %min3A_572, %slice3A_576 : vector<256x128xf32>
    %jit3A_593 = arith.constant 28 : i32
    %broadcast_in_dim3A_594 = vector.broadcast %jit3A_593 : i32 to vector<256x128xi32>
    %select_n3A_595 = arith.select %lt3A_577, %broadcast_in_dim3A_594, %select_n3A_575 : vector<256x128xi1>, vector<256x128xi32>
    %slice3A_596 = vector.extract_strided_slice %max3A_17 {offsets = [0, 3712], sizes = [256, 128], strides = [1, 1]} : vector<256x8192xf32> to vector<256x128xf32>
    %lt3A_597 = arith.cmpf olt, %slice3A_596, %min3A_592 : vector<256x128xf32>
    %lt3A_598 = arith.cmpf olt, %slice3A_596, %select_n3A_581 : vector<256x128xf32>
    %lt3A_599 = arith.cmpf olt, %slice3A_596, %select_n3A_587 : vector<256x128xf32>
    %select_n3A_600 = arith.select %lt3A_598, %slice3A_596, %select_n3A_581 : vector<256x128xi1>, vector<256x128xf32>
    %select_n3A_601 = arith.select %lt3A_597, %min3A_592, %select_n3A_600 : vector<256x128xi1>, vector<256x128xf32>
    %jit3A_602 = arith.constant 29 : i32
    %broadcast_in_dim3A_603 = vector.broadcast %jit3A_602 : i32 to vector<256x128xi32>
    %select_n3A_604 = arith.select %lt3A_598, %broadcast_in_dim3A_603, %select_n3A_585 : vector<256x128xi1>, vector<256x128xi32>
    %select_n3A_605 = arith.select %lt3A_597, %select_n3A_595, %select_n3A_604 : vector<256x128xi1>, vector<256x128xi32>
    %select_n3A_606 = arith.select %lt3A_599, %slice3A_596, %select_n3A_587 : vector<256x128xi1>, vector<256x128xf32>
    %select_n3A_607 = arith.select %lt3A_598, %select_n3A_581, %select_n3A_606 : vector<256x128xi1>, vector<256x128xf32>
    %jit3A_608 = arith.constant 29 : i32
    %broadcast_in_dim3A_609 = vector.broadcast %jit3A_608 : i32 to vector<256x128xi32>
    %select_n3A_610 = arith.select %lt3A_599, %broadcast_in_dim3A_609, %select_n3A_591 : vector<256x128xi1>, vector<256x128xi32>
    %select_n3A_611 = arith.select %lt3A_598, %select_n3A_585, %select_n3A_610 : vector<256x128xi1>, vector<256x128xi32>
    %min3A_612 = arith.minimumf %min3A_592, %slice3A_596 : vector<256x128xf32>
    %jit3A_613 = arith.constant 29 : i32
    %broadcast_in_dim3A_614 = vector.broadcast %jit3A_613 : i32 to vector<256x128xi32>
    %select_n3A_615 = arith.select %lt3A_597, %broadcast_in_dim3A_614, %select_n3A_595 : vector<256x128xi1>, vector<256x128xi32>
    %slice3A_616 = vector.extract_strided_slice %max3A_17 {offsets = [0, 3840], sizes = [256, 128], strides = [1, 1]} : vector<256x8192xf32> to vector<256x128xf32>
    %lt3A_617 = arith.cmpf olt, %slice3A_616, %min3A_612 : vector<256x128xf32>
    %lt3A_618 = arith.cmpf olt, %slice3A_616, %select_n3A_601 : vector<256x128xf32>
    %lt3A_619 = arith.cmpf olt, %slice3A_616, %select_n3A_607 : vector<256x128xf32>
    %select_n3A_620 = arith.select %lt3A_618, %slice3A_616, %select_n3A_601 : vector<256x128xi1>, vector<256x128xf32>
    %select_n3A_621 = arith.select %lt3A_617, %min3A_612, %select_n3A_620 : vector<256x128xi1>, vector<256x128xf32>
    %jit3A_622 = arith.constant 30 : i32
    %broadcast_in_dim3A_623 = vector.broadcast %jit3A_622 : i32 to vector<256x128xi32>
    %select_n3A_624 = arith.select %lt3A_618, %broadcast_in_dim3A_623, %select_n3A_605 : vector<256x128xi1>, vector<256x128xi32>
    %select_n3A_625 = arith.select %lt3A_617, %select_n3A_615, %select_n3A_624 : vector<256x128xi1>, vector<256x128xi32>
    %select_n3A_626 = arith.select %lt3A_619, %slice3A_616, %select_n3A_607 : vector<256x128xi1>, vector<256x128xf32>
    %select_n3A_627 = arith.select %lt3A_618, %select_n3A_601, %select_n3A_626 : vector<256x128xi1>, vector<256x128xf32>
    %jit3A_628 = arith.constant 30 : i32
    %broadcast_in_dim3A_629 = vector.broadcast %jit3A_628 : i32 to vector<256x128xi32>
    %select_n3A_630 = arith.select %lt3A_619, %broadcast_in_dim3A_629, %select_n3A_611 : vector<256x128xi1>, vector<256x128xi32>
    %select_n3A_631 = arith.select %lt3A_618, %select_n3A_605, %select_n3A_630 : vector<256x128xi1>, vector<256x128xi32>
    %min3A_632 = arith.minimumf %min3A_612, %slice3A_616 : vector<256x128xf32>
    %jit3A_633 = arith.constant 30 : i32
    %broadcast_in_dim3A_634 = vector.broadcast %jit3A_633 : i32 to vector<256x128xi32>
    %select_n3A_635 = arith.select %lt3A_617, %broadcast_in_dim3A_634, %select_n3A_615 : vector<256x128xi1>, vector<256x128xi32>
    %slice3A_636 = vector.extract_strided_slice %max3A_17 {offsets = [0, 3968], sizes = [256, 128], strides = [1, 1]} : vector<256x8192xf32> to vector<256x128xf32>
    %lt3A_637 = arith.cmpf olt, %slice3A_636, %min3A_632 : vector<256x128xf32>
    %lt3A_638 = arith.cmpf olt, %slice3A_636, %select_n3A_621 : vector<256x128xf32>
    %lt3A_639 = arith.cmpf olt, %slice3A_636, %select_n3A_627 : vector<256x128xf32>
    %select_n3A_640 = arith.select %lt3A_638, %slice3A_636, %select_n3A_621 : vector<256x128xi1>, vector<256x128xf32>
    %select_n3A_641 = arith.select %lt3A_637, %min3A_632, %select_n3A_640 : vector<256x128xi1>, vector<256x128xf32>
    %jit3A_642 = arith.constant 31 : i32
    %broadcast_in_dim3A_643 = vector.broadcast %jit3A_642 : i32 to vector<256x128xi32>
    %select_n3A_644 = arith.select %lt3A_638, %broadcast_in_dim3A_643, %select_n3A_625 : vector<256x128xi1>, vector<256x128xi32>
    %select_n3A_645 = arith.select %lt3A_637, %select_n3A_635, %select_n3A_644 : vector<256x128xi1>, vector<256x128xi32>
    %select_n3A_646 = arith.select %lt3A_639, %slice3A_636, %select_n3A_627 : vector<256x128xi1>, vector<256x128xf32>
    %select_n3A_647 = arith.select %lt3A_638, %select_n3A_621, %select_n3A_646 : vector<256x128xi1>, vector<256x128xf32>
    %jit3A_648 = arith.constant 31 : i32
    %broadcast_in_dim3A_649 = vector.broadcast %jit3A_648 : i32 to vector<256x128xi32>
    %select_n3A_650 = arith.select %lt3A_639, %broadcast_in_dim3A_649, %select_n3A_631 : vector<256x128xi1>, vector<256x128xi32>
    %select_n3A_651 = arith.select %lt3A_638, %select_n3A_625, %select_n3A_650 : vector<256x128xi1>, vector<256x128xi32>
    %min3A_652 = arith.minimumf %min3A_632, %slice3A_636 : vector<256x128xf32>
    %jit3A_653 = arith.constant 31 : i32
    %broadcast_in_dim3A_654 = vector.broadcast %jit3A_653 : i32 to vector<256x128xi32>
    %select_n3A_655 = arith.select %lt3A_637, %broadcast_in_dim3A_654, %select_n3A_635 : vector<256x128xi1>, vector<256x128xi32>
    %slice3A_656 = vector.extract_strided_slice %max3A_17 {offsets = [0, 4096], sizes = [256, 128], strides = [1, 1]} : vector<256x8192xf32> to vector<256x128xf32>
    %lt3A_657 = arith.cmpf olt, %slice3A_656, %min3A_652 : vector<256x128xf32>
    %lt3A_658 = arith.cmpf olt, %slice3A_656, %select_n3A_641 : vector<256x128xf32>
    %lt3A_659 = arith.cmpf olt, %slice3A_656, %select_n3A_647 : vector<256x128xf32>
    %select_n3A_660 = arith.select %lt3A_658, %slice3A_656, %select_n3A_641 : vector<256x128xi1>, vector<256x128xf32>
    %select_n3A_661 = arith.select %lt3A_657, %min3A_652, %select_n3A_660 : vector<256x128xi1>, vector<256x128xf32>
    %jit3A_662 = arith.constant 32 : i32
    %broadcast_in_dim3A_663 = vector.broadcast %jit3A_662 : i32 to vector<256x128xi32>
    %select_n3A_664 = arith.select %lt3A_658, %broadcast_in_dim3A_663, %select_n3A_645 : vector<256x128xi1>, vector<256x128xi32>
    %select_n3A_665 = arith.select %lt3A_657, %select_n3A_655, %select_n3A_664 : vector<256x128xi1>, vector<256x128xi32>
    %select_n3A_666 = arith.select %lt3A_659, %slice3A_656, %select_n3A_647 : vector<256x128xi1>, vector<256x128xf32>
    %select_n3A_667 = arith.select %lt3A_658, %select_n3A_641, %select_n3A_666 : vector<256x128xi1>, vector<256x128xf32>
    %jit3A_668 = arith.constant 32 : i32
    %broadcast_in_dim3A_669 = vector.broadcast %jit3A_668 : i32 to vector<256x128xi32>
    %select_n3A_670 = arith.select %lt3A_659, %broadcast_in_dim3A_669, %select_n3A_651 : vector<256x128xi1>, vector<256x128xi32>
    %select_n3A_671 = arith.select %lt3A_658, %select_n3A_645, %select_n3A_670 : vector<256x128xi1>, vector<256x128xi32>
    %min3A_672 = arith.minimumf %min3A_652, %slice3A_656 : vector<256x128xf32>
    %jit3A_673 = arith.constant 32 : i32
    %broadcast_in_dim3A_674 = vector.broadcast %jit3A_673 : i32 to vector<256x128xi32>
    %select_n3A_675 = arith.select %lt3A_657, %broadcast_in_dim3A_674, %select_n3A_655 : vector<256x128xi1>, vector<256x128xi32>
    %slice3A_676 = vector.extract_strided_slice %max3A_17 {offsets = [0, 4224], sizes = [256, 128], strides = [1, 1]} : vector<256x8192xf32> to vector<256x128xf32>
    %lt3A_677 = arith.cmpf olt, %slice3A_676, %min3A_672 : vector<256x128xf32>
    %lt3A_678 = arith.cmpf olt, %slice3A_676, %select_n3A_661 : vector<256x128xf32>
    %lt3A_679 = arith.cmpf olt, %slice3A_676, %select_n3A_667 : vector<256x128xf32>
    %select_n3A_680 = arith.select %lt3A_678, %slice3A_676, %select_n3A_661 : vector<256x128xi1>, vector<256x128xf32>
    %select_n3A_681 = arith.select %lt3A_677, %min3A_672, %select_n3A_680 : vector<256x128xi1>, vector<256x128xf32>
    %jit3A_682 = arith.constant 33 : i32
    %broadcast_in_dim3A_683 = vector.broadcast %jit3A_682 : i32 to vector<256x128xi32>
    %select_n3A_684 = arith.select %lt3A_678, %broadcast_in_dim3A_683, %select_n3A_665 : vector<256x128xi1>, vector<256x128xi32>
    %select_n3A_685 = arith.select %lt3A_677, %select_n3A_675, %select_n3A_684 : vector<256x128xi1>, vector<256x128xi32>
    %select_n3A_686 = arith.select %lt3A_679, %slice3A_676, %select_n3A_667 : vector<256x128xi1>, vector<256x128xf32>
    %select_n3A_687 = arith.select %lt3A_678, %select_n3A_661, %select_n3A_686 : vector<256x128xi1>, vector<256x128xf32>
    %jit3A_688 = arith.constant 33 : i32
    %broadcast_in_dim3A_689 = vector.broadcast %jit3A_688 : i32 to vector<256x128xi32>
    %select_n3A_690 = arith.select %lt3A_679, %broadcast_in_dim3A_689, %select_n3A_671 : vector<256x128xi1>, vector<256x128xi32>
    %select_n3A_691 = arith.select %lt3A_678, %select_n3A_665, %select_n3A_690 : vector<256x128xi1>, vector<256x128xi32>
    %min3A_692 = arith.minimumf %min3A_672, %slice3A_676 : vector<256x128xf32>
    %jit3A_693 = arith.constant 33 : i32
    %broadcast_in_dim3A_694 = vector.broadcast %jit3A_693 : i32 to vector<256x128xi32>
    %select_n3A_695 = arith.select %lt3A_677, %broadcast_in_dim3A_694, %select_n3A_675 : vector<256x128xi1>, vector<256x128xi32>
    %slice3A_696 = vector.extract_strided_slice %max3A_17 {offsets = [0, 4352], sizes = [256, 128], strides = [1, 1]} : vector<256x8192xf32> to vector<256x128xf32>
    %lt3A_697 = arith.cmpf olt, %slice3A_696, %min3A_692 : vector<256x128xf32>
    %lt3A_698 = arith.cmpf olt, %slice3A_696, %select_n3A_681 : vector<256x128xf32>
    %lt3A_699 = arith.cmpf olt, %slice3A_696, %select_n3A_687 : vector<256x128xf32>
    %select_n3A_700 = arith.select %lt3A_698, %slice3A_696, %select_n3A_681 : vector<256x128xi1>, vector<256x128xf32>
    %select_n3A_701 = arith.select %lt3A_697, %min3A_692, %select_n3A_700 : vector<256x128xi1>, vector<256x128xf32>
    %jit3A_702 = arith.constant 34 : i32
    %broadcast_in_dim3A_703 = vector.broadcast %jit3A_702 : i32 to vector<256x128xi32>
    %select_n3A_704 = arith.select %lt3A_698, %broadcast_in_dim3A_703, %select_n3A_685 : vector<256x128xi1>, vector<256x128xi32>
    %select_n3A_705 = arith.select %lt3A_697, %select_n3A_695, %select_n3A_704 : vector<256x128xi1>, vector<256x128xi32>
    %select_n3A_706 = arith.select %lt3A_699, %slice3A_696, %select_n3A_687 : vector<256x128xi1>, vector<256x128xf32>
    %select_n3A_707 = arith.select %lt3A_698, %select_n3A_681, %select_n3A_706 : vector<256x128xi1>, vector<256x128xf32>
    %jit3A_708 = arith.constant 34 : i32
    %broadcast_in_dim3A_709 = vector.broadcast %jit3A_708 : i32 to vector<256x128xi32>
    %select_n3A_710 = arith.select %lt3A_699, %broadcast_in_dim3A_709, %select_n3A_691 : vector<256x128xi1>, vector<256x128xi32>
    %select_n3A_711 = arith.select %lt3A_698, %select_n3A_685, %select_n3A_710 : vector<256x128xi1>, vector<256x128xi32>
    %min3A_712 = arith.minimumf %min3A_692, %slice3A_696 : vector<256x128xf32>
    %jit3A_713 = arith.constant 34 : i32
    %broadcast_in_dim3A_714 = vector.broadcast %jit3A_713 : i32 to vector<256x128xi32>
    %select_n3A_715 = arith.select %lt3A_697, %broadcast_in_dim3A_714, %select_n3A_695 : vector<256x128xi1>, vector<256x128xi32>
    %slice3A_716 = vector.extract_strided_slice %max3A_17 {offsets = [0, 4480], sizes = [256, 128], strides = [1, 1]} : vector<256x8192xf32> to vector<256x128xf32>
    %lt3A_717 = arith.cmpf olt, %slice3A_716, %min3A_712 : vector<256x128xf32>
    %lt3A_718 = arith.cmpf olt, %slice3A_716, %select_n3A_701 : vector<256x128xf32>
    %lt3A_719 = arith.cmpf olt, %slice3A_716, %select_n3A_707 : vector<256x128xf32>
    %select_n3A_720 = arith.select %lt3A_718, %slice3A_716, %select_n3A_701 : vector<256x128xi1>, vector<256x128xf32>
    %select_n3A_721 = arith.select %lt3A_717, %min3A_712, %select_n3A_720 : vector<256x128xi1>, vector<256x128xf32>
    %jit3A_722 = arith.constant 35 : i32
    %broadcast_in_dim3A_723 = vector.broadcast %jit3A_722 : i32 to vector<256x128xi32>
    %select_n3A_724 = arith.select %lt3A_718, %broadcast_in_dim3A_723, %select_n3A_705 : vector<256x128xi1>, vector<256x128xi32>
    %select_n3A_725 = arith.select %lt3A_717, %select_n3A_715, %select_n3A_724 : vector<256x128xi1>, vector<256x128xi32>
    %select_n3A_726 = arith.select %lt3A_719, %slice3A_716, %select_n3A_707 : vector<256x128xi1>, vector<256x128xf32>
    %select_n3A_727 = arith.select %lt3A_718, %select_n3A_701, %select_n3A_726 : vector<256x128xi1>, vector<256x128xf32>
    %jit3A_728 = arith.constant 35 : i32
    %broadcast_in_dim3A_729 = vector.broadcast %jit3A_728 : i32 to vector<256x128xi32>
    %select_n3A_730 = arith.select %lt3A_719, %broadcast_in_dim3A_729, %select_n3A_711 : vector<256x128xi1>, vector<256x128xi32>
    %select_n3A_731 = arith.select %lt3A_718, %select_n3A_705, %select_n3A_730 : vector<256x128xi1>, vector<256x128xi32>
    %min3A_732 = arith.minimumf %min3A_712, %slice3A_716 : vector<256x128xf32>
    %jit3A_733 = arith.constant 35 : i32
    %broadcast_in_dim3A_734 = vector.broadcast %jit3A_733 : i32 to vector<256x128xi32>
    %select_n3A_735 = arith.select %lt3A_717, %broadcast_in_dim3A_734, %select_n3A_715 : vector<256x128xi1>, vector<256x128xi32>
    %slice3A_736 = vector.extract_strided_slice %max3A_17 {offsets = [0, 4608], sizes = [256, 128], strides = [1, 1]} : vector<256x8192xf32> to vector<256x128xf32>
    %lt3A_737 = arith.cmpf olt, %slice3A_736, %min3A_732 : vector<256x128xf32>
    %lt3A_738 = arith.cmpf olt, %slice3A_736, %select_n3A_721 : vector<256x128xf32>
    %lt3A_739 = arith.cmpf olt, %slice3A_736, %select_n3A_727 : vector<256x128xf32>
    %select_n3A_740 = arith.select %lt3A_738, %slice3A_736, %select_n3A_721 : vector<256x128xi1>, vector<256x128xf32>
    %select_n3A_741 = arith.select %lt3A_737, %min3A_732, %select_n3A_740 : vector<256x128xi1>, vector<256x128xf32>
    %jit3A_742 = arith.constant 36 : i32
    %broadcast_in_dim3A_743 = vector.broadcast %jit3A_742 : i32 to vector<256x128xi32>
    %select_n3A_744 = arith.select %lt3A_738, %broadcast_in_dim3A_743, %select_n3A_725 : vector<256x128xi1>, vector<256x128xi32>
    %select_n3A_745 = arith.select %lt3A_737, %select_n3A_735, %select_n3A_744 : vector<256x128xi1>, vector<256x128xi32>
    %select_n3A_746 = arith.select %lt3A_739, %slice3A_736, %select_n3A_727 : vector<256x128xi1>, vector<256x128xf32>
    %select_n3A_747 = arith.select %lt3A_738, %select_n3A_721, %select_n3A_746 : vector<256x128xi1>, vector<256x128xf32>
    %jit3A_748 = arith.constant 36 : i32
    %broadcast_in_dim3A_749 = vector.broadcast %jit3A_748 : i32 to vector<256x128xi32>
    %select_n3A_750 = arith.select %lt3A_739, %broadcast_in_dim3A_749, %select_n3A_731 : vector<256x128xi1>, vector<256x128xi32>
    %select_n3A_751 = arith.select %lt3A_738, %select_n3A_725, %select_n3A_750 : vector<256x128xi1>, vector<256x128xi32>
    %min3A_752 = arith.minimumf %min3A_732, %slice3A_736 : vector<256x128xf32>
    %jit3A_753 = arith.constant 36 : i32
    %broadcast_in_dim3A_754 = vector.broadcast %jit3A_753 : i32 to vector<256x128xi32>
    %select_n3A_755 = arith.select %lt3A_737, %broadcast_in_dim3A_754, %select_n3A_735 : vector<256x128xi1>, vector<256x128xi32>
    %slice3A_756 = vector.extract_strided_slice %max3A_17 {offsets = [0, 4736], sizes = [256, 128], strides = [1, 1]} : vector<256x8192xf32> to vector<256x128xf32>
    %lt3A_757 = arith.cmpf olt, %slice3A_756, %min3A_752 : vector<256x128xf32>
    %lt3A_758 = arith.cmpf olt, %slice3A_756, %select_n3A_741 : vector<256x128xf32>
    %lt3A_759 = arith.cmpf olt, %slice3A_756, %select_n3A_747 : vector<256x128xf32>
    %select_n3A_760 = arith.select %lt3A_758, %slice3A_756, %select_n3A_741 : vector<256x128xi1>, vector<256x128xf32>
    %select_n3A_761 = arith.select %lt3A_757, %min3A_752, %select_n3A_760 : vector<256x128xi1>, vector<256x128xf32>
    %jit3A_762 = arith.constant 37 : i32
    %broadcast_in_dim3A_763 = vector.broadcast %jit3A_762 : i32 to vector<256x128xi32>
    %select_n3A_764 = arith.select %lt3A_758, %broadcast_in_dim3A_763, %select_n3A_745 : vector<256x128xi1>, vector<256x128xi32>
    %select_n3A_765 = arith.select %lt3A_757, %select_n3A_755, %select_n3A_764 : vector<256x128xi1>, vector<256x128xi32>
    %select_n3A_766 = arith.select %lt3A_759, %slice3A_756, %select_n3A_747 : vector<256x128xi1>, vector<256x128xf32>
    %select_n3A_767 = arith.select %lt3A_758, %select_n3A_741, %select_n3A_766 : vector<256x128xi1>, vector<256x128xf32>
    %jit3A_768 = arith.constant 37 : i32
    %broadcast_in_dim3A_769 = vector.broadcast %jit3A_768 : i32 to vector<256x128xi32>
    %select_n3A_770 = arith.select %lt3A_759, %broadcast_in_dim3A_769, %select_n3A_751 : vector<256x128xi1>, vector<256x128xi32>
    %select_n3A_771 = arith.select %lt3A_758, %select_n3A_745, %select_n3A_770 : vector<256x128xi1>, vector<256x128xi32>
    %min3A_772 = arith.minimumf %min3A_752, %slice3A_756 : vector<256x128xf32>
    %jit3A_773 = arith.constant 37 : i32
    %broadcast_in_dim3A_774 = vector.broadcast %jit3A_773 : i32 to vector<256x128xi32>
    %select_n3A_775 = arith.select %lt3A_757, %broadcast_in_dim3A_774, %select_n3A_755 : vector<256x128xi1>, vector<256x128xi32>
    %slice3A_776 = vector.extract_strided_slice %max3A_17 {offsets = [0, 4864], sizes = [256, 128], strides = [1, 1]} : vector<256x8192xf32> to vector<256x128xf32>
    %lt3A_777 = arith.cmpf olt, %slice3A_776, %min3A_772 : vector<256x128xf32>
    %lt3A_778 = arith.cmpf olt, %slice3A_776, %select_n3A_761 : vector<256x128xf32>
    %lt3A_779 = arith.cmpf olt, %slice3A_776, %select_n3A_767 : vector<256x128xf32>
    %select_n3A_780 = arith.select %lt3A_778, %slice3A_776, %select_n3A_761 : vector<256x128xi1>, vector<256x128xf32>
    %select_n3A_781 = arith.select %lt3A_777, %min3A_772, %select_n3A_780 : vector<256x128xi1>, vector<256x128xf32>
    %jit3A_782 = arith.constant 38 : i32
    %broadcast_in_dim3A_783 = vector.broadcast %jit3A_782 : i32 to vector<256x128xi32>
    %select_n3A_784 = arith.select %lt3A_778, %broadcast_in_dim3A_783, %select_n3A_765 : vector<256x128xi1>, vector<256x128xi32>
    %select_n3A_785 = arith.select %lt3A_777, %select_n3A_775, %select_n3A_784 : vector<256x128xi1>, vector<256x128xi32>
    %select_n3A_786 = arith.select %lt3A_779, %slice3A_776, %select_n3A_767 : vector<256x128xi1>, vector<256x128xf32>
    %select_n3A_787 = arith.select %lt3A_778, %select_n3A_761, %select_n3A_786 : vector<256x128xi1>, vector<256x128xf32>
    %jit3A_788 = arith.constant 38 : i32
    %broadcast_in_dim3A_789 = vector.broadcast %jit3A_788 : i32 to vector<256x128xi32>
    %select_n3A_790 = arith.select %lt3A_779, %broadcast_in_dim3A_789, %select_n3A_771 : vector<256x128xi1>, vector<256x128xi32>
    %select_n3A_791 = arith.select %lt3A_778, %select_n3A_765, %select_n3A_790 : vector<256x128xi1>, vector<256x128xi32>
    %min3A_792 = arith.minimumf %min3A_772, %slice3A_776 : vector<256x128xf32>
    %jit3A_793 = arith.constant 38 : i32
    %broadcast_in_dim3A_794 = vector.broadcast %jit3A_793 : i32 to vector<256x128xi32>
    %select_n3A_795 = arith.select %lt3A_777, %broadcast_in_dim3A_794, %select_n3A_775 : vector<256x128xi1>, vector<256x128xi32>
    %slice3A_796 = vector.extract_strided_slice %max3A_17 {offsets = [0, 4992], sizes = [256, 128], strides = [1, 1]} : vector<256x8192xf32> to vector<256x128xf32>
    %lt3A_797 = arith.cmpf olt, %slice3A_796, %min3A_792 : vector<256x128xf32>
    %lt3A_798 = arith.cmpf olt, %slice3A_796, %select_n3A_781 : vector<256x128xf32>
    %lt3A_799 = arith.cmpf olt, %slice3A_796, %select_n3A_787 : vector<256x128xf32>
    %select_n3A_800 = arith.select %lt3A_798, %slice3A_796, %select_n3A_781 : vector<256x128xi1>, vector<256x128xf32>
    %select_n3A_801 = arith.select %lt3A_797, %min3A_792, %select_n3A_800 : vector<256x128xi1>, vector<256x128xf32>
    %jit3A_802 = arith.constant 39 : i32
    %broadcast_in_dim3A_803 = vector.broadcast %jit3A_802 : i32 to vector<256x128xi32>
    %select_n3A_804 = arith.select %lt3A_798, %broadcast_in_dim3A_803, %select_n3A_785 : vector<256x128xi1>, vector<256x128xi32>
    %select_n3A_805 = arith.select %lt3A_797, %select_n3A_795, %select_n3A_804 : vector<256x128xi1>, vector<256x128xi32>
    %select_n3A_806 = arith.select %lt3A_799, %slice3A_796, %select_n3A_787 : vector<256x128xi1>, vector<256x128xf32>
    %select_n3A_807 = arith.select %lt3A_798, %select_n3A_781, %select_n3A_806 : vector<256x128xi1>, vector<256x128xf32>
    %jit3A_808 = arith.constant 39 : i32
    %broadcast_in_dim3A_809 = vector.broadcast %jit3A_808 : i32 to vector<256x128xi32>
    %select_n3A_810 = arith.select %lt3A_799, %broadcast_in_dim3A_809, %select_n3A_791 : vector<256x128xi1>, vector<256x128xi32>
    %select_n3A_811 = arith.select %lt3A_798, %select_n3A_785, %select_n3A_810 : vector<256x128xi1>, vector<256x128xi32>
    %min3A_812 = arith.minimumf %min3A_792, %slice3A_796 : vector<256x128xf32>
    %jit3A_813 = arith.constant 39 : i32
    %broadcast_in_dim3A_814 = vector.broadcast %jit3A_813 : i32 to vector<256x128xi32>
    %select_n3A_815 = arith.select %lt3A_797, %broadcast_in_dim3A_814, %select_n3A_795 : vector<256x128xi1>, vector<256x128xi32>
    %slice3A_816 = vector.extract_strided_slice %max3A_17 {offsets = [0, 5120], sizes = [256, 128], strides = [1, 1]} : vector<256x8192xf32> to vector<256x128xf32>
    %lt3A_817 = arith.cmpf olt, %slice3A_816, %min3A_812 : vector<256x128xf32>
    %lt3A_818 = arith.cmpf olt, %slice3A_816, %select_n3A_801 : vector<256x128xf32>
    %lt3A_819 = arith.cmpf olt, %slice3A_816, %select_n3A_807 : vector<256x128xf32>
    %select_n3A_820 = arith.select %lt3A_818, %slice3A_816, %select_n3A_801 : vector<256x128xi1>, vector<256x128xf32>
    %select_n3A_821 = arith.select %lt3A_817, %min3A_812, %select_n3A_820 : vector<256x128xi1>, vector<256x128xf32>
    %jit3A_822 = arith.constant 40 : i32
    %broadcast_in_dim3A_823 = vector.broadcast %jit3A_822 : i32 to vector<256x128xi32>
    %select_n3A_824 = arith.select %lt3A_818, %broadcast_in_dim3A_823, %select_n3A_805 : vector<256x128xi1>, vector<256x128xi32>
    %select_n3A_825 = arith.select %lt3A_817, %select_n3A_815, %select_n3A_824 : vector<256x128xi1>, vector<256x128xi32>
    %select_n3A_826 = arith.select %lt3A_819, %slice3A_816, %select_n3A_807 : vector<256x128xi1>, vector<256x128xf32>
    %select_n3A_827 = arith.select %lt3A_818, %select_n3A_801, %select_n3A_826 : vector<256x128xi1>, vector<256x128xf32>
    %jit3A_828 = arith.constant 40 : i32
    %broadcast_in_dim3A_829 = vector.broadcast %jit3A_828 : i32 to vector<256x128xi32>
    %select_n3A_830 = arith.select %lt3A_819, %broadcast_in_dim3A_829, %select_n3A_811 : vector<256x128xi1>, vector<256x128xi32>
    %select_n3A_831 = arith.select %lt3A_818, %select_n3A_805, %select_n3A_830 : vector<256x128xi1>, vector<256x128xi32>
    %min3A_832 = arith.minimumf %min3A_812, %slice3A_816 : vector<256x128xf32>
    %jit3A_833 = arith.constant 40 : i32
    %broadcast_in_dim3A_834 = vector.broadcast %jit3A_833 : i32 to vector<256x128xi32>
    %select_n3A_835 = arith.select %lt3A_817, %broadcast_in_dim3A_834, %select_n3A_815 : vector<256x128xi1>, vector<256x128xi32>
    %slice3A_836 = vector.extract_strided_slice %max3A_17 {offsets = [0, 5248], sizes = [256, 128], strides = [1, 1]} : vector<256x8192xf32> to vector<256x128xf32>
    %lt3A_837 = arith.cmpf olt, %slice3A_836, %min3A_832 : vector<256x128xf32>
    %lt3A_838 = arith.cmpf olt, %slice3A_836, %select_n3A_821 : vector<256x128xf32>
    %lt3A_839 = arith.cmpf olt, %slice3A_836, %select_n3A_827 : vector<256x128xf32>
    %select_n3A_840 = arith.select %lt3A_838, %slice3A_836, %select_n3A_821 : vector<256x128xi1>, vector<256x128xf32>
    %select_n3A_841 = arith.select %lt3A_837, %min3A_832, %select_n3A_840 : vector<256x128xi1>, vector<256x128xf32>
    %jit3A_842 = arith.constant 41 : i32
    %broadcast_in_dim3A_843 = vector.broadcast %jit3A_842 : i32 to vector<256x128xi32>
    %select_n3A_844 = arith.select %lt3A_838, %broadcast_in_dim3A_843, %select_n3A_825 : vector<256x128xi1>, vector<256x128xi32>
    %select_n3A_845 = arith.select %lt3A_837, %select_n3A_835, %select_n3A_844 : vector<256x128xi1>, vector<256x128xi32>
    %select_n3A_846 = arith.select %lt3A_839, %slice3A_836, %select_n3A_827 : vector<256x128xi1>, vector<256x128xf32>
    %select_n3A_847 = arith.select %lt3A_838, %select_n3A_821, %select_n3A_846 : vector<256x128xi1>, vector<256x128xf32>
    %jit3A_848 = arith.constant 41 : i32
    %broadcast_in_dim3A_849 = vector.broadcast %jit3A_848 : i32 to vector<256x128xi32>
    %select_n3A_850 = arith.select %lt3A_839, %broadcast_in_dim3A_849, %select_n3A_831 : vector<256x128xi1>, vector<256x128xi32>
    %select_n3A_851 = arith.select %lt3A_838, %select_n3A_825, %select_n3A_850 : vector<256x128xi1>, vector<256x128xi32>
    %min3A_852 = arith.minimumf %min3A_832, %slice3A_836 : vector<256x128xf32>
    %jit3A_853 = arith.constant 41 : i32
    %broadcast_in_dim3A_854 = vector.broadcast %jit3A_853 : i32 to vector<256x128xi32>
    %select_n3A_855 = arith.select %lt3A_837, %broadcast_in_dim3A_854, %select_n3A_835 : vector<256x128xi1>, vector<256x128xi32>
    %slice3A_856 = vector.extract_strided_slice %max3A_17 {offsets = [0, 5376], sizes = [256, 128], strides = [1, 1]} : vector<256x8192xf32> to vector<256x128xf32>
    %lt3A_857 = arith.cmpf olt, %slice3A_856, %min3A_852 : vector<256x128xf32>
    %lt3A_858 = arith.cmpf olt, %slice3A_856, %select_n3A_841 : vector<256x128xf32>
    %lt3A_859 = arith.cmpf olt, %slice3A_856, %select_n3A_847 : vector<256x128xf32>
    %select_n3A_860 = arith.select %lt3A_858, %slice3A_856, %select_n3A_841 : vector<256x128xi1>, vector<256x128xf32>
    %select_n3A_861 = arith.select %lt3A_857, %min3A_852, %select_n3A_860 : vector<256x128xi1>, vector<256x128xf32>
    %jit3A_862 = arith.constant 42 : i32
    %broadcast_in_dim3A_863 = vector.broadcast %jit3A_862 : i32 to vector<256x128xi32>
    %select_n3A_864 = arith.select %lt3A_858, %broadcast_in_dim3A_863, %select_n3A_845 : vector<256x128xi1>, vector<256x128xi32>
    %select_n3A_865 = arith.select %lt3A_857, %select_n3A_855, %select_n3A_864 : vector<256x128xi1>, vector<256x128xi32>
    %select_n3A_866 = arith.select %lt3A_859, %slice3A_856, %select_n3A_847 : vector<256x128xi1>, vector<256x128xf32>
    %select_n3A_867 = arith.select %lt3A_858, %select_n3A_841, %select_n3A_866 : vector<256x128xi1>, vector<256x128xf32>
    %jit3A_868 = arith.constant 42 : i32
    %broadcast_in_dim3A_869 = vector.broadcast %jit3A_868 : i32 to vector<256x128xi32>
    %select_n3A_870 = arith.select %lt3A_859, %broadcast_in_dim3A_869, %select_n3A_851 : vector<256x128xi1>, vector<256x128xi32>
    %select_n3A_871 = arith.select %lt3A_858, %select_n3A_845, %select_n3A_870 : vector<256x128xi1>, vector<256x128xi32>
    %min3A_872 = arith.minimumf %min3A_852, %slice3A_856 : vector<256x128xf32>
    %jit3A_873 = arith.constant 42 : i32
    %broadcast_in_dim3A_874 = vector.broadcast %jit3A_873 : i32 to vector<256x128xi32>
    %select_n3A_875 = arith.select %lt3A_857, %broadcast_in_dim3A_874, %select_n3A_855 : vector<256x128xi1>, vector<256x128xi32>
    %slice3A_876 = vector.extract_strided_slice %max3A_17 {offsets = [0, 5504], sizes = [256, 128], strides = [1, 1]} : vector<256x8192xf32> to vector<256x128xf32>
    %lt3A_877 = arith.cmpf olt, %slice3A_876, %min3A_872 : vector<256x128xf32>
    %lt3A_878 = arith.cmpf olt, %slice3A_876, %select_n3A_861 : vector<256x128xf32>
    %lt3A_879 = arith.cmpf olt, %slice3A_876, %select_n3A_867 : vector<256x128xf32>
    %select_n3A_880 = arith.select %lt3A_878, %slice3A_876, %select_n3A_861 : vector<256x128xi1>, vector<256x128xf32>
    %select_n3A_881 = arith.select %lt3A_877, %min3A_872, %select_n3A_880 : vector<256x128xi1>, vector<256x128xf32>
    %jit3A_882 = arith.constant 43 : i32
    %broadcast_in_dim3A_883 = vector.broadcast %jit3A_882 : i32 to vector<256x128xi32>
    %select_n3A_884 = arith.select %lt3A_878, %broadcast_in_dim3A_883, %select_n3A_865 : vector<256x128xi1>, vector<256x128xi32>
    %select_n3A_885 = arith.select %lt3A_877, %select_n3A_875, %select_n3A_884 : vector<256x128xi1>, vector<256x128xi32>
    %select_n3A_886 = arith.select %lt3A_879, %slice3A_876, %select_n3A_867 : vector<256x128xi1>, vector<256x128xf32>
    %select_n3A_887 = arith.select %lt3A_878, %select_n3A_861, %select_n3A_886 : vector<256x128xi1>, vector<256x128xf32>
    %jit3A_888 = arith.constant 43 : i32
    %broadcast_in_dim3A_889 = vector.broadcast %jit3A_888 : i32 to vector<256x128xi32>
    %select_n3A_890 = arith.select %lt3A_879, %broadcast_in_dim3A_889, %select_n3A_871 : vector<256x128xi1>, vector<256x128xi32>
    %select_n3A_891 = arith.select %lt3A_878, %select_n3A_865, %select_n3A_890 : vector<256x128xi1>, vector<256x128xi32>
    %min3A_892 = arith.minimumf %min3A_872, %slice3A_876 : vector<256x128xf32>
    %jit3A_893 = arith.constant 43 : i32
    %broadcast_in_dim3A_894 = vector.broadcast %jit3A_893 : i32 to vector<256x128xi32>
    %select_n3A_895 = arith.select %lt3A_877, %broadcast_in_dim3A_894, %select_n3A_875 : vector<256x128xi1>, vector<256x128xi32>
    %slice3A_896 = vector.extract_strided_slice %max3A_17 {offsets = [0, 5632], sizes = [256, 128], strides = [1, 1]} : vector<256x8192xf32> to vector<256x128xf32>
    %lt3A_897 = arith.cmpf olt, %slice3A_896, %min3A_892 : vector<256x128xf32>
    %lt3A_898 = arith.cmpf olt, %slice3A_896, %select_n3A_881 : vector<256x128xf32>
    %lt3A_899 = arith.cmpf olt, %slice3A_896, %select_n3A_887 : vector<256x128xf32>
    %select_n3A_900 = arith.select %lt3A_898, %slice3A_896, %select_n3A_881 : vector<256x128xi1>, vector<256x128xf32>
    %select_n3A_901 = arith.select %lt3A_897, %min3A_892, %select_n3A_900 : vector<256x128xi1>, vector<256x128xf32>
    %jit3A_902 = arith.constant 44 : i32
    %broadcast_in_dim3A_903 = vector.broadcast %jit3A_902 : i32 to vector<256x128xi32>
    %select_n3A_904 = arith.select %lt3A_898, %broadcast_in_dim3A_903, %select_n3A_885 : vector<256x128xi1>, vector<256x128xi32>
    %select_n3A_905 = arith.select %lt3A_897, %select_n3A_895, %select_n3A_904 : vector<256x128xi1>, vector<256x128xi32>
    %select_n3A_906 = arith.select %lt3A_899, %slice3A_896, %select_n3A_887 : vector<256x128xi1>, vector<256x128xf32>
    %select_n3A_907 = arith.select %lt3A_898, %select_n3A_881, %select_n3A_906 : vector<256x128xi1>, vector<256x128xf32>
    %jit3A_908 = arith.constant 44 : i32
    %broadcast_in_dim3A_909 = vector.broadcast %jit3A_908 : i32 to vector<256x128xi32>
    %select_n3A_910 = arith.select %lt3A_899, %broadcast_in_dim3A_909, %select_n3A_891 : vector<256x128xi1>, vector<256x128xi32>
    %select_n3A_911 = arith.select %lt3A_898, %select_n3A_885, %select_n3A_910 : vector<256x128xi1>, vector<256x128xi32>
    %min3A_912 = arith.minimumf %min3A_892, %slice3A_896 : vector<256x128xf32>
    %jit3A_913 = arith.constant 44 : i32
    %broadcast_in_dim3A_914 = vector.broadcast %jit3A_913 : i32 to vector<256x128xi32>
    %select_n3A_915 = arith.select %lt3A_897, %broadcast_in_dim3A_914, %select_n3A_895 : vector<256x128xi1>, vector<256x128xi32>
    %slice3A_916 = vector.extract_strided_slice %max3A_17 {offsets = [0, 5760], sizes = [256, 128], strides = [1, 1]} : vector<256x8192xf32> to vector<256x128xf32>
    %lt3A_917 = arith.cmpf olt, %slice3A_916, %min3A_912 : vector<256x128xf32>
    %lt3A_918 = arith.cmpf olt, %slice3A_916, %select_n3A_901 : vector<256x128xf32>
    %lt3A_919 = arith.cmpf olt, %slice3A_916, %select_n3A_907 : vector<256x128xf32>
    %select_n3A_920 = arith.select %lt3A_918, %slice3A_916, %select_n3A_901 : vector<256x128xi1>, vector<256x128xf32>
    %select_n3A_921 = arith.select %lt3A_917, %min3A_912, %select_n3A_920 : vector<256x128xi1>, vector<256x128xf32>
    %jit3A_922 = arith.constant 45 : i32
    %broadcast_in_dim3A_923 = vector.broadcast %jit3A_922 : i32 to vector<256x128xi32>
    %select_n3A_924 = arith.select %lt3A_918, %broadcast_in_dim3A_923, %select_n3A_905 : vector<256x128xi1>, vector<256x128xi32>
    %select_n3A_925 = arith.select %lt3A_917, %select_n3A_915, %select_n3A_924 : vector<256x128xi1>, vector<256x128xi32>
    %select_n3A_926 = arith.select %lt3A_919, %slice3A_916, %select_n3A_907 : vector<256x128xi1>, vector<256x128xf32>
    %select_n3A_927 = arith.select %lt3A_918, %select_n3A_901, %select_n3A_926 : vector<256x128xi1>, vector<256x128xf32>
    %jit3A_928 = arith.constant 45 : i32
    %broadcast_in_dim3A_929 = vector.broadcast %jit3A_928 : i32 to vector<256x128xi32>
    %select_n3A_930 = arith.select %lt3A_919, %broadcast_in_dim3A_929, %select_n3A_911 : vector<256x128xi1>, vector<256x128xi32>
    %select_n3A_931 = arith.select %lt3A_918, %select_n3A_905, %select_n3A_930 : vector<256x128xi1>, vector<256x128xi32>
    %min3A_932 = arith.minimumf %min3A_912, %slice3A_916 : vector<256x128xf32>
    %jit3A_933 = arith.constant 45 : i32
    %broadcast_in_dim3A_934 = vector.broadcast %jit3A_933 : i32 to vector<256x128xi32>
    %select_n3A_935 = arith.select %lt3A_917, %broadcast_in_dim3A_934, %select_n3A_915 : vector<256x128xi1>, vector<256x128xi32>
    %slice3A_936 = vector.extract_strided_slice %max3A_17 {offsets = [0, 5888], sizes = [256, 128], strides = [1, 1]} : vector<256x8192xf32> to vector<256x128xf32>
    %lt3A_937 = arith.cmpf olt, %slice3A_936, %min3A_932 : vector<256x128xf32>
    %lt3A_938 = arith.cmpf olt, %slice3A_936, %select_n3A_921 : vector<256x128xf32>
    %lt3A_939 = arith.cmpf olt, %slice3A_936, %select_n3A_927 : vector<256x128xf32>
    %select_n3A_940 = arith.select %lt3A_938, %slice3A_936, %select_n3A_921 : vector<256x128xi1>, vector<256x128xf32>
    %select_n3A_941 = arith.select %lt3A_937, %min3A_932, %select_n3A_940 : vector<256x128xi1>, vector<256x128xf32>
    %jit3A_942 = arith.constant 46 : i32
    %broadcast_in_dim3A_943 = vector.broadcast %jit3A_942 : i32 to vector<256x128xi32>
    %select_n3A_944 = arith.select %lt3A_938, %broadcast_in_dim3A_943, %select_n3A_925 : vector<256x128xi1>, vector<256x128xi32>
    %select_n3A_945 = arith.select %lt3A_937, %select_n3A_935, %select_n3A_944 : vector<256x128xi1>, vector<256x128xi32>
    %select_n3A_946 = arith.select %lt3A_939, %slice3A_936, %select_n3A_927 : vector<256x128xi1>, vector<256x128xf32>
    %select_n3A_947 = arith.select %lt3A_938, %select_n3A_921, %select_n3A_946 : vector<256x128xi1>, vector<256x128xf32>
    %jit3A_948 = arith.constant 46 : i32
    %broadcast_in_dim3A_949 = vector.broadcast %jit3A_948 : i32 to vector<256x128xi32>
    %select_n3A_950 = arith.select %lt3A_939, %broadcast_in_dim3A_949, %select_n3A_931 : vector<256x128xi1>, vector<256x128xi32>
    %select_n3A_951 = arith.select %lt3A_938, %select_n3A_925, %select_n3A_950 : vector<256x128xi1>, vector<256x128xi32>
    %min3A_952 = arith.minimumf %min3A_932, %slice3A_936 : vector<256x128xf32>
    %jit3A_953 = arith.constant 46 : i32
    %broadcast_in_dim3A_954 = vector.broadcast %jit3A_953 : i32 to vector<256x128xi32>
    %select_n3A_955 = arith.select %lt3A_937, %broadcast_in_dim3A_954, %select_n3A_935 : vector<256x128xi1>, vector<256x128xi32>
    %slice3A_956 = vector.extract_strided_slice %max3A_17 {offsets = [0, 6016], sizes = [256, 128], strides = [1, 1]} : vector<256x8192xf32> to vector<256x128xf32>
    %lt3A_957 = arith.cmpf olt, %slice3A_956, %min3A_952 : vector<256x128xf32>
    %lt3A_958 = arith.cmpf olt, %slice3A_956, %select_n3A_941 : vector<256x128xf32>
    %lt3A_959 = arith.cmpf olt, %slice3A_956, %select_n3A_947 : vector<256x128xf32>
    %select_n3A_960 = arith.select %lt3A_958, %slice3A_956, %select_n3A_941 : vector<256x128xi1>, vector<256x128xf32>
    %select_n3A_961 = arith.select %lt3A_957, %min3A_952, %select_n3A_960 : vector<256x128xi1>, vector<256x128xf32>
    %jit3A_962 = arith.constant 47 : i32
    %broadcast_in_dim3A_963 = vector.broadcast %jit3A_962 : i32 to vector<256x128xi32>
    %select_n3A_964 = arith.select %lt3A_958, %broadcast_in_dim3A_963, %select_n3A_945 : vector<256x128xi1>, vector<256x128xi32>
    %select_n3A_965 = arith.select %lt3A_957, %select_n3A_955, %select_n3A_964 : vector<256x128xi1>, vector<256x128xi32>
    %select_n3A_966 = arith.select %lt3A_959, %slice3A_956, %select_n3A_947 : vector<256x128xi1>, vector<256x128xf32>
    %select_n3A_967 = arith.select %lt3A_958, %select_n3A_941, %select_n3A_966 : vector<256x128xi1>, vector<256x128xf32>
    %jit3A_968 = arith.constant 47 : i32
    %broadcast_in_dim3A_969 = vector.broadcast %jit3A_968 : i32 to vector<256x128xi32>
    %select_n3A_970 = arith.select %lt3A_959, %broadcast_in_dim3A_969, %select_n3A_951 : vector<256x128xi1>, vector<256x128xi32>
    %select_n3A_971 = arith.select %lt3A_958, %select_n3A_945, %select_n3A_970 : vector<256x128xi1>, vector<256x128xi32>
    %min3A_972 = arith.minimumf %min3A_952, %slice3A_956 : vector<256x128xf32>
    %jit3A_973 = arith.constant 47 : i32
    %broadcast_in_dim3A_974 = vector.broadcast %jit3A_973 : i32 to vector<256x128xi32>
    %select_n3A_975 = arith.select %lt3A_957, %broadcast_in_dim3A_974, %select_n3A_955 : vector<256x128xi1>, vector<256x128xi32>
    %slice3A_976 = vector.extract_strided_slice %max3A_17 {offsets = [0, 6144], sizes = [256, 128], strides = [1, 1]} : vector<256x8192xf32> to vector<256x128xf32>
    %lt3A_977 = arith.cmpf olt, %slice3A_976, %min3A_972 : vector<256x128xf32>
    %lt3A_978 = arith.cmpf olt, %slice3A_976, %select_n3A_961 : vector<256x128xf32>
    %lt3A_979 = arith.cmpf olt, %slice3A_976, %select_n3A_967 : vector<256x128xf32>
    %select_n3A_980 = arith.select %lt3A_978, %slice3A_976, %select_n3A_961 : vector<256x128xi1>, vector<256x128xf32>
    %select_n3A_981 = arith.select %lt3A_977, %min3A_972, %select_n3A_980 : vector<256x128xi1>, vector<256x128xf32>
    %jit3A_982 = arith.constant 48 : i32
    %broadcast_in_dim3A_983 = vector.broadcast %jit3A_982 : i32 to vector<256x128xi32>
    %select_n3A_984 = arith.select %lt3A_978, %broadcast_in_dim3A_983, %select_n3A_965 : vector<256x128xi1>, vector<256x128xi32>
    %select_n3A_985 = arith.select %lt3A_977, %select_n3A_975, %select_n3A_984 : vector<256x128xi1>, vector<256x128xi32>
    %select_n3A_986 = arith.select %lt3A_979, %slice3A_976, %select_n3A_967 : vector<256x128xi1>, vector<256x128xf32>
    %select_n3A_987 = arith.select %lt3A_978, %select_n3A_961, %select_n3A_986 : vector<256x128xi1>, vector<256x128xf32>
    %jit3A_988 = arith.constant 48 : i32
    %broadcast_in_dim3A_989 = vector.broadcast %jit3A_988 : i32 to vector<256x128xi32>
    %select_n3A_990 = arith.select %lt3A_979, %broadcast_in_dim3A_989, %select_n3A_971 : vector<256x128xi1>, vector<256x128xi32>
    %select_n3A_991 = arith.select %lt3A_978, %select_n3A_965, %select_n3A_990 : vector<256x128xi1>, vector<256x128xi32>
    %min3A_992 = arith.minimumf %min3A_972, %slice3A_976 : vector<256x128xf32>
    %jit3A_993 = arith.constant 48 : i32
    %broadcast_in_dim3A_994 = vector.broadcast %jit3A_993 : i32 to vector<256x128xi32>
    %select_n3A_995 = arith.select %lt3A_977, %broadcast_in_dim3A_994, %select_n3A_975 : vector<256x128xi1>, vector<256x128xi32>
    %slice3A_996 = vector.extract_strided_slice %max3A_17 {offsets = [0, 6272], sizes = [256, 128], strides = [1, 1]} : vector<256x8192xf32> to vector<256x128xf32>
    %lt3A_997 = arith.cmpf olt, %slice3A_996, %min3A_992 : vector<256x128xf32>
    %lt3A_998 = arith.cmpf olt, %slice3A_996, %select_n3A_981 : vector<256x128xf32>
    %lt3A_999 = arith.cmpf olt, %slice3A_996, %select_n3A_987 : vector<256x128xf32>
    %select_n3A_1000 = arith.select %lt3A_998, %slice3A_996, %select_n3A_981 : vector<256x128xi1>, vector<256x128xf32>
    %select_n3A_1001 = arith.select %lt3A_997, %min3A_992, %select_n3A_1000 : vector<256x128xi1>, vector<256x128xf32>
    %jit3A_1002 = arith.constant 49 : i32
    %broadcast_in_dim3A_1003 = vector.broadcast %jit3A_1002 : i32 to vector<256x128xi32>
    %select_n3A_1004 = arith.select %lt3A_998, %broadcast_in_dim3A_1003, %select_n3A_985 : vector<256x128xi1>, vector<256x128xi32>
    %select_n3A_1005 = arith.select %lt3A_997, %select_n3A_995, %select_n3A_1004 : vector<256x128xi1>, vector<256x128xi32>
    %select_n3A_1006 = arith.select %lt3A_999, %slice3A_996, %select_n3A_987 : vector<256x128xi1>, vector<256x128xf32>
    %select_n3A_1007 = arith.select %lt3A_998, %select_n3A_981, %select_n3A_1006 : vector<256x128xi1>, vector<256x128xf32>
    %jit3A_1008 = arith.constant 49 : i32
    %broadcast_in_dim3A_1009 = vector.broadcast %jit3A_1008 : i32 to vector<256x128xi32>
    %select_n3A_1010 = arith.select %lt3A_999, %broadcast_in_dim3A_1009, %select_n3A_991 : vector<256x128xi1>, vector<256x128xi32>
    %select_n3A_1011 = arith.select %lt3A_998, %select_n3A_985, %select_n3A_1010 : vector<256x128xi1>, vector<256x128xi32>
    %min3A_1012 = arith.minimumf %min3A_992, %slice3A_996 : vector<256x128xf32>
    %jit3A_1013 = arith.constant 49 : i32
    %broadcast_in_dim3A_1014 = vector.broadcast %jit3A_1013 : i32 to vector<256x128xi32>
    %select_n3A_1015 = arith.select %lt3A_997, %broadcast_in_dim3A_1014, %select_n3A_995 : vector<256x128xi1>, vector<256x128xi32>
    %slice3A_1016 = vector.extract_strided_slice %max3A_17 {offsets = [0, 6400], sizes = [256, 128], strides = [1, 1]} : vector<256x8192xf32> to vector<256x128xf32>
    %lt3A_1017 = arith.cmpf olt, %slice3A_1016, %min3A_1012 : vector<256x128xf32>
    %lt3A_1018 = arith.cmpf olt, %slice3A_1016, %select_n3A_1001 : vector<256x128xf32>
    %lt3A_1019 = arith.cmpf olt, %slice3A_1016, %select_n3A_1007 : vector<256x128xf32>
    %select_n3A_1020 = arith.select %lt3A_1018, %slice3A_1016, %select_n3A_1001 : vector<256x128xi1>, vector<256x128xf32>
    %select_n3A_1021 = arith.select %lt3A_1017, %min3A_1012, %select_n3A_1020 : vector<256x128xi1>, vector<256x128xf32>
    %jit3A_1022 = arith.constant 50 : i32
    %broadcast_in_dim3A_1023 = vector.broadcast %jit3A_1022 : i32 to vector<256x128xi32>
    %select_n3A_1024 = arith.select %lt3A_1018, %broadcast_in_dim3A_1023, %select_n3A_1005 : vector<256x128xi1>, vector<256x128xi32>
    %select_n3A_1025 = arith.select %lt3A_1017, %select_n3A_1015, %select_n3A_1024 : vector<256x128xi1>, vector<256x128xi32>
    %select_n3A_1026 = arith.select %lt3A_1019, %slice3A_1016, %select_n3A_1007 : vector<256x128xi1>, vector<256x128xf32>
    %select_n3A_1027 = arith.select %lt3A_1018, %select_n3A_1001, %select_n3A_1026 : vector<256x128xi1>, vector<256x128xf32>
    %jit3A_1028 = arith.constant 50 : i32
    %broadcast_in_dim3A_1029 = vector.broadcast %jit3A_1028 : i32 to vector<256x128xi32>
    %select_n3A_1030 = arith.select %lt3A_1019, %broadcast_in_dim3A_1029, %select_n3A_1011 : vector<256x128xi1>, vector<256x128xi32>
    %select_n3A_1031 = arith.select %lt3A_1018, %select_n3A_1005, %select_n3A_1030 : vector<256x128xi1>, vector<256x128xi32>
    %min3A_1032 = arith.minimumf %min3A_1012, %slice3A_1016 : vector<256x128xf32>
    %jit3A_1033 = arith.constant 50 : i32
    %broadcast_in_dim3A_1034 = vector.broadcast %jit3A_1033 : i32 to vector<256x128xi32>
    %select_n3A_1035 = arith.select %lt3A_1017, %broadcast_in_dim3A_1034, %select_n3A_1015 : vector<256x128xi1>, vector<256x128xi32>
    %slice3A_1036 = vector.extract_strided_slice %max3A_17 {offsets = [0, 6528], sizes = [256, 128], strides = [1, 1]} : vector<256x8192xf32> to vector<256x128xf32>
    %lt3A_1037 = arith.cmpf olt, %slice3A_1036, %min3A_1032 : vector<256x128xf32>
    %lt3A_1038 = arith.cmpf olt, %slice3A_1036, %select_n3A_1021 : vector<256x128xf32>
    %lt3A_1039 = arith.cmpf olt, %slice3A_1036, %select_n3A_1027 : vector<256x128xf32>
    %select_n3A_1040 = arith.select %lt3A_1038, %slice3A_1036, %select_n3A_1021 : vector<256x128xi1>, vector<256x128xf32>
    %select_n3A_1041 = arith.select %lt3A_1037, %min3A_1032, %select_n3A_1040 : vector<256x128xi1>, vector<256x128xf32>
    %jit3A_1042 = arith.constant 51 : i32
    %broadcast_in_dim3A_1043 = vector.broadcast %jit3A_1042 : i32 to vector<256x128xi32>
    %select_n3A_1044 = arith.select %lt3A_1038, %broadcast_in_dim3A_1043, %select_n3A_1025 : vector<256x128xi1>, vector<256x128xi32>
    %select_n3A_1045 = arith.select %lt3A_1037, %select_n3A_1035, %select_n3A_1044 : vector<256x128xi1>, vector<256x128xi32>
    %select_n3A_1046 = arith.select %lt3A_1039, %slice3A_1036, %select_n3A_1027 : vector<256x128xi1>, vector<256x128xf32>
    %select_n3A_1047 = arith.select %lt3A_1038, %select_n3A_1021, %select_n3A_1046 : vector<256x128xi1>, vector<256x128xf32>
    %jit3A_1048 = arith.constant 51 : i32
    %broadcast_in_dim3A_1049 = vector.broadcast %jit3A_1048 : i32 to vector<256x128xi32>
    %select_n3A_1050 = arith.select %lt3A_1039, %broadcast_in_dim3A_1049, %select_n3A_1031 : vector<256x128xi1>, vector<256x128xi32>
    %select_n3A_1051 = arith.select %lt3A_1038, %select_n3A_1025, %select_n3A_1050 : vector<256x128xi1>, vector<256x128xi32>
    %min3A_1052 = arith.minimumf %min3A_1032, %slice3A_1036 : vector<256x128xf32>
    %jit3A_1053 = arith.constant 51 : i32
    %broadcast_in_dim3A_1054 = vector.broadcast %jit3A_1053 : i32 to vector<256x128xi32>
    %select_n3A_1055 = arith.select %lt3A_1037, %broadcast_in_dim3A_1054, %select_n3A_1035 : vector<256x128xi1>, vector<256x128xi32>
    %slice3A_1056 = vector.extract_strided_slice %max3A_17 {offsets = [0, 6656], sizes = [256, 128], strides = [1, 1]} : vector<256x8192xf32> to vector<256x128xf32>
    %lt3A_1057 = arith.cmpf olt, %slice3A_1056, %min3A_1052 : vector<256x128xf32>
    %lt3A_1058 = arith.cmpf olt, %slice3A_1056, %select_n3A_1041 : vector<256x128xf32>
    %lt3A_1059 = arith.cmpf olt, %slice3A_1056, %select_n3A_1047 : vector<256x128xf32>
    %select_n3A_1060 = arith.select %lt3A_1058, %slice3A_1056, %select_n3A_1041 : vector<256x128xi1>, vector<256x128xf32>
    %select_n3A_1061 = arith.select %lt3A_1057, %min3A_1052, %select_n3A_1060 : vector<256x128xi1>, vector<256x128xf32>
    %jit3A_1062 = arith.constant 52 : i32
    %broadcast_in_dim3A_1063 = vector.broadcast %jit3A_1062 : i32 to vector<256x128xi32>
    %select_n3A_1064 = arith.select %lt3A_1058, %broadcast_in_dim3A_1063, %select_n3A_1045 : vector<256x128xi1>, vector<256x128xi32>
    %select_n3A_1065 = arith.select %lt3A_1057, %select_n3A_1055, %select_n3A_1064 : vector<256x128xi1>, vector<256x128xi32>
    %select_n3A_1066 = arith.select %lt3A_1059, %slice3A_1056, %select_n3A_1047 : vector<256x128xi1>, vector<256x128xf32>
    %select_n3A_1067 = arith.select %lt3A_1058, %select_n3A_1041, %select_n3A_1066 : vector<256x128xi1>, vector<256x128xf32>
    %jit3A_1068 = arith.constant 52 : i32
    %broadcast_in_dim3A_1069 = vector.broadcast %jit3A_1068 : i32 to vector<256x128xi32>
    %select_n3A_1070 = arith.select %lt3A_1059, %broadcast_in_dim3A_1069, %select_n3A_1051 : vector<256x128xi1>, vector<256x128xi32>
    %select_n3A_1071 = arith.select %lt3A_1058, %select_n3A_1045, %select_n3A_1070 : vector<256x128xi1>, vector<256x128xi32>
    %min3A_1072 = arith.minimumf %min3A_1052, %slice3A_1056 : vector<256x128xf32>
    %jit3A_1073 = arith.constant 52 : i32
    %broadcast_in_dim3A_1074 = vector.broadcast %jit3A_1073 : i32 to vector<256x128xi32>
    %select_n3A_1075 = arith.select %lt3A_1057, %broadcast_in_dim3A_1074, %select_n3A_1055 : vector<256x128xi1>, vector<256x128xi32>
    %slice3A_1076 = vector.extract_strided_slice %max3A_17 {offsets = [0, 6784], sizes = [256, 128], strides = [1, 1]} : vector<256x8192xf32> to vector<256x128xf32>
    %lt3A_1077 = arith.cmpf olt, %slice3A_1076, %min3A_1072 : vector<256x128xf32>
    %lt3A_1078 = arith.cmpf olt, %slice3A_1076, %select_n3A_1061 : vector<256x128xf32>
    %lt3A_1079 = arith.cmpf olt, %slice3A_1076, %select_n3A_1067 : vector<256x128xf32>
    %select_n3A_1080 = arith.select %lt3A_1078, %slice3A_1076, %select_n3A_1061 : vector<256x128xi1>, vector<256x128xf32>
    %select_n3A_1081 = arith.select %lt3A_1077, %min3A_1072, %select_n3A_1080 : vector<256x128xi1>, vector<256x128xf32>
    %jit3A_1082 = arith.constant 53 : i32
    %broadcast_in_dim3A_1083 = vector.broadcast %jit3A_1082 : i32 to vector<256x128xi32>
    %select_n3A_1084 = arith.select %lt3A_1078, %broadcast_in_dim3A_1083, %select_n3A_1065 : vector<256x128xi1>, vector<256x128xi32>
    %select_n3A_1085 = arith.select %lt3A_1077, %select_n3A_1075, %select_n3A_1084 : vector<256x128xi1>, vector<256x128xi32>
    %select_n3A_1086 = arith.select %lt3A_1079, %slice3A_1076, %select_n3A_1067 : vector<256x128xi1>, vector<256x128xf32>
    %select_n3A_1087 = arith.select %lt3A_1078, %select_n3A_1061, %select_n3A_1086 : vector<256x128xi1>, vector<256x128xf32>
    %jit3A_1088 = arith.constant 53 : i32
    %broadcast_in_dim3A_1089 = vector.broadcast %jit3A_1088 : i32 to vector<256x128xi32>
    %select_n3A_1090 = arith.select %lt3A_1079, %broadcast_in_dim3A_1089, %select_n3A_1071 : vector<256x128xi1>, vector<256x128xi32>
    %select_n3A_1091 = arith.select %lt3A_1078, %select_n3A_1065, %select_n3A_1090 : vector<256x128xi1>, vector<256x128xi32>
    %min3A_1092 = arith.minimumf %min3A_1072, %slice3A_1076 : vector<256x128xf32>
    %jit3A_1093 = arith.constant 53 : i32
    %broadcast_in_dim3A_1094 = vector.broadcast %jit3A_1093 : i32 to vector<256x128xi32>
    %select_n3A_1095 = arith.select %lt3A_1077, %broadcast_in_dim3A_1094, %select_n3A_1075 : vector<256x128xi1>, vector<256x128xi32>
    %slice3A_1096 = vector.extract_strided_slice %max3A_17 {offsets = [0, 6912], sizes = [256, 128], strides = [1, 1]} : vector<256x8192xf32> to vector<256x128xf32>
    %lt3A_1097 = arith.cmpf olt, %slice3A_1096, %min3A_1092 : vector<256x128xf32>
    %lt3A_1098 = arith.cmpf olt, %slice3A_1096, %select_n3A_1081 : vector<256x128xf32>
    %lt3A_1099 = arith.cmpf olt, %slice3A_1096, %select_n3A_1087 : vector<256x128xf32>
    %select_n3A_1100 = arith.select %lt3A_1098, %slice3A_1096, %select_n3A_1081 : vector<256x128xi1>, vector<256x128xf32>
    %select_n3A_1101 = arith.select %lt3A_1097, %min3A_1092, %select_n3A_1100 : vector<256x128xi1>, vector<256x128xf32>
    %jit3A_1102 = arith.constant 54 : i32
    %broadcast_in_dim3A_1103 = vector.broadcast %jit3A_1102 : i32 to vector<256x128xi32>
    %select_n3A_1104 = arith.select %lt3A_1098, %broadcast_in_dim3A_1103, %select_n3A_1085 : vector<256x128xi1>, vector<256x128xi32>
    %select_n3A_1105 = arith.select %lt3A_1097, %select_n3A_1095, %select_n3A_1104 : vector<256x128xi1>, vector<256x128xi32>
    %select_n3A_1106 = arith.select %lt3A_1099, %slice3A_1096, %select_n3A_1087 : vector<256x128xi1>, vector<256x128xf32>
    %select_n3A_1107 = arith.select %lt3A_1098, %select_n3A_1081, %select_n3A_1106 : vector<256x128xi1>, vector<256x128xf32>
    %jit3A_1108 = arith.constant 54 : i32
    %broadcast_in_dim3A_1109 = vector.broadcast %jit3A_1108 : i32 to vector<256x128xi32>
    %select_n3A_1110 = arith.select %lt3A_1099, %broadcast_in_dim3A_1109, %select_n3A_1091 : vector<256x128xi1>, vector<256x128xi32>
    %select_n3A_1111 = arith.select %lt3A_1098, %select_n3A_1085, %select_n3A_1110 : vector<256x128xi1>, vector<256x128xi32>
    %min3A_1112 = arith.minimumf %min3A_1092, %slice3A_1096 : vector<256x128xf32>
    %jit3A_1113 = arith.constant 54 : i32
    %broadcast_in_dim3A_1114 = vector.broadcast %jit3A_1113 : i32 to vector<256x128xi32>
    %select_n3A_1115 = arith.select %lt3A_1097, %broadcast_in_dim3A_1114, %select_n3A_1095 : vector<256x128xi1>, vector<256x128xi32>
    %slice3A_1116 = vector.extract_strided_slice %max3A_17 {offsets = [0, 7040], sizes = [256, 128], strides = [1, 1]} : vector<256x8192xf32> to vector<256x128xf32>
    %lt3A_1117 = arith.cmpf olt, %slice3A_1116, %min3A_1112 : vector<256x128xf32>
    %lt3A_1118 = arith.cmpf olt, %slice3A_1116, %select_n3A_1101 : vector<256x128xf32>
    %lt3A_1119 = arith.cmpf olt, %slice3A_1116, %select_n3A_1107 : vector<256x128xf32>
    %select_n3A_1120 = arith.select %lt3A_1118, %slice3A_1116, %select_n3A_1101 : vector<256x128xi1>, vector<256x128xf32>
    %select_n3A_1121 = arith.select %lt3A_1117, %min3A_1112, %select_n3A_1120 : vector<256x128xi1>, vector<256x128xf32>
    %jit3A_1122 = arith.constant 55 : i32
    %broadcast_in_dim3A_1123 = vector.broadcast %jit3A_1122 : i32 to vector<256x128xi32>
    %select_n3A_1124 = arith.select %lt3A_1118, %broadcast_in_dim3A_1123, %select_n3A_1105 : vector<256x128xi1>, vector<256x128xi32>
    %select_n3A_1125 = arith.select %lt3A_1117, %select_n3A_1115, %select_n3A_1124 : vector<256x128xi1>, vector<256x128xi32>
    %select_n3A_1126 = arith.select %lt3A_1119, %slice3A_1116, %select_n3A_1107 : vector<256x128xi1>, vector<256x128xf32>
    %select_n3A_1127 = arith.select %lt3A_1118, %select_n3A_1101, %select_n3A_1126 : vector<256x128xi1>, vector<256x128xf32>
    %jit3A_1128 = arith.constant 55 : i32
    %broadcast_in_dim3A_1129 = vector.broadcast %jit3A_1128 : i32 to vector<256x128xi32>
    %select_n3A_1130 = arith.select %lt3A_1119, %broadcast_in_dim3A_1129, %select_n3A_1111 : vector<256x128xi1>, vector<256x128xi32>
    %select_n3A_1131 = arith.select %lt3A_1118, %select_n3A_1105, %select_n3A_1130 : vector<256x128xi1>, vector<256x128xi32>
    %min3A_1132 = arith.minimumf %min3A_1112, %slice3A_1116 : vector<256x128xf32>
    %jit3A_1133 = arith.constant 55 : i32
    %broadcast_in_dim3A_1134 = vector.broadcast %jit3A_1133 : i32 to vector<256x128xi32>
    %select_n3A_1135 = arith.select %lt3A_1117, %broadcast_in_dim3A_1134, %select_n3A_1115 : vector<256x128xi1>, vector<256x128xi32>
    %slice3A_1136 = vector.extract_strided_slice %max3A_17 {offsets = [0, 7168], sizes = [256, 128], strides = [1, 1]} : vector<256x8192xf32> to vector<256x128xf32>
    %lt3A_1137 = arith.cmpf olt, %slice3A_1136, %min3A_1132 : vector<256x128xf32>
    %lt3A_1138 = arith.cmpf olt, %slice3A_1136, %select_n3A_1121 : vector<256x128xf32>
    %lt3A_1139 = arith.cmpf olt, %slice3A_1136, %select_n3A_1127 : vector<256x128xf32>
    %select_n3A_1140 = arith.select %lt3A_1138, %slice3A_1136, %select_n3A_1121 : vector<256x128xi1>, vector<256x128xf32>
    %select_n3A_1141 = arith.select %lt3A_1137, %min3A_1132, %select_n3A_1140 : vector<256x128xi1>, vector<256x128xf32>
    %jit3A_1142 = arith.constant 56 : i32
    %broadcast_in_dim3A_1143 = vector.broadcast %jit3A_1142 : i32 to vector<256x128xi32>
    %select_n3A_1144 = arith.select %lt3A_1138, %broadcast_in_dim3A_1143, %select_n3A_1125 : vector<256x128xi1>, vector<256x128xi32>
    %select_n3A_1145 = arith.select %lt3A_1137, %select_n3A_1135, %select_n3A_1144 : vector<256x128xi1>, vector<256x128xi32>
    %select_n3A_1146 = arith.select %lt3A_1139, %slice3A_1136, %select_n3A_1127 : vector<256x128xi1>, vector<256x128xf32>
    %select_n3A_1147 = arith.select %lt3A_1138, %select_n3A_1121, %select_n3A_1146 : vector<256x128xi1>, vector<256x128xf32>
    %jit3A_1148 = arith.constant 56 : i32
    %broadcast_in_dim3A_1149 = vector.broadcast %jit3A_1148 : i32 to vector<256x128xi32>
    %select_n3A_1150 = arith.select %lt3A_1139, %broadcast_in_dim3A_1149, %select_n3A_1131 : vector<256x128xi1>, vector<256x128xi32>
    %select_n3A_1151 = arith.select %lt3A_1138, %select_n3A_1125, %select_n3A_1150 : vector<256x128xi1>, vector<256x128xi32>
    %min3A_1152 = arith.minimumf %min3A_1132, %slice3A_1136 : vector<256x128xf32>
    %jit3A_1153 = arith.constant 56 : i32
    %broadcast_in_dim3A_1154 = vector.broadcast %jit3A_1153 : i32 to vector<256x128xi32>
    %select_n3A_1155 = arith.select %lt3A_1137, %broadcast_in_dim3A_1154, %select_n3A_1135 : vector<256x128xi1>, vector<256x128xi32>
    %slice3A_1156 = vector.extract_strided_slice %max3A_17 {offsets = [0, 7296], sizes = [256, 128], strides = [1, 1]} : vector<256x8192xf32> to vector<256x128xf32>
    %lt3A_1157 = arith.cmpf olt, %slice3A_1156, %min3A_1152 : vector<256x128xf32>
    %lt3A_1158 = arith.cmpf olt, %slice3A_1156, %select_n3A_1141 : vector<256x128xf32>
    %lt3A_1159 = arith.cmpf olt, %slice3A_1156, %select_n3A_1147 : vector<256x128xf32>
    %select_n3A_1160 = arith.select %lt3A_1158, %slice3A_1156, %select_n3A_1141 : vector<256x128xi1>, vector<256x128xf32>
    %select_n3A_1161 = arith.select %lt3A_1157, %min3A_1152, %select_n3A_1160 : vector<256x128xi1>, vector<256x128xf32>
    %jit3A_1162 = arith.constant 57 : i32
    %broadcast_in_dim3A_1163 = vector.broadcast %jit3A_1162 : i32 to vector<256x128xi32>
    %select_n3A_1164 = arith.select %lt3A_1158, %broadcast_in_dim3A_1163, %select_n3A_1145 : vector<256x128xi1>, vector<256x128xi32>
    %select_n3A_1165 = arith.select %lt3A_1157, %select_n3A_1155, %select_n3A_1164 : vector<256x128xi1>, vector<256x128xi32>
    %select_n3A_1166 = arith.select %lt3A_1159, %slice3A_1156, %select_n3A_1147 : vector<256x128xi1>, vector<256x128xf32>
    %select_n3A_1167 = arith.select %lt3A_1158, %select_n3A_1141, %select_n3A_1166 : vector<256x128xi1>, vector<256x128xf32>
    %jit3A_1168 = arith.constant 57 : i32
    %broadcast_in_dim3A_1169 = vector.broadcast %jit3A_1168 : i32 to vector<256x128xi32>
    %select_n3A_1170 = arith.select %lt3A_1159, %broadcast_in_dim3A_1169, %select_n3A_1151 : vector<256x128xi1>, vector<256x128xi32>
    %select_n3A_1171 = arith.select %lt3A_1158, %select_n3A_1145, %select_n3A_1170 : vector<256x128xi1>, vector<256x128xi32>
    %min3A_1172 = arith.minimumf %min3A_1152, %slice3A_1156 : vector<256x128xf32>
    %jit3A_1173 = arith.constant 57 : i32
    %broadcast_in_dim3A_1174 = vector.broadcast %jit3A_1173 : i32 to vector<256x128xi32>
    %select_n3A_1175 = arith.select %lt3A_1157, %broadcast_in_dim3A_1174, %select_n3A_1155 : vector<256x128xi1>, vector<256x128xi32>
    %slice3A_1176 = vector.extract_strided_slice %max3A_17 {offsets = [0, 7424], sizes = [256, 128], strides = [1, 1]} : vector<256x8192xf32> to vector<256x128xf32>
    %lt3A_1177 = arith.cmpf olt, %slice3A_1176, %min3A_1172 : vector<256x128xf32>
    %lt3A_1178 = arith.cmpf olt, %slice3A_1176, %select_n3A_1161 : vector<256x128xf32>
    %lt3A_1179 = arith.cmpf olt, %slice3A_1176, %select_n3A_1167 : vector<256x128xf32>
    %select_n3A_1180 = arith.select %lt3A_1178, %slice3A_1176, %select_n3A_1161 : vector<256x128xi1>, vector<256x128xf32>
    %select_n3A_1181 = arith.select %lt3A_1177, %min3A_1172, %select_n3A_1180 : vector<256x128xi1>, vector<256x128xf32>
    %jit3A_1182 = arith.constant 58 : i32
    %broadcast_in_dim3A_1183 = vector.broadcast %jit3A_1182 : i32 to vector<256x128xi32>
    %select_n3A_1184 = arith.select %lt3A_1178, %broadcast_in_dim3A_1183, %select_n3A_1165 : vector<256x128xi1>, vector<256x128xi32>
    %select_n3A_1185 = arith.select %lt3A_1177, %select_n3A_1175, %select_n3A_1184 : vector<256x128xi1>, vector<256x128xi32>
    %select_n3A_1186 = arith.select %lt3A_1179, %slice3A_1176, %select_n3A_1167 : vector<256x128xi1>, vector<256x128xf32>
    %select_n3A_1187 = arith.select %lt3A_1178, %select_n3A_1161, %select_n3A_1186 : vector<256x128xi1>, vector<256x128xf32>
    %jit3A_1188 = arith.constant 58 : i32
    %broadcast_in_dim3A_1189 = vector.broadcast %jit3A_1188 : i32 to vector<256x128xi32>
    %select_n3A_1190 = arith.select %lt3A_1179, %broadcast_in_dim3A_1189, %select_n3A_1171 : vector<256x128xi1>, vector<256x128xi32>
    %select_n3A_1191 = arith.select %lt3A_1178, %select_n3A_1165, %select_n3A_1190 : vector<256x128xi1>, vector<256x128xi32>
    %min3A_1192 = arith.minimumf %min3A_1172, %slice3A_1176 : vector<256x128xf32>
    %jit3A_1193 = arith.constant 58 : i32
    %broadcast_in_dim3A_1194 = vector.broadcast %jit3A_1193 : i32 to vector<256x128xi32>
    %select_n3A_1195 = arith.select %lt3A_1177, %broadcast_in_dim3A_1194, %select_n3A_1175 : vector<256x128xi1>, vector<256x128xi32>
    %slice3A_1196 = vector.extract_strided_slice %max3A_17 {offsets = [0, 7552], sizes = [256, 128], strides = [1, 1]} : vector<256x8192xf32> to vector<256x128xf32>
    %lt3A_1197 = arith.cmpf olt, %slice3A_1196, %min3A_1192 : vector<256x128xf32>
    %lt3A_1198 = arith.cmpf olt, %slice3A_1196, %select_n3A_1181 : vector<256x128xf32>
    %lt3A_1199 = arith.cmpf olt, %slice3A_1196, %select_n3A_1187 : vector<256x128xf32>
    %select_n3A_1200 = arith.select %lt3A_1198, %slice3A_1196, %select_n3A_1181 : vector<256x128xi1>, vector<256x128xf32>
    %select_n3A_1201 = arith.select %lt3A_1197, %min3A_1192, %select_n3A_1200 : vector<256x128xi1>, vector<256x128xf32>
    %jit3A_1202 = arith.constant 59 : i32
    %broadcast_in_dim3A_1203 = vector.broadcast %jit3A_1202 : i32 to vector<256x128xi32>
    %select_n3A_1204 = arith.select %lt3A_1198, %broadcast_in_dim3A_1203, %select_n3A_1185 : vector<256x128xi1>, vector<256x128xi32>
    %select_n3A_1205 = arith.select %lt3A_1197, %select_n3A_1195, %select_n3A_1204 : vector<256x128xi1>, vector<256x128xi32>
    %select_n3A_1206 = arith.select %lt3A_1199, %slice3A_1196, %select_n3A_1187 : vector<256x128xi1>, vector<256x128xf32>
    %select_n3A_1207 = arith.select %lt3A_1198, %select_n3A_1181, %select_n3A_1206 : vector<256x128xi1>, vector<256x128xf32>
    %jit3A_1208 = arith.constant 59 : i32
    %broadcast_in_dim3A_1209 = vector.broadcast %jit3A_1208 : i32 to vector<256x128xi32>
    %select_n3A_1210 = arith.select %lt3A_1199, %broadcast_in_dim3A_1209, %select_n3A_1191 : vector<256x128xi1>, vector<256x128xi32>
    %select_n3A_1211 = arith.select %lt3A_1198, %select_n3A_1185, %select_n3A_1210 : vector<256x128xi1>, vector<256x128xi32>
    %min3A_1212 = arith.minimumf %min3A_1192, %slice3A_1196 : vector<256x128xf32>
    %jit3A_1213 = arith.constant 59 : i32
    %broadcast_in_dim3A_1214 = vector.broadcast %jit3A_1213 : i32 to vector<256x128xi32>
    %select_n3A_1215 = arith.select %lt3A_1197, %broadcast_in_dim3A_1214, %select_n3A_1195 : vector<256x128xi1>, vector<256x128xi32>
    %slice3A_1216 = vector.extract_strided_slice %max3A_17 {offsets = [0, 7680], sizes = [256, 128], strides = [1, 1]} : vector<256x8192xf32> to vector<256x128xf32>
    %lt3A_1217 = arith.cmpf olt, %slice3A_1216, %min3A_1212 : vector<256x128xf32>
    %lt3A_1218 = arith.cmpf olt, %slice3A_1216, %select_n3A_1201 : vector<256x128xf32>
    %lt3A_1219 = arith.cmpf olt, %slice3A_1216, %select_n3A_1207 : vector<256x128xf32>
    %select_n3A_1220 = arith.select %lt3A_1218, %slice3A_1216, %select_n3A_1201 : vector<256x128xi1>, vector<256x128xf32>
    %select_n3A_1221 = arith.select %lt3A_1217, %min3A_1212, %select_n3A_1220 : vector<256x128xi1>, vector<256x128xf32>
    %jit3A_1222 = arith.constant 60 : i32
    %broadcast_in_dim3A_1223 = vector.broadcast %jit3A_1222 : i32 to vector<256x128xi32>
    %select_n3A_1224 = arith.select %lt3A_1218, %broadcast_in_dim3A_1223, %select_n3A_1205 : vector<256x128xi1>, vector<256x128xi32>
    %select_n3A_1225 = arith.select %lt3A_1217, %select_n3A_1215, %select_n3A_1224 : vector<256x128xi1>, vector<256x128xi32>
    %select_n3A_1226 = arith.select %lt3A_1219, %slice3A_1216, %select_n3A_1207 : vector<256x128xi1>, vector<256x128xf32>
    %select_n3A_1227 = arith.select %lt3A_1218, %select_n3A_1201, %select_n3A_1226 : vector<256x128xi1>, vector<256x128xf32>
    %jit3A_1228 = arith.constant 60 : i32
    %broadcast_in_dim3A_1229 = vector.broadcast %jit3A_1228 : i32 to vector<256x128xi32>
    %select_n3A_1230 = arith.select %lt3A_1219, %broadcast_in_dim3A_1229, %select_n3A_1211 : vector<256x128xi1>, vector<256x128xi32>
    %select_n3A_1231 = arith.select %lt3A_1218, %select_n3A_1205, %select_n3A_1230 : vector<256x128xi1>, vector<256x128xi32>
    %min3A_1232 = arith.minimumf %min3A_1212, %slice3A_1216 : vector<256x128xf32>
    %jit3A_1233 = arith.constant 60 : i32
    %broadcast_in_dim3A_1234 = vector.broadcast %jit3A_1233 : i32 to vector<256x128xi32>
    %select_n3A_1235 = arith.select %lt3A_1217, %broadcast_in_dim3A_1234, %select_n3A_1215 : vector<256x128xi1>, vector<256x128xi32>
    %slice3A_1236 = vector.extract_strided_slice %max3A_17 {offsets = [0, 7808], sizes = [256, 128], strides = [1, 1]} : vector<256x8192xf32> to vector<256x128xf32>
    %lt3A_1237 = arith.cmpf olt, %slice3A_1236, %min3A_1232 : vector<256x128xf32>
    %lt3A_1238 = arith.cmpf olt, %slice3A_1236, %select_n3A_1221 : vector<256x128xf32>
    %lt3A_1239 = arith.cmpf olt, %slice3A_1236, %select_n3A_1227 : vector<256x128xf32>
    %select_n3A_1240 = arith.select %lt3A_1238, %slice3A_1236, %select_n3A_1221 : vector<256x128xi1>, vector<256x128xf32>
    %select_n3A_1241 = arith.select %lt3A_1237, %min3A_1232, %select_n3A_1240 : vector<256x128xi1>, vector<256x128xf32>
    %jit3A_1242 = arith.constant 61 : i32
    %broadcast_in_dim3A_1243 = vector.broadcast %jit3A_1242 : i32 to vector<256x128xi32>
    %select_n3A_1244 = arith.select %lt3A_1238, %broadcast_in_dim3A_1243, %select_n3A_1225 : vector<256x128xi1>, vector<256x128xi32>
    %select_n3A_1245 = arith.select %lt3A_1237, %select_n3A_1235, %select_n3A_1244 : vector<256x128xi1>, vector<256x128xi32>
    %select_n3A_1246 = arith.select %lt3A_1239, %slice3A_1236, %select_n3A_1227 : vector<256x128xi1>, vector<256x128xf32>
    %select_n3A_1247 = arith.select %lt3A_1238, %select_n3A_1221, %select_n3A_1246 : vector<256x128xi1>, vector<256x128xf32>
    %jit3A_1248 = arith.constant 61 : i32
    %broadcast_in_dim3A_1249 = vector.broadcast %jit3A_1248 : i32 to vector<256x128xi32>
    %select_n3A_1250 = arith.select %lt3A_1239, %broadcast_in_dim3A_1249, %select_n3A_1231 : vector<256x128xi1>, vector<256x128xi32>
    %select_n3A_1251 = arith.select %lt3A_1238, %select_n3A_1225, %select_n3A_1250 : vector<256x128xi1>, vector<256x128xi32>
    %min3A_1252 = arith.minimumf %min3A_1232, %slice3A_1236 : vector<256x128xf32>
    %jit3A_1253 = arith.constant 61 : i32
    %broadcast_in_dim3A_1254 = vector.broadcast %jit3A_1253 : i32 to vector<256x128xi32>
    %select_n3A_1255 = arith.select %lt3A_1237, %broadcast_in_dim3A_1254, %select_n3A_1235 : vector<256x128xi1>, vector<256x128xi32>
    %slice3A_1256 = vector.extract_strided_slice %max3A_17 {offsets = [0, 7936], sizes = [256, 128], strides = [1, 1]} : vector<256x8192xf32> to vector<256x128xf32>
    %lt3A_1257 = arith.cmpf olt, %slice3A_1256, %min3A_1252 : vector<256x128xf32>
    %lt3A_1258 = arith.cmpf olt, %slice3A_1256, %select_n3A_1241 : vector<256x128xf32>
    %lt3A_1259 = arith.cmpf olt, %slice3A_1256, %select_n3A_1247 : vector<256x128xf32>
    %select_n3A_1260 = arith.select %lt3A_1258, %slice3A_1256, %select_n3A_1241 : vector<256x128xi1>, vector<256x128xf32>
    %select_n3A_1261 = arith.select %lt3A_1257, %min3A_1252, %select_n3A_1260 : vector<256x128xi1>, vector<256x128xf32>
    %jit3A_1262 = arith.constant 62 : i32
    %broadcast_in_dim3A_1263 = vector.broadcast %jit3A_1262 : i32 to vector<256x128xi32>
    %select_n3A_1264 = arith.select %lt3A_1258, %broadcast_in_dim3A_1263, %select_n3A_1245 : vector<256x128xi1>, vector<256x128xi32>
    %select_n3A_1265 = arith.select %lt3A_1257, %select_n3A_1255, %select_n3A_1264 : vector<256x128xi1>, vector<256x128xi32>
    %select_n3A_1266 = arith.select %lt3A_1259, %slice3A_1256, %select_n3A_1247 : vector<256x128xi1>, vector<256x128xf32>
    %select_n3A_1267 = arith.select %lt3A_1258, %select_n3A_1241, %select_n3A_1266 : vector<256x128xi1>, vector<256x128xf32>
    %jit3A_1268 = arith.constant 62 : i32
    %broadcast_in_dim3A_1269 = vector.broadcast %jit3A_1268 : i32 to vector<256x128xi32>
    %select_n3A_1270 = arith.select %lt3A_1259, %broadcast_in_dim3A_1269, %select_n3A_1251 : vector<256x128xi1>, vector<256x128xi32>
    %select_n3A_1271 = arith.select %lt3A_1258, %select_n3A_1245, %select_n3A_1270 : vector<256x128xi1>, vector<256x128xi32>
    %min3A_1272 = arith.minimumf %min3A_1252, %slice3A_1256 : vector<256x128xf32>
    %jit3A_1273 = arith.constant 62 : i32
    %broadcast_in_dim3A_1274 = vector.broadcast %jit3A_1273 : i32 to vector<256x128xi32>
    %select_n3A_1275 = arith.select %lt3A_1257, %broadcast_in_dim3A_1274, %select_n3A_1255 : vector<256x128xi1>, vector<256x128xi32>
    %slice3A_1276 = vector.extract_strided_slice %max3A_17 {offsets = [0, 8064], sizes = [256, 128], strides = [1, 1]} : vector<256x8192xf32> to vector<256x128xf32>
    %lt3A_1277 = arith.cmpf olt, %slice3A_1276, %min3A_1272 : vector<256x128xf32>
    %lt3A_1278 = arith.cmpf olt, %slice3A_1276, %select_n3A_1261 : vector<256x128xf32>
    %lt3A_1279 = arith.cmpf olt, %slice3A_1276, %select_n3A_1267 : vector<256x128xf32>
    %select_n3A_1280 = arith.select %lt3A_1278, %slice3A_1276, %select_n3A_1261 : vector<256x128xi1>, vector<256x128xf32>
    %select_n3A_1281 = arith.select %lt3A_1277, %min3A_1272, %select_n3A_1280 : vector<256x128xi1>, vector<256x128xf32>
    %jit3A_1282 = arith.constant 63 : i32
    %broadcast_in_dim3A_1283 = vector.broadcast %jit3A_1282 : i32 to vector<256x128xi32>
    %select_n3A_1284 = arith.select %lt3A_1278, %broadcast_in_dim3A_1283, %select_n3A_1265 : vector<256x128xi1>, vector<256x128xi32>
    %select_n3A_1285 = arith.select %lt3A_1277, %select_n3A_1275, %select_n3A_1284 : vector<256x128xi1>, vector<256x128xi32>
    %select_n3A_1286 = arith.select %lt3A_1279, %slice3A_1276, %select_n3A_1267 : vector<256x128xi1>, vector<256x128xf32>
    %select_n3A_1287 = arith.select %lt3A_1278, %select_n3A_1261, %select_n3A_1286 : vector<256x128xi1>, vector<256x128xf32>
    %jit3A_1288 = arith.constant 63 : i32
    %broadcast_in_dim3A_1289 = vector.broadcast %jit3A_1288 : i32 to vector<256x128xi32>
    %select_n3A_1290 = arith.select %lt3A_1279, %broadcast_in_dim3A_1289, %select_n3A_1271 : vector<256x128xi1>, vector<256x128xi32>
    %select_n3A_1291 = arith.select %lt3A_1278, %select_n3A_1265, %select_n3A_1290 : vector<256x128xi1>, vector<256x128xi32>
    %min3A_1292 = arith.minimumf %min3A_1272, %slice3A_1276 : vector<256x128xf32>
    %jit3A_1293 = arith.constant 63 : i32
    %broadcast_in_dim3A_1294 = vector.broadcast %jit3A_1293 : i32 to vector<256x128xi32>
    %select_n3A_1295 = arith.select %lt3A_1277, %broadcast_in_dim3A_1294, %select_n3A_1275 : vector<256x128xi1>, vector<256x128xi32>
    %iota3A = tpu.iota {dimensions = array<i32: 1>} : vector<256x128xi32>
    %mul3A_1296 = arith.constant 128 : i32
    %mul3A_1297 = vector.broadcast %mul3A_1296 : i32 to vector<256x128xi32>
    %mul3A_1298 = arith.muli %select_n3A_1295, %mul3A_1297 : vector<256x128xi32>
    %add3A_1299 = arith.addi %mul3A_1298, %iota3A : vector<256x128xi32>
    %mul3A_1300 = arith.constant 128 : i32
    %mul3A_1301 = vector.broadcast %mul3A_1300 : i32 to vector<256x128xi32>
    %mul3A_1302 = arith.muli %select_n3A_1285, %mul3A_1301 : vector<256x128xi32>
    %add3A_1303 = arith.addi %mul3A_1302, %iota3A : vector<256x128xi32>
    %mul3A_1304 = arith.constant 128 : i32
    %mul3A_1305 = vector.broadcast %mul3A_1304 : i32 to vector<256x128xi32>
    %mul3A_1306 = arith.muli %select_n3A_1291, %mul3A_1305 : vector<256x128xi32>
    %add3A_1307 = arith.addi %mul3A_1306, %iota3A : vector<256x128xi32>
    %reduce_min3A = arith.constant dense<0x7F800000> : vector<256xf32>
    %reduce_min3A_1308 = vector.multi_reduction <minimumf>, %min3A_1292, %reduce_min3A [1] : vector<256x128xf32> to vector<256xf32>
    %broadcast_in_dim3A_1309 = vector.shape_cast %reduce_min3A_1308 : vector<256xf32> to vector<256x1xf32>
    %eq3A = vector.broadcast %broadcast_in_dim3A_1309 : vector<256x1xf32> to vector<256x128xf32>
    %eq3A_1310 = arith.cmpf oeq, %min3A_1292, %eq3A : vector<256x128xf32>
    %jit3A_1311 = arith.constant 1073741824 : i32
    %broadcast_in_dim3A_1312 = vector.broadcast %jit3A_1311 : i32 to vector<256x128xi32>
    %select_n3A_1313 = arith.select %eq3A_1310, %add3A_1299, %broadcast_in_dim3A_1312 : vector<256x128xi1>, vector<256x128xi32>
    %reduce_min3A_1314 = arith.constant dense<2147483647> : vector<256xi32>
    %reduce_min3A_1315 = vector.multi_reduction <minsi>, %select_n3A_1313, %reduce_min3A_1314 [1] : vector<256x128xi32> to vector<256xi32>
    %broadcast_in_dim3A_1316 = vector.shape_cast %reduce_min3A_1315 : vector<256xi32> to vector<256x1xi32>
    %eq3A_1317 = vector.broadcast %broadcast_in_dim3A_1316 : vector<256x1xi32> to vector<256x128xi32>
    %eq3A_1318 = arith.cmpi eq, %add3A_1299, %eq3A_1317 : vector<256x128xi32>
    %select_n3A_1319 = arith.select %eq3A_1318, %select_n3A_1281, %min3A_1292 : vector<256x128xi1>, vector<256x128xf32>
    %select_n3A_1320 = arith.select %eq3A_1318, %add3A_1303, %add3A_1299 : vector<256x128xi1>, vector<256x128xi32>
    %select_n3A_1321 = arith.select %eq3A_1318, %select_n3A_1287, %select_n3A_1281 : vector<256x128xi1>, vector<256x128xf32>
    %select_n3A_1322 = arith.select %eq3A_1318, %add3A_1307, %add3A_1303 : vector<256x128xi1>, vector<256x128xi32>
    %sqrt3A = math.sqrt %broadcast_in_dim3A_1309 : vector<256x1xf32>
    %reduce_min3A_1323 = arith.constant dense<0x7F800000> : vector<256xf32>
    %reduce_min3A_1324 = vector.multi_reduction <minimumf>, %select_n3A_1319, %reduce_min3A_1323 [1] : vector<256x128xf32> to vector<256xf32>
    %broadcast_in_dim3A_1325 = vector.shape_cast %reduce_min3A_1324 : vector<256xf32> to vector<256x1xf32>
    %eq3A_1326 = vector.broadcast %broadcast_in_dim3A_1325 : vector<256x1xf32> to vector<256x128xf32>
    %eq3A_1327 = arith.cmpf oeq, %select_n3A_1319, %eq3A_1326 : vector<256x128xf32>
    %jit3A_1328 = arith.constant 1073741824 : i32
    %broadcast_in_dim3A_1329 = vector.broadcast %jit3A_1328 : i32 to vector<256x128xi32>
    %select_n3A_1330 = arith.select %eq3A_1327, %select_n3A_1320, %broadcast_in_dim3A_1329 : vector<256x128xi1>, vector<256x128xi32>
    %reduce_min3A_1331 = arith.constant dense<2147483647> : vector<256xi32>
    %reduce_min3A_1332 = vector.multi_reduction <minsi>, %select_n3A_1330, %reduce_min3A_1331 [1] : vector<256x128xi32> to vector<256xi32>
    %broadcast_in_dim3A_1333 = vector.shape_cast %reduce_min3A_1332 : vector<256xi32> to vector<256x1xi32>
    %eq3A_1334 = vector.broadcast %broadcast_in_dim3A_1333 : vector<256x1xi32> to vector<256x128xi32>
    %eq3A_1335 = arith.cmpi eq, %select_n3A_1320, %eq3A_1334 : vector<256x128xi32>
    %select_n3A_1336 = arith.select %eq3A_1335, %select_n3A_1321, %select_n3A_1319 : vector<256x128xi1>, vector<256x128xf32>
    %select_n3A_1337 = arith.select %eq3A_1335, %select_n3A_1322, %select_n3A_1320 : vector<256x128xi1>, vector<256x128xi32>
    %sqrt3A_1338 = math.sqrt %broadcast_in_dim3A_1325 : vector<256x1xf32>
    %reduce_min3A_1339 = arith.constant dense<0x7F800000> : vector<256xf32>
    %reduce_min3A_1340 = vector.multi_reduction <minimumf>, %select_n3A_1336, %reduce_min3A_1339 [1] : vector<256x128xf32> to vector<256xf32>
    %broadcast_in_dim3A_1341 = vector.shape_cast %reduce_min3A_1340 : vector<256xf32> to vector<256x1xf32>
    %eq3A_1342 = vector.broadcast %broadcast_in_dim3A_1341 : vector<256x1xf32> to vector<256x128xf32>
    %eq3A_1343 = arith.cmpf oeq, %select_n3A_1336, %eq3A_1342 : vector<256x128xf32>
    %jit3A_1344 = arith.constant 1073741824 : i32
    %broadcast_in_dim3A_1345 = vector.broadcast %jit3A_1344 : i32 to vector<256x128xi32>
    %select_n3A_1346 = arith.select %eq3A_1343, %select_n3A_1337, %broadcast_in_dim3A_1345 : vector<256x128xi1>, vector<256x128xi32>
    %reduce_min3A_1347 = arith.constant dense<2147483647> : vector<256xi32>
    %reduce_min3A_1348 = vector.multi_reduction <minsi>, %select_n3A_1346, %reduce_min3A_1347 [1] : vector<256x128xi32> to vector<256xi32>
    %broadcast_in_dim3A_1349 = vector.shape_cast %reduce_min3A_1348 : vector<256xi32> to vector<256x1xi32>
    %sqrt3A_1350 = math.sqrt %broadcast_in_dim3A_1341 : vector<256x1xf32>
    %add3A_1351 = arith.constant 9.99999993E-9 : f32
    %add3A_1352 = vector.broadcast %add3A_1351 : f32 to vector<256x1xf32>
    %add3A_1353 = arith.addf %sqrt3A, %add3A_1352 : vector<256x1xf32>
    %div3A = arith.constant 1.000000e+00 : f32
    %div3A_1354 = vector.broadcast %div3A : f32 to vector<256x1xf32>
    %div3A_1355 = arith.divf %div3A_1354, %add3A_1353 : vector<256x1xf32>
    %add3A_1356 = arith.constant 9.99999993E-9 : f32
    %add3A_1357 = vector.broadcast %add3A_1356 : f32 to vector<256x1xf32>
    %add3A_1358 = arith.addf %sqrt3A_1338, %add3A_1357 : vector<256x1xf32>
    %div3A_1359 = arith.constant 1.000000e+00 : f32
    %div3A_1360 = vector.broadcast %div3A_1359 : f32 to vector<256x1xf32>
    %div3A_1361 = arith.divf %div3A_1360, %add3A_1358 : vector<256x1xf32>
    %add3A_1362 = arith.constant 9.99999993E-9 : f32
    %add3A_1363 = vector.broadcast %add3A_1362 : f32 to vector<256x1xf32>
    %add3A_1364 = arith.addf %sqrt3A_1350, %add3A_1363 : vector<256x1xf32>
    %div3A_1365 = arith.constant 1.000000e+00 : f32
    %div3A_1366 = vector.broadcast %div3A_1365 : f32 to vector<256x1xf32>
    %div3A_1367 = arith.divf %div3A_1366, %add3A_1364 : vector<256x1xf32>
    %add3A_1368 = arith.addf %div3A_1355, %div3A_1361 : vector<256x1xf32>
    %add3A_1369 = arith.addf %add3A_1368, %div3A_1367 : vector<256x1xf32>
    %concatenate3A = tpu.concatenate %broadcast_in_dim3A_1316, %broadcast_in_dim3A_1333, %broadcast_in_dim3A_1349 in 1 : vector<256x1xi32>, vector<256x1xi32>, vector<256x1xi32> -> vector<256x3xi32>
    %swap3A = arith.constant 0 : index
    %swap3A_1370 = arith.constant 0 : index
    %swap3A_1371 = vector.load %arg11[%swap3A, %swap3A_1370] : memref<256x3xi32, #tpu.memory_space<vmem>>, vector<256x3xi32>
    tpu.vector_store %arg11[%swap3A, %swap3A_1370], %concatenate3A {strides = array<i32>} : memref<256x3xi32, #tpu.memory_space<vmem>>, vector<256x3xi32>,
    %div3A_1372 = arith.divf %div3A_1355, %add3A_1369 : vector<256x1xf32>
    %div3A_1373 = arith.divf %div3A_1361, %add3A_1369 : vector<256x1xf32>
    %div3A_1374 = arith.divf %div3A_1367, %add3A_1369 : vector<256x1xf32>
    %concatenate3A_1375 = tpu.concatenate %div3A_1372, %div3A_1373, %div3A_1374 in 1 : vector<256x1xf32>, vector<256x1xf32>, vector<256x1xf32> -> vector<256x3xf32>
    %swap3A_1376 = arith.constant 0 : index
    %swap3A_1377 = arith.constant 0 : index
    %swap3A_1378 = vector.load %arg12[%swap3A_1376, %swap3A_1377] : memref<256x3xf32, #tpu.memory_space<vmem>>, vector<256x3xf32>
    tpu.vector_store %arg12[%swap3A_1376, %swap3A_1377], %concatenate3A_1375 {strides = array<i32>} : memref<256x3xf32, #tpu.memory_space<vmem>>, vector<256x3xf32>,
    %get3A_1379 = arith.constant 0 : index
    %get3A_1380 = arith.constant 0 : index
    %get3A_1381 = vector.load %arg5[%get3A_1379, %get3A_1380] : memref<3x4096xbf16, #tpu.memory_space<vmem>>, vector<3x4096xbf16>
    %get3A_1382 = arith.constant 0 : index
    %get3A_1383 = arith.constant 0 : index
    %get3A_1384 = vector.load %arg6[%get3A_1382, %get3A_1383] : memref<1x4096xf32, #tpu.memory_space<vmem>>, vector<1x4096xf32>
    %dot_general3A_1385 = arith.constant dense<0.000000e+00> : vector<256x4096xf32>
    %dot_general3A_1386 = tpu.matmul %get3A_1, %get3A_1381, %dot_general3A_1385 {dimension_numbers = #tpu.dot_dimension_numbers<[1], [0], [0], [1], [0, 0, 1, 1], [], []>, transpose_lhs_hint = false} : vector<256x3xbf16>, vector<3x4096xbf16>, vector<256x4096xf32> -> vector<256x4096xf32>
    %add3A_1387 = vector.broadcast %get3A_4 : vector<256x1xf32> to vector<256x4096xf32>
    %add3A_1388 = vector.broadcast %get3A_1384 : vector<1x4096xf32> to vector<256x4096xf32>
    %add3A_1389 = arith.addf %add3A_1387, %add3A_1388 : vector<256x4096xf32>
    %mul3A_1390 = arith.constant 2.000000e+00 : f32
    %mul3A_1391 = vector.broadcast %mul3A_1390 : f32 to vector<256x4096xf32>
    %mul3A_1392 = arith.mulf %mul3A_1391, %dot_general3A_1386 : vector<256x4096xf32>
    %sub3A_1393 = arith.subf %add3A_1389, %mul3A_1392 : vector<256x4096xf32>
    %max3A_1394 = arith.constant 0.000000e+00 : f32
    %max3A_1395 = vector.broadcast %max3A_1394 : f32 to vector<256x4096xf32>
    %max3A_1396 = arith.maximumf %sub3A_1393, %max3A_1395 : vector<256x4096xf32>
    %broadcast_in_dim3A_1397 = arith.constant 3.000000e+38 : f32
    %broadcast_in_dim3A_1398 = vector.broadcast %broadcast_in_dim3A_1397 : f32 to vector<256x128xf32>
    %broadcast_in_dim3A_1399 = arith.constant 0 : i32
    %broadcast_in_dim3A_1400 = vector.broadcast %broadcast_in_dim3A_1399 : i32 to vector<256x128xi32>
    %slice3A_1401 = vector.extract_strided_slice %max3A_1396 {offsets = [0, 0], sizes = [256, 128], strides = [1, 1]} : vector<256x4096xf32> to vector<256x128xf32>
    %lt3A_1402 = arith.cmpf olt, %slice3A_1401, %broadcast_in_dim3A_1398 : vector<256x128xf32>
    %lt3A_1403 = arith.cmpf olt, %slice3A_1401, %broadcast_in_dim3A_1398 : vector<256x128xf32>
    %lt3A_1404 = arith.cmpf olt, %slice3A_1401, %broadcast_in_dim3A_1398 : vector<256x128xf32>
    %select_n3A_1405 = arith.select %lt3A_1403, %slice3A_1401, %broadcast_in_dim3A_1398 : vector<256x128xi1>, vector<256x128xf32>
    %select_n3A_1406 = arith.select %lt3A_1402, %broadcast_in_dim3A_1398, %select_n3A_1405 : vector<256x128xi1>, vector<256x128xf32>
    %jit3A_1407 = arith.constant 0 : i32
    %broadcast_in_dim3A_1408 = vector.broadcast %jit3A_1407 : i32 to vector<256x128xi32>
    %select_n3A_1409 = arith.select %lt3A_1403, %broadcast_in_dim3A_1408, %broadcast_in_dim3A_1400 : vector<256x128xi1>, vector<256x128xi32>
    %select_n3A_1410 = arith.select %lt3A_1402, %broadcast_in_dim3A_1400, %select_n3A_1409 : vector<256x128xi1>, vector<256x128xi32>
    %select_n3A_1411 = arith.select %lt3A_1404, %slice3A_1401, %broadcast_in_dim3A_1398 : vector<256x128xi1>, vector<256x128xf32>
    %select_n3A_1412 = arith.select %lt3A_1403, %broadcast_in_dim3A_1398, %select_n3A_1411 : vector<256x128xi1>, vector<256x128xf32>
    %jit3A_1413 = arith.constant 0 : i32
    %broadcast_in_dim3A_1414 = vector.broadcast %jit3A_1413 : i32 to vector<256x128xi32>
    %select_n3A_1415 = arith.select %lt3A_1404, %broadcast_in_dim3A_1414, %broadcast_in_dim3A_1400 : vector<256x128xi1>, vector<256x128xi32>
    %select_n3A_1416 = arith.select %lt3A_1403, %broadcast_in_dim3A_1400, %select_n3A_1415 : vector<256x128xi1>, vector<256x128xi32>
    %min3A_1417 = arith.minimumf %broadcast_in_dim3A_1398, %slice3A_1401 : vector<256x128xf32>
    %jit3A_1418 = arith.constant 0 : i32
    %broadcast_in_dim3A_1419 = vector.broadcast %jit3A_1418 : i32 to vector<256x128xi32>
    %select_n3A_1420 = arith.select %lt3A_1402, %broadcast_in_dim3A_1419, %broadcast_in_dim3A_1400 : vector<256x128xi1>, vector<256x128xi32>
    %slice3A_1421 = vector.extract_strided_slice %max3A_1396 {offsets = [0, 128], sizes = [256, 128], strides = [1, 1]} : vector<256x4096xf32> to vector<256x128xf32>
    %lt3A_1422 = arith.cmpf olt, %slice3A_1421, %min3A_1417 : vector<256x128xf32>
    %lt3A_1423 = arith.cmpf olt, %slice3A_1421, %select_n3A_1406 : vector<256x128xf32>
    %lt3A_1424 = arith.cmpf olt, %slice3A_1421, %select_n3A_1412 : vector<256x128xf32>
    %select_n3A_1425 = arith.select %lt3A_1423, %slice3A_1421, %select_n3A_1406 : vector<256x128xi1>, vector<256x128xf32>
    %select_n3A_1426 = arith.select %lt3A_1422, %min3A_1417, %select_n3A_1425 : vector<256x128xi1>, vector<256x128xf32>
    %jit3A_1427 = arith.constant 1 : i32
    %broadcast_in_dim3A_1428 = vector.broadcast %jit3A_1427 : i32 to vector<256x128xi32>
    %select_n3A_1429 = arith.select %lt3A_1423, %broadcast_in_dim3A_1428, %select_n3A_1410 : vector<256x128xi1>, vector<256x128xi32>
    %select_n3A_1430 = arith.select %lt3A_1422, %select_n3A_1420, %select_n3A_1429 : vector<256x128xi1>, vector<256x128xi32>
    %select_n3A_1431 = arith.select %lt3A_1424, %slice3A_1421, %select_n3A_1412 : vector<256x128xi1>, vector<256x128xf32>
    %select_n3A_1432 = arith.select %lt3A_1423, %select_n3A_1406, %select_n3A_1431 : vector<256x128xi1>, vector<256x128xf32>
    %jit3A_1433 = arith.constant 1 : i32
    %broadcast_in_dim3A_1434 = vector.broadcast %jit3A_1433 : i32 to vector<256x128xi32>
    %select_n3A_1435 = arith.select %lt3A_1424, %broadcast_in_dim3A_1434, %select_n3A_1416 : vector<256x128xi1>, vector<256x128xi32>
    %select_n3A_1436 = arith.select %lt3A_1423, %select_n3A_1410, %select_n3A_1435 : vector<256x128xi1>, vector<256x128xi32>
    %min3A_1437 = arith.minimumf %min3A_1417, %slice3A_1421 : vector<256x128xf32>
    %jit3A_1438 = arith.constant 1 : i32
    %broadcast_in_dim3A_1439 = vector.broadcast %jit3A_1438 : i32 to vector<256x128xi32>
    %select_n3A_1440 = arith.select %lt3A_1422, %broadcast_in_dim3A_1439, %select_n3A_1420 : vector<256x128xi1>, vector<256x128xi32>
    %slice3A_1441 = vector.extract_strided_slice %max3A_1396 {offsets = [0, 256], sizes = [256, 128], strides = [1, 1]} : vector<256x4096xf32> to vector<256x128xf32>
    %lt3A_1442 = arith.cmpf olt, %slice3A_1441, %min3A_1437 : vector<256x128xf32>
    %lt3A_1443 = arith.cmpf olt, %slice3A_1441, %select_n3A_1426 : vector<256x128xf32>
    %lt3A_1444 = arith.cmpf olt, %slice3A_1441, %select_n3A_1432 : vector<256x128xf32>
    %select_n3A_1445 = arith.select %lt3A_1443, %slice3A_1441, %select_n3A_1426 : vector<256x128xi1>, vector<256x128xf32>
    %select_n3A_1446 = arith.select %lt3A_1442, %min3A_1437, %select_n3A_1445 : vector<256x128xi1>, vector<256x128xf32>
    %jit3A_1447 = arith.constant 2 : i32
    %broadcast_in_dim3A_1448 = vector.broadcast %jit3A_1447 : i32 to vector<256x128xi32>
    %select_n3A_1449 = arith.select %lt3A_1443, %broadcast_in_dim3A_1448, %select_n3A_1430 : vector<256x128xi1>, vector<256x128xi32>
    %select_n3A_1450 = arith.select %lt3A_1442, %select_n3A_1440, %select_n3A_1449 : vector<256x128xi1>, vector<256x128xi32>
    %select_n3A_1451 = arith.select %lt3A_1444, %slice3A_1441, %select_n3A_1432 : vector<256x128xi1>, vector<256x128xf32>
    %select_n3A_1452 = arith.select %lt3A_1443, %select_n3A_1426, %select_n3A_1451 : vector<256x128xi1>, vector<256x128xf32>
    %jit3A_1453 = arith.constant 2 : i32
    %broadcast_in_dim3A_1454 = vector.broadcast %jit3A_1453 : i32 to vector<256x128xi32>
    %select_n3A_1455 = arith.select %lt3A_1444, %broadcast_in_dim3A_1454, %select_n3A_1436 : vector<256x128xi1>, vector<256x128xi32>
    %select_n3A_1456 = arith.select %lt3A_1443, %select_n3A_1430, %select_n3A_1455 : vector<256x128xi1>, vector<256x128xi32>
    %min3A_1457 = arith.minimumf %min3A_1437, %slice3A_1441 : vector<256x128xf32>
    %jit3A_1458 = arith.constant 2 : i32
    %broadcast_in_dim3A_1459 = vector.broadcast %jit3A_1458 : i32 to vector<256x128xi32>
    %select_n3A_1460 = arith.select %lt3A_1442, %broadcast_in_dim3A_1459, %select_n3A_1440 : vector<256x128xi1>, vector<256x128xi32>
    %slice3A_1461 = vector.extract_strided_slice %max3A_1396 {offsets = [0, 384], sizes = [256, 128], strides = [1, 1]} : vector<256x4096xf32> to vector<256x128xf32>
    %lt3A_1462 = arith.cmpf olt, %slice3A_1461, %min3A_1457 : vector<256x128xf32>
    %lt3A_1463 = arith.cmpf olt, %slice3A_1461, %select_n3A_1446 : vector<256x128xf32>
    %lt3A_1464 = arith.cmpf olt, %slice3A_1461, %select_n3A_1452 : vector<256x128xf32>
    %select_n3A_1465 = arith.select %lt3A_1463, %slice3A_1461, %select_n3A_1446 : vector<256x128xi1>, vector<256x128xf32>
    %select_n3A_1466 = arith.select %lt3A_1462, %min3A_1457, %select_n3A_1465 : vector<256x128xi1>, vector<256x128xf32>
    %jit3A_1467 = arith.constant 3 : i32
    %broadcast_in_dim3A_1468 = vector.broadcast %jit3A_1467 : i32 to vector<256x128xi32>
    %select_n3A_1469 = arith.select %lt3A_1463, %broadcast_in_dim3A_1468, %select_n3A_1450 : vector<256x128xi1>, vector<256x128xi32>
    %select_n3A_1470 = arith.select %lt3A_1462, %select_n3A_1460, %select_n3A_1469 : vector<256x128xi1>, vector<256x128xi32>
    %select_n3A_1471 = arith.select %lt3A_1464, %slice3A_1461, %select_n3A_1452 : vector<256x128xi1>, vector<256x128xf32>
    %select_n3A_1472 = arith.select %lt3A_1463, %select_n3A_1446, %select_n3A_1471 : vector<256x128xi1>, vector<256x128xf32>
    %jit3A_1473 = arith.constant 3 : i32
    %broadcast_in_dim3A_1474 = vector.broadcast %jit3A_1473 : i32 to vector<256x128xi32>
    %select_n3A_1475 = arith.select %lt3A_1464, %broadcast_in_dim3A_1474, %select_n3A_1456 : vector<256x128xi1>, vector<256x128xi32>
    %select_n3A_1476 = arith.select %lt3A_1463, %select_n3A_1450, %select_n3A_1475 : vector<256x128xi1>, vector<256x128xi32>
    %min3A_1477 = arith.minimumf %min3A_1457, %slice3A_1461 : vector<256x128xf32>
    %jit3A_1478 = arith.constant 3 : i32
    %broadcast_in_dim3A_1479 = vector.broadcast %jit3A_1478 : i32 to vector<256x128xi32>
    %select_n3A_1480 = arith.select %lt3A_1462, %broadcast_in_dim3A_1479, %select_n3A_1460 : vector<256x128xi1>, vector<256x128xi32>
    %slice3A_1481 = vector.extract_strided_slice %max3A_1396 {offsets = [0, 512], sizes = [256, 128], strides = [1, 1]} : vector<256x4096xf32> to vector<256x128xf32>
    %lt3A_1482 = arith.cmpf olt, %slice3A_1481, %min3A_1477 : vector<256x128xf32>
    %lt3A_1483 = arith.cmpf olt, %slice3A_1481, %select_n3A_1466 : vector<256x128xf32>
    %lt3A_1484 = arith.cmpf olt, %slice3A_1481, %select_n3A_1472 : vector<256x128xf32>
    %select_n3A_1485 = arith.select %lt3A_1483, %slice3A_1481, %select_n3A_1466 : vector<256x128xi1>, vector<256x128xf32>
    %select_n3A_1486 = arith.select %lt3A_1482, %min3A_1477, %select_n3A_1485 : vector<256x128xi1>, vector<256x128xf32>
    %jit3A_1487 = arith.constant 4 : i32
    %broadcast_in_dim3A_1488 = vector.broadcast %jit3A_1487 : i32 to vector<256x128xi32>
    %select_n3A_1489 = arith.select %lt3A_1483, %broadcast_in_dim3A_1488, %select_n3A_1470 : vector<256x128xi1>, vector<256x128xi32>
    %select_n3A_1490 = arith.select %lt3A_1482, %select_n3A_1480, %select_n3A_1489 : vector<256x128xi1>, vector<256x128xi32>
    %select_n3A_1491 = arith.select %lt3A_1484, %slice3A_1481, %select_n3A_1472 : vector<256x128xi1>, vector<256x128xf32>
    %select_n3A_1492 = arith.select %lt3A_1483, %select_n3A_1466, %select_n3A_1491 : vector<256x128xi1>, vector<256x128xf32>
    %jit3A_1493 = arith.constant 4 : i32
    %broadcast_in_dim3A_1494 = vector.broadcast %jit3A_1493 : i32 to vector<256x128xi32>
    %select_n3A_1495 = arith.select %lt3A_1484, %broadcast_in_dim3A_1494, %select_n3A_1476 : vector<256x128xi1>, vector<256x128xi32>
    %select_n3A_1496 = arith.select %lt3A_1483, %select_n3A_1470, %select_n3A_1495 : vector<256x128xi1>, vector<256x128xi32>
    %min3A_1497 = arith.minimumf %min3A_1477, %slice3A_1481 : vector<256x128xf32>
    %jit3A_1498 = arith.constant 4 : i32
    %broadcast_in_dim3A_1499 = vector.broadcast %jit3A_1498 : i32 to vector<256x128xi32>
    %select_n3A_1500 = arith.select %lt3A_1482, %broadcast_in_dim3A_1499, %select_n3A_1480 : vector<256x128xi1>, vector<256x128xi32>
    %slice3A_1501 = vector.extract_strided_slice %max3A_1396 {offsets = [0, 640], sizes = [256, 128], strides = [1, 1]} : vector<256x4096xf32> to vector<256x128xf32>
    %lt3A_1502 = arith.cmpf olt, %slice3A_1501, %min3A_1497 : vector<256x128xf32>
    %lt3A_1503 = arith.cmpf olt, %slice3A_1501, %select_n3A_1486 : vector<256x128xf32>
    %lt3A_1504 = arith.cmpf olt, %slice3A_1501, %select_n3A_1492 : vector<256x128xf32>
    %select_n3A_1505 = arith.select %lt3A_1503, %slice3A_1501, %select_n3A_1486 : vector<256x128xi1>, vector<256x128xf32>
    %select_n3A_1506 = arith.select %lt3A_1502, %min3A_1497, %select_n3A_1505 : vector<256x128xi1>, vector<256x128xf32>
    %jit3A_1507 = arith.constant 5 : i32
    %broadcast_in_dim3A_1508 = vector.broadcast %jit3A_1507 : i32 to vector<256x128xi32>
    %select_n3A_1509 = arith.select %lt3A_1503, %broadcast_in_dim3A_1508, %select_n3A_1490 : vector<256x128xi1>, vector<256x128xi32>
    %select_n3A_1510 = arith.select %lt3A_1502, %select_n3A_1500, %select_n3A_1509 : vector<256x128xi1>, vector<256x128xi32>
    %select_n3A_1511 = arith.select %lt3A_1504, %slice3A_1501, %select_n3A_1492 : vector<256x128xi1>, vector<256x128xf32>
    %select_n3A_1512 = arith.select %lt3A_1503, %select_n3A_1486, %select_n3A_1511 : vector<256x128xi1>, vector<256x128xf32>
    %jit3A_1513 = arith.constant 5 : i32
    %broadcast_in_dim3A_1514 = vector.broadcast %jit3A_1513 : i32 to vector<256x128xi32>
    %select_n3A_1515 = arith.select %lt3A_1504, %broadcast_in_dim3A_1514, %select_n3A_1496 : vector<256x128xi1>, vector<256x128xi32>
    %select_n3A_1516 = arith.select %lt3A_1503, %select_n3A_1490, %select_n3A_1515 : vector<256x128xi1>, vector<256x128xi32>
    %min3A_1517 = arith.minimumf %min3A_1497, %slice3A_1501 : vector<256x128xf32>
    %jit3A_1518 = arith.constant 5 : i32
    %broadcast_in_dim3A_1519 = vector.broadcast %jit3A_1518 : i32 to vector<256x128xi32>
    %select_n3A_1520 = arith.select %lt3A_1502, %broadcast_in_dim3A_1519, %select_n3A_1500 : vector<256x128xi1>, vector<256x128xi32>
    %slice3A_1521 = vector.extract_strided_slice %max3A_1396 {offsets = [0, 768], sizes = [256, 128], strides = [1, 1]} : vector<256x4096xf32> to vector<256x128xf32>
    %lt3A_1522 = arith.cmpf olt, %slice3A_1521, %min3A_1517 : vector<256x128xf32>
    %lt3A_1523 = arith.cmpf olt, %slice3A_1521, %select_n3A_1506 : vector<256x128xf32>
    %lt3A_1524 = arith.cmpf olt, %slice3A_1521, %select_n3A_1512 : vector<256x128xf32>
    %select_n3A_1525 = arith.select %lt3A_1523, %slice3A_1521, %select_n3A_1506 : vector<256x128xi1>, vector<256x128xf32>
    %select_n3A_1526 = arith.select %lt3A_1522, %min3A_1517, %select_n3A_1525 : vector<256x128xi1>, vector<256x128xf32>
    %jit3A_1527 = arith.constant 6 : i32
    %broadcast_in_dim3A_1528 = vector.broadcast %jit3A_1527 : i32 to vector<256x128xi32>
    %select_n3A_1529 = arith.select %lt3A_1523, %broadcast_in_dim3A_1528, %select_n3A_1510 : vector<256x128xi1>, vector<256x128xi32>
    %select_n3A_1530 = arith.select %lt3A_1522, %select_n3A_1520, %select_n3A_1529 : vector<256x128xi1>, vector<256x128xi32>
    %select_n3A_1531 = arith.select %lt3A_1524, %slice3A_1521, %select_n3A_1512 : vector<256x128xi1>, vector<256x128xf32>
    %select_n3A_1532 = arith.select %lt3A_1523, %select_n3A_1506, %select_n3A_1531 : vector<256x128xi1>, vector<256x128xf32>
    %jit3A_1533 = arith.constant 6 : i32
    %broadcast_in_dim3A_1534 = vector.broadcast %jit3A_1533 : i32 to vector<256x128xi32>
    %select_n3A_1535 = arith.select %lt3A_1524, %broadcast_in_dim3A_1534, %select_n3A_1516 : vector<256x128xi1>, vector<256x128xi32>
    %select_n3A_1536 = arith.select %lt3A_1523, %select_n3A_1510, %select_n3A_1535 : vector<256x128xi1>, vector<256x128xi32>
    %min3A_1537 = arith.minimumf %min3A_1517, %slice3A_1521 : vector<256x128xf32>
    %jit3A_1538 = arith.constant 6 : i32
    %broadcast_in_dim3A_1539 = vector.broadcast %jit3A_1538 : i32 to vector<256x128xi32>
    %select_n3A_1540 = arith.select %lt3A_1522, %broadcast_in_dim3A_1539, %select_n3A_1520 : vector<256x128xi1>, vector<256x128xi32>
    %slice3A_1541 = vector.extract_strided_slice %max3A_1396 {offsets = [0, 896], sizes = [256, 128], strides = [1, 1]} : vector<256x4096xf32> to vector<256x128xf32>
    %lt3A_1542 = arith.cmpf olt, %slice3A_1541, %min3A_1537 : vector<256x128xf32>
    %lt3A_1543 = arith.cmpf olt, %slice3A_1541, %select_n3A_1526 : vector<256x128xf32>
    %lt3A_1544 = arith.cmpf olt, %slice3A_1541, %select_n3A_1532 : vector<256x128xf32>
    %select_n3A_1545 = arith.select %lt3A_1543, %slice3A_1541, %select_n3A_1526 : vector<256x128xi1>, vector<256x128xf32>
    %select_n3A_1546 = arith.select %lt3A_1542, %min3A_1537, %select_n3A_1545 : vector<256x128xi1>, vector<256x128xf32>
    %jit3A_1547 = arith.constant 7 : i32
    %broadcast_in_dim3A_1548 = vector.broadcast %jit3A_1547 : i32 to vector<256x128xi32>
    %select_n3A_1549 = arith.select %lt3A_1543, %broadcast_in_dim3A_1548, %select_n3A_1530 : vector<256x128xi1>, vector<256x128xi32>
    %select_n3A_1550 = arith.select %lt3A_1542, %select_n3A_1540, %select_n3A_1549 : vector<256x128xi1>, vector<256x128xi32>
    %select_n3A_1551 = arith.select %lt3A_1544, %slice3A_1541, %select_n3A_1532 : vector<256x128xi1>, vector<256x128xf32>
    %select_n3A_1552 = arith.select %lt3A_1543, %select_n3A_1526, %select_n3A_1551 : vector<256x128xi1>, vector<256x128xf32>
    %jit3A_1553 = arith.constant 7 : i32
    %broadcast_in_dim3A_1554 = vector.broadcast %jit3A_1553 : i32 to vector<256x128xi32>
    %select_n3A_1555 = arith.select %lt3A_1544, %broadcast_in_dim3A_1554, %select_n3A_1536 : vector<256x128xi1>, vector<256x128xi32>
    %select_n3A_1556 = arith.select %lt3A_1543, %select_n3A_1530, %select_n3A_1555 : vector<256x128xi1>, vector<256x128xi32>
    %min3A_1557 = arith.minimumf %min3A_1537, %slice3A_1541 : vector<256x128xf32>
    %jit3A_1558 = arith.constant 7 : i32
    %broadcast_in_dim3A_1559 = vector.broadcast %jit3A_1558 : i32 to vector<256x128xi32>
    %select_n3A_1560 = arith.select %lt3A_1542, %broadcast_in_dim3A_1559, %select_n3A_1540 : vector<256x128xi1>, vector<256x128xi32>
    %slice3A_1561 = vector.extract_strided_slice %max3A_1396 {offsets = [0, 1024], sizes = [256, 128], strides = [1, 1]} : vector<256x4096xf32> to vector<256x128xf32>
    %lt3A_1562 = arith.cmpf olt, %slice3A_1561, %min3A_1557 : vector<256x128xf32>
    %lt3A_1563 = arith.cmpf olt, %slice3A_1561, %select_n3A_1546 : vector<256x128xf32>
    %lt3A_1564 = arith.cmpf olt, %slice3A_1561, %select_n3A_1552 : vector<256x128xf32>
    %select_n3A_1565 = arith.select %lt3A_1563, %slice3A_1561, %select_n3A_1546 : vector<256x128xi1>, vector<256x128xf32>
    %select_n3A_1566 = arith.select %lt3A_1562, %min3A_1557, %select_n3A_1565 : vector<256x128xi1>, vector<256x128xf32>
    %jit3A_1567 = arith.constant 8 : i32
    %broadcast_in_dim3A_1568 = vector.broadcast %jit3A_1567 : i32 to vector<256x128xi32>
    %select_n3A_1569 = arith.select %lt3A_1563, %broadcast_in_dim3A_1568, %select_n3A_1550 : vector<256x128xi1>, vector<256x128xi32>
    %select_n3A_1570 = arith.select %lt3A_1562, %select_n3A_1560, %select_n3A_1569 : vector<256x128xi1>, vector<256x128xi32>
    %select_n3A_1571 = arith.select %lt3A_1564, %slice3A_1561, %select_n3A_1552 : vector<256x128xi1>, vector<256x128xf32>
    %select_n3A_1572 = arith.select %lt3A_1563, %select_n3A_1546, %select_n3A_1571 : vector<256x128xi1>, vector<256x128xf32>
    %jit3A_1573 = arith.constant 8 : i32
    %broadcast_in_dim3A_1574 = vector.broadcast %jit3A_1573 : i32 to vector<256x128xi32>
    %select_n3A_1575 = arith.select %lt3A_1564, %broadcast_in_dim3A_1574, %select_n3A_1556 : vector<256x128xi1>, vector<256x128xi32>
    %select_n3A_1576 = arith.select %lt3A_1563, %select_n3A_1550, %select_n3A_1575 : vector<256x128xi1>, vector<256x128xi32>
    %min3A_1577 = arith.minimumf %min3A_1557, %slice3A_1561 : vector<256x128xf32>
    %jit3A_1578 = arith.constant 8 : i32
    %broadcast_in_dim3A_1579 = vector.broadcast %jit3A_1578 : i32 to vector<256x128xi32>
    %select_n3A_1580 = arith.select %lt3A_1562, %broadcast_in_dim3A_1579, %select_n3A_1560 : vector<256x128xi1>, vector<256x128xi32>
    %slice3A_1581 = vector.extract_strided_slice %max3A_1396 {offsets = [0, 1152], sizes = [256, 128], strides = [1, 1]} : vector<256x4096xf32> to vector<256x128xf32>
    %lt3A_1582 = arith.cmpf olt, %slice3A_1581, %min3A_1577 : vector<256x128xf32>
    %lt3A_1583 = arith.cmpf olt, %slice3A_1581, %select_n3A_1566 : vector<256x128xf32>
    %lt3A_1584 = arith.cmpf olt, %slice3A_1581, %select_n3A_1572 : vector<256x128xf32>
    %select_n3A_1585 = arith.select %lt3A_1583, %slice3A_1581, %select_n3A_1566 : vector<256x128xi1>, vector<256x128xf32>
    %select_n3A_1586 = arith.select %lt3A_1582, %min3A_1577, %select_n3A_1585 : vector<256x128xi1>, vector<256x128xf32>
    %jit3A_1587 = arith.constant 9 : i32
    %broadcast_in_dim3A_1588 = vector.broadcast %jit3A_1587 : i32 to vector<256x128xi32>
    %select_n3A_1589 = arith.select %lt3A_1583, %broadcast_in_dim3A_1588, %select_n3A_1570 : vector<256x128xi1>, vector<256x128xi32>
    %select_n3A_1590 = arith.select %lt3A_1582, %select_n3A_1580, %select_n3A_1589 : vector<256x128xi1>, vector<256x128xi32>
    %select_n3A_1591 = arith.select %lt3A_1584, %slice3A_1581, %select_n3A_1572 : vector<256x128xi1>, vector<256x128xf32>
    %select_n3A_1592 = arith.select %lt3A_1583, %select_n3A_1566, %select_n3A_1591 : vector<256x128xi1>, vector<256x128xf32>
    %jit3A_1593 = arith.constant 9 : i32
    %broadcast_in_dim3A_1594 = vector.broadcast %jit3A_1593 : i32 to vector<256x128xi32>
    %select_n3A_1595 = arith.select %lt3A_1584, %broadcast_in_dim3A_1594, %select_n3A_1576 : vector<256x128xi1>, vector<256x128xi32>
    %select_n3A_1596 = arith.select %lt3A_1583, %select_n3A_1570, %select_n3A_1595 : vector<256x128xi1>, vector<256x128xi32>
    %min3A_1597 = arith.minimumf %min3A_1577, %slice3A_1581 : vector<256x128xf32>
    %jit3A_1598 = arith.constant 9 : i32
    %broadcast_in_dim3A_1599 = vector.broadcast %jit3A_1598 : i32 to vector<256x128xi32>
    %select_n3A_1600 = arith.select %lt3A_1582, %broadcast_in_dim3A_1599, %select_n3A_1580 : vector<256x128xi1>, vector<256x128xi32>
    %slice3A_1601 = vector.extract_strided_slice %max3A_1396 {offsets = [0, 1280], sizes = [256, 128], strides = [1, 1]} : vector<256x4096xf32> to vector<256x128xf32>
    %lt3A_1602 = arith.cmpf olt, %slice3A_1601, %min3A_1597 : vector<256x128xf32>
    %lt3A_1603 = arith.cmpf olt, %slice3A_1601, %select_n3A_1586 : vector<256x128xf32>
    %lt3A_1604 = arith.cmpf olt, %slice3A_1601, %select_n3A_1592 : vector<256x128xf32>
    %select_n3A_1605 = arith.select %lt3A_1603, %slice3A_1601, %select_n3A_1586 : vector<256x128xi1>, vector<256x128xf32>
    %select_n3A_1606 = arith.select %lt3A_1602, %min3A_1597, %select_n3A_1605 : vector<256x128xi1>, vector<256x128xf32>
    %jit3A_1607 = arith.constant 10 : i32
    %broadcast_in_dim3A_1608 = vector.broadcast %jit3A_1607 : i32 to vector<256x128xi32>
    %select_n3A_1609 = arith.select %lt3A_1603, %broadcast_in_dim3A_1608, %select_n3A_1590 : vector<256x128xi1>, vector<256x128xi32>
    %select_n3A_1610 = arith.select %lt3A_1602, %select_n3A_1600, %select_n3A_1609 : vector<256x128xi1>, vector<256x128xi32>
    %select_n3A_1611 = arith.select %lt3A_1604, %slice3A_1601, %select_n3A_1592 : vector<256x128xi1>, vector<256x128xf32>
    %select_n3A_1612 = arith.select %lt3A_1603, %select_n3A_1586, %select_n3A_1611 : vector<256x128xi1>, vector<256x128xf32>
    %jit3A_1613 = arith.constant 10 : i32
    %broadcast_in_dim3A_1614 = vector.broadcast %jit3A_1613 : i32 to vector<256x128xi32>
    %select_n3A_1615 = arith.select %lt3A_1604, %broadcast_in_dim3A_1614, %select_n3A_1596 : vector<256x128xi1>, vector<256x128xi32>
    %select_n3A_1616 = arith.select %lt3A_1603, %select_n3A_1590, %select_n3A_1615 : vector<256x128xi1>, vector<256x128xi32>
    %min3A_1617 = arith.minimumf %min3A_1597, %slice3A_1601 : vector<256x128xf32>
    %jit3A_1618 = arith.constant 10 : i32
    %broadcast_in_dim3A_1619 = vector.broadcast %jit3A_1618 : i32 to vector<256x128xi32>
    %select_n3A_1620 = arith.select %lt3A_1602, %broadcast_in_dim3A_1619, %select_n3A_1600 : vector<256x128xi1>, vector<256x128xi32>
    %slice3A_1621 = vector.extract_strided_slice %max3A_1396 {offsets = [0, 1408], sizes = [256, 128], strides = [1, 1]} : vector<256x4096xf32> to vector<256x128xf32>
    %lt3A_1622 = arith.cmpf olt, %slice3A_1621, %min3A_1617 : vector<256x128xf32>
    %lt3A_1623 = arith.cmpf olt, %slice3A_1621, %select_n3A_1606 : vector<256x128xf32>
    %lt3A_1624 = arith.cmpf olt, %slice3A_1621, %select_n3A_1612 : vector<256x128xf32>
    %select_n3A_1625 = arith.select %lt3A_1623, %slice3A_1621, %select_n3A_1606 : vector<256x128xi1>, vector<256x128xf32>
    %select_n3A_1626 = arith.select %lt3A_1622, %min3A_1617, %select_n3A_1625 : vector<256x128xi1>, vector<256x128xf32>
    %jit3A_1627 = arith.constant 11 : i32
    %broadcast_in_dim3A_1628 = vector.broadcast %jit3A_1627 : i32 to vector<256x128xi32>
    %select_n3A_1629 = arith.select %lt3A_1623, %broadcast_in_dim3A_1628, %select_n3A_1610 : vector<256x128xi1>, vector<256x128xi32>
    %select_n3A_1630 = arith.select %lt3A_1622, %select_n3A_1620, %select_n3A_1629 : vector<256x128xi1>, vector<256x128xi32>
    %select_n3A_1631 = arith.select %lt3A_1624, %slice3A_1621, %select_n3A_1612 : vector<256x128xi1>, vector<256x128xf32>
    %select_n3A_1632 = arith.select %lt3A_1623, %select_n3A_1606, %select_n3A_1631 : vector<256x128xi1>, vector<256x128xf32>
    %jit3A_1633 = arith.constant 11 : i32
    %broadcast_in_dim3A_1634 = vector.broadcast %jit3A_1633 : i32 to vector<256x128xi32>
    %select_n3A_1635 = arith.select %lt3A_1624, %broadcast_in_dim3A_1634, %select_n3A_1616 : vector<256x128xi1>, vector<256x128xi32>
    %select_n3A_1636 = arith.select %lt3A_1623, %select_n3A_1610, %select_n3A_1635 : vector<256x128xi1>, vector<256x128xi32>
    %min3A_1637 = arith.minimumf %min3A_1617, %slice3A_1621 : vector<256x128xf32>
    %jit3A_1638 = arith.constant 11 : i32
    %broadcast_in_dim3A_1639 = vector.broadcast %jit3A_1638 : i32 to vector<256x128xi32>
    %select_n3A_1640 = arith.select %lt3A_1622, %broadcast_in_dim3A_1639, %select_n3A_1620 : vector<256x128xi1>, vector<256x128xi32>
    %slice3A_1641 = vector.extract_strided_slice %max3A_1396 {offsets = [0, 1536], sizes = [256, 128], strides = [1, 1]} : vector<256x4096xf32> to vector<256x128xf32>
    %lt3A_1642 = arith.cmpf olt, %slice3A_1641, %min3A_1637 : vector<256x128xf32>
    %lt3A_1643 = arith.cmpf olt, %slice3A_1641, %select_n3A_1626 : vector<256x128xf32>
    %lt3A_1644 = arith.cmpf olt, %slice3A_1641, %select_n3A_1632 : vector<256x128xf32>
    %select_n3A_1645 = arith.select %lt3A_1643, %slice3A_1641, %select_n3A_1626 : vector<256x128xi1>, vector<256x128xf32>
    %select_n3A_1646 = arith.select %lt3A_1642, %min3A_1637, %select_n3A_1645 : vector<256x128xi1>, vector<256x128xf32>
    %jit3A_1647 = arith.constant 12 : i32
    %broadcast_in_dim3A_1648 = vector.broadcast %jit3A_1647 : i32 to vector<256x128xi32>
    %select_n3A_1649 = arith.select %lt3A_1643, %broadcast_in_dim3A_1648, %select_n3A_1630 : vector<256x128xi1>, vector<256x128xi32>
    %select_n3A_1650 = arith.select %lt3A_1642, %select_n3A_1640, %select_n3A_1649 : vector<256x128xi1>, vector<256x128xi32>
    %select_n3A_1651 = arith.select %lt3A_1644, %slice3A_1641, %select_n3A_1632 : vector<256x128xi1>, vector<256x128xf32>
    %select_n3A_1652 = arith.select %lt3A_1643, %select_n3A_1626, %select_n3A_1651 : vector<256x128xi1>, vector<256x128xf32>
    %jit3A_1653 = arith.constant 12 : i32
    %broadcast_in_dim3A_1654 = vector.broadcast %jit3A_1653 : i32 to vector<256x128xi32>
    %select_n3A_1655 = arith.select %lt3A_1644, %broadcast_in_dim3A_1654, %select_n3A_1636 : vector<256x128xi1>, vector<256x128xi32>
    %select_n3A_1656 = arith.select %lt3A_1643, %select_n3A_1630, %select_n3A_1655 : vector<256x128xi1>, vector<256x128xi32>
    %min3A_1657 = arith.minimumf %min3A_1637, %slice3A_1641 : vector<256x128xf32>
    %jit3A_1658 = arith.constant 12 : i32
    %broadcast_in_dim3A_1659 = vector.broadcast %jit3A_1658 : i32 to vector<256x128xi32>
    %select_n3A_1660 = arith.select %lt3A_1642, %broadcast_in_dim3A_1659, %select_n3A_1640 : vector<256x128xi1>, vector<256x128xi32>
    %slice3A_1661 = vector.extract_strided_slice %max3A_1396 {offsets = [0, 1664], sizes = [256, 128], strides = [1, 1]} : vector<256x4096xf32> to vector<256x128xf32>
    %lt3A_1662 = arith.cmpf olt, %slice3A_1661, %min3A_1657 : vector<256x128xf32>
    %lt3A_1663 = arith.cmpf olt, %slice3A_1661, %select_n3A_1646 : vector<256x128xf32>
    %lt3A_1664 = arith.cmpf olt, %slice3A_1661, %select_n3A_1652 : vector<256x128xf32>
    %select_n3A_1665 = arith.select %lt3A_1663, %slice3A_1661, %select_n3A_1646 : vector<256x128xi1>, vector<256x128xf32>
    %select_n3A_1666 = arith.select %lt3A_1662, %min3A_1657, %select_n3A_1665 : vector<256x128xi1>, vector<256x128xf32>
    %jit3A_1667 = arith.constant 13 : i32
    %broadcast_in_dim3A_1668 = vector.broadcast %jit3A_1667 : i32 to vector<256x128xi32>
    %select_n3A_1669 = arith.select %lt3A_1663, %broadcast_in_dim3A_1668, %select_n3A_1650 : vector<256x128xi1>, vector<256x128xi32>
    %select_n3A_1670 = arith.select %lt3A_1662, %select_n3A_1660, %select_n3A_1669 : vector<256x128xi1>, vector<256x128xi32>
    %select_n3A_1671 = arith.select %lt3A_1664, %slice3A_1661, %select_n3A_1652 : vector<256x128xi1>, vector<256x128xf32>
    %select_n3A_1672 = arith.select %lt3A_1663, %select_n3A_1646, %select_n3A_1671 : vector<256x128xi1>, vector<256x128xf32>
    %jit3A_1673 = arith.constant 13 : i32
    %broadcast_in_dim3A_1674 = vector.broadcast %jit3A_1673 : i32 to vector<256x128xi32>
    %select_n3A_1675 = arith.select %lt3A_1664, %broadcast_in_dim3A_1674, %select_n3A_1656 : vector<256x128xi1>, vector<256x128xi32>
    %select_n3A_1676 = arith.select %lt3A_1663, %select_n3A_1650, %select_n3A_1675 : vector<256x128xi1>, vector<256x128xi32>
    %min3A_1677 = arith.minimumf %min3A_1657, %slice3A_1661 : vector<256x128xf32>
    %jit3A_1678 = arith.constant 13 : i32
    %broadcast_in_dim3A_1679 = vector.broadcast %jit3A_1678 : i32 to vector<256x128xi32>
    %select_n3A_1680 = arith.select %lt3A_1662, %broadcast_in_dim3A_1679, %select_n3A_1660 : vector<256x128xi1>, vector<256x128xi32>
    %slice3A_1681 = vector.extract_strided_slice %max3A_1396 {offsets = [0, 1792], sizes = [256, 128], strides = [1, 1]} : vector<256x4096xf32> to vector<256x128xf32>
    %lt3A_1682 = arith.cmpf olt, %slice3A_1681, %min3A_1677 : vector<256x128xf32>
    %lt3A_1683 = arith.cmpf olt, %slice3A_1681, %select_n3A_1666 : vector<256x128xf32>
    %lt3A_1684 = arith.cmpf olt, %slice3A_1681, %select_n3A_1672 : vector<256x128xf32>
    %select_n3A_1685 = arith.select %lt3A_1683, %slice3A_1681, %select_n3A_1666 : vector<256x128xi1>, vector<256x128xf32>
    %select_n3A_1686 = arith.select %lt3A_1682, %min3A_1677, %select_n3A_1685 : vector<256x128xi1>, vector<256x128xf32>
    %jit3A_1687 = arith.constant 14 : i32
    %broadcast_in_dim3A_1688 = vector.broadcast %jit3A_1687 : i32 to vector<256x128xi32>
    %select_n3A_1689 = arith.select %lt3A_1683, %broadcast_in_dim3A_1688, %select_n3A_1670 : vector<256x128xi1>, vector<256x128xi32>
    %select_n3A_1690 = arith.select %lt3A_1682, %select_n3A_1680, %select_n3A_1689 : vector<256x128xi1>, vector<256x128xi32>
    %select_n3A_1691 = arith.select %lt3A_1684, %slice3A_1681, %select_n3A_1672 : vector<256x128xi1>, vector<256x128xf32>
    %select_n3A_1692 = arith.select %lt3A_1683, %select_n3A_1666, %select_n3A_1691 : vector<256x128xi1>, vector<256x128xf32>
    %jit3A_1693 = arith.constant 14 : i32
    %broadcast_in_dim3A_1694 = vector.broadcast %jit3A_1693 : i32 to vector<256x128xi32>
    %select_n3A_1695 = arith.select %lt3A_1684, %broadcast_in_dim3A_1694, %select_n3A_1676 : vector<256x128xi1>, vector<256x128xi32>
    %select_n3A_1696 = arith.select %lt3A_1683, %select_n3A_1670, %select_n3A_1695 : vector<256x128xi1>, vector<256x128xi32>
    %min3A_1697 = arith.minimumf %min3A_1677, %slice3A_1681 : vector<256x128xf32>
    %jit3A_1698 = arith.constant 14 : i32
    %broadcast_in_dim3A_1699 = vector.broadcast %jit3A_1698 : i32 to vector<256x128xi32>
    %select_n3A_1700 = arith.select %lt3A_1682, %broadcast_in_dim3A_1699, %select_n3A_1680 : vector<256x128xi1>, vector<256x128xi32>
    %slice3A_1701 = vector.extract_strided_slice %max3A_1396 {offsets = [0, 1920], sizes = [256, 128], strides = [1, 1]} : vector<256x4096xf32> to vector<256x128xf32>
    %lt3A_1702 = arith.cmpf olt, %slice3A_1701, %min3A_1697 : vector<256x128xf32>
    %lt3A_1703 = arith.cmpf olt, %slice3A_1701, %select_n3A_1686 : vector<256x128xf32>
    %lt3A_1704 = arith.cmpf olt, %slice3A_1701, %select_n3A_1692 : vector<256x128xf32>
    %select_n3A_1705 = arith.select %lt3A_1703, %slice3A_1701, %select_n3A_1686 : vector<256x128xi1>, vector<256x128xf32>
    %select_n3A_1706 = arith.select %lt3A_1702, %min3A_1697, %select_n3A_1705 : vector<256x128xi1>, vector<256x128xf32>
    %jit3A_1707 = arith.constant 15 : i32
    %broadcast_in_dim3A_1708 = vector.broadcast %jit3A_1707 : i32 to vector<256x128xi32>
    %select_n3A_1709 = arith.select %lt3A_1703, %broadcast_in_dim3A_1708, %select_n3A_1690 : vector<256x128xi1>, vector<256x128xi32>
    %select_n3A_1710 = arith.select %lt3A_1702, %select_n3A_1700, %select_n3A_1709 : vector<256x128xi1>, vector<256x128xi32>
    %select_n3A_1711 = arith.select %lt3A_1704, %slice3A_1701, %select_n3A_1692 : vector<256x128xi1>, vector<256x128xf32>
    %select_n3A_1712 = arith.select %lt3A_1703, %select_n3A_1686, %select_n3A_1711 : vector<256x128xi1>, vector<256x128xf32>
    %jit3A_1713 = arith.constant 15 : i32
    %broadcast_in_dim3A_1714 = vector.broadcast %jit3A_1713 : i32 to vector<256x128xi32>
    %select_n3A_1715 = arith.select %lt3A_1704, %broadcast_in_dim3A_1714, %select_n3A_1696 : vector<256x128xi1>, vector<256x128xi32>
    %select_n3A_1716 = arith.select %lt3A_1703, %select_n3A_1690, %select_n3A_1715 : vector<256x128xi1>, vector<256x128xi32>
    %min3A_1717 = arith.minimumf %min3A_1697, %slice3A_1701 : vector<256x128xf32>
    %jit3A_1718 = arith.constant 15 : i32
    %broadcast_in_dim3A_1719 = vector.broadcast %jit3A_1718 : i32 to vector<256x128xi32>
    %select_n3A_1720 = arith.select %lt3A_1702, %broadcast_in_dim3A_1719, %select_n3A_1700 : vector<256x128xi1>, vector<256x128xi32>
    %slice3A_1721 = vector.extract_strided_slice %max3A_1396 {offsets = [0, 2048], sizes = [256, 128], strides = [1, 1]} : vector<256x4096xf32> to vector<256x128xf32>
    %lt3A_1722 = arith.cmpf olt, %slice3A_1721, %min3A_1717 : vector<256x128xf32>
    %lt3A_1723 = arith.cmpf olt, %slice3A_1721, %select_n3A_1706 : vector<256x128xf32>
    %lt3A_1724 = arith.cmpf olt, %slice3A_1721, %select_n3A_1712 : vector<256x128xf32>
    %select_n3A_1725 = arith.select %lt3A_1723, %slice3A_1721, %select_n3A_1706 : vector<256x128xi1>, vector<256x128xf32>
    %select_n3A_1726 = arith.select %lt3A_1722, %min3A_1717, %select_n3A_1725 : vector<256x128xi1>, vector<256x128xf32>
    %jit3A_1727 = arith.constant 16 : i32
    %broadcast_in_dim3A_1728 = vector.broadcast %jit3A_1727 : i32 to vector<256x128xi32>
    %select_n3A_1729 = arith.select %lt3A_1723, %broadcast_in_dim3A_1728, %select_n3A_1710 : vector<256x128xi1>, vector<256x128xi32>
    %select_n3A_1730 = arith.select %lt3A_1722, %select_n3A_1720, %select_n3A_1729 : vector<256x128xi1>, vector<256x128xi32>
    %select_n3A_1731 = arith.select %lt3A_1724, %slice3A_1721, %select_n3A_1712 : vector<256x128xi1>, vector<256x128xf32>
    %select_n3A_1732 = arith.select %lt3A_1723, %select_n3A_1706, %select_n3A_1731 : vector<256x128xi1>, vector<256x128xf32>
    %jit3A_1733 = arith.constant 16 : i32
    %broadcast_in_dim3A_1734 = vector.broadcast %jit3A_1733 : i32 to vector<256x128xi32>
    %select_n3A_1735 = arith.select %lt3A_1724, %broadcast_in_dim3A_1734, %select_n3A_1716 : vector<256x128xi1>, vector<256x128xi32>
    %select_n3A_1736 = arith.select %lt3A_1723, %select_n3A_1710, %select_n3A_1735 : vector<256x128xi1>, vector<256x128xi32>
    %min3A_1737 = arith.minimumf %min3A_1717, %slice3A_1721 : vector<256x128xf32>
    %jit3A_1738 = arith.constant 16 : i32
    %broadcast_in_dim3A_1739 = vector.broadcast %jit3A_1738 : i32 to vector<256x128xi32>
    %select_n3A_1740 = arith.select %lt3A_1722, %broadcast_in_dim3A_1739, %select_n3A_1720 : vector<256x128xi1>, vector<256x128xi32>
    %slice3A_1741 = vector.extract_strided_slice %max3A_1396 {offsets = [0, 2176], sizes = [256, 128], strides = [1, 1]} : vector<256x4096xf32> to vector<256x128xf32>
    %lt3A_1742 = arith.cmpf olt, %slice3A_1741, %min3A_1737 : vector<256x128xf32>
    %lt3A_1743 = arith.cmpf olt, %slice3A_1741, %select_n3A_1726 : vector<256x128xf32>
    %lt3A_1744 = arith.cmpf olt, %slice3A_1741, %select_n3A_1732 : vector<256x128xf32>
    %select_n3A_1745 = arith.select %lt3A_1743, %slice3A_1741, %select_n3A_1726 : vector<256x128xi1>, vector<256x128xf32>
    %select_n3A_1746 = arith.select %lt3A_1742, %min3A_1737, %select_n3A_1745 : vector<256x128xi1>, vector<256x128xf32>
    %jit3A_1747 = arith.constant 17 : i32
    %broadcast_in_dim3A_1748 = vector.broadcast %jit3A_1747 : i32 to vector<256x128xi32>
    %select_n3A_1749 = arith.select %lt3A_1743, %broadcast_in_dim3A_1748, %select_n3A_1730 : vector<256x128xi1>, vector<256x128xi32>
    %select_n3A_1750 = arith.select %lt3A_1742, %select_n3A_1740, %select_n3A_1749 : vector<256x128xi1>, vector<256x128xi32>
    %select_n3A_1751 = arith.select %lt3A_1744, %slice3A_1741, %select_n3A_1732 : vector<256x128xi1>, vector<256x128xf32>
    %select_n3A_1752 = arith.select %lt3A_1743, %select_n3A_1726, %select_n3A_1751 : vector<256x128xi1>, vector<256x128xf32>
    %jit3A_1753 = arith.constant 17 : i32
    %broadcast_in_dim3A_1754 = vector.broadcast %jit3A_1753 : i32 to vector<256x128xi32>
    %select_n3A_1755 = arith.select %lt3A_1744, %broadcast_in_dim3A_1754, %select_n3A_1736 : vector<256x128xi1>, vector<256x128xi32>
    %select_n3A_1756 = arith.select %lt3A_1743, %select_n3A_1730, %select_n3A_1755 : vector<256x128xi1>, vector<256x128xi32>
    %min3A_1757 = arith.minimumf %min3A_1737, %slice3A_1741 : vector<256x128xf32>
    %jit3A_1758 = arith.constant 17 : i32
    %broadcast_in_dim3A_1759 = vector.broadcast %jit3A_1758 : i32 to vector<256x128xi32>
    %select_n3A_1760 = arith.select %lt3A_1742, %broadcast_in_dim3A_1759, %select_n3A_1740 : vector<256x128xi1>, vector<256x128xi32>
    %slice3A_1761 = vector.extract_strided_slice %max3A_1396 {offsets = [0, 2304], sizes = [256, 128], strides = [1, 1]} : vector<256x4096xf32> to vector<256x128xf32>
    %lt3A_1762 = arith.cmpf olt, %slice3A_1761, %min3A_1757 : vector<256x128xf32>
    %lt3A_1763 = arith.cmpf olt, %slice3A_1761, %select_n3A_1746 : vector<256x128xf32>
    %lt3A_1764 = arith.cmpf olt, %slice3A_1761, %select_n3A_1752 : vector<256x128xf32>
    %select_n3A_1765 = arith.select %lt3A_1763, %slice3A_1761, %select_n3A_1746 : vector<256x128xi1>, vector<256x128xf32>
    %select_n3A_1766 = arith.select %lt3A_1762, %min3A_1757, %select_n3A_1765 : vector<256x128xi1>, vector<256x128xf32>
    %jit3A_1767 = arith.constant 18 : i32
    %broadcast_in_dim3A_1768 = vector.broadcast %jit3A_1767 : i32 to vector<256x128xi32>
    %select_n3A_1769 = arith.select %lt3A_1763, %broadcast_in_dim3A_1768, %select_n3A_1750 : vector<256x128xi1>, vector<256x128xi32>
    %select_n3A_1770 = arith.select %lt3A_1762, %select_n3A_1760, %select_n3A_1769 : vector<256x128xi1>, vector<256x128xi32>
    %select_n3A_1771 = arith.select %lt3A_1764, %slice3A_1761, %select_n3A_1752 : vector<256x128xi1>, vector<256x128xf32>
    %select_n3A_1772 = arith.select %lt3A_1763, %select_n3A_1746, %select_n3A_1771 : vector<256x128xi1>, vector<256x128xf32>
    %jit3A_1773 = arith.constant 18 : i32
    %broadcast_in_dim3A_1774 = vector.broadcast %jit3A_1773 : i32 to vector<256x128xi32>
    %select_n3A_1775 = arith.select %lt3A_1764, %broadcast_in_dim3A_1774, %select_n3A_1756 : vector<256x128xi1>, vector<256x128xi32>
    %select_n3A_1776 = arith.select %lt3A_1763, %select_n3A_1750, %select_n3A_1775 : vector<256x128xi1>, vector<256x128xi32>
    %min3A_1777 = arith.minimumf %min3A_1757, %slice3A_1761 : vector<256x128xf32>
    %jit3A_1778 = arith.constant 18 : i32
    %broadcast_in_dim3A_1779 = vector.broadcast %jit3A_1778 : i32 to vector<256x128xi32>
    %select_n3A_1780 = arith.select %lt3A_1762, %broadcast_in_dim3A_1779, %select_n3A_1760 : vector<256x128xi1>, vector<256x128xi32>
    %slice3A_1781 = vector.extract_strided_slice %max3A_1396 {offsets = [0, 2432], sizes = [256, 128], strides = [1, 1]} : vector<256x4096xf32> to vector<256x128xf32>
    %lt3A_1782 = arith.cmpf olt, %slice3A_1781, %min3A_1777 : vector<256x128xf32>
    %lt3A_1783 = arith.cmpf olt, %slice3A_1781, %select_n3A_1766 : vector<256x128xf32>
    %lt3A_1784 = arith.cmpf olt, %slice3A_1781, %select_n3A_1772 : vector<256x128xf32>
    %select_n3A_1785 = arith.select %lt3A_1783, %slice3A_1781, %select_n3A_1766 : vector<256x128xi1>, vector<256x128xf32>
    %select_n3A_1786 = arith.select %lt3A_1782, %min3A_1777, %select_n3A_1785 : vector<256x128xi1>, vector<256x128xf32>
    %jit3A_1787 = arith.constant 19 : i32
    %broadcast_in_dim3A_1788 = vector.broadcast %jit3A_1787 : i32 to vector<256x128xi32>
    %select_n3A_1789 = arith.select %lt3A_1783, %broadcast_in_dim3A_1788, %select_n3A_1770 : vector<256x128xi1>, vector<256x128xi32>
    %select_n3A_1790 = arith.select %lt3A_1782, %select_n3A_1780, %select_n3A_1789 : vector<256x128xi1>, vector<256x128xi32>
    %select_n3A_1791 = arith.select %lt3A_1784, %slice3A_1781, %select_n3A_1772 : vector<256x128xi1>, vector<256x128xf32>
    %select_n3A_1792 = arith.select %lt3A_1783, %select_n3A_1766, %select_n3A_1791 : vector<256x128xi1>, vector<256x128xf32>
    %jit3A_1793 = arith.constant 19 : i32
    %broadcast_in_dim3A_1794 = vector.broadcast %jit3A_1793 : i32 to vector<256x128xi32>
    %select_n3A_1795 = arith.select %lt3A_1784, %broadcast_in_dim3A_1794, %select_n3A_1776 : vector<256x128xi1>, vector<256x128xi32>
    %select_n3A_1796 = arith.select %lt3A_1783, %select_n3A_1770, %select_n3A_1795 : vector<256x128xi1>, vector<256x128xi32>
    %min3A_1797 = arith.minimumf %min3A_1777, %slice3A_1781 : vector<256x128xf32>
    %jit3A_1798 = arith.constant 19 : i32
    %broadcast_in_dim3A_1799 = vector.broadcast %jit3A_1798 : i32 to vector<256x128xi32>
    %select_n3A_1800 = arith.select %lt3A_1782, %broadcast_in_dim3A_1799, %select_n3A_1780 : vector<256x128xi1>, vector<256x128xi32>
    %slice3A_1801 = vector.extract_strided_slice %max3A_1396 {offsets = [0, 2560], sizes = [256, 128], strides = [1, 1]} : vector<256x4096xf32> to vector<256x128xf32>
    %lt3A_1802 = arith.cmpf olt, %slice3A_1801, %min3A_1797 : vector<256x128xf32>
    %lt3A_1803 = arith.cmpf olt, %slice3A_1801, %select_n3A_1786 : vector<256x128xf32>
    %lt3A_1804 = arith.cmpf olt, %slice3A_1801, %select_n3A_1792 : vector<256x128xf32>
    %select_n3A_1805 = arith.select %lt3A_1803, %slice3A_1801, %select_n3A_1786 : vector<256x128xi1>, vector<256x128xf32>
    %select_n3A_1806 = arith.select %lt3A_1802, %min3A_1797, %select_n3A_1805 : vector<256x128xi1>, vector<256x128xf32>
    %jit3A_1807 = arith.constant 20 : i32
    %broadcast_in_dim3A_1808 = vector.broadcast %jit3A_1807 : i32 to vector<256x128xi32>
    %select_n3A_1809 = arith.select %lt3A_1803, %broadcast_in_dim3A_1808, %select_n3A_1790 : vector<256x128xi1>, vector<256x128xi32>
    %select_n3A_1810 = arith.select %lt3A_1802, %select_n3A_1800, %select_n3A_1809 : vector<256x128xi1>, vector<256x128xi32>
    %select_n3A_1811 = arith.select %lt3A_1804, %slice3A_1801, %select_n3A_1792 : vector<256x128xi1>, vector<256x128xf32>
    %select_n3A_1812 = arith.select %lt3A_1803, %select_n3A_1786, %select_n3A_1811 : vector<256x128xi1>, vector<256x128xf32>
    %jit3A_1813 = arith.constant 20 : i32
    %broadcast_in_dim3A_1814 = vector.broadcast %jit3A_1813 : i32 to vector<256x128xi32>
    %select_n3A_1815 = arith.select %lt3A_1804, %broadcast_in_dim3A_1814, %select_n3A_1796 : vector<256x128xi1>, vector<256x128xi32>
    %select_n3A_1816 = arith.select %lt3A_1803, %select_n3A_1790, %select_n3A_1815 : vector<256x128xi1>, vector<256x128xi32>
    %min3A_1817 = arith.minimumf %min3A_1797, %slice3A_1801 : vector<256x128xf32>
    %jit3A_1818 = arith.constant 20 : i32
    %broadcast_in_dim3A_1819 = vector.broadcast %jit3A_1818 : i32 to vector<256x128xi32>
    %select_n3A_1820 = arith.select %lt3A_1802, %broadcast_in_dim3A_1819, %select_n3A_1800 : vector<256x128xi1>, vector<256x128xi32>
    %slice3A_1821 = vector.extract_strided_slice %max3A_1396 {offsets = [0, 2688], sizes = [256, 128], strides = [1, 1]} : vector<256x4096xf32> to vector<256x128xf32>
    %lt3A_1822 = arith.cmpf olt, %slice3A_1821, %min3A_1817 : vector<256x128xf32>
    %lt3A_1823 = arith.cmpf olt, %slice3A_1821, %select_n3A_1806 : vector<256x128xf32>
    %lt3A_1824 = arith.cmpf olt, %slice3A_1821, %select_n3A_1812 : vector<256x128xf32>
    %select_n3A_1825 = arith.select %lt3A_1823, %slice3A_1821, %select_n3A_1806 : vector<256x128xi1>, vector<256x128xf32>
    %select_n3A_1826 = arith.select %lt3A_1822, %min3A_1817, %select_n3A_1825 : vector<256x128xi1>, vector<256x128xf32>
    %jit3A_1827 = arith.constant 21 : i32
    %broadcast_in_dim3A_1828 = vector.broadcast %jit3A_1827 : i32 to vector<256x128xi32>
    %select_n3A_1829 = arith.select %lt3A_1823, %broadcast_in_dim3A_1828, %select_n3A_1810 : vector<256x128xi1>, vector<256x128xi32>
    %select_n3A_1830 = arith.select %lt3A_1822, %select_n3A_1820, %select_n3A_1829 : vector<256x128xi1>, vector<256x128xi32>
    %select_n3A_1831 = arith.select %lt3A_1824, %slice3A_1821, %select_n3A_1812 : vector<256x128xi1>, vector<256x128xf32>
    %select_n3A_1832 = arith.select %lt3A_1823, %select_n3A_1806, %select_n3A_1831 : vector<256x128xi1>, vector<256x128xf32>
    %jit3A_1833 = arith.constant 21 : i32
    %broadcast_in_dim3A_1834 = vector.broadcast %jit3A_1833 : i32 to vector<256x128xi32>
    %select_n3A_1835 = arith.select %lt3A_1824, %broadcast_in_dim3A_1834, %select_n3A_1816 : vector<256x128xi1>, vector<256x128xi32>
    %select_n3A_1836 = arith.select %lt3A_1823, %select_n3A_1810, %select_n3A_1835 : vector<256x128xi1>, vector<256x128xi32>
    %min3A_1837 = arith.minimumf %min3A_1817, %slice3A_1821 : vector<256x128xf32>
    %jit3A_1838 = arith.constant 21 : i32
    %broadcast_in_dim3A_1839 = vector.broadcast %jit3A_1838 : i32 to vector<256x128xi32>
    %select_n3A_1840 = arith.select %lt3A_1822, %broadcast_in_dim3A_1839, %select_n3A_1820 : vector<256x128xi1>, vector<256x128xi32>
    %slice3A_1841 = vector.extract_strided_slice %max3A_1396 {offsets = [0, 2816], sizes = [256, 128], strides = [1, 1]} : vector<256x4096xf32> to vector<256x128xf32>
    %lt3A_1842 = arith.cmpf olt, %slice3A_1841, %min3A_1837 : vector<256x128xf32>
    %lt3A_1843 = arith.cmpf olt, %slice3A_1841, %select_n3A_1826 : vector<256x128xf32>
    %lt3A_1844 = arith.cmpf olt, %slice3A_1841, %select_n3A_1832 : vector<256x128xf32>
    %select_n3A_1845 = arith.select %lt3A_1843, %slice3A_1841, %select_n3A_1826 : vector<256x128xi1>, vector<256x128xf32>
    %select_n3A_1846 = arith.select %lt3A_1842, %min3A_1837, %select_n3A_1845 : vector<256x128xi1>, vector<256x128xf32>
    %jit3A_1847 = arith.constant 22 : i32
    %broadcast_in_dim3A_1848 = vector.broadcast %jit3A_1847 : i32 to vector<256x128xi32>
    %select_n3A_1849 = arith.select %lt3A_1843, %broadcast_in_dim3A_1848, %select_n3A_1830 : vector<256x128xi1>, vector<256x128xi32>
    %select_n3A_1850 = arith.select %lt3A_1842, %select_n3A_1840, %select_n3A_1849 : vector<256x128xi1>, vector<256x128xi32>
    %select_n3A_1851 = arith.select %lt3A_1844, %slice3A_1841, %select_n3A_1832 : vector<256x128xi1>, vector<256x128xf32>
    %select_n3A_1852 = arith.select %lt3A_1843, %select_n3A_1826, %select_n3A_1851 : vector<256x128xi1>, vector<256x128xf32>
    %jit3A_1853 = arith.constant 22 : i32
    %broadcast_in_dim3A_1854 = vector.broadcast %jit3A_1853 : i32 to vector<256x128xi32>
    %select_n3A_1855 = arith.select %lt3A_1844, %broadcast_in_dim3A_1854, %select_n3A_1836 : vector<256x128xi1>, vector<256x128xi32>
    %select_n3A_1856 = arith.select %lt3A_1843, %select_n3A_1830, %select_n3A_1855 : vector<256x128xi1>, vector<256x128xi32>
    %min3A_1857 = arith.minimumf %min3A_1837, %slice3A_1841 : vector<256x128xf32>
    %jit3A_1858 = arith.constant 22 : i32
    %broadcast_in_dim3A_1859 = vector.broadcast %jit3A_1858 : i32 to vector<256x128xi32>
    %select_n3A_1860 = arith.select %lt3A_1842, %broadcast_in_dim3A_1859, %select_n3A_1840 : vector<256x128xi1>, vector<256x128xi32>
    %slice3A_1861 = vector.extract_strided_slice %max3A_1396 {offsets = [0, 2944], sizes = [256, 128], strides = [1, 1]} : vector<256x4096xf32> to vector<256x128xf32>
    %lt3A_1862 = arith.cmpf olt, %slice3A_1861, %min3A_1857 : vector<256x128xf32>
    %lt3A_1863 = arith.cmpf olt, %slice3A_1861, %select_n3A_1846 : vector<256x128xf32>
    %lt3A_1864 = arith.cmpf olt, %slice3A_1861, %select_n3A_1852 : vector<256x128xf32>
    %select_n3A_1865 = arith.select %lt3A_1863, %slice3A_1861, %select_n3A_1846 : vector<256x128xi1>, vector<256x128xf32>
    %select_n3A_1866 = arith.select %lt3A_1862, %min3A_1857, %select_n3A_1865 : vector<256x128xi1>, vector<256x128xf32>
    %jit3A_1867 = arith.constant 23 : i32
    %broadcast_in_dim3A_1868 = vector.broadcast %jit3A_1867 : i32 to vector<256x128xi32>
    %select_n3A_1869 = arith.select %lt3A_1863, %broadcast_in_dim3A_1868, %select_n3A_1850 : vector<256x128xi1>, vector<256x128xi32>
    %select_n3A_1870 = arith.select %lt3A_1862, %select_n3A_1860, %select_n3A_1869 : vector<256x128xi1>, vector<256x128xi32>
    %select_n3A_1871 = arith.select %lt3A_1864, %slice3A_1861, %select_n3A_1852 : vector<256x128xi1>, vector<256x128xf32>
    %select_n3A_1872 = arith.select %lt3A_1863, %select_n3A_1846, %select_n3A_1871 : vector<256x128xi1>, vector<256x128xf32>
    %jit3A_1873 = arith.constant 23 : i32
    %broadcast_in_dim3A_1874 = vector.broadcast %jit3A_1873 : i32 to vector<256x128xi32>
    %select_n3A_1875 = arith.select %lt3A_1864, %broadcast_in_dim3A_1874, %select_n3A_1856 : vector<256x128xi1>, vector<256x128xi32>
    %select_n3A_1876 = arith.select %lt3A_1863, %select_n3A_1850, %select_n3A_1875 : vector<256x128xi1>, vector<256x128xi32>
    %min3A_1877 = arith.minimumf %min3A_1857, %slice3A_1861 : vector<256x128xf32>
    %jit3A_1878 = arith.constant 23 : i32
    %broadcast_in_dim3A_1879 = vector.broadcast %jit3A_1878 : i32 to vector<256x128xi32>
    %select_n3A_1880 = arith.select %lt3A_1862, %broadcast_in_dim3A_1879, %select_n3A_1860 : vector<256x128xi1>, vector<256x128xi32>
    %slice3A_1881 = vector.extract_strided_slice %max3A_1396 {offsets = [0, 3072], sizes = [256, 128], strides = [1, 1]} : vector<256x4096xf32> to vector<256x128xf32>
    %lt3A_1882 = arith.cmpf olt, %slice3A_1881, %min3A_1877 : vector<256x128xf32>
    %lt3A_1883 = arith.cmpf olt, %slice3A_1881, %select_n3A_1866 : vector<256x128xf32>
    %lt3A_1884 = arith.cmpf olt, %slice3A_1881, %select_n3A_1872 : vector<256x128xf32>
    %select_n3A_1885 = arith.select %lt3A_1883, %slice3A_1881, %select_n3A_1866 : vector<256x128xi1>, vector<256x128xf32>
    %select_n3A_1886 = arith.select %lt3A_1882, %min3A_1877, %select_n3A_1885 : vector<256x128xi1>, vector<256x128xf32>
    %jit3A_1887 = arith.constant 24 : i32
    %broadcast_in_dim3A_1888 = vector.broadcast %jit3A_1887 : i32 to vector<256x128xi32>
    %select_n3A_1889 = arith.select %lt3A_1883, %broadcast_in_dim3A_1888, %select_n3A_1870 : vector<256x128xi1>, vector<256x128xi32>
    %select_n3A_1890 = arith.select %lt3A_1882, %select_n3A_1880, %select_n3A_1889 : vector<256x128xi1>, vector<256x128xi32>
    %select_n3A_1891 = arith.select %lt3A_1884, %slice3A_1881, %select_n3A_1872 : vector<256x128xi1>, vector<256x128xf32>
    %select_n3A_1892 = arith.select %lt3A_1883, %select_n3A_1866, %select_n3A_1891 : vector<256x128xi1>, vector<256x128xf32>
    %jit3A_1893 = arith.constant 24 : i32
    %broadcast_in_dim3A_1894 = vector.broadcast %jit3A_1893 : i32 to vector<256x128xi32>
    %select_n3A_1895 = arith.select %lt3A_1884, %broadcast_in_dim3A_1894, %select_n3A_1876 : vector<256x128xi1>, vector<256x128xi32>
    %select_n3A_1896 = arith.select %lt3A_1883, %select_n3A_1870, %select_n3A_1895 : vector<256x128xi1>, vector<256x128xi32>
    %min3A_1897 = arith.minimumf %min3A_1877, %slice3A_1881 : vector<256x128xf32>
    %jit3A_1898 = arith.constant 24 : i32
    %broadcast_in_dim3A_1899 = vector.broadcast %jit3A_1898 : i32 to vector<256x128xi32>
    %select_n3A_1900 = arith.select %lt3A_1882, %broadcast_in_dim3A_1899, %select_n3A_1880 : vector<256x128xi1>, vector<256x128xi32>
    %slice3A_1901 = vector.extract_strided_slice %max3A_1396 {offsets = [0, 3200], sizes = [256, 128], strides = [1, 1]} : vector<256x4096xf32> to vector<256x128xf32>
    %lt3A_1902 = arith.cmpf olt, %slice3A_1901, %min3A_1897 : vector<256x128xf32>
    %lt3A_1903 = arith.cmpf olt, %slice3A_1901, %select_n3A_1886 : vector<256x128xf32>
    %lt3A_1904 = arith.cmpf olt, %slice3A_1901, %select_n3A_1892 : vector<256x128xf32>
    %select_n3A_1905 = arith.select %lt3A_1903, %slice3A_1901, %select_n3A_1886 : vector<256x128xi1>, vector<256x128xf32>
    %select_n3A_1906 = arith.select %lt3A_1902, %min3A_1897, %select_n3A_1905 : vector<256x128xi1>, vector<256x128xf32>
    %jit3A_1907 = arith.constant 25 : i32
    %broadcast_in_dim3A_1908 = vector.broadcast %jit3A_1907 : i32 to vector<256x128xi32>
    %select_n3A_1909 = arith.select %lt3A_1903, %broadcast_in_dim3A_1908, %select_n3A_1890 : vector<256x128xi1>, vector<256x128xi32>
    %select_n3A_1910 = arith.select %lt3A_1902, %select_n3A_1900, %select_n3A_1909 : vector<256x128xi1>, vector<256x128xi32>
    %select_n3A_1911 = arith.select %lt3A_1904, %slice3A_1901, %select_n3A_1892 : vector<256x128xi1>, vector<256x128xf32>
    %select_n3A_1912 = arith.select %lt3A_1903, %select_n3A_1886, %select_n3A_1911 : vector<256x128xi1>, vector<256x128xf32>
    %jit3A_1913 = arith.constant 25 : i32
    %broadcast_in_dim3A_1914 = vector.broadcast %jit3A_1913 : i32 to vector<256x128xi32>
    %select_n3A_1915 = arith.select %lt3A_1904, %broadcast_in_dim3A_1914, %select_n3A_1896 : vector<256x128xi1>, vector<256x128xi32>
    %select_n3A_1916 = arith.select %lt3A_1903, %select_n3A_1890, %select_n3A_1915 : vector<256x128xi1>, vector<256x128xi32>
    %min3A_1917 = arith.minimumf %min3A_1897, %slice3A_1901 : vector<256x128xf32>
    %jit3A_1918 = arith.constant 25 : i32
    %broadcast_in_dim3A_1919 = vector.broadcast %jit3A_1918 : i32 to vector<256x128xi32>
    %select_n3A_1920 = arith.select %lt3A_1902, %broadcast_in_dim3A_1919, %select_n3A_1900 : vector<256x128xi1>, vector<256x128xi32>
    %slice3A_1921 = vector.extract_strided_slice %max3A_1396 {offsets = [0, 3328], sizes = [256, 128], strides = [1, 1]} : vector<256x4096xf32> to vector<256x128xf32>
    %lt3A_1922 = arith.cmpf olt, %slice3A_1921, %min3A_1917 : vector<256x128xf32>
    %lt3A_1923 = arith.cmpf olt, %slice3A_1921, %select_n3A_1906 : vector<256x128xf32>
    %lt3A_1924 = arith.cmpf olt, %slice3A_1921, %select_n3A_1912 : vector<256x128xf32>
    %select_n3A_1925 = arith.select %lt3A_1923, %slice3A_1921, %select_n3A_1906 : vector<256x128xi1>, vector<256x128xf32>
    %select_n3A_1926 = arith.select %lt3A_1922, %min3A_1917, %select_n3A_1925 : vector<256x128xi1>, vector<256x128xf32>
    %jit3A_1927 = arith.constant 26 : i32
    %broadcast_in_dim3A_1928 = vector.broadcast %jit3A_1927 : i32 to vector<256x128xi32>
    %select_n3A_1929 = arith.select %lt3A_1923, %broadcast_in_dim3A_1928, %select_n3A_1910 : vector<256x128xi1>, vector<256x128xi32>
    %select_n3A_1930 = arith.select %lt3A_1922, %select_n3A_1920, %select_n3A_1929 : vector<256x128xi1>, vector<256x128xi32>
    %select_n3A_1931 = arith.select %lt3A_1924, %slice3A_1921, %select_n3A_1912 : vector<256x128xi1>, vector<256x128xf32>
    %select_n3A_1932 = arith.select %lt3A_1923, %select_n3A_1906, %select_n3A_1931 : vector<256x128xi1>, vector<256x128xf32>
    %jit3A_1933 = arith.constant 26 : i32
    %broadcast_in_dim3A_1934 = vector.broadcast %jit3A_1933 : i32 to vector<256x128xi32>
    %select_n3A_1935 = arith.select %lt3A_1924, %broadcast_in_dim3A_1934, %select_n3A_1916 : vector<256x128xi1>, vector<256x128xi32>
    %select_n3A_1936 = arith.select %lt3A_1923, %select_n3A_1910, %select_n3A_1935 : vector<256x128xi1>, vector<256x128xi32>
    %min3A_1937 = arith.minimumf %min3A_1917, %slice3A_1921 : vector<256x128xf32>
    %jit3A_1938 = arith.constant 26 : i32
    %broadcast_in_dim3A_1939 = vector.broadcast %jit3A_1938 : i32 to vector<256x128xi32>
    %select_n3A_1940 = arith.select %lt3A_1922, %broadcast_in_dim3A_1939, %select_n3A_1920 : vector<256x128xi1>, vector<256x128xi32>
    %slice3A_1941 = vector.extract_strided_slice %max3A_1396 {offsets = [0, 3456], sizes = [256, 128], strides = [1, 1]} : vector<256x4096xf32> to vector<256x128xf32>
    %lt3A_1942 = arith.cmpf olt, %slice3A_1941, %min3A_1937 : vector<256x128xf32>
    %lt3A_1943 = arith.cmpf olt, %slice3A_1941, %select_n3A_1926 : vector<256x128xf32>
    %lt3A_1944 = arith.cmpf olt, %slice3A_1941, %select_n3A_1932 : vector<256x128xf32>
    %select_n3A_1945 = arith.select %lt3A_1943, %slice3A_1941, %select_n3A_1926 : vector<256x128xi1>, vector<256x128xf32>
    %select_n3A_1946 = arith.select %lt3A_1942, %min3A_1937, %select_n3A_1945 : vector<256x128xi1>, vector<256x128xf32>
    %jit3A_1947 = arith.constant 27 : i32
    %broadcast_in_dim3A_1948 = vector.broadcast %jit3A_1947 : i32 to vector<256x128xi32>
    %select_n3A_1949 = arith.select %lt3A_1943, %broadcast_in_dim3A_1948, %select_n3A_1930 : vector<256x128xi1>, vector<256x128xi32>
    %select_n3A_1950 = arith.select %lt3A_1942, %select_n3A_1940, %select_n3A_1949 : vector<256x128xi1>, vector<256x128xi32>
    %select_n3A_1951 = arith.select %lt3A_1944, %slice3A_1941, %select_n3A_1932 : vector<256x128xi1>, vector<256x128xf32>
    %select_n3A_1952 = arith.select %lt3A_1943, %select_n3A_1926, %select_n3A_1951 : vector<256x128xi1>, vector<256x128xf32>
    %jit3A_1953 = arith.constant 27 : i32
    %broadcast_in_dim3A_1954 = vector.broadcast %jit3A_1953 : i32 to vector<256x128xi32>
    %select_n3A_1955 = arith.select %lt3A_1944, %broadcast_in_dim3A_1954, %select_n3A_1936 : vector<256x128xi1>, vector<256x128xi32>
    %select_n3A_1956 = arith.select %lt3A_1943, %select_n3A_1930, %select_n3A_1955 : vector<256x128xi1>, vector<256x128xi32>
    %min3A_1957 = arith.minimumf %min3A_1937, %slice3A_1941 : vector<256x128xf32>
    %jit3A_1958 = arith.constant 27 : i32
    %broadcast_in_dim3A_1959 = vector.broadcast %jit3A_1958 : i32 to vector<256x128xi32>
    %select_n3A_1960 = arith.select %lt3A_1942, %broadcast_in_dim3A_1959, %select_n3A_1940 : vector<256x128xi1>, vector<256x128xi32>
    %slice3A_1961 = vector.extract_strided_slice %max3A_1396 {offsets = [0, 3584], sizes = [256, 128], strides = [1, 1]} : vector<256x4096xf32> to vector<256x128xf32>
    %lt3A_1962 = arith.cmpf olt, %slice3A_1961, %min3A_1957 : vector<256x128xf32>
    %lt3A_1963 = arith.cmpf olt, %slice3A_1961, %select_n3A_1946 : vector<256x128xf32>
    %lt3A_1964 = arith.cmpf olt, %slice3A_1961, %select_n3A_1952 : vector<256x128xf32>
    %select_n3A_1965 = arith.select %lt3A_1963, %slice3A_1961, %select_n3A_1946 : vector<256x128xi1>, vector<256x128xf32>
    %select_n3A_1966 = arith.select %lt3A_1962, %min3A_1957, %select_n3A_1965 : vector<256x128xi1>, vector<256x128xf32>
    %jit3A_1967 = arith.constant 28 : i32
    %broadcast_in_dim3A_1968 = vector.broadcast %jit3A_1967 : i32 to vector<256x128xi32>
    %select_n3A_1969 = arith.select %lt3A_1963, %broadcast_in_dim3A_1968, %select_n3A_1950 : vector<256x128xi1>, vector<256x128xi32>
    %select_n3A_1970 = arith.select %lt3A_1962, %select_n3A_1960, %select_n3A_1969 : vector<256x128xi1>, vector<256x128xi32>
    %select_n3A_1971 = arith.select %lt3A_1964, %slice3A_1961, %select_n3A_1952 : vector<256x128xi1>, vector<256x128xf32>
    %select_n3A_1972 = arith.select %lt3A_1963, %select_n3A_1946, %select_n3A_1971 : vector<256x128xi1>, vector<256x128xf32>
    %jit3A_1973 = arith.constant 28 : i32
    %broadcast_in_dim3A_1974 = vector.broadcast %jit3A_1973 : i32 to vector<256x128xi32>
    %select_n3A_1975 = arith.select %lt3A_1964, %broadcast_in_dim3A_1974, %select_n3A_1956 : vector<256x128xi1>, vector<256x128xi32>
    %select_n3A_1976 = arith.select %lt3A_1963, %select_n3A_1950, %select_n3A_1975 : vector<256x128xi1>, vector<256x128xi32>
    %min3A_1977 = arith.minimumf %min3A_1957, %slice3A_1961 : vector<256x128xf32>
    %jit3A_1978 = arith.constant 28 : i32
    %broadcast_in_dim3A_1979 = vector.broadcast %jit3A_1978 : i32 to vector<256x128xi32>
    %select_n3A_1980 = arith.select %lt3A_1962, %broadcast_in_dim3A_1979, %select_n3A_1960 : vector<256x128xi1>, vector<256x128xi32>
    %slice3A_1981 = vector.extract_strided_slice %max3A_1396 {offsets = [0, 3712], sizes = [256, 128], strides = [1, 1]} : vector<256x4096xf32> to vector<256x128xf32>
    %lt3A_1982 = arith.cmpf olt, %slice3A_1981, %min3A_1977 : vector<256x128xf32>
    %lt3A_1983 = arith.cmpf olt, %slice3A_1981, %select_n3A_1966 : vector<256x128xf32>
    %lt3A_1984 = arith.cmpf olt, %slice3A_1981, %select_n3A_1972 : vector<256x128xf32>
    %select_n3A_1985 = arith.select %lt3A_1983, %slice3A_1981, %select_n3A_1966 : vector<256x128xi1>, vector<256x128xf32>
    %select_n3A_1986 = arith.select %lt3A_1982, %min3A_1977, %select_n3A_1985 : vector<256x128xi1>, vector<256x128xf32>
    %jit3A_1987 = arith.constant 29 : i32
    %broadcast_in_dim3A_1988 = vector.broadcast %jit3A_1987 : i32 to vector<256x128xi32>
    %select_n3A_1989 = arith.select %lt3A_1983, %broadcast_in_dim3A_1988, %select_n3A_1970 : vector<256x128xi1>, vector<256x128xi32>
    %select_n3A_1990 = arith.select %lt3A_1982, %select_n3A_1980, %select_n3A_1989 : vector<256x128xi1>, vector<256x128xi32>
    %select_n3A_1991 = arith.select %lt3A_1984, %slice3A_1981, %select_n3A_1972 : vector<256x128xi1>, vector<256x128xf32>
    %select_n3A_1992 = arith.select %lt3A_1983, %select_n3A_1966, %select_n3A_1991 : vector<256x128xi1>, vector<256x128xf32>
    %jit3A_1993 = arith.constant 29 : i32
    %broadcast_in_dim3A_1994 = vector.broadcast %jit3A_1993 : i32 to vector<256x128xi32>
    %select_n3A_1995 = arith.select %lt3A_1984, %broadcast_in_dim3A_1994, %select_n3A_1976 : vector<256x128xi1>, vector<256x128xi32>
    %select_n3A_1996 = arith.select %lt3A_1983, %select_n3A_1970, %select_n3A_1995 : vector<256x128xi1>, vector<256x128xi32>
    %min3A_1997 = arith.minimumf %min3A_1977, %slice3A_1981 : vector<256x128xf32>
    %jit3A_1998 = arith.constant 29 : i32
    %broadcast_in_dim3A_1999 = vector.broadcast %jit3A_1998 : i32 to vector<256x128xi32>
    %select_n3A_2000 = arith.select %lt3A_1982, %broadcast_in_dim3A_1999, %select_n3A_1980 : vector<256x128xi1>, vector<256x128xi32>
    %slice3A_2001 = vector.extract_strided_slice %max3A_1396 {offsets = [0, 3840], sizes = [256, 128], strides = [1, 1]} : vector<256x4096xf32> to vector<256x128xf32>
    %lt3A_2002 = arith.cmpf olt, %slice3A_2001, %min3A_1997 : vector<256x128xf32>
    %lt3A_2003 = arith.cmpf olt, %slice3A_2001, %select_n3A_1986 : vector<256x128xf32>
    %lt3A_2004 = arith.cmpf olt, %slice3A_2001, %select_n3A_1992 : vector<256x128xf32>
    %select_n3A_2005 = arith.select %lt3A_2003, %slice3A_2001, %select_n3A_1986 : vector<256x128xi1>, vector<256x128xf32>
    %select_n3A_2006 = arith.select %lt3A_2002, %min3A_1997, %select_n3A_2005 : vector<256x128xi1>, vector<256x128xf32>
    %jit3A_2007 = arith.constant 30 : i32
    %broadcast_in_dim3A_2008 = vector.broadcast %jit3A_2007 : i32 to vector<256x128xi32>
    %select_n3A_2009 = arith.select %lt3A_2003, %broadcast_in_dim3A_2008, %select_n3A_1990 : vector<256x128xi1>, vector<256x128xi32>
    %select_n3A_2010 = arith.select %lt3A_2002, %select_n3A_2000, %select_n3A_2009 : vector<256x128xi1>, vector<256x128xi32>
    %select_n3A_2011 = arith.select %lt3A_2004, %slice3A_2001, %select_n3A_1992 : vector<256x128xi1>, vector<256x128xf32>
    %select_n3A_2012 = arith.select %lt3A_2003, %select_n3A_1986, %select_n3A_2011 : vector<256x128xi1>, vector<256x128xf32>
    %jit3A_2013 = arith.constant 30 : i32
    %broadcast_in_dim3A_2014 = vector.broadcast %jit3A_2013 : i32 to vector<256x128xi32>
    %select_n3A_2015 = arith.select %lt3A_2004, %broadcast_in_dim3A_2014, %select_n3A_1996 : vector<256x128xi1>, vector<256x128xi32>
    %select_n3A_2016 = arith.select %lt3A_2003, %select_n3A_1990, %select_n3A_2015 : vector<256x128xi1>, vector<256x128xi32>
    %min3A_2017 = arith.minimumf %min3A_1997, %slice3A_2001 : vector<256x128xf32>
    %jit3A_2018 = arith.constant 30 : i32
    %broadcast_in_dim3A_2019 = vector.broadcast %jit3A_2018 : i32 to vector<256x128xi32>
    %select_n3A_2020 = arith.select %lt3A_2002, %broadcast_in_dim3A_2019, %select_n3A_2000 : vector<256x128xi1>, vector<256x128xi32>
    %slice3A_2021 = vector.extract_strided_slice %max3A_1396 {offsets = [0, 3968], sizes = [256, 128], strides = [1, 1]} : vector<256x4096xf32> to vector<256x128xf32>
    %lt3A_2022 = arith.cmpf olt, %slice3A_2021, %min3A_2017 : vector<256x128xf32>
    %lt3A_2023 = arith.cmpf olt, %slice3A_2021, %select_n3A_2006 : vector<256x128xf32>
    %lt3A_2024 = arith.cmpf olt, %slice3A_2021, %select_n3A_2012 : vector<256x128xf32>
    %select_n3A_2025 = arith.select %lt3A_2023, %slice3A_2021, %select_n3A_2006 : vector<256x128xi1>, vector<256x128xf32>
    %select_n3A_2026 = arith.select %lt3A_2022, %min3A_2017, %select_n3A_2025 : vector<256x128xi1>, vector<256x128xf32>
    %jit3A_2027 = arith.constant 31 : i32
    %broadcast_in_dim3A_2028 = vector.broadcast %jit3A_2027 : i32 to vector<256x128xi32>
    %select_n3A_2029 = arith.select %lt3A_2023, %broadcast_in_dim3A_2028, %select_n3A_2010 : vector<256x128xi1>, vector<256x128xi32>
    %select_n3A_2030 = arith.select %lt3A_2022, %select_n3A_2020, %select_n3A_2029 : vector<256x128xi1>, vector<256x128xi32>
    %select_n3A_2031 = arith.select %lt3A_2024, %slice3A_2021, %select_n3A_2012 : vector<256x128xi1>, vector<256x128xf32>
    %select_n3A_2032 = arith.select %lt3A_2023, %select_n3A_2006, %select_n3A_2031 : vector<256x128xi1>, vector<256x128xf32>
    %jit3A_2033 = arith.constant 31 : i32
    %broadcast_in_dim3A_2034 = vector.broadcast %jit3A_2033 : i32 to vector<256x128xi32>
    %select_n3A_2035 = arith.select %lt3A_2024, %broadcast_in_dim3A_2034, %select_n3A_2016 : vector<256x128xi1>, vector<256x128xi32>
    %select_n3A_2036 = arith.select %lt3A_2023, %select_n3A_2010, %select_n3A_2035 : vector<256x128xi1>, vector<256x128xi32>
    %min3A_2037 = arith.minimumf %min3A_2017, %slice3A_2021 : vector<256x128xf32>
    %jit3A_2038 = arith.constant 31 : i32
    %broadcast_in_dim3A_2039 = vector.broadcast %jit3A_2038 : i32 to vector<256x128xi32>
    %select_n3A_2040 = arith.select %lt3A_2022, %broadcast_in_dim3A_2039, %select_n3A_2020 : vector<256x128xi1>, vector<256x128xi32>
    %iota3A_2041 = tpu.iota {dimensions = array<i32: 1>} : vector<256x128xi32>
    %mul3A_2042 = arith.constant 128 : i32
    %mul3A_2043 = vector.broadcast %mul3A_2042 : i32 to vector<256x128xi32>
    %mul3A_2044 = arith.muli %select_n3A_2040, %mul3A_2043 : vector<256x128xi32>
    %add3A_2045 = arith.addi %mul3A_2044, %iota3A_2041 : vector<256x128xi32>
    %mul3A_2046 = arith.constant 128 : i32
    %mul3A_2047 = vector.broadcast %mul3A_2046 : i32 to vector<256x128xi32>
    %mul3A_2048 = arith.muli %select_n3A_2030, %mul3A_2047 : vector<256x128xi32>
    %add3A_2049 = arith.addi %mul3A_2048, %iota3A_2041 : vector<256x128xi32>
    %mul3A_2050 = arith.constant 128 : i32
    %mul3A_2051 = vector.broadcast %mul3A_2050 : i32 to vector<256x128xi32>
    %mul3A_2052 = arith.muli %select_n3A_2036, %mul3A_2051 : vector<256x128xi32>
    %add3A_2053 = arith.addi %mul3A_2052, %iota3A_2041 : vector<256x128xi32>
    %reduce_min3A_2054 = arith.constant dense<0x7F800000> : vector<256xf32>
    %reduce_min3A_2055 = vector.multi_reduction <minimumf>, %min3A_2037, %reduce_min3A_2054 [1] : vector<256x128xf32> to vector<256xf32>
    %broadcast_in_dim3A_2056 = vector.shape_cast %reduce_min3A_2055 : vector<256xf32> to vector<256x1xf32>
    %eq3A_2057 = vector.broadcast %broadcast_in_dim3A_2056 : vector<256x1xf32> to vector<256x128xf32>
    %eq3A_2058 = arith.cmpf oeq, %min3A_2037, %eq3A_2057 : vector<256x128xf32>
    %jit3A_2059 = arith.constant 1073741824 : i32
    %broadcast_in_dim3A_2060 = vector.broadcast %jit3A_2059 : i32 to vector<256x128xi32>
    %select_n3A_2061 = arith.select %eq3A_2058, %add3A_2045, %broadcast_in_dim3A_2060 : vector<256x128xi1>, vector<256x128xi32>
    %reduce_min3A_2062 = arith.constant dense<2147483647> : vector<256xi32>
    %reduce_min3A_2063 = vector.multi_reduction <minsi>, %select_n3A_2061, %reduce_min3A_2062 [1] : vector<256x128xi32> to vector<256xi32>
    %broadcast_in_dim3A_2064 = vector.shape_cast %reduce_min3A_2063 : vector<256xi32> to vector<256x1xi32>
    %eq3A_2065 = vector.broadcast %broadcast_in_dim3A_2064 : vector<256x1xi32> to vector<256x128xi32>
    %eq3A_2066 = arith.cmpi eq, %add3A_2045, %eq3A_2065 : vector<256x128xi32>
    %select_n3A_2067 = arith.select %eq3A_2066, %select_n3A_2026, %min3A_2037 : vector<256x128xi1>, vector<256x128xf32>
    %select_n3A_2068 = arith.select %eq3A_2066, %add3A_2049, %add3A_2045 : vector<256x128xi1>, vector<256x128xi32>
    %select_n3A_2069 = arith.select %eq3A_2066, %select_n3A_2032, %select_n3A_2026 : vector<256x128xi1>, vector<256x128xf32>
    %select_n3A_2070 = arith.select %eq3A_2066, %add3A_2053, %add3A_2049 : vector<256x128xi1>, vector<256x128xi32>
    %sqrt3A_2071 = math.sqrt %broadcast_in_dim3A_2056 : vector<256x1xf32>
    %reduce_min3A_2072 = arith.constant dense<0x7F800000> : vector<256xf32>
    %reduce_min3A_2073 = vector.multi_reduction <minimumf>, %select_n3A_2067, %reduce_min3A_2072 [1] : vector<256x128xf32> to vector<256xf32>
    %broadcast_in_dim3A_2074 = vector.shape_cast %reduce_min3A_2073 : vector<256xf32> to vector<256x1xf32>
    %eq3A_2075 = vector.broadcast %broadcast_in_dim3A_2074 : vector<256x1xf32> to vector<256x128xf32>
    %eq3A_2076 = arith.cmpf oeq, %select_n3A_2067, %eq3A_2075 : vector<256x128xf32>
    %jit3A_2077 = arith.constant 1073741824 : i32
    %broadcast_in_dim3A_2078 = vector.broadcast %jit3A_2077 : i32 to vector<256x128xi32>
    %select_n3A_2079 = arith.select %eq3A_2076, %select_n3A_2068, %broadcast_in_dim3A_2078 : vector<256x128xi1>, vector<256x128xi32>
    %reduce_min3A_2080 = arith.constant dense<2147483647> : vector<256xi32>
    %reduce_min3A_2081 = vector.multi_reduction <minsi>, %select_n3A_2079, %reduce_min3A_2080 [1] : vector<256x128xi32> to vector<256xi32>
    %broadcast_in_dim3A_2082 = vector.shape_cast %reduce_min3A_2081 : vector<256xi32> to vector<256x1xi32>
    %eq3A_2083 = vector.broadcast %broadcast_in_dim3A_2082 : vector<256x1xi32> to vector<256x128xi32>
    %eq3A_2084 = arith.cmpi eq, %select_n3A_2068, %eq3A_2083 : vector<256x128xi32>
    %select_n3A_2085 = arith.select %eq3A_2084, %select_n3A_2069, %select_n3A_2067 : vector<256x128xi1>, vector<256x128xf32>
    %select_n3A_2086 = arith.select %eq3A_2084, %select_n3A_2070, %select_n3A_2068 : vector<256x128xi1>, vector<256x128xi32>
    %sqrt3A_2087 = math.sqrt %broadcast_in_dim3A_2074 : vector<256x1xf32>
    %reduce_min3A_2088 = arith.constant dense<0x7F800000> : vector<256xf32>
    %reduce_min3A_2089 = vector.multi_reduction <minimumf>, %select_n3A_2085, %reduce_min3A_2088 [1] : vector<256x128xf32> to vector<256xf32>
    %broadcast_in_dim3A_2090 = vector.shape_cast %reduce_min3A_2089 : vector<256xf32> to vector<256x1xf32>
    %eq3A_2091 = vector.broadcast %broadcast_in_dim3A_2090 : vector<256x1xf32> to vector<256x128xf32>
    %eq3A_2092 = arith.cmpf oeq, %select_n3A_2085, %eq3A_2091 : vector<256x128xf32>
    %jit3A_2093 = arith.constant 1073741824 : i32
    %broadcast_in_dim3A_2094 = vector.broadcast %jit3A_2093 : i32 to vector<256x128xi32>
    %select_n3A_2095 = arith.select %eq3A_2092, %select_n3A_2086, %broadcast_in_dim3A_2094 : vector<256x128xi1>, vector<256x128xi32>
    %reduce_min3A_2096 = arith.constant dense<2147483647> : vector<256xi32>
    %reduce_min3A_2097 = vector.multi_reduction <minsi>, %select_n3A_2095, %reduce_min3A_2096 [1] : vector<256x128xi32> to vector<256xi32>
    %broadcast_in_dim3A_2098 = vector.shape_cast %reduce_min3A_2097 : vector<256xi32> to vector<256x1xi32>
    %sqrt3A_2099 = math.sqrt %broadcast_in_dim3A_2090 : vector<256x1xf32>
    %add3A_2100 = arith.constant 9.99999993E-9 : f32
    %add3A_2101 = vector.broadcast %add3A_2100 : f32 to vector<256x1xf32>
    %add3A_2102 = arith.addf %sqrt3A_2071, %add3A_2101 : vector<256x1xf32>
    %div3A_2103 = arith.constant 1.000000e+00 : f32
    %div3A_2104 = vector.broadcast %div3A_2103 : f32 to vector<256x1xf32>
    %div3A_2105 = arith.divf %div3A_2104, %add3A_2102 : vector<256x1xf32>
    %add3A_2106 = arith.constant 9.99999993E-9 : f32
    %add3A_2107 = vector.broadcast %add3A_2106 : f32 to vector<256x1xf32>
    %add3A_2108 = arith.addf %sqrt3A_2087, %add3A_2107 : vector<256x1xf32>
    %div3A_2109 = arith.constant 1.000000e+00 : f32
    %div3A_2110 = vector.broadcast %div3A_2109 : f32 to vector<256x1xf32>
    %div3A_2111 = arith.divf %div3A_2110, %add3A_2108 : vector<256x1xf32>
    %add3A_2112 = arith.constant 9.99999993E-9 : f32
    %add3A_2113 = vector.broadcast %add3A_2112 : f32 to vector<256x1xf32>
    %add3A_2114 = arith.addf %sqrt3A_2099, %add3A_2113 : vector<256x1xf32>
    %div3A_2115 = arith.constant 1.000000e+00 : f32
    %div3A_2116 = vector.broadcast %div3A_2115 : f32 to vector<256x1xf32>
    %div3A_2117 = arith.divf %div3A_2116, %add3A_2114 : vector<256x1xf32>
    %add3A_2118 = arith.addf %div3A_2105, %div3A_2111 : vector<256x1xf32>
    %add3A_2119 = arith.addf %add3A_2118, %div3A_2117 : vector<256x1xf32>
    %concatenate3A_2120 = tpu.concatenate %broadcast_in_dim3A_2064, %broadcast_in_dim3A_2082, %broadcast_in_dim3A_2098 in 1 : vector<256x1xi32>, vector<256x1xi32>, vector<256x1xi32> -> vector<256x3xi32>
    %swap3A_2121 = arith.constant 0 : index
    %swap3A_2122 = arith.constant 0 : index
    %swap3A_2123 = vector.load %arg13[%swap3A_2121, %swap3A_2122] : memref<256x3xi32, #tpu.memory_space<vmem>>, vector<256x3xi32>
    tpu.vector_store %arg13[%swap3A_2121, %swap3A_2122], %concatenate3A_2120 {strides = array<i32>} : memref<256x3xi32, #tpu.memory_space<vmem>>, vector<256x3xi32>,
    %div3A_2124 = arith.divf %div3A_2105, %add3A_2119 : vector<256x1xf32>
    %div3A_2125 = arith.divf %div3A_2111, %add3A_2119 : vector<256x1xf32>
    %div3A_2126 = arith.divf %div3A_2117, %add3A_2119 : vector<256x1xf32>
    %concatenate3A_2127 = tpu.concatenate %div3A_2124, %div3A_2125, %div3A_2126 in 1 : vector<256x1xf32>, vector<256x1xf32>, vector<256x1xf32> -> vector<256x3xf32>
    %swap3A_2128 = arith.constant 0 : index
    %swap3A_2129 = arith.constant 0 : index
    %swap3A_2130 = vector.load %arg14[%swap3A_2128, %swap3A_2129] : memref<256x3xf32, #tpu.memory_space<vmem>>, vector<256x3xf32>
    tpu.vector_store %arg14[%swap3A_2128, %swap3A_2129], %concatenate3A_2127 {strides = array<i32>} : memref<256x3xf32, #tpu.memory_space<vmem>>, vector<256x3xf32>,
    %get3A_2131 = arith.constant 0 : index
    %get3A_2132 = arith.constant 0 : index
    %get3A_2133 = vector.load %arg7[%get3A_2131, %get3A_2132] : memref<3x2048xbf16, #tpu.memory_space<vmem>>, vector<3x2048xbf16>
    %get3A_2134 = arith.constant 0 : index
    %get3A_2135 = arith.constant 0 : index
    %get3A_2136 = vector.load %arg8[%get3A_2134, %get3A_2135] : memref<1x2048xf32, #tpu.memory_space<vmem>>, vector<1x2048xf32>
    %dot_general3A_2137 = arith.constant dense<0.000000e+00> : vector<256x2048xf32>
    %dot_general3A_2138 = tpu.matmul %get3A_1, %get3A_2133, %dot_general3A_2137 {dimension_numbers = #tpu.dot_dimension_numbers<[1], [0], [0], [1], [0, 0, 1, 1], [], []>, transpose_lhs_hint = false} : vector<256x3xbf16>, vector<3x2048xbf16>, vector<256x2048xf32> -> vector<256x2048xf32>
    %add3A_2139 = vector.broadcast %get3A_4 : vector<256x1xf32> to vector<256x2048xf32>
    %add3A_2140 = vector.broadcast %get3A_2136 : vector<1x2048xf32> to vector<256x2048xf32>
    %add3A_2141 = arith.addf %add3A_2139, %add3A_2140 : vector<256x2048xf32>
    %mul3A_2142 = arith.constant 2.000000e+00 : f32
    %mul3A_2143 = vector.broadcast %mul3A_2142 : f32 to vector<256x2048xf32>
    %mul3A_2144 = arith.mulf %mul3A_2143, %dot_general3A_2138 : vector<256x2048xf32>
    %sub3A_2145 = arith.subf %add3A_2141, %mul3A_2144 : vector<256x2048xf32>
    %max3A_2146 = arith.constant 0.000000e+00 : f32
    %max3A_2147 = vector.broadcast %max3A_2146 : f32 to vector<256x2048xf32>
    %max3A_2148 = arith.maximumf %sub3A_2145, %max3A_2147 : vector<256x2048xf32>
    %broadcast_in_dim3A_2149 = arith.constant 3.000000e+38 : f32
    %broadcast_in_dim3A_2150 = vector.broadcast %broadcast_in_dim3A_2149 : f32 to vector<256x128xf32>
    %broadcast_in_dim3A_2151 = arith.constant 0 : i32
    %broadcast_in_dim3A_2152 = vector.broadcast %broadcast_in_dim3A_2151 : i32 to vector<256x128xi32>
    %slice3A_2153 = vector.extract_strided_slice %max3A_2148 {offsets = [0, 0], sizes = [256, 128], strides = [1, 1]} : vector<256x2048xf32> to vector<256x128xf32>
    %lt3A_2154 = arith.cmpf olt, %slice3A_2153, %broadcast_in_dim3A_2150 : vector<256x128xf32>
    %lt3A_2155 = arith.cmpf olt, %slice3A_2153, %broadcast_in_dim3A_2150 : vector<256x128xf32>
    %lt3A_2156 = arith.cmpf olt, %slice3A_2153, %broadcast_in_dim3A_2150 : vector<256x128xf32>
    %select_n3A_2157 = arith.select %lt3A_2155, %slice3A_2153, %broadcast_in_dim3A_2150 : vector<256x128xi1>, vector<256x128xf32>
    %select_n3A_2158 = arith.select %lt3A_2154, %broadcast_in_dim3A_2150, %select_n3A_2157 : vector<256x128xi1>, vector<256x128xf32>
    %jit3A_2159 = arith.constant 0 : i32
    %broadcast_in_dim3A_2160 = vector.broadcast %jit3A_2159 : i32 to vector<256x128xi32>
    %select_n3A_2161 = arith.select %lt3A_2155, %broadcast_in_dim3A_2160, %broadcast_in_dim3A_2152 : vector<256x128xi1>, vector<256x128xi32>
    %select_n3A_2162 = arith.select %lt3A_2154, %broadcast_in_dim3A_2152, %select_n3A_2161 : vector<256x128xi1>, vector<256x128xi32>
    %select_n3A_2163 = arith.select %lt3A_2156, %slice3A_2153, %broadcast_in_dim3A_2150 : vector<256x128xi1>, vector<256x128xf32>
    %select_n3A_2164 = arith.select %lt3A_2155, %broadcast_in_dim3A_2150, %select_n3A_2163 : vector<256x128xi1>, vector<256x128xf32>
    %jit3A_2165 = arith.constant 0 : i32
    %broadcast_in_dim3A_2166 = vector.broadcast %jit3A_2165 : i32 to vector<256x128xi32>
    %select_n3A_2167 = arith.select %lt3A_2156, %broadcast_in_dim3A_2166, %broadcast_in_dim3A_2152 : vector<256x128xi1>, vector<256x128xi32>
    %select_n3A_2168 = arith.select %lt3A_2155, %broadcast_in_dim3A_2152, %select_n3A_2167 : vector<256x128xi1>, vector<256x128xi32>
    %min3A_2169 = arith.minimumf %broadcast_in_dim3A_2150, %slice3A_2153 : vector<256x128xf32>
    %jit3A_2170 = arith.constant 0 : i32
    %broadcast_in_dim3A_2171 = vector.broadcast %jit3A_2170 : i32 to vector<256x128xi32>
    %select_n3A_2172 = arith.select %lt3A_2154, %broadcast_in_dim3A_2171, %broadcast_in_dim3A_2152 : vector<256x128xi1>, vector<256x128xi32>
    %slice3A_2173 = vector.extract_strided_slice %max3A_2148 {offsets = [0, 128], sizes = [256, 128], strides = [1, 1]} : vector<256x2048xf32> to vector<256x128xf32>
    %lt3A_2174 = arith.cmpf olt, %slice3A_2173, %min3A_2169 : vector<256x128xf32>
    %lt3A_2175 = arith.cmpf olt, %slice3A_2173, %select_n3A_2158 : vector<256x128xf32>
    %lt3A_2176 = arith.cmpf olt, %slice3A_2173, %select_n3A_2164 : vector<256x128xf32>
    %select_n3A_2177 = arith.select %lt3A_2175, %slice3A_2173, %select_n3A_2158 : vector<256x128xi1>, vector<256x128xf32>
    %select_n3A_2178 = arith.select %lt3A_2174, %min3A_2169, %select_n3A_2177 : vector<256x128xi1>, vector<256x128xf32>
    %jit3A_2179 = arith.constant 1 : i32
    %broadcast_in_dim3A_2180 = vector.broadcast %jit3A_2179 : i32 to vector<256x128xi32>
    %select_n3A_2181 = arith.select %lt3A_2175, %broadcast_in_dim3A_2180, %select_n3A_2162 : vector<256x128xi1>, vector<256x128xi32>
    %select_n3A_2182 = arith.select %lt3A_2174, %select_n3A_2172, %select_n3A_2181 : vector<256x128xi1>, vector<256x128xi32>
    %select_n3A_2183 = arith.select %lt3A_2176, %slice3A_2173, %select_n3A_2164 : vector<256x128xi1>, vector<256x128xf32>
    %select_n3A_2184 = arith.select %lt3A_2175, %select_n3A_2158, %select_n3A_2183 : vector<256x128xi1>, vector<256x128xf32>
    %jit3A_2185 = arith.constant 1 : i32
    %broadcast_in_dim3A_2186 = vector.broadcast %jit3A_2185 : i32 to vector<256x128xi32>
    %select_n3A_2187 = arith.select %lt3A_2176, %broadcast_in_dim3A_2186, %select_n3A_2168 : vector<256x128xi1>, vector<256x128xi32>
    %select_n3A_2188 = arith.select %lt3A_2175, %select_n3A_2162, %select_n3A_2187 : vector<256x128xi1>, vector<256x128xi32>
    %min3A_2189 = arith.minimumf %min3A_2169, %slice3A_2173 : vector<256x128xf32>
    %jit3A_2190 = arith.constant 1 : i32
    %broadcast_in_dim3A_2191 = vector.broadcast %jit3A_2190 : i32 to vector<256x128xi32>
    %select_n3A_2192 = arith.select %lt3A_2174, %broadcast_in_dim3A_2191, %select_n3A_2172 : vector<256x128xi1>, vector<256x128xi32>
    %slice3A_2193 = vector.extract_strided_slice %max3A_2148 {offsets = [0, 256], sizes = [256, 128], strides = [1, 1]} : vector<256x2048xf32> to vector<256x128xf32>
    %lt3A_2194 = arith.cmpf olt, %slice3A_2193, %min3A_2189 : vector<256x128xf32>
    %lt3A_2195 = arith.cmpf olt, %slice3A_2193, %select_n3A_2178 : vector<256x128xf32>
    %lt3A_2196 = arith.cmpf olt, %slice3A_2193, %select_n3A_2184 : vector<256x128xf32>
    %select_n3A_2197 = arith.select %lt3A_2195, %slice3A_2193, %select_n3A_2178 : vector<256x128xi1>, vector<256x128xf32>
    %select_n3A_2198 = arith.select %lt3A_2194, %min3A_2189, %select_n3A_2197 : vector<256x128xi1>, vector<256x128xf32>
    %jit3A_2199 = arith.constant 2 : i32
    %broadcast_in_dim3A_2200 = vector.broadcast %jit3A_2199 : i32 to vector<256x128xi32>
    %select_n3A_2201 = arith.select %lt3A_2195, %broadcast_in_dim3A_2200, %select_n3A_2182 : vector<256x128xi1>, vector<256x128xi32>
    %select_n3A_2202 = arith.select %lt3A_2194, %select_n3A_2192, %select_n3A_2201 : vector<256x128xi1>, vector<256x128xi32>
    %select_n3A_2203 = arith.select %lt3A_2196, %slice3A_2193, %select_n3A_2184 : vector<256x128xi1>, vector<256x128xf32>
    %select_n3A_2204 = arith.select %lt3A_2195, %select_n3A_2178, %select_n3A_2203 : vector<256x128xi1>, vector<256x128xf32>
    %jit3A_2205 = arith.constant 2 : i32
    %broadcast_in_dim3A_2206 = vector.broadcast %jit3A_2205 : i32 to vector<256x128xi32>
    %select_n3A_2207 = arith.select %lt3A_2196, %broadcast_in_dim3A_2206, %select_n3A_2188 : vector<256x128xi1>, vector<256x128xi32>
    %select_n3A_2208 = arith.select %lt3A_2195, %select_n3A_2182, %select_n3A_2207 : vector<256x128xi1>, vector<256x128xi32>
    %min3A_2209 = arith.minimumf %min3A_2189, %slice3A_2193 : vector<256x128xf32>
    %jit3A_2210 = arith.constant 2 : i32
    %broadcast_in_dim3A_2211 = vector.broadcast %jit3A_2210 : i32 to vector<256x128xi32>
    %select_n3A_2212 = arith.select %lt3A_2194, %broadcast_in_dim3A_2211, %select_n3A_2192 : vector<256x128xi1>, vector<256x128xi32>
    %slice3A_2213 = vector.extract_strided_slice %max3A_2148 {offsets = [0, 384], sizes = [256, 128], strides = [1, 1]} : vector<256x2048xf32> to vector<256x128xf32>
    %lt3A_2214 = arith.cmpf olt, %slice3A_2213, %min3A_2209 : vector<256x128xf32>
    %lt3A_2215 = arith.cmpf olt, %slice3A_2213, %select_n3A_2198 : vector<256x128xf32>
    %lt3A_2216 = arith.cmpf olt, %slice3A_2213, %select_n3A_2204 : vector<256x128xf32>
    %select_n3A_2217 = arith.select %lt3A_2215, %slice3A_2213, %select_n3A_2198 : vector<256x128xi1>, vector<256x128xf32>
    %select_n3A_2218 = arith.select %lt3A_2214, %min3A_2209, %select_n3A_2217 : vector<256x128xi1>, vector<256x128xf32>
    %jit3A_2219 = arith.constant 3 : i32
    %broadcast_in_dim3A_2220 = vector.broadcast %jit3A_2219 : i32 to vector<256x128xi32>
    %select_n3A_2221 = arith.select %lt3A_2215, %broadcast_in_dim3A_2220, %select_n3A_2202 : vector<256x128xi1>, vector<256x128xi32>
    %select_n3A_2222 = arith.select %lt3A_2214, %select_n3A_2212, %select_n3A_2221 : vector<256x128xi1>, vector<256x128xi32>
    %select_n3A_2223 = arith.select %lt3A_2216, %slice3A_2213, %select_n3A_2204 : vector<256x128xi1>, vector<256x128xf32>
    %select_n3A_2224 = arith.select %lt3A_2215, %select_n3A_2198, %select_n3A_2223 : vector<256x128xi1>, vector<256x128xf32>
    %jit3A_2225 = arith.constant 3 : i32
    %broadcast_in_dim3A_2226 = vector.broadcast %jit3A_2225 : i32 to vector<256x128xi32>
    %select_n3A_2227 = arith.select %lt3A_2216, %broadcast_in_dim3A_2226, %select_n3A_2208 : vector<256x128xi1>, vector<256x128xi32>
    %select_n3A_2228 = arith.select %lt3A_2215, %select_n3A_2202, %select_n3A_2227 : vector<256x128xi1>, vector<256x128xi32>
    %min3A_2229 = arith.minimumf %min3A_2209, %slice3A_2213 : vector<256x128xf32>
    %jit3A_2230 = arith.constant 3 : i32
    %broadcast_in_dim3A_2231 = vector.broadcast %jit3A_2230 : i32 to vector<256x128xi32>
    %select_n3A_2232 = arith.select %lt3A_2214, %broadcast_in_dim3A_2231, %select_n3A_2212 : vector<256x128xi1>, vector<256x128xi32>
    %slice3A_2233 = vector.extract_strided_slice %max3A_2148 {offsets = [0, 512], sizes = [256, 128], strides = [1, 1]} : vector<256x2048xf32> to vector<256x128xf32>
    %lt3A_2234 = arith.cmpf olt, %slice3A_2233, %min3A_2229 : vector<256x128xf32>
    %lt3A_2235 = arith.cmpf olt, %slice3A_2233, %select_n3A_2218 : vector<256x128xf32>
    %lt3A_2236 = arith.cmpf olt, %slice3A_2233, %select_n3A_2224 : vector<256x128xf32>
    %select_n3A_2237 = arith.select %lt3A_2235, %slice3A_2233, %select_n3A_2218 : vector<256x128xi1>, vector<256x128xf32>
    %select_n3A_2238 = arith.select %lt3A_2234, %min3A_2229, %select_n3A_2237 : vector<256x128xi1>, vector<256x128xf32>
    %jit3A_2239 = arith.constant 4 : i32
    %broadcast_in_dim3A_2240 = vector.broadcast %jit3A_2239 : i32 to vector<256x128xi32>
    %select_n3A_2241 = arith.select %lt3A_2235, %broadcast_in_dim3A_2240, %select_n3A_2222 : vector<256x128xi1>, vector<256x128xi32>
    %select_n3A_2242 = arith.select %lt3A_2234, %select_n3A_2232, %select_n3A_2241 : vector<256x128xi1>, vector<256x128xi32>
    %select_n3A_2243 = arith.select %lt3A_2236, %slice3A_2233, %select_n3A_2224 : vector<256x128xi1>, vector<256x128xf32>
    %select_n3A_2244 = arith.select %lt3A_2235, %select_n3A_2218, %select_n3A_2243 : vector<256x128xi1>, vector<256x128xf32>
    %jit3A_2245 = arith.constant 4 : i32
    %broadcast_in_dim3A_2246 = vector.broadcast %jit3A_2245 : i32 to vector<256x128xi32>
    %select_n3A_2247 = arith.select %lt3A_2236, %broadcast_in_dim3A_2246, %select_n3A_2228 : vector<256x128xi1>, vector<256x128xi32>
    %select_n3A_2248 = arith.select %lt3A_2235, %select_n3A_2222, %select_n3A_2247 : vector<256x128xi1>, vector<256x128xi32>
    %min3A_2249 = arith.minimumf %min3A_2229, %slice3A_2233 : vector<256x128xf32>
    %jit3A_2250 = arith.constant 4 : i32
    %broadcast_in_dim3A_2251 = vector.broadcast %jit3A_2250 : i32 to vector<256x128xi32>
    %select_n3A_2252 = arith.select %lt3A_2234, %broadcast_in_dim3A_2251, %select_n3A_2232 : vector<256x128xi1>, vector<256x128xi32>
    %slice3A_2253 = vector.extract_strided_slice %max3A_2148 {offsets = [0, 640], sizes = [256, 128], strides = [1, 1]} : vector<256x2048xf32> to vector<256x128xf32>
    %lt3A_2254 = arith.cmpf olt, %slice3A_2253, %min3A_2249 : vector<256x128xf32>
    %lt3A_2255 = arith.cmpf olt, %slice3A_2253, %select_n3A_2238 : vector<256x128xf32>
    %lt3A_2256 = arith.cmpf olt, %slice3A_2253, %select_n3A_2244 : vector<256x128xf32>
    %select_n3A_2257 = arith.select %lt3A_2255, %slice3A_2253, %select_n3A_2238 : vector<256x128xi1>, vector<256x128xf32>
    %select_n3A_2258 = arith.select %lt3A_2254, %min3A_2249, %select_n3A_2257 : vector<256x128xi1>, vector<256x128xf32>
    %jit3A_2259 = arith.constant 5 : i32
    %broadcast_in_dim3A_2260 = vector.broadcast %jit3A_2259 : i32 to vector<256x128xi32>
    %select_n3A_2261 = arith.select %lt3A_2255, %broadcast_in_dim3A_2260, %select_n3A_2242 : vector<256x128xi1>, vector<256x128xi32>
    %select_n3A_2262 = arith.select %lt3A_2254, %select_n3A_2252, %select_n3A_2261 : vector<256x128xi1>, vector<256x128xi32>
    %select_n3A_2263 = arith.select %lt3A_2256, %slice3A_2253, %select_n3A_2244 : vector<256x128xi1>, vector<256x128xf32>
    %select_n3A_2264 = arith.select %lt3A_2255, %select_n3A_2238, %select_n3A_2263 : vector<256x128xi1>, vector<256x128xf32>
    %jit3A_2265 = arith.constant 5 : i32
    %broadcast_in_dim3A_2266 = vector.broadcast %jit3A_2265 : i32 to vector<256x128xi32>
    %select_n3A_2267 = arith.select %lt3A_2256, %broadcast_in_dim3A_2266, %select_n3A_2248 : vector<256x128xi1>, vector<256x128xi32>
    %select_n3A_2268 = arith.select %lt3A_2255, %select_n3A_2242, %select_n3A_2267 : vector<256x128xi1>, vector<256x128xi32>
    %min3A_2269 = arith.minimumf %min3A_2249, %slice3A_2253 : vector<256x128xf32>
    %jit3A_2270 = arith.constant 5 : i32
    %broadcast_in_dim3A_2271 = vector.broadcast %jit3A_2270 : i32 to vector<256x128xi32>
    %select_n3A_2272 = arith.select %lt3A_2254, %broadcast_in_dim3A_2271, %select_n3A_2252 : vector<256x128xi1>, vector<256x128xi32>
    %slice3A_2273 = vector.extract_strided_slice %max3A_2148 {offsets = [0, 768], sizes = [256, 128], strides = [1, 1]} : vector<256x2048xf32> to vector<256x128xf32>
    %lt3A_2274 = arith.cmpf olt, %slice3A_2273, %min3A_2269 : vector<256x128xf32>
    %lt3A_2275 = arith.cmpf olt, %slice3A_2273, %select_n3A_2258 : vector<256x128xf32>
    %lt3A_2276 = arith.cmpf olt, %slice3A_2273, %select_n3A_2264 : vector<256x128xf32>
    %select_n3A_2277 = arith.select %lt3A_2275, %slice3A_2273, %select_n3A_2258 : vector<256x128xi1>, vector<256x128xf32>
    %select_n3A_2278 = arith.select %lt3A_2274, %min3A_2269, %select_n3A_2277 : vector<256x128xi1>, vector<256x128xf32>
    %jit3A_2279 = arith.constant 6 : i32
    %broadcast_in_dim3A_2280 = vector.broadcast %jit3A_2279 : i32 to vector<256x128xi32>
    %select_n3A_2281 = arith.select %lt3A_2275, %broadcast_in_dim3A_2280, %select_n3A_2262 : vector<256x128xi1>, vector<256x128xi32>
    %select_n3A_2282 = arith.select %lt3A_2274, %select_n3A_2272, %select_n3A_2281 : vector<256x128xi1>, vector<256x128xi32>
    %select_n3A_2283 = arith.select %lt3A_2276, %slice3A_2273, %select_n3A_2264 : vector<256x128xi1>, vector<256x128xf32>
    %select_n3A_2284 = arith.select %lt3A_2275, %select_n3A_2258, %select_n3A_2283 : vector<256x128xi1>, vector<256x128xf32>
    %jit3A_2285 = arith.constant 6 : i32
    %broadcast_in_dim3A_2286 = vector.broadcast %jit3A_2285 : i32 to vector<256x128xi32>
    %select_n3A_2287 = arith.select %lt3A_2276, %broadcast_in_dim3A_2286, %select_n3A_2268 : vector<256x128xi1>, vector<256x128xi32>
    %select_n3A_2288 = arith.select %lt3A_2275, %select_n3A_2262, %select_n3A_2287 : vector<256x128xi1>, vector<256x128xi32>
    %min3A_2289 = arith.minimumf %min3A_2269, %slice3A_2273 : vector<256x128xf32>
    %jit3A_2290 = arith.constant 6 : i32
    %broadcast_in_dim3A_2291 = vector.broadcast %jit3A_2290 : i32 to vector<256x128xi32>
    %select_n3A_2292 = arith.select %lt3A_2274, %broadcast_in_dim3A_2291, %select_n3A_2272 : vector<256x128xi1>, vector<256x128xi32>
    %slice3A_2293 = vector.extract_strided_slice %max3A_2148 {offsets = [0, 896], sizes = [256, 128], strides = [1, 1]} : vector<256x2048xf32> to vector<256x128xf32>
    %lt3A_2294 = arith.cmpf olt, %slice3A_2293, %min3A_2289 : vector<256x128xf32>
    %lt3A_2295 = arith.cmpf olt, %slice3A_2293, %select_n3A_2278 : vector<256x128xf32>
    %lt3A_2296 = arith.cmpf olt, %slice3A_2293, %select_n3A_2284 : vector<256x128xf32>
    %select_n3A_2297 = arith.select %lt3A_2295, %slice3A_2293, %select_n3A_2278 : vector<256x128xi1>, vector<256x128xf32>
    %select_n3A_2298 = arith.select %lt3A_2294, %min3A_2289, %select_n3A_2297 : vector<256x128xi1>, vector<256x128xf32>
    %jit3A_2299 = arith.constant 7 : i32
    %broadcast_in_dim3A_2300 = vector.broadcast %jit3A_2299 : i32 to vector<256x128xi32>
    %select_n3A_2301 = arith.select %lt3A_2295, %broadcast_in_dim3A_2300, %select_n3A_2282 : vector<256x128xi1>, vector<256x128xi32>
    %select_n3A_2302 = arith.select %lt3A_2294, %select_n3A_2292, %select_n3A_2301 : vector<256x128xi1>, vector<256x128xi32>
    %select_n3A_2303 = arith.select %lt3A_2296, %slice3A_2293, %select_n3A_2284 : vector<256x128xi1>, vector<256x128xf32>
    %select_n3A_2304 = arith.select %lt3A_2295, %select_n3A_2278, %select_n3A_2303 : vector<256x128xi1>, vector<256x128xf32>
    %jit3A_2305 = arith.constant 7 : i32
    %broadcast_in_dim3A_2306 = vector.broadcast %jit3A_2305 : i32 to vector<256x128xi32>
    %select_n3A_2307 = arith.select %lt3A_2296, %broadcast_in_dim3A_2306, %select_n3A_2288 : vector<256x128xi1>, vector<256x128xi32>
    %select_n3A_2308 = arith.select %lt3A_2295, %select_n3A_2282, %select_n3A_2307 : vector<256x128xi1>, vector<256x128xi32>
    %min3A_2309 = arith.minimumf %min3A_2289, %slice3A_2293 : vector<256x128xf32>
    %jit3A_2310 = arith.constant 7 : i32
    %broadcast_in_dim3A_2311 = vector.broadcast %jit3A_2310 : i32 to vector<256x128xi32>
    %select_n3A_2312 = arith.select %lt3A_2294, %broadcast_in_dim3A_2311, %select_n3A_2292 : vector<256x128xi1>, vector<256x128xi32>
    %slice3A_2313 = vector.extract_strided_slice %max3A_2148 {offsets = [0, 1024], sizes = [256, 128], strides = [1, 1]} : vector<256x2048xf32> to vector<256x128xf32>
    %lt3A_2314 = arith.cmpf olt, %slice3A_2313, %min3A_2309 : vector<256x128xf32>
    %lt3A_2315 = arith.cmpf olt, %slice3A_2313, %select_n3A_2298 : vector<256x128xf32>
    %lt3A_2316 = arith.cmpf olt, %slice3A_2313, %select_n3A_2304 : vector<256x128xf32>
    %select_n3A_2317 = arith.select %lt3A_2315, %slice3A_2313, %select_n3A_2298 : vector<256x128xi1>, vector<256x128xf32>
    %select_n3A_2318 = arith.select %lt3A_2314, %min3A_2309, %select_n3A_2317 : vector<256x128xi1>, vector<256x128xf32>
    %jit3A_2319 = arith.constant 8 : i32
    %broadcast_in_dim3A_2320 = vector.broadcast %jit3A_2319 : i32 to vector<256x128xi32>
    %select_n3A_2321 = arith.select %lt3A_2315, %broadcast_in_dim3A_2320, %select_n3A_2302 : vector<256x128xi1>, vector<256x128xi32>
    %select_n3A_2322 = arith.select %lt3A_2314, %select_n3A_2312, %select_n3A_2321 : vector<256x128xi1>, vector<256x128xi32>
    %select_n3A_2323 = arith.select %lt3A_2316, %slice3A_2313, %select_n3A_2304 : vector<256x128xi1>, vector<256x128xf32>
    %select_n3A_2324 = arith.select %lt3A_2315, %select_n3A_2298, %select_n3A_2323 : vector<256x128xi1>, vector<256x128xf32>
    %jit3A_2325 = arith.constant 8 : i32
    %broadcast_in_dim3A_2326 = vector.broadcast %jit3A_2325 : i32 to vector<256x128xi32>
    %select_n3A_2327 = arith.select %lt3A_2316, %broadcast_in_dim3A_2326, %select_n3A_2308 : vector<256x128xi1>, vector<256x128xi32>
    %select_n3A_2328 = arith.select %lt3A_2315, %select_n3A_2302, %select_n3A_2327 : vector<256x128xi1>, vector<256x128xi32>
    %min3A_2329 = arith.minimumf %min3A_2309, %slice3A_2313 : vector<256x128xf32>
    %jit3A_2330 = arith.constant 8 : i32
    %broadcast_in_dim3A_2331 = vector.broadcast %jit3A_2330 : i32 to vector<256x128xi32>
    %select_n3A_2332 = arith.select %lt3A_2314, %broadcast_in_dim3A_2331, %select_n3A_2312 : vector<256x128xi1>, vector<256x128xi32>
    %slice3A_2333 = vector.extract_strided_slice %max3A_2148 {offsets = [0, 1152], sizes = [256, 128], strides = [1, 1]} : vector<256x2048xf32> to vector<256x128xf32>
    %lt3A_2334 = arith.cmpf olt, %slice3A_2333, %min3A_2329 : vector<256x128xf32>
    %lt3A_2335 = arith.cmpf olt, %slice3A_2333, %select_n3A_2318 : vector<256x128xf32>
    %lt3A_2336 = arith.cmpf olt, %slice3A_2333, %select_n3A_2324 : vector<256x128xf32>
    %select_n3A_2337 = arith.select %lt3A_2335, %slice3A_2333, %select_n3A_2318 : vector<256x128xi1>, vector<256x128xf32>
    %select_n3A_2338 = arith.select %lt3A_2334, %min3A_2329, %select_n3A_2337 : vector<256x128xi1>, vector<256x128xf32>
    %jit3A_2339 = arith.constant 9 : i32
    %broadcast_in_dim3A_2340 = vector.broadcast %jit3A_2339 : i32 to vector<256x128xi32>
    %select_n3A_2341 = arith.select %lt3A_2335, %broadcast_in_dim3A_2340, %select_n3A_2322 : vector<256x128xi1>, vector<256x128xi32>
    %select_n3A_2342 = arith.select %lt3A_2334, %select_n3A_2332, %select_n3A_2341 : vector<256x128xi1>, vector<256x128xi32>
    %select_n3A_2343 = arith.select %lt3A_2336, %slice3A_2333, %select_n3A_2324 : vector<256x128xi1>, vector<256x128xf32>
    %select_n3A_2344 = arith.select %lt3A_2335, %select_n3A_2318, %select_n3A_2343 : vector<256x128xi1>, vector<256x128xf32>
    %jit3A_2345 = arith.constant 9 : i32
    %broadcast_in_dim3A_2346 = vector.broadcast %jit3A_2345 : i32 to vector<256x128xi32>
    %select_n3A_2347 = arith.select %lt3A_2336, %broadcast_in_dim3A_2346, %select_n3A_2328 : vector<256x128xi1>, vector<256x128xi32>
    %select_n3A_2348 = arith.select %lt3A_2335, %select_n3A_2322, %select_n3A_2347 : vector<256x128xi1>, vector<256x128xi32>
    %min3A_2349 = arith.minimumf %min3A_2329, %slice3A_2333 : vector<256x128xf32>
    %jit3A_2350 = arith.constant 9 : i32
    %broadcast_in_dim3A_2351 = vector.broadcast %jit3A_2350 : i32 to vector<256x128xi32>
    %select_n3A_2352 = arith.select %lt3A_2334, %broadcast_in_dim3A_2351, %select_n3A_2332 : vector<256x128xi1>, vector<256x128xi32>
    %slice3A_2353 = vector.extract_strided_slice %max3A_2148 {offsets = [0, 1280], sizes = [256, 128], strides = [1, 1]} : vector<256x2048xf32> to vector<256x128xf32>
    %lt3A_2354 = arith.cmpf olt, %slice3A_2353, %min3A_2349 : vector<256x128xf32>
    %lt3A_2355 = arith.cmpf olt, %slice3A_2353, %select_n3A_2338 : vector<256x128xf32>
    %lt3A_2356 = arith.cmpf olt, %slice3A_2353, %select_n3A_2344 : vector<256x128xf32>
    %select_n3A_2357 = arith.select %lt3A_2355, %slice3A_2353, %select_n3A_2338 : vector<256x128xi1>, vector<256x128xf32>
    %select_n3A_2358 = arith.select %lt3A_2354, %min3A_2349, %select_n3A_2357 : vector<256x128xi1>, vector<256x128xf32>
    %jit3A_2359 = arith.constant 10 : i32
    %broadcast_in_dim3A_2360 = vector.broadcast %jit3A_2359 : i32 to vector<256x128xi32>
    %select_n3A_2361 = arith.select %lt3A_2355, %broadcast_in_dim3A_2360, %select_n3A_2342 : vector<256x128xi1>, vector<256x128xi32>
    %select_n3A_2362 = arith.select %lt3A_2354, %select_n3A_2352, %select_n3A_2361 : vector<256x128xi1>, vector<256x128xi32>
    %select_n3A_2363 = arith.select %lt3A_2356, %slice3A_2353, %select_n3A_2344 : vector<256x128xi1>, vector<256x128xf32>
    %select_n3A_2364 = arith.select %lt3A_2355, %select_n3A_2338, %select_n3A_2363 : vector<256x128xi1>, vector<256x128xf32>
    %jit3A_2365 = arith.constant 10 : i32
    %broadcast_in_dim3A_2366 = vector.broadcast %jit3A_2365 : i32 to vector<256x128xi32>
    %select_n3A_2367 = arith.select %lt3A_2356, %broadcast_in_dim3A_2366, %select_n3A_2348 : vector<256x128xi1>, vector<256x128xi32>
    %select_n3A_2368 = arith.select %lt3A_2355, %select_n3A_2342, %select_n3A_2367 : vector<256x128xi1>, vector<256x128xi32>
    %min3A_2369 = arith.minimumf %min3A_2349, %slice3A_2353 : vector<256x128xf32>
    %jit3A_2370 = arith.constant 10 : i32
    %broadcast_in_dim3A_2371 = vector.broadcast %jit3A_2370 : i32 to vector<256x128xi32>
    %select_n3A_2372 = arith.select %lt3A_2354, %broadcast_in_dim3A_2371, %select_n3A_2352 : vector<256x128xi1>, vector<256x128xi32>
    %slice3A_2373 = vector.extract_strided_slice %max3A_2148 {offsets = [0, 1408], sizes = [256, 128], strides = [1, 1]} : vector<256x2048xf32> to vector<256x128xf32>
    %lt3A_2374 = arith.cmpf olt, %slice3A_2373, %min3A_2369 : vector<256x128xf32>
    %lt3A_2375 = arith.cmpf olt, %slice3A_2373, %select_n3A_2358 : vector<256x128xf32>
    %lt3A_2376 = arith.cmpf olt, %slice3A_2373, %select_n3A_2364 : vector<256x128xf32>
    %select_n3A_2377 = arith.select %lt3A_2375, %slice3A_2373, %select_n3A_2358 : vector<256x128xi1>, vector<256x128xf32>
    %select_n3A_2378 = arith.select %lt3A_2374, %min3A_2369, %select_n3A_2377 : vector<256x128xi1>, vector<256x128xf32>
    %jit3A_2379 = arith.constant 11 : i32
    %broadcast_in_dim3A_2380 = vector.broadcast %jit3A_2379 : i32 to vector<256x128xi32>
    %select_n3A_2381 = arith.select %lt3A_2375, %broadcast_in_dim3A_2380, %select_n3A_2362 : vector<256x128xi1>, vector<256x128xi32>
    %select_n3A_2382 = arith.select %lt3A_2374, %select_n3A_2372, %select_n3A_2381 : vector<256x128xi1>, vector<256x128xi32>
    %select_n3A_2383 = arith.select %lt3A_2376, %slice3A_2373, %select_n3A_2364 : vector<256x128xi1>, vector<256x128xf32>
    %select_n3A_2384 = arith.select %lt3A_2375, %select_n3A_2358, %select_n3A_2383 : vector<256x128xi1>, vector<256x128xf32>
    %jit3A_2385 = arith.constant 11 : i32
    %broadcast_in_dim3A_2386 = vector.broadcast %jit3A_2385 : i32 to vector<256x128xi32>
    %select_n3A_2387 = arith.select %lt3A_2376, %broadcast_in_dim3A_2386, %select_n3A_2368 : vector<256x128xi1>, vector<256x128xi32>
    %select_n3A_2388 = arith.select %lt3A_2375, %select_n3A_2362, %select_n3A_2387 : vector<256x128xi1>, vector<256x128xi32>
    %min3A_2389 = arith.minimumf %min3A_2369, %slice3A_2373 : vector<256x128xf32>
    %jit3A_2390 = arith.constant 11 : i32
    %broadcast_in_dim3A_2391 = vector.broadcast %jit3A_2390 : i32 to vector<256x128xi32>
    %select_n3A_2392 = arith.select %lt3A_2374, %broadcast_in_dim3A_2391, %select_n3A_2372 : vector<256x128xi1>, vector<256x128xi32>
    %slice3A_2393 = vector.extract_strided_slice %max3A_2148 {offsets = [0, 1536], sizes = [256, 128], strides = [1, 1]} : vector<256x2048xf32> to vector<256x128xf32>
    %lt3A_2394 = arith.cmpf olt, %slice3A_2393, %min3A_2389 : vector<256x128xf32>
    %lt3A_2395 = arith.cmpf olt, %slice3A_2393, %select_n3A_2378 : vector<256x128xf32>
    %lt3A_2396 = arith.cmpf olt, %slice3A_2393, %select_n3A_2384 : vector<256x128xf32>
    %select_n3A_2397 = arith.select %lt3A_2395, %slice3A_2393, %select_n3A_2378 : vector<256x128xi1>, vector<256x128xf32>
    %select_n3A_2398 = arith.select %lt3A_2394, %min3A_2389, %select_n3A_2397 : vector<256x128xi1>, vector<256x128xf32>
    %jit3A_2399 = arith.constant 12 : i32
    %broadcast_in_dim3A_2400 = vector.broadcast %jit3A_2399 : i32 to vector<256x128xi32>
    %select_n3A_2401 = arith.select %lt3A_2395, %broadcast_in_dim3A_2400, %select_n3A_2382 : vector<256x128xi1>, vector<256x128xi32>
    %select_n3A_2402 = arith.select %lt3A_2394, %select_n3A_2392, %select_n3A_2401 : vector<256x128xi1>, vector<256x128xi32>
    %select_n3A_2403 = arith.select %lt3A_2396, %slice3A_2393, %select_n3A_2384 : vector<256x128xi1>, vector<256x128xf32>
    %select_n3A_2404 = arith.select %lt3A_2395, %select_n3A_2378, %select_n3A_2403 : vector<256x128xi1>, vector<256x128xf32>
    %jit3A_2405 = arith.constant 12 : i32
    %broadcast_in_dim3A_2406 = vector.broadcast %jit3A_2405 : i32 to vector<256x128xi32>
    %select_n3A_2407 = arith.select %lt3A_2396, %broadcast_in_dim3A_2406, %select_n3A_2388 : vector<256x128xi1>, vector<256x128xi32>
    %select_n3A_2408 = arith.select %lt3A_2395, %select_n3A_2382, %select_n3A_2407 : vector<256x128xi1>, vector<256x128xi32>
    %min3A_2409 = arith.minimumf %min3A_2389, %slice3A_2393 : vector<256x128xf32>
    %jit3A_2410 = arith.constant 12 : i32
    %broadcast_in_dim3A_2411 = vector.broadcast %jit3A_2410 : i32 to vector<256x128xi32>
    %select_n3A_2412 = arith.select %lt3A_2394, %broadcast_in_dim3A_2411, %select_n3A_2392 : vector<256x128xi1>, vector<256x128xi32>
    %slice3A_2413 = vector.extract_strided_slice %max3A_2148 {offsets = [0, 1664], sizes = [256, 128], strides = [1, 1]} : vector<256x2048xf32> to vector<256x128xf32>
    %lt3A_2414 = arith.cmpf olt, %slice3A_2413, %min3A_2409 : vector<256x128xf32>
    %lt3A_2415 = arith.cmpf olt, %slice3A_2413, %select_n3A_2398 : vector<256x128xf32>
    %lt3A_2416 = arith.cmpf olt, %slice3A_2413, %select_n3A_2404 : vector<256x128xf32>
    %select_n3A_2417 = arith.select %lt3A_2415, %slice3A_2413, %select_n3A_2398 : vector<256x128xi1>, vector<256x128xf32>
    %select_n3A_2418 = arith.select %lt3A_2414, %min3A_2409, %select_n3A_2417 : vector<256x128xi1>, vector<256x128xf32>
    %jit3A_2419 = arith.constant 13 : i32
    %broadcast_in_dim3A_2420 = vector.broadcast %jit3A_2419 : i32 to vector<256x128xi32>
    %select_n3A_2421 = arith.select %lt3A_2415, %broadcast_in_dim3A_2420, %select_n3A_2402 : vector<256x128xi1>, vector<256x128xi32>
    %select_n3A_2422 = arith.select %lt3A_2414, %select_n3A_2412, %select_n3A_2421 : vector<256x128xi1>, vector<256x128xi32>
    %select_n3A_2423 = arith.select %lt3A_2416, %slice3A_2413, %select_n3A_2404 : vector<256x128xi1>, vector<256x128xf32>
    %select_n3A_2424 = arith.select %lt3A_2415, %select_n3A_2398, %select_n3A_2423 : vector<256x128xi1>, vector<256x128xf32>
    %jit3A_2425 = arith.constant 13 : i32
    %broadcast_in_dim3A_2426 = vector.broadcast %jit3A_2425 : i32 to vector<256x128xi32>
    %select_n3A_2427 = arith.select %lt3A_2416, %broadcast_in_dim3A_2426, %select_n3A_2408 : vector<256x128xi1>, vector<256x128xi32>
    %select_n3A_2428 = arith.select %lt3A_2415, %select_n3A_2402, %select_n3A_2427 : vector<256x128xi1>, vector<256x128xi32>
    %min3A_2429 = arith.minimumf %min3A_2409, %slice3A_2413 : vector<256x128xf32>
    %jit3A_2430 = arith.constant 13 : i32
    %broadcast_in_dim3A_2431 = vector.broadcast %jit3A_2430 : i32 to vector<256x128xi32>
    %select_n3A_2432 = arith.select %lt3A_2414, %broadcast_in_dim3A_2431, %select_n3A_2412 : vector<256x128xi1>, vector<256x128xi32>
    %slice3A_2433 = vector.extract_strided_slice %max3A_2148 {offsets = [0, 1792], sizes = [256, 128], strides = [1, 1]} : vector<256x2048xf32> to vector<256x128xf32>
    %lt3A_2434 = arith.cmpf olt, %slice3A_2433, %min3A_2429 : vector<256x128xf32>
    %lt3A_2435 = arith.cmpf olt, %slice3A_2433, %select_n3A_2418 : vector<256x128xf32>
    %lt3A_2436 = arith.cmpf olt, %slice3A_2433, %select_n3A_2424 : vector<256x128xf32>
    %select_n3A_2437 = arith.select %lt3A_2435, %slice3A_2433, %select_n3A_2418 : vector<256x128xi1>, vector<256x128xf32>
    %select_n3A_2438 = arith.select %lt3A_2434, %min3A_2429, %select_n3A_2437 : vector<256x128xi1>, vector<256x128xf32>
    %jit3A_2439 = arith.constant 14 : i32
    %broadcast_in_dim3A_2440 = vector.broadcast %jit3A_2439 : i32 to vector<256x128xi32>
    %select_n3A_2441 = arith.select %lt3A_2435, %broadcast_in_dim3A_2440, %select_n3A_2422 : vector<256x128xi1>, vector<256x128xi32>
    %select_n3A_2442 = arith.select %lt3A_2434, %select_n3A_2432, %select_n3A_2441 : vector<256x128xi1>, vector<256x128xi32>
    %select_n3A_2443 = arith.select %lt3A_2436, %slice3A_2433, %select_n3A_2424 : vector<256x128xi1>, vector<256x128xf32>
    %select_n3A_2444 = arith.select %lt3A_2435, %select_n3A_2418, %select_n3A_2443 : vector<256x128xi1>, vector<256x128xf32>
    %jit3A_2445 = arith.constant 14 : i32
    %broadcast_in_dim3A_2446 = vector.broadcast %jit3A_2445 : i32 to vector<256x128xi32>
    %select_n3A_2447 = arith.select %lt3A_2436, %broadcast_in_dim3A_2446, %select_n3A_2428 : vector<256x128xi1>, vector<256x128xi32>
    %select_n3A_2448 = arith.select %lt3A_2435, %select_n3A_2422, %select_n3A_2447 : vector<256x128xi1>, vector<256x128xi32>
    %min3A_2449 = arith.minimumf %min3A_2429, %slice3A_2433 : vector<256x128xf32>
    %jit3A_2450 = arith.constant 14 : i32
    %broadcast_in_dim3A_2451 = vector.broadcast %jit3A_2450 : i32 to vector<256x128xi32>
    %select_n3A_2452 = arith.select %lt3A_2434, %broadcast_in_dim3A_2451, %select_n3A_2432 : vector<256x128xi1>, vector<256x128xi32>
    %slice3A_2453 = vector.extract_strided_slice %max3A_2148 {offsets = [0, 1920], sizes = [256, 128], strides = [1, 1]} : vector<256x2048xf32> to vector<256x128xf32>
    %lt3A_2454 = arith.cmpf olt, %slice3A_2453, %min3A_2449 : vector<256x128xf32>
    %lt3A_2455 = arith.cmpf olt, %slice3A_2453, %select_n3A_2438 : vector<256x128xf32>
    %lt3A_2456 = arith.cmpf olt, %slice3A_2453, %select_n3A_2444 : vector<256x128xf32>
    %select_n3A_2457 = arith.select %lt3A_2455, %slice3A_2453, %select_n3A_2438 : vector<256x128xi1>, vector<256x128xf32>
    %select_n3A_2458 = arith.select %lt3A_2454, %min3A_2449, %select_n3A_2457 : vector<256x128xi1>, vector<256x128xf32>
    %jit3A_2459 = arith.constant 15 : i32
    %broadcast_in_dim3A_2460 = vector.broadcast %jit3A_2459 : i32 to vector<256x128xi32>
    %select_n3A_2461 = arith.select %lt3A_2455, %broadcast_in_dim3A_2460, %select_n3A_2442 : vector<256x128xi1>, vector<256x128xi32>
    %select_n3A_2462 = arith.select %lt3A_2454, %select_n3A_2452, %select_n3A_2461 : vector<256x128xi1>, vector<256x128xi32>
    %select_n3A_2463 = arith.select %lt3A_2456, %slice3A_2453, %select_n3A_2444 : vector<256x128xi1>, vector<256x128xf32>
    %select_n3A_2464 = arith.select %lt3A_2455, %select_n3A_2438, %select_n3A_2463 : vector<256x128xi1>, vector<256x128xf32>
    %jit3A_2465 = arith.constant 15 : i32
    %broadcast_in_dim3A_2466 = vector.broadcast %jit3A_2465 : i32 to vector<256x128xi32>
    %select_n3A_2467 = arith.select %lt3A_2456, %broadcast_in_dim3A_2466, %select_n3A_2448 : vector<256x128xi1>, vector<256x128xi32>
    %select_n3A_2468 = arith.select %lt3A_2455, %select_n3A_2442, %select_n3A_2467 : vector<256x128xi1>, vector<256x128xi32>
    %min3A_2469 = arith.minimumf %min3A_2449, %slice3A_2453 : vector<256x128xf32>
    %jit3A_2470 = arith.constant 15 : i32
    %broadcast_in_dim3A_2471 = vector.broadcast %jit3A_2470 : i32 to vector<256x128xi32>
    %select_n3A_2472 = arith.select %lt3A_2454, %broadcast_in_dim3A_2471, %select_n3A_2452 : vector<256x128xi1>, vector<256x128xi32>
    %iota3A_2473 = tpu.iota {dimensions = array<i32: 1>} : vector<256x128xi32>
    %mul3A_2474 = arith.constant 128 : i32
    %mul3A_2475 = vector.broadcast %mul3A_2474 : i32 to vector<256x128xi32>
    %mul3A_2476 = arith.muli %select_n3A_2472, %mul3A_2475 : vector<256x128xi32>
    %add3A_2477 = arith.addi %mul3A_2476, %iota3A_2473 : vector<256x128xi32>
    %mul3A_2478 = arith.constant 128 : i32
    %mul3A_2479 = vector.broadcast %mul3A_2478 : i32 to vector<256x128xi32>
    %mul3A_2480 = arith.muli %select_n3A_2462, %mul3A_2479 : vector<256x128xi32>
    %add3A_2481 = arith.addi %mul3A_2480, %iota3A_2473 : vector<256x128xi32>
    %mul3A_2482 = arith.constant 128 : i32
    %mul3A_2483 = vector.broadcast %mul3A_2482 : i32 to vector<256x128xi32>
    %mul3A_2484 = arith.muli %select_n3A_2468, %mul3A_2483 : vector<256x128xi32>
    %add3A_2485 = arith.addi %mul3A_2484, %iota3A_2473 : vector<256x128xi32>
    %reduce_min3A_2486 = arith.constant dense<0x7F800000> : vector<256xf32>
    %reduce_min3A_2487 = vector.multi_reduction <minimumf>, %min3A_2469, %reduce_min3A_2486 [1] : vector<256x128xf32> to vector<256xf32>
    %broadcast_in_dim3A_2488 = vector.shape_cast %reduce_min3A_2487 : vector<256xf32> to vector<256x1xf32>
    %eq3A_2489 = vector.broadcast %broadcast_in_dim3A_2488 : vector<256x1xf32> to vector<256x128xf32>
    %eq3A_2490 = arith.cmpf oeq, %min3A_2469, %eq3A_2489 : vector<256x128xf32>
    %jit3A_2491 = arith.constant 1073741824 : i32
    %broadcast_in_dim3A_2492 = vector.broadcast %jit3A_2491 : i32 to vector<256x128xi32>
    %select_n3A_2493 = arith.select %eq3A_2490, %add3A_2477, %broadcast_in_dim3A_2492 : vector<256x128xi1>, vector<256x128xi32>
    %reduce_min3A_2494 = arith.constant dense<2147483647> : vector<256xi32>
    %reduce_min3A_2495 = vector.multi_reduction <minsi>, %select_n3A_2493, %reduce_min3A_2494 [1] : vector<256x128xi32> to vector<256xi32>
    %broadcast_in_dim3A_2496 = vector.shape_cast %reduce_min3A_2495 : vector<256xi32> to vector<256x1xi32>
    %eq3A_2497 = vector.broadcast %broadcast_in_dim3A_2496 : vector<256x1xi32> to vector<256x128xi32>
    %eq3A_2498 = arith.cmpi eq, %add3A_2477, %eq3A_2497 : vector<256x128xi32>
    %select_n3A_2499 = arith.select %eq3A_2498, %select_n3A_2458, %min3A_2469 : vector<256x128xi1>, vector<256x128xf32>
    %select_n3A_2500 = arith.select %eq3A_2498, %add3A_2481, %add3A_2477 : vector<256x128xi1>, vector<256x128xi32>
    %select_n3A_2501 = arith.select %eq3A_2498, %select_n3A_2464, %select_n3A_2458 : vector<256x128xi1>, vector<256x128xf32>
    %select_n3A_2502 = arith.select %eq3A_2498, %add3A_2485, %add3A_2481 : vector<256x128xi1>, vector<256x128xi32>
    %sqrt3A_2503 = math.sqrt %broadcast_in_dim3A_2488 : vector<256x1xf32>
    %reduce_min3A_2504 = arith.constant dense<0x7F800000> : vector<256xf32>
    %reduce_min3A_2505 = vector.multi_reduction <minimumf>, %select_n3A_2499, %reduce_min3A_2504 [1] : vector<256x128xf32> to vector<256xf32>
    %broadcast_in_dim3A_2506 = vector.shape_cast %reduce_min3A_2505 : vector<256xf32> to vector<256x1xf32>
    %eq3A_2507 = vector.broadcast %broadcast_in_dim3A_2506 : vector<256x1xf32> to vector<256x128xf32>
    %eq3A_2508 = arith.cmpf oeq, %select_n3A_2499, %eq3A_2507 : vector<256x128xf32>
    %jit3A_2509 = arith.constant 1073741824 : i32
    %broadcast_in_dim3A_2510 = vector.broadcast %jit3A_2509 : i32 to vector<256x128xi32>
    %select_n3A_2511 = arith.select %eq3A_2508, %select_n3A_2500, %broadcast_in_dim3A_2510 : vector<256x128xi1>, vector<256x128xi32>
    %reduce_min3A_2512 = arith.constant dense<2147483647> : vector<256xi32>
    %reduce_min3A_2513 = vector.multi_reduction <minsi>, %select_n3A_2511, %reduce_min3A_2512 [1] : vector<256x128xi32> to vector<256xi32>
    %broadcast_in_dim3A_2514 = vector.shape_cast %reduce_min3A_2513 : vector<256xi32> to vector<256x1xi32>
    %eq3A_2515 = vector.broadcast %broadcast_in_dim3A_2514 : vector<256x1xi32> to vector<256x128xi32>
    %eq3A_2516 = arith.cmpi eq, %select_n3A_2500, %eq3A_2515 : vector<256x128xi32>
    %select_n3A_2517 = arith.select %eq3A_2516, %select_n3A_2501, %select_n3A_2499 : vector<256x128xi1>, vector<256x128xf32>
    %select_n3A_2518 = arith.select %eq3A_2516, %select_n3A_2502, %select_n3A_2500 : vector<256x128xi1>, vector<256x128xi32>
    %sqrt3A_2519 = math.sqrt %broadcast_in_dim3A_2506 : vector<256x1xf32>
    %reduce_min3A_2520 = arith.constant dense<0x7F800000> : vector<256xf32>
    %reduce_min3A_2521 = vector.multi_reduction <minimumf>, %select_n3A_2517, %reduce_min3A_2520 [1] : vector<256x128xf32> to vector<256xf32>
    %broadcast_in_dim3A_2522 = vector.shape_cast %reduce_min3A_2521 : vector<256xf32> to vector<256x1xf32>
    %eq3A_2523 = vector.broadcast %broadcast_in_dim3A_2522 : vector<256x1xf32> to vector<256x128xf32>
    %eq3A_2524 = arith.cmpf oeq, %select_n3A_2517, %eq3A_2523 : vector<256x128xf32>
    %jit3A_2525 = arith.constant 1073741824 : i32
    %broadcast_in_dim3A_2526 = vector.broadcast %jit3A_2525 : i32 to vector<256x128xi32>
    %select_n3A_2527 = arith.select %eq3A_2524, %select_n3A_2518, %broadcast_in_dim3A_2526 : vector<256x128xi1>, vector<256x128xi32>
    %reduce_min3A_2528 = arith.constant dense<2147483647> : vector<256xi32>
    %reduce_min3A_2529 = vector.multi_reduction <minsi>, %select_n3A_2527, %reduce_min3A_2528 [1] : vector<256x128xi32> to vector<256xi32>
    %broadcast_in_dim3A_2530 = vector.shape_cast %reduce_min3A_2529 : vector<256xi32> to vector<256x1xi32>
    %sqrt3A_2531 = math.sqrt %broadcast_in_dim3A_2522 : vector<256x1xf32>
    %add3A_2532 = arith.constant 9.99999993E-9 : f32
    %add3A_2533 = vector.broadcast %add3A_2532 : f32 to vector<256x1xf32>
    %add3A_2534 = arith.addf %sqrt3A_2503, %add3A_2533 : vector<256x1xf32>
    %div3A_2535 = arith.constant 1.000000e+00 : f32
    %div3A_2536 = vector.broadcast %div3A_2535 : f32 to vector<256x1xf32>
    %div3A_2537 = arith.divf %div3A_2536, %add3A_2534 : vector<256x1xf32>
    %add3A_2538 = arith.constant 9.99999993E-9 : f32
    %add3A_2539 = vector.broadcast %add3A_2538 : f32 to vector<256x1xf32>
    %add3A_2540 = arith.addf %sqrt3A_2519, %add3A_2539 : vector<256x1xf32>
    %div3A_2541 = arith.constant 1.000000e+00 : f32
    %div3A_2542 = vector.broadcast %div3A_2541 : f32 to vector<256x1xf32>
    %div3A_2543 = arith.divf %div3A_2542, %add3A_2540 : vector<256x1xf32>
    %add3A_2544 = arith.constant 9.99999993E-9 : f32
    %add3A_2545 = vector.broadcast %add3A_2544 : f32 to vector<256x1xf32>
    %add3A_2546 = arith.addf %sqrt3A_2531, %add3A_2545 : vector<256x1xf32>
    %div3A_2547 = arith.constant 1.000000e+00 : f32
    %div3A_2548 = vector.broadcast %div3A_2547 : f32 to vector<256x1xf32>
    %div3A_2549 = arith.divf %div3A_2548, %add3A_2546 : vector<256x1xf32>
    %add3A_2550 = arith.addf %div3A_2537, %div3A_2543 : vector<256x1xf32>
    %add3A_2551 = arith.addf %add3A_2550, %div3A_2549 : vector<256x1xf32>
    %concatenate3A_2552 = tpu.concatenate %broadcast_in_dim3A_2496, %broadcast_in_dim3A_2514, %broadcast_in_dim3A_2530 in 1 : vector<256x1xi32>, vector<256x1xi32>, vector<256x1xi32> -> vector<256x3xi32>
    %swap3A_2553 = arith.constant 0 : index
    %swap3A_2554 = arith.constant 0 : index
    %swap3A_2555 = vector.load %arg15[%swap3A_2553, %swap3A_2554] : memref<256x3xi32, #tpu.memory_space<vmem>>, vector<256x3xi32>
    tpu.vector_store %arg15[%swap3A_2553, %swap3A_2554], %concatenate3A_2552 {strides = array<i32>} : memref<256x3xi32, #tpu.memory_space<vmem>>, vector<256x3xi32>,
    %div3A_2556 = arith.divf %div3A_2537, %add3A_2551 : vector<256x1xf32>
    %div3A_2557 = arith.divf %div3A_2543, %add3A_2551 : vector<256x1xf32>
    %div3A_2558 = arith.divf %div3A_2549, %add3A_2551 : vector<256x1xf32>
    %concatenate3A_2559 = tpu.concatenate %div3A_2556, %div3A_2557, %div3A_2558 in 1 : vector<256x1xf32>, vector<256x1xf32>, vector<256x1xf32> -> vector<256x3xf32>
    %swap3A_2560 = arith.constant 0 : index
    %swap3A_2561 = arith.constant 0 : index
    %swap3A_2562 = vector.load %arg16[%swap3A_2560, %swap3A_2561] : memref<256x3xf32, #tpu.memory_space<vmem>>, vector<256x3xf32>
    tpu.vector_store %arg16[%swap3A_2560, %swap3A_2561], %concatenate3A_2559 {strides = array<i32>} : memref<256x3xf32, #tpu.memory_space<vmem>>, vector<256x3xf32>,
    %get3A_2563 = arith.constant 0 : index
    %get3A_2564 = arith.constant 0 : index
    %get3A_2565 = vector.load %arg9[%get3A_2563, %get3A_2564] : memref<3x2048xbf16, #tpu.memory_space<vmem>>, vector<3x2048xbf16>
    %get3A_2566 = arith.constant 0 : index
    %get3A_2567 = arith.constant 0 : index
    %get3A_2568 = vector.load %arg10[%get3A_2566, %get3A_2567] : memref<1x2048xf32, #tpu.memory_space<vmem>>, vector<1x2048xf32>
    %dot_general3A_2569 = arith.constant dense<0.000000e+00> : vector<256x2048xf32>
    %dot_general3A_2570 = tpu.matmul %get3A_1, %get3A_2565, %dot_general3A_2569 {dimension_numbers = #tpu.dot_dimension_numbers<[1], [0], [0], [1], [0, 0, 1, 1], [], []>, transpose_lhs_hint = false} : vector<256x3xbf16>, vector<3x2048xbf16>, vector<256x2048xf32> -> vector<256x2048xf32>
    %add3A_2571 = vector.broadcast %get3A_4 : vector<256x1xf32> to vector<256x2048xf32>
    %add3A_2572 = vector.broadcast %get3A_2568 : vector<1x2048xf32> to vector<256x2048xf32>
    %add3A_2573 = arith.addf %add3A_2571, %add3A_2572 : vector<256x2048xf32>
    %mul3A_2574 = arith.constant 2.000000e+00 : f32
    %mul3A_2575 = vector.broadcast %mul3A_2574 : f32 to vector<256x2048xf32>
    %mul3A_2576 = arith.mulf %mul3A_2575, %dot_general3A_2570 : vector<256x2048xf32>
    %sub3A_2577 = arith.subf %add3A_2573, %mul3A_2576 : vector<256x2048xf32>
    %max3A_2578 = arith.constant 0.000000e+00 : f32
    %max3A_2579 = vector.broadcast %max3A_2578 : f32 to vector<256x2048xf32>
    %max3A_2580 = arith.maximumf %sub3A_2577, %max3A_2579 : vector<256x2048xf32>
    %reduce_min3A_2581 = arith.constant dense<0x7F800000> : vector<256xf32>
    %reduce_min3A_2582 = vector.multi_reduction <minimumf>, %max3A_2580, %reduce_min3A_2581 [1] : vector<256x2048xf32> to vector<256xf32>
    %broadcast_in_dim3A_2583 = vector.shape_cast %reduce_min3A_2582 : vector<256xf32> to vector<256x1xf32>
    %sqrt3A_2584 = math.sqrt %broadcast_in_dim3A_2583 : vector<256x1xf32>
    %lt3A_2585 = arith.constant 5.000000e-01 : f32
    %lt3A_2586 = vector.broadcast %lt3A_2585 : f32 to vector<256x1xf32>
    %lt3A_2587 = arith.cmpf olt, %sqrt3A_2584, %lt3A_2586 : vector<256x1xf32>
    %convert_element_type3A = arith.extui %lt3A_2587 : vector<256x1xi1> to vector<256x1xi32>
    %convert_element_type3A_2588 = arith.sitofp %convert_element_type3A : vector<256x1xi32> to vector<256x1xf32>
    %swap3A_2589 = arith.constant 0 : index
    %swap3A_2590 = arith.constant 0 : index
    %swap3A_2591 = vector.load %arg17[%swap3A_2589, %swap3A_2590] : memref<256x1xf32, #tpu.memory_space<vmem>>, vector<256x1xf32>
    tpu.vector_store %arg17[%swap3A_2589, %swap3A_2590], %convert_element_type3A_2588 {strides = array<i32>} : memref<256x1xf32, #tpu.memory_space<vmem>>, vector<256x1xf32>,
    return
  }
  func.func @transform_0(%arg0: i32) -> (i32, i32) {
    %c0_i32 = arith.constant 0 : i32
    %c0_i32_0 = arith.constant 0 : i32
    return %arg0, %c0_i32 : i32, i32
  }
  func.func @transform_1(%arg0: i32) -> (i32, i32) {
    %c0_i32 = arith.constant 0 : i32
    %c0_i32_0 = arith.constant 0 : i32
    return %arg0, %c0_i32 : i32, i32
  }
  func.func @transform_2(%arg0: i32) -> (i32, i32) {
    %c0_i32 = arith.constant 0 : i32
    %c0_i32_0 = arith.constant 0 : i32
    %c0_i32_1 = arith.constant 0 : i32
    return %c0_i32, %c0_i32_0 : i32, i32
  }
  func.func @transform_3(%arg0: i32) -> (i32, i32) {
    %c0_i32 = arith.constant 0 : i32
    %c0_i32_0 = arith.constant 0 : i32
    %c0_i32_1 = arith.constant 0 : i32
    return %c0_i32, %c0_i32_0 : i32, i32
  }
  func.func @transform_4(%arg0: i32) -> (i32, i32) {
    %c0_i32 = arith.constant 0 : i32
    %c0_i32_0 = arith.constant 0 : i32
    %c0_i32_1 = arith.constant 0 : i32
    return %c0_i32, %c0_i32_0 : i32, i32
  }
  func.func @transform_5(%arg0: i32) -> (i32, i32) {
    %c0_i32 = arith.constant 0 : i32
    %c0_i32_0 = arith.constant 0 : i32
    %c0_i32_1 = arith.constant 0 : i32
    return %c0_i32, %c0_i32_0 : i32, i32
  }
  func.func @transform_6(%arg0: i32) -> (i32, i32) {
    %c0_i32 = arith.constant 0 : i32
    %c0_i32_0 = arith.constant 0 : i32
    %c0_i32_1 = arith.constant 0 : i32
    return %c0_i32, %c0_i32_0 : i32, i32
  }
  func.func @transform_7(%arg0: i32) -> (i32, i32) {
    %c0_i32 = arith.constant 0 : i32
    %c0_i32_0 = arith.constant 0 : i32
    %c0_i32_1 = arith.constant 0 : i32
    return %c0_i32, %c0_i32_0 : i32, i32
  }
  func.func @transform_8(%arg0: i32) -> (i32, i32) {
    %c0_i32 = arith.constant 0 : i32
    %c0_i32_0 = arith.constant 0 : i32
    %c0_i32_1 = arith.constant 0 : i32
    return %c0_i32, %c0_i32_0 : i32, i32
  }
  func.func @transform_9(%arg0: i32) -> (i32, i32) {
    %c0_i32 = arith.constant 0 : i32
    %c0_i32_0 = arith.constant 0 : i32
    %c0_i32_1 = arith.constant 0 : i32
    return %c0_i32, %c0_i32_0 : i32, i32
  }
  func.func @transform_10(%arg0: i32) -> (i32, i32) {
    %c0_i32 = arith.constant 0 : i32
    %c0_i32_0 = arith.constant 0 : i32
    return %arg0, %c0_i32 : i32, i32
  }
  func.func @transform_11(%arg0: i32) -> (i32, i32) {
    %c0_i32 = arith.constant 0 : i32
    %c0_i32_0 = arith.constant 0 : i32
    return %arg0, %c0_i32 : i32, i32
  }
  func.func @transform_12(%arg0: i32) -> (i32, i32) {
    %c0_i32 = arith.constant 0 : i32
    %c0_i32_0 = arith.constant 0 : i32
    return %arg0, %c0_i32 : i32, i32
  }
  func.func @transform_13(%arg0: i32) -> (i32, i32) {
    %c0_i32 = arith.constant 0 : i32
    %c0_i32_0 = arith.constant 0 : i32
    return %arg0, %c0_i32 : i32, i32
  }
  func.func @transform_14(%arg0: i32) -> (i32, i32) {
    %c0_i32 = arith.constant 0 : i32
    %c0_i32_0 = arith.constant 0 : i32
    return %arg0, %c0_i32 : i32, i32
  }
  func.func @transform_15(%arg0: i32) -> (i32, i32) {
    %c0_i32 = arith.constant 0 : i32
    %c0_i32_0 = arith.constant 0 : i32
    return %arg0, %c0_i32 : i32, i32
  }
  func.func @transform_16(%arg0: i32) -> (i32, i32) {
    %c0_i32 = arith.constant 0 : i32
    %c0_i32_0 = arith.constant 0 : i32
    return %arg0, %c0_i32 : i32, i32
  }
}

module attributes {stable_mosaic.version = 14 : i64} {
  func.func @_combine_body(%arg0: i32, %arg1: memref<3x1024x128xf32, #tpu.memory_space<vmem>>, %arg2: memref<1024x3xf32, #tpu.memory_space<vmem>>, %arg3: memref<3x1024x128xf32, #tpu.memory_space<vmem>>, %arg4: memref<1024x3xf32, #tpu.memory_space<vmem>>, %arg5: memref<3x1024x128xf32, #tpu.memory_space<vmem>>, %arg6: memref<1024x3xf32, #tpu.memory_space<vmem>>, %arg7: memref<64x96xbf16, #tpu.memory_space<vmem>>, %arg8: memref<8x64xbf16, #tpu.memory_space<vmem>>, %arg9: memref<1024x1xf32, #tpu.memory_space<vmem>>) attributes {dimension_semantics = [#tpu.dimension_semantics<arbitrary>], iteration_bounds = array<i64: 8>, scalar_prefetch = 0 : i64, scratch_operands = 0 : i64, tpu.core_type = #tpu.core_type<tc>, window_params = [{transform_indices = @transform_0, window_bounds = array<i64: 3, 1024, 128>}, {transform_indices = @transform_1, window_bounds = array<i64: 1024, 3>}, {transform_indices = @transform_2, window_bounds = array<i64: 3, 1024, 128>}, {transform_indices = @transform_3, window_bounds = array<i64: 1024, 3>}, {transform_indices = @transform_4, window_bounds = array<i64: 3, 1024, 128>}, {transform_indices = @transform_5, window_bounds = array<i64: 1024, 3>}, {pipeline_mode = #tpu.pipeline_mode<synchronous>, transform_indices = @transform_6, window_bounds = array<i64: 64, 96>}, {pipeline_mode = #tpu.pipeline_mode<synchronous>, transform_indices = @transform_7, window_bounds = array<i64: 8, 64>}, {transform_indices = @transform_8, window_bounds = array<i64: 1024, 1>}]} {
    %get3A = arith.constant 0 : index
    %get3A_0 = arith.constant 0 : index
    %get3A_1 = arith.constant 0 : index
    %get3A_2 = vector.load %arg1[%get3A, %get3A_0, %get3A_1] : memref<3x1024x128xf32, #tpu.memory_space<vmem>>, vector<1x1024x128xf32>
    %get3A_3 = vector.shape_cast %get3A_2 : vector<1x1024x128xf32> to vector<1024x128xf32>
    %get3A_4 = arith.constant 0 : index
    %get3A_5 = arith.constant 0 : index
    %get3A_6 = vector.load %arg2[%get3A_4, %get3A_5] : memref<1024x3xf32, #tpu.memory_space<vmem>>, vector<1024x1xf32>
    %mul3A = vector.broadcast %get3A_6 : vector<1024x1xf32> to vector<1024x128xf32>
    %mul3A_7 = arith.mulf %get3A_3, %mul3A : vector<1024x128xf32>
    %get3A_8 = arith.constant 1 : index
    %get3A_9 = arith.constant 0 : index
    %get3A_10 = arith.constant 0 : index
    %get3A_11 = vector.load %arg1[%get3A_8, %get3A_9, %get3A_10] : memref<3x1024x128xf32, #tpu.memory_space<vmem>>, vector<1x1024x128xf32>
    %get3A_12 = vector.shape_cast %get3A_11 : vector<1x1024x128xf32> to vector<1024x128xf32>
    %get3A_13 = arith.constant 0 : index
    %get3A_14 = arith.constant 1 : index
    %get3A_15 = vector.load %arg2[%get3A_13, %get3A_14] : memref<1024x3xf32, #tpu.memory_space<vmem>>, vector<1024x1xf32>
    %mul3A_16 = vector.broadcast %get3A_15 : vector<1024x1xf32> to vector<1024x128xf32>
    %mul3A_17 = arith.mulf %get3A_12, %mul3A_16 : vector<1024x128xf32>
    %add3A = arith.addf %mul3A_7, %mul3A_17 : vector<1024x128xf32>
    %get3A_18 = arith.constant 2 : index
    %get3A_19 = arith.constant 0 : index
    %get3A_20 = arith.constant 0 : index
    %get3A_21 = vector.load %arg1[%get3A_18, %get3A_19, %get3A_20] : memref<3x1024x128xf32, #tpu.memory_space<vmem>>, vector<1x1024x128xf32>
    %get3A_22 = vector.shape_cast %get3A_21 : vector<1x1024x128xf32> to vector<1024x128xf32>
    %get3A_23 = arith.constant 0 : index
    %get3A_24 = arith.constant 2 : index
    %get3A_25 = vector.load %arg2[%get3A_23, %get3A_24] : memref<1024x3xf32, #tpu.memory_space<vmem>>, vector<1024x1xf32>
    %mul3A_26 = vector.broadcast %get3A_25 : vector<1024x1xf32> to vector<1024x128xf32>
    %mul3A_27 = arith.mulf %get3A_22, %mul3A_26 : vector<1024x128xf32>
    %add3A_28 = arith.addf %add3A, %mul3A_27 : vector<1024x128xf32>
    %slice3A = vector.extract_strided_slice %add3A_28 {offsets = [0, 0], sizes = [1024, 32], strides = [1, 1]} : vector<1024x128xf32> to vector<1024x32xf32>
    %get3A_29 = arith.constant 0 : index
    %get3A_30 = arith.constant 0 : index
    %get3A_31 = arith.constant 0 : index
    %get3A_32 = vector.load %arg3[%get3A_29, %get3A_30, %get3A_31] : memref<3x1024x128xf32, #tpu.memory_space<vmem>>, vector<1x1024x128xf32>
    %get3A_33 = vector.shape_cast %get3A_32 : vector<1x1024x128xf32> to vector<1024x128xf32>
    %get3A_34 = arith.constant 0 : index
    %get3A_35 = arith.constant 0 : index
    %get3A_36 = vector.load %arg4[%get3A_34, %get3A_35] : memref<1024x3xf32, #tpu.memory_space<vmem>>, vector<1024x1xf32>
    %mul3A_37 = vector.broadcast %get3A_36 : vector<1024x1xf32> to vector<1024x128xf32>
    %mul3A_38 = arith.mulf %get3A_33, %mul3A_37 : vector<1024x128xf32>
    %get3A_39 = arith.constant 1 : index
    %get3A_40 = arith.constant 0 : index
    %get3A_41 = arith.constant 0 : index
    %get3A_42 = vector.load %arg3[%get3A_39, %get3A_40, %get3A_41] : memref<3x1024x128xf32, #tpu.memory_space<vmem>>, vector<1x1024x128xf32>
    %get3A_43 = vector.shape_cast %get3A_42 : vector<1x1024x128xf32> to vector<1024x128xf32>
    %get3A_44 = arith.constant 0 : index
    %get3A_45 = arith.constant 1 : index
    %get3A_46 = vector.load %arg4[%get3A_44, %get3A_45] : memref<1024x3xf32, #tpu.memory_space<vmem>>, vector<1024x1xf32>
    %mul3A_47 = vector.broadcast %get3A_46 : vector<1024x1xf32> to vector<1024x128xf32>
    %mul3A_48 = arith.mulf %get3A_43, %mul3A_47 : vector<1024x128xf32>
    %add3A_49 = arith.addf %mul3A_38, %mul3A_48 : vector<1024x128xf32>
    %get3A_50 = arith.constant 2 : index
    %get3A_51 = arith.constant 0 : index
    %get3A_52 = arith.constant 0 : index
    %get3A_53 = vector.load %arg3[%get3A_50, %get3A_51, %get3A_52] : memref<3x1024x128xf32, #tpu.memory_space<vmem>>, vector<1x1024x128xf32>
    %get3A_54 = vector.shape_cast %get3A_53 : vector<1x1024x128xf32> to vector<1024x128xf32>
    %get3A_55 = arith.constant 0 : index
    %get3A_56 = arith.constant 2 : index
    %get3A_57 = vector.load %arg4[%get3A_55, %get3A_56] : memref<1024x3xf32, #tpu.memory_space<vmem>>, vector<1024x1xf32>
    %mul3A_58 = vector.broadcast %get3A_57 : vector<1024x1xf32> to vector<1024x128xf32>
    %mul3A_59 = arith.mulf %get3A_54, %mul3A_58 : vector<1024x128xf32>
    %add3A_60 = arith.addf %add3A_49, %mul3A_59 : vector<1024x128xf32>
    %slice3A_61 = vector.extract_strided_slice %add3A_60 {offsets = [0, 0], sizes = [1024, 32], strides = [1, 1]} : vector<1024x128xf32> to vector<1024x32xf32>
    %get3A_62 = arith.constant 0 : index
    %get3A_63 = arith.constant 0 : index
    %get3A_64 = arith.constant 0 : index
    %get3A_65 = vector.load %arg5[%get3A_62, %get3A_63, %get3A_64] : memref<3x1024x128xf32, #tpu.memory_space<vmem>>, vector<1x1024x128xf32>
    %get3A_66 = vector.shape_cast %get3A_65 : vector<1x1024x128xf32> to vector<1024x128xf32>
    %get3A_67 = arith.constant 0 : index
    %get3A_68 = arith.constant 0 : index
    %get3A_69 = vector.load %arg6[%get3A_67, %get3A_68] : memref<1024x3xf32, #tpu.memory_space<vmem>>, vector<1024x1xf32>
    %mul3A_70 = vector.broadcast %get3A_69 : vector<1024x1xf32> to vector<1024x128xf32>
    %mul3A_71 = arith.mulf %get3A_66, %mul3A_70 : vector<1024x128xf32>
    %get3A_72 = arith.constant 1 : index
    %get3A_73 = arith.constant 0 : index
    %get3A_74 = arith.constant 0 : index
    %get3A_75 = vector.load %arg5[%get3A_72, %get3A_73, %get3A_74] : memref<3x1024x128xf32, #tpu.memory_space<vmem>>, vector<1x1024x128xf32>
    %get3A_76 = vector.shape_cast %get3A_75 : vector<1x1024x128xf32> to vector<1024x128xf32>
    %get3A_77 = arith.constant 0 : index
    %get3A_78 = arith.constant 1 : index
    %get3A_79 = vector.load %arg6[%get3A_77, %get3A_78] : memref<1024x3xf32, #tpu.memory_space<vmem>>, vector<1024x1xf32>
    %mul3A_80 = vector.broadcast %get3A_79 : vector<1024x1xf32> to vector<1024x128xf32>
    %mul3A_81 = arith.mulf %get3A_76, %mul3A_80 : vector<1024x128xf32>
    %add3A_82 = arith.addf %mul3A_71, %mul3A_81 : vector<1024x128xf32>
    %get3A_83 = arith.constant 2 : index
    %get3A_84 = arith.constant 0 : index
    %get3A_85 = arith.constant 0 : index
    %get3A_86 = vector.load %arg5[%get3A_83, %get3A_84, %get3A_85] : memref<3x1024x128xf32, #tpu.memory_space<vmem>>, vector<1x1024x128xf32>
    %get3A_87 = vector.shape_cast %get3A_86 : vector<1x1024x128xf32> to vector<1024x128xf32>
    %get3A_88 = arith.constant 0 : index
    %get3A_89 = arith.constant 2 : index
    %get3A_90 = vector.load %arg6[%get3A_88, %get3A_89] : memref<1024x3xf32, #tpu.memory_space<vmem>>, vector<1024x1xf32>
    %mul3A_91 = vector.broadcast %get3A_90 : vector<1024x1xf32> to vector<1024x128xf32>
    %mul3A_92 = arith.mulf %get3A_87, %mul3A_91 : vector<1024x128xf32>
    %add3A_93 = arith.addf %add3A_82, %mul3A_92 : vector<1024x128xf32>
    %slice3A_94 = vector.extract_strided_slice %add3A_93 {offsets = [0, 0], sizes = [1024, 32], strides = [1, 1]} : vector<1024x128xf32> to vector<1024x32xf32>
    %concatenate3A = tpu.concatenate %slice3A, %slice3A_61, %slice3A_94 in 1 : vector<1024x32xf32>, vector<1024x32xf32>, vector<1024x32xf32> -> vector<1024x96xf32>
    %convert_element_type3A = arith.truncf %concatenate3A : vector<1024x96xf32> to vector<1024x96xbf16>
    %get3A_95 = arith.constant 0 : index
    %get3A_96 = arith.constant 0 : index
    %get3A_97 = vector.load %arg7[%get3A_95, %get3A_96] : memref<64x96xbf16, #tpu.memory_space<vmem>>, vector<64x96xbf16>
    %dot_general3A = arith.constant dense<0.000000e+00> : vector<1024x64xf32>
    %dot_general3A_98 = tpu.matmul %convert_element_type3A, %get3A_97, %dot_general3A {dimension_numbers = #tpu.dot_dimension_numbers<[1], [1], [0], [0], [0, 0, 1, 0], [], []>, transpose_lhs_hint = false} : vector<1024x96xbf16>, vector<64x96xbf16>, vector<1024x64xf32> -> vector<1024x64xf32>
    %convert_element_type3A_99 = arith.truncf %dot_general3A_98 : vector<1024x64xf32> to vector<1024x64xbf16>
    %get3A_100 = arith.constant 0 : index
    %get3A_101 = arith.constant 0 : index
    %get3A_102 = vector.load %arg8[%get3A_100, %get3A_101] : memref<8x64xbf16, #tpu.memory_space<vmem>>, vector<8x64xbf16>
    %dot_general3A_103 = arith.constant dense<0.000000e+00> : vector<1024x8xf32>
    %dot_general3A_104 = tpu.matmul %convert_element_type3A_99, %get3A_102, %dot_general3A_103 {dimension_numbers = #tpu.dot_dimension_numbers<[1], [1], [0], [0], [0, 0, 1, 0], [], []>, transpose_lhs_hint = false} : vector<1024x64xbf16>, vector<8x64xbf16>, vector<1024x8xf32> -> vector<1024x8xf32>
    %slice3A_105 = vector.extract_strided_slice %dot_general3A_104 {offsets = [0, 0], sizes = [1024, 1], strides = [1, 1]} : vector<1024x8xf32> to vector<1024x1xf32>
    %swap3A = arith.constant 0 : index
    %swap3A_106 = arith.constant 0 : index
    %swap3A_107 = vector.load %arg9[%swap3A, %swap3A_106] : memref<1024x1xf32, #tpu.memory_space<vmem>>, vector<1024x1xf32>
    tpu.vector_store %arg9[%swap3A, %swap3A_106], %slice3A_105 {strides = array<i32>} : memref<1024x1xf32, #tpu.memory_space<vmem>>, vector<1024x1xf32>,
    return
  }
  func.func @transform_0(%arg0: i32) -> (i32, i32, i32) {
    %c0_i32 = arith.constant 0 : i32
    %c0_i32_0 = arith.constant 0 : i32
    %c0_i32_1 = arith.constant 0 : i32
    return %c0_i32, %arg0, %c0_i32_0 : i32, i32, i32
  }
  func.func @transform_1(%arg0: i32) -> (i32, i32) {
    %c0_i32 = arith.constant 0 : i32
    %c0_i32_0 = arith.constant 0 : i32
    return %arg0, %c0_i32 : i32, i32
  }
  func.func @transform_2(%arg0: i32) -> (i32, i32, i32) {
    %c0_i32 = arith.constant 0 : i32
    %c0_i32_0 = arith.constant 0 : i32
    %c0_i32_1 = arith.constant 0 : i32
    return %c0_i32, %arg0, %c0_i32_0 : i32, i32, i32
  }
  func.func @transform_3(%arg0: i32) -> (i32, i32) {
    %c0_i32 = arith.constant 0 : i32
    %c0_i32_0 = arith.constant 0 : i32
    return %arg0, %c0_i32 : i32, i32
  }
  func.func @transform_4(%arg0: i32) -> (i32, i32, i32) {
    %c0_i32 = arith.constant 0 : i32
    %c0_i32_0 = arith.constant 0 : i32
    %c0_i32_1 = arith.constant 0 : i32
    return %c0_i32, %arg0, %c0_i32_0 : i32, i32, i32
  }
  func.func @transform_5(%arg0: i32) -> (i32, i32) {
    %c0_i32 = arith.constant 0 : i32
    %c0_i32_0 = arith.constant 0 : i32
    return %arg0, %c0_i32 : i32, i32
  }
  func.func @transform_6(%arg0: i32) -> (i32, i32) {
    %c0_i32 = arith.constant 0 : i32
    %c0_i32_0 = arith.constant 0 : i32
    %c0_i32_1 = arith.constant 0 : i32
    return %c0_i32, %c0_i32_0 : i32, i32
  }
  func.func @transform_7(%arg0: i32) -> (i32, i32) {
    %c0_i32 = arith.constant 0 : i32
    %c0_i32_0 = arith.constant 0 : i32
    %c0_i32_1 = arith.constant 0 : i32
    return %c0_i32, %c0_i32_0 : i32, i32
  }
  func.func @transform_8(%arg0: i32) -> (i32, i32) {
    %c0_i32 = arith.constant 0 : i32
    %c0_i32_0 = arith.constant 0 : i32
    return %arg0, %c0_i32 : i32, i32
  }
}

</mosaic_0001>

<sc_bundles>
// kernel: kernel.5.cloned.1.call-start
scs
__scs_entry_jumppad:
0x0: {  	(pc) =	sbr.rel $0x88, $3  }
0x1: {  	(tag) =	ssettag $0x0;
	lr =	simm.s32 $0x1  }
0x2: {  	[smem:$0x3F97] =	sst lr;
	_ =	strace $0xD0000000  }
0x3: {  	_ = 	snop  }
0x4: {  	_ = 	snop  }
0x5: {  	_ = 	snop  }
0x6: {  	_ = 	snop  }
0x7: {  	_ = 	snop  }
__scs_overlays_trampoline_lowered:
0x8: {  	[smem:$0x3FA6] =	sst s0  }
0x9: {  	[smem:$0x3FA7] =	sst s1  }
0xa: {  	[smem:$0x3FA8] =	sst s2  }
0xb: {  	[smem:$0x3FA9] =	sst s3  }
0xc: {  	[smem:$0x3FAA] =	sst s4  }
0xd: {  	[smem:$0x3FAB] =	sst s5  }
0xe: {  	[smem:$0x3FAC] =	sst s6  }
0xf: {  	[smem:$0x3FAD] =	sst s7  }
0x10: {  	[smem:$0x3FAE] =	sst s8  }
0x11: {  	[smem:$0x3FAF] =	sst s9;
	s0 =	simm.s32 @!p0 $0x0  }
0x12: {  	s1 =	sld [smem:$0x3F95];
	s0 =	simm.s32 @p0 $0x1  }
0x13: {  	[smem:$0x3FB0] =	sst s0;
	s0 =	simm.s32 @!p1 $0x0  }
0x14: {  	s2 =	sld [smem:$0x3F94];
	s0 =	simm.s32 @p1 $0x1  }
0x15: {  	[smem:$0x3FB1] =	sst s0;
	s0 =	simm.s32 @!p2 $0x0  }
0x16: {  	s3 =	sld [smem:$0x3FDB];
	s0 =	simm.s32 @p2 $0x1  }
0x17: {  	s4 =	simm.s32 $0x1BF5;
	[smem:$0x3FB3] =	sst s0  }
0x18: {  	s0 =	sld [smem:$0x3F96];
	_ =	swait.ge [sflag:s4], $0x0  }
0x19: {  	s7 =	sld [smem:$0x3F97]  }
0x1a: {  	s8 =	sadd.s32 $0xFFFFE003, lr  }
0x1b: {  	s9 =	sadd.s32 $0xFFFFFEF7, lr;
	s5 =	simm.s32 $0xFFFFFFFF;
	p2 =	slt.u32 s8, $0xFFFFF086  }
0x1c: {  	p1 =	slt.u32 s9, $0xF7A;
	s5 =	simm.s32 @!p2 $0x0  }
0x1d: {  	s5 =	simm.s32 @p1 $0x1;
	p0 =	seq.s32 s7, s2  }
0x1e: {  	s7 =	smul.u32 @!p0 $0xF7A, s2;
	p2 =	seq.s32 @!p0 s5, $0x0  }
0x1f: {  	s9 =	smul.u32 $0xF7A, s1;
	s8 =	simm.s32 @!p0 $0x1BF5;
	p2 =	por !p2, p0  }
0x20: {  	[sflag:s8] =	ssyncset.s32 @!p0 $0xFFFFF086;
	s6 =	sadd.s32 @!p0 s3, s7;
	s7 =	simm.s32 @!p0 $0x108  }
0x21: {  	s3 =	sadd.s32 s3, s9;
	s6 =	sadd.s32 @!p0 $0x88, s6;
	s7 =	simm.s32 @p2 $0x1082  }
0x22: {  	[simem:s7], [sflag:s8] =	dma.local @!p0 [hbm:s6], $0xF7A  }
0x23: {  	s9 =	sor.u32 $0xD0000000, s2;
	s6 =	simm.s32 $0x108;
	_ =	swait.ge @!p0 [sflag:s8], $0x0  }
0x24: {  	s3 =	sadd.s32 $0x88, s3;
	s6 =	simm.s32 @!p1 $0x1082;
	[sflag:s4] =	ssyncset.s32 $0xFFFFF086  }
0x25: {  	[simem:s6], [sflag:s4] =	dma.local [hbm:s3], $0xF7A  }
0x26: {  	[smem:$0x3F97] =	sst s1;
	(tag) =	ssettag s2;
	_ =	strace s9  }
0x27: {  	s1 =	sld [smem:$0x3FA7]  }
0x28: {  	s2 =	sld [smem:$0x3FA8]  }
0x29: {  	s4 =	sld [smem:$0x3FAA]  }
0x2a: {  	p0 =	seq.s32 s5, $0x0;
	s5 =	sld [smem:$0x3FAB]  }
0x2b: {  	s6 =	sld [smem:$0x3FAC]  }
0x2c: {  	s7 =	sld [smem:$0x3FAD]  }
0x2d: {  	s3 =	simm.s32 $0x108;
	s8 =	sld [smem:$0x3FAE]  }
0x2e: {  	s3 =	simm.s32 @!p0 $0x1082;
	s9 =	sld [smem:$0x3FAF]  }
0x2f: {  	lr =	sadd.s32 s0, s3;
	s0 =	sld [smem:$0x3FA6]  }
0x30: {  	s3 =	sld [smem:$0x3FA9]  }
0x31: {  	[smem:$0x3FB2] =	sst s10  }
0x32: {  	s10 =	sld [smem:$0x3FB0];
	_ =	sdelay $0x3  }
0x33: {  	p0 =	seq.s32 s10, $0x1;
	s10 =	sld [smem:$0x3FB2];
	_ =	sdelay $0x3  }
0x34: {  	[smem:$0x3FB2] =	sst s10  }
0x35: {  	s10 =	sld [smem:$0x3FB1];
	_ =	sdelay $0x3  }
0x36: {  	p1 =	seq.s32 s10, $0x1;
	s10 =	sld [smem:$0x3FB2];
	_ =	sdelay $0x3  }
0x37: {  	[smem:$0x3FB2] =	sst s10  }
0x38: {  	s10 =	sld [smem:$0x3FB3]  }
0x39: {  	_ = 	snop;
	(pc) =	sbr.ind lr, $3  }
0x3a: {  	_ = 	snop  }
0x3b: {  	_ = 	snop  }
0x3c: {  	p2 =	seq.s32 s10, $0x1;
	s10 =	sld [smem:$0x3FB2]  }
0x3d: {  	_ =	shalt  }
0x3e: {  	_ =	shalt  }
0x3f: {  	_ =	shalt  }
0x40: {  	_ =	shalt  }
0x41: {  	_ =	shalt  }
0x42: {  	_ =	shalt  }
0x43: {  	_ =	shalt  }
0x44: {  	_ =	shalt  }
0x45: {  	_ =	shalt  }
0x46: {  	_ =	shalt  }
0x47: {  	_ =	shalt  }
0x48: {  	_ =	shalt  }
0x49: {  	_ =	shalt  }
0x4a: {  	_ =	shalt  }
0x4b: {  	_ =	shalt  }
0x4c: {  	_ =	shalt  }
0x4d: {  	_ =	shalt  }
0x4e: {  	_ =	shalt  }
0x4f: {  	_ =	shalt  }
0x50: {  	_ =	shalt  }
0x51: {  	_ =	shalt  }
0x52: {  	_ =	shalt  }
0x53: {  	_ =	shalt  }
0x54: {  	_ =	shalt  }
0x55: {  	_ =	shalt  }
0x56: {  	_ =	shalt  }
0x57: {  	_ =	shalt  }
0x58: {  	_ =	shalt  }
0x59: {  	_ =	shalt  }
0x5a: {  	_ =	shalt  }
0x5b: {  	_ =	shalt  }
0x5c: {  	_ =	shalt  }
0x5d: {  	_ =	shalt  }
0x5e: {  	_ =	shalt  }
0x5f: {  	_ =	shalt  }
0x60: {  	_ =	shalt  }
0x61: {  	_ =	shalt  }
0x62: {  	_ =	shalt  }
0x63: {  	_ =	shalt  }
0x64: {  	_ =	shalt  }
0x65: {  	_ =	shalt  }
0x66: {  	_ =	shalt  }
0x67: {  	_ =	shalt  }
0x68: {  	_ =	shalt  }
0x69: {  	_ =	shalt  }
0x6a: {  	_ =	shalt  }
0x6b: {  	_ =	shalt  }
0x6c: {  	_ =	shalt  }
0x6d: {  	_ =	shalt  }
0x6e: {  	_ =	shalt  }
0x6f: {  	_ =	shalt  }
0x70: {  	_ =	shalt  }
0x71: {  	_ =	shalt  }
0x72: {  	_ =	shalt  }
0x73: {  	_ =	shalt  }
0x74: {  	_ =	shalt  }
0x75: {  	_ =	shalt  }
0x76: {  	_ =	shalt  }
0x77: {  	_ =	shalt  }
0x78: {  	_ =	shalt  }
0x79: {  	_ =	shalt  }
0x7a: {  	_ =	shalt  }
0x7b: {  	_ =	shalt  }
0x7c: {  	_ =	shalt  }
0x7d: {  	_ =	shalt  }
0x7e: {  	_ =	shalt  }
0x7f: {  	_ =	shalt  }
0x80: {  	_ =	shalt  }
0x81: {  	_ =	shalt  }
0x82: {  	_ =	shalt  }
0x83: {  	_ =	shalt  }
0x84: {  	_ =	shalt  }
0x85: {  	_ =	shalt  }
0x86: {  	_ =	shalt  }
0x87: {  	_ =	shalt  }
.Lfunc_end0:
.L_simem_size_0:
called_computation_lowered:
.L_overlay_start_0:
0x88: {  	s2 =	sld [smem:$0x3FD9]  }
0x89: {  	s3 =	sld [smem:$0x3FFE];
	_ =	sdelay $0x1  }
0x8a: {  	s1 =	srdreg.scid  }
0x8b: {  	s0 =	sand.u32 $0x1, s1  }
0x8c: {  	s16 =	sshll.u32 s0, $0xA;
	s2 =	sadd.s32 s3, s2  }
0x8d: {  	s2 =	sadd.s32 s2, s16  }
0x8e: {  	[smem:$0x3FBE] =	sst s2  }
0x8f: {  	_ = 	snop  }
0x90: {  	(tm) =	ssettm $0x1  }
0x91: {  	s17 =	sld [smem:$0x3FFB];
	_ =	sdelay $0x3  }
0x92: {  	_ =	strace s17  }
0x93: {  	s2 =	sld [smem:$0x3FFC];
	_ =	sdelay $0x3  }
0x94: {  	_ =	strace s2  }
0x95: {  	s2 =	sld [smem:$0x3FFD];
	_ =	sdelay $0x3  }
0x96: {  	_ =	strace s2  }
0x97: {  	_ =	strace $0x8FFFFFFF  }
0x98: {  	s18 =	sld [smem:$0x3FDB];
	_ =	sdelay $0x1  }
0x99: {  	s19 =	simm.s32 $_scs_section_size  }
0x9a: {  	s4 =	simm.s32 $_size__tile_overlayer_lowered;
	s5 =	simm.s32 $_tile_overlayer_lowered  }
0x9b: {  	s22 =	simm.s32 $0x1BFF;
	s21 =	sshll.u32 s5, $0x1;
	s2 =	sadd.s32 s19, s18  }
0x9c: {  	s6 =	simm.s32 $0x0;
	s20 =	sshll.u32 s4, $0x1;
	s4 =	sadd.s32 s21, s2  }
0x9d: {  	[timem:s6], [sflag:s22] =	dma.local [hbm:s4], s20  }
0x9e: {  	_ =	swait.ge [sflag:s22], s20  }
0x9f: {  	s3 =	ssub.s32 $0x0, s20;
	[sflag:s22] =	ssyncset.done $0x0  }
0xa0: {  	[sflag:s22] =	ssyncadd.s32 s3;
	_ =	sdelay $0x1  }
0xa1: {  	s23 =	simm.s32 $0x1B8B  }
0xa2: {  	_ =	swait.ge [sflag:s23], $0x1  }
0xa3: {  	[sflag:s23] =	ssyncset.done $0x0  }
0xa4: {  	s25 =	simm.s32 $0x1B8E;
	s24 =	sld [smem:$0x3FFE];
	[sflag:s23] =	ssyncadd.s32 $0xFFFFFFFF  }
0xa5: {  	s26 =	simm.s32 $execute0_lowered;
	[smem:$0x3FD2] =	sst s25  }
0xa6: {  	s4 =	sshll.u32 s26, $0x1;
	_ =	strace $0x80000046;
	[dreg:$0x1] =	wrdreg $0xFFFFFFFF  }
0xa7: {  	s28 =	simm.s32 $_size_execute0_lowered;
	s2 =	sadd.s32 s2, s4;
	[dreg:$0x0] =	wrdreg $0x0  }
0xa8: {  	s4 =	sshll.u32 s28, $0x1;
	[dreg:$0x2] =	wrdreg s2  }
0xa9: {  	[dreg:$0x3] =	wrdreg s4  }
0xaa: {  	[dreg:$0x4] =	wrdreg $0xC0  }
0xab: {  	_ =	task [dreg:s6], $0x5FFFF  }
0xac: {  	[dreg:$0x1] =	wrdreg $0xFFFFFFFF  }
0xad: {  	[dreg:$0x0] =	wrdreg $0x60  }
0xae: {  	[dreg:$0x2] =	wrdreg s24  }
0xaf: {  	[dreg:$0x3] =	wrdreg $0x9  }
0xb0: {  	_ =	task.clear_ibuf [dreg:s6], $0x4FFFF;
	_ =	strace $0x90000046  }
0xb1: {  	s29 =	simm.s32 $0x9;
	_ =	strace $0x80000048  }
0xb2: {  	_ =	swait.ge [sflag:s29], $0x1  }
0xb3: {  	[sflag:s29] =	ssyncadd.s32 $0xFFFFFFFF  }
0xb4: {  	_ =	strace $0x90000048  }
0xb5: {  	_ =	sfence  }
0xb6: {  	s30 =	sld [smem:$0x0];
	_ =	sdelay $0x2  }
0xb7: {  	s31 =	sshll.u32 s1, $0xD;
	s1 =	sshrl.u32 s1, $0x2  }
0xb8: {  	s3 =	sand.u32 $0x4000, s31;
	s1 =	sadd.s32 s1, s30  }
0xb9: {  	s0 =	sor.u32 s3, s0;
	s1 =	sshll.u32 s1, $0x11  }
0xba: {  	s0 =	sor.u32 s1, s0  }
0xbb: {  	s0 =	sadd.s32 $0x8F2B, s0  }
0xbc: {  	[sflag:s0] =	ssyncadd.remote.s32 $0x1  }
0xbd: {  	_ =	sfence.sel $0xFFFF  }
0xbe: {  	[dreg:$0x0] =	wrdreg $0xFFFFFFFF;
	(pc) =	sbr.abs _section_cstart, $3  }
0xbf: {  	[dreg:$0x1] =	wrdreg $0xFFFFFFFF  }
0xc0: {  	_ =	task.clear_ibuf [dreg:s6], $0x2FFFF;
	_ =	strace $0x9FFFFFFF  }
0xc1: {  	(tm) =	ssettm $0x7FFFFFFF  }
tec
execute0_lowered:
.L_overlay_start_1:
0x0: {  	(tag) =	ssettag $0x1  }
0x1: {  	s1 =	srdreg.scid;
	s0 =	stileid.u32  }
0x2: {  	s24 =	sand.u32 $0x1, s1;
	s30 =	sshll.u32 s0, $0x1  }
0x3: {  	s23 =	rddreg [dreg:$0x0];
	s18 =	sor.u32 s24, s30  }
0x4: {  	s2 =	simm.s32 $0x0;
	s1 =	rddreg [dreg:$0x1];
	s3 =	sshll.u32 s18, $0x7  }
0x5: {  	[smem:$0x7FF] =	sst s2;
	s22 =	sadd.s32 s3, s23  }
0x6: {  	_ =	strace $0x80000047;
	s3 =	simm.s32 $0x2;
	s4 =	sadd.s32 $0x18200, s22  }
0x7: {  	[tilespmem:s2], [sflag:$0x2] =	stream.linear.gather [hbm4b:s4+s2], $0x300, $0x38;
	[tilespmem:$0x18400] =	vst v63  }
0x8: {  	_ =	swait.ge [sflag:s3], $0x300  }
0x9: {  	s6 =	simm.s32 $0x80;
	[sflag:s3] =	ssyncset.done $0x0  }
0xa: {  	s7 =	simm.s32 $0x400;
	s5 =	sadd.s32 $0x38200, s23;
	[sflag:s3] =	ssyncadd.s32 $0xFFFFFD00  }
0xb: {  	[tilespmem:s7], [sflag:$0x1] =	stream.indirect.gather [hbm4b:s5+s6], $0x80, s2, s6, $0xb8;
	[tilespmem:$0x18400] =	vst v63  }
0xc: {  	s8 =	simm.s32 $0x4400  }
0xd: {  	[tilespmem:s8], [sflag:$0x1] =	stream.indirect.gather [hbm4b:s5+s6], $0x80, s6, s6, $0xb8;
	[tilespmem:$0x18400] =	vst v63  }
0xe: {  	s9 =	simm.s32 $0x100;
	s10 =	simm.s32 $0x8400  }
0xf: {  	[tilespmem:s10], [sflag:$0x1] =	stream.indirect.gather [hbm4b:s5+s6], $0x80, s9, s6, $0xb8;
	[tilespmem:$0x18400] =	vst v63  }
0x10: {  	s11 =	simm.s32 $0x180;
	s12 =	simm.s32 $0xC400  }
0x11: {  	[tilespmem:s12], [sflag:$0x1] =	stream.indirect.gather [hbm4b:s5+s6], $0x80, s11, s6, $0xb8;
	[tilespmem:$0x18400] =	vst v63  }
0x12: {  	s13 =	simm.s32 $0x200;
	s14 =	simm.s32 $0x10400  }
0x13: {  	[tilespmem:s14], [sflag:$0x1] =	stream.indirect.gather [hbm4b:s5+s6], $0x80, s13, s6, $0xb8;
	[tilespmem:$0x18400] =	vst v63  }
0x14: {  	s15 =	simm.s32 $0x280;
	s16 =	simm.s32 $0x14400;
	s17 =	simm.s32 $0x1  }
0x15: {  	[tilespmem:s16], [sflag:$0x1] =	stream.indirect.gather [hbm4b:s5+s6], $0x80, s15, s6, $0xb8;
	[tilespmem:$0x18400] =	vst v63  }
0x16: {  	_ =	swait.ge [sflag:s17], $0x4000  }
0x17: {  	[sflag:s17] =	ssyncset.done $0x0  }
0x18: {  	[sflag:s17] =	ssyncadd.s32 $0xFFFFC000  }
0x19: {  	_ =	swait.ge [sflag:s17], $0x4000  }
0x1a: {  	[sflag:s17] =	ssyncset.done $0x0  }
0x1b: {  	[sflag:s17] =	ssyncadd.s32 $0xFFFFC000  }
0x1c: {  	_ =	swait.ge [sflag:s17], $0x4000  }
0x1d: {  	[sflag:s17] =	ssyncset.done $0x0  }
0x1e: {  	[sflag:s17] =	ssyncadd.s32 $0xFFFFC000  }
0x1f: {  	_ =	swait.ge [sflag:s17], $0x4000  }
0x20: {  	[sflag:s17] =	ssyncset.done $0x0  }
0x21: {  	[sflag:s17] =	ssyncadd.s32 $0xFFFFC000  }
0x22: {  	_ =	swait.ge [sflag:s17], $0x4000  }
0x23: {  	[sflag:s17] =	ssyncset.done $0x0  }
0x24: {  	s18 =	smul.u32 $0x3000, s18;
	[sflag:s17] =	ssyncadd.s32 $0xFFFFC000  }
0x25: {  	_ =	swait.ge [sflag:s17], $0x4000  }
0x26: {  	s25 =	sadd.s32 s18, s23;
	[sflag:s17] =	ssyncset.done $0x0  }
0x27: {  	s18 =	sadd.s32 $0xB8200, s25;
	[sflag:s17] =	ssyncadd.s32 $0xFFFFC000  }
0x28: {  	[hbm4b:s18+s2] =	stream.linear.scatter [tilespmem:s7], [sflag:$0x2], $0x18000, $0x38;
	[tilespmem:$0x18400] =	vst v63  }
0x29: {  	_ =	swait.ge [sflag:s3], $0x18000  }
0x2a: {  	[sflag:s3] =	ssyncset.done $0x0  }
0x2b: {  	s19 =	sadd.s32 $0x19200, s22;
	[sflag:s3] =	ssyncadd.s32 $0xFFFE8000  }
0x2c: {  	[tilespmem:s2], [sflag:$0x2] =	stream.linear.gather [hbm4b:s19+s2], $0x300, $0x38;
	[tilespmem:$0x18400] =	vst v63  }
0x2d: {  	_ =	swait.ge [sflag:s3], $0x300  }
0x2e: {  	[sflag:s3] =	ssyncset.done $0x0  }
0x2f: {  	s20 =	sadd.s32 $0x8200, s23;
	[sflag:s3] =	ssyncadd.s32 $0xFFFFFD00  }
0x30: {  	[tilespmem:s7], [sflag:$0x1] =	stream.indirect.gather [hbm4b:s20+s6], $0x80, s2, s6, $0xb8;
	[tilespmem:$0x18400] =	vst v63  }
0x31: {  	_ = 	snop  }
0x32: {  	[tilespmem:s8], [sflag:$0x1] =	stream.indirect.gather [hbm4b:s20+s6], $0x80, s6, s6, $0xb8;
	[tilespmem:$0x18400] =	vst v63  }
0x33: {  	_ = 	snop  }
0x34: {  	[tilespmem:s10], [sflag:$0x1] =	stream.indirect.gather [hbm4b:s20+s6], $0x80, s9, s6, $0xb8;
	[tilespmem:$0x18400] =	vst v63  }
0x35: {  	_ = 	snop  }
0x36: {  	[tilespmem:s12], [sflag:$0x1] =	stream.indirect.gather [hbm4b:s20+s6], $0x80, s11, s6, $0xb8;
	[tilespmem:$0x18400] =	vst v63  }
0x37: {  	_ = 	snop  }
0x38: {  	[tilespmem:s14], [sflag:$0x1] =	stream.indirect.gather [hbm4b:s20+s6], $0x80, s13, s6, $0xb8;
	[tilespmem:$0x18400] =	vst v63  }
0x39: {  	_ = 	snop  }
0x3a: {  	[tilespmem:s16], [sflag:$0x1] =	stream.indirect.gather [hbm4b:s20+s6], $0x80, s15, s6, $0xb8;
	[tilespmem:$0x18400] =	vst v63  }
0x3b: {  	_ =	swait.ge [sflag:s17], $0x4000  }
0x3c: {  	[sflag:s17] =	ssyncset.done $0x0  }
0x3d: {  	[sflag:s17] =	ssyncadd.s32 $0xFFFFC000  }
0x3e: {  	_ =	swait.ge [sflag:s17], $0x4000  }
0x3f: {  	[sflag:s17] =	ssyncset.done $0x0  }
0x40: {  	[sflag:s17] =	ssyncadd.s32 $0xFFFFC000  }
0x41: {  	_ =	swait.ge [sflag:s17], $0x4000  }
0x42: {  	[sflag:s17] =	ssyncset.done $0x0  }
0x43: {  	[sflag:s17] =	ssyncadd.s32 $0xFFFFC000  }
0x44: {  	_ =	swait.ge [sflag:s17], $0x4000  }
0x45: {  	[sflag:s17] =	ssyncset.done $0x0  }
0x46: {  	[sflag:s17] =	ssyncadd.s32 $0xFFFFC000  }
0x47: {  	_ =	swait.ge [sflag:s17], $0x4000  }
0x48: {  	[sflag:s17] =	ssyncset.done $0x0  }
0x49: {  	[sflag:s17] =	ssyncadd.s32 $0xFFFFC000  }
0x4a: {  	_ =	swait.ge [sflag:s17], $0x4000  }
0x4b: {  	[sflag:s17] =	ssyncset.done $0x0  }
0x4c: {  	s21 =	sadd.s32 $0x118200, s25;
	[sflag:s17] =	ssyncadd.s32 $0xFFFFC000  }
0x4d: {  	[hbm4b:s21+s2] =	stream.linear.scatter [tilespmem:s7], [sflag:$0x2], $0x18000, $0x38;
	[tilespmem:$0x18400] =	vst v63  }
0x4e: {  	_ =	swait.ge [sflag:s3], $0x18000  }
0x4f: {  	[sflag:s3] =	ssyncset.done $0x0  }
0x50: {  	s22 =	sadd.s32 $0x1A200, s22;
	[sflag:s3] =	ssyncadd.s32 $0xFFFE8000  }
0x51: {  	[tilespmem:s2], [sflag:$0x2] =	stream.linear.gather [hbm4b:s22+s2], $0x300, $0x38;
	[tilespmem:$0x18400] =	vst v63  }
0x52: {  	_ =	swait.ge [sflag:s3], $0x300  }
0x53: {  	[sflag:s3] =	ssyncset.done $0x0  }
0x54: {  	s23 =	sadd.s32 $0x200, s23;
	[sflag:s3] =	ssyncadd.s32 $0xFFFFFD00  }
0x55: {  	[tilespmem:s7], [sflag:$0x1] =	stream.indirect.gather [hbm4b:s23+s6], $0x80, s2, s6, $0xb8;
	[tilespmem:$0x18400] =	vst v63  }
0x56: {  	_ = 	snop  }
0x57: {  	[tilespmem:s8], [sflag:$0x1] =	stream.indirect.gather [hbm4b:s23+s6], $0x80, s6, s6, $0xb8;
	[tilespmem:$0x18400] =	vst v63  }
0x58: {  	_ = 	snop  }
0x59: {  	[tilespmem:s10], [sflag:$0x1] =	stream.indirect.gather [hbm4b:s23+s6], $0x80, s9, s6, $0xb8;
	[tilespmem:$0x18400] =	vst v63  }
0x5a: {  	_ = 	snop  }
0x5b: {  	[tilespmem:s12], [sflag:$0x1] =	stream.indirect.gather [hbm4b:s23+s6], $0x80, s11, s6, $0xb8;
	[tilespmem:$0x18400] =	vst v63  }
0x5c: {  	_ = 	snop  }
0x5d: {  	[tilespmem:s14], [sflag:$0x1] =	stream.indirect.gather [hbm4b:s23+s6], $0x80, s13, s6, $0xb8;
	[tilespmem:$0x18400] =	vst v63  }
0x5e: {  	_ = 	snop  }
0x5f: {  	[tilespmem:s16], [sflag:$0x1] =	stream.indirect.gather [hbm4b:s23+s6], $0x80, s15, s6, $0xb8;
	[tilespmem:$0x18400] =	vst v63  }
0x60: {  	_ =	swait.ge [sflag:s17], $0x4000  }
0x61: {  	[sflag:s17] =	ssyncset.done $0x0  }
0x62: {  	[sflag:s17] =	ssyncadd.s32 $0xFFFFC000  }
0x63: {  	_ =	swait.ge [sflag:s17], $0x4000  }
0x64: {  	[sflag:s17] =	ssyncset.done $0x0  }
0x65: {  	[sflag:s17] =	ssyncadd.s32 $0xFFFFC000  }
0x66: {  	_ =	swait.ge [sflag:s17], $0x4000  }
0x67: {  	[sflag:s17] =	ssyncset.done $0x0  }
0x68: {  	[sflag:s17] =	ssyncadd.s32 $0xFFFFC000  }
0x69: {  	_ =	swait.ge [sflag:s17], $0x4000  }
0x6a: {  	[sflag:s17] =	ssyncset.done $0x0  }
0x6b: {  	s24 =	ssub.s32 $0x2, s24;
	[sflag:s17] =	ssyncadd.s32 $0xFFFFC000  }
0x6c: {  	s26 =	sshrl.u32 s24, $0x1;
	_ =	swait.ge [sflag:s17], $0x4000  }
0x6d: {  	s26 =	ssub.s32 s24, s26;
	[sflag:s17] =	ssyncset.done $0x0  }
0x6e: {  	s31 =	smax.u32 s26, $0x1;
	[sflag:s17] =	ssyncadd.s32 $0xFFFFC000  }
0x6f: {  	p0 =	sne.s32 s31, $0x1;
	_ =	swait.ge [sflag:s17], $0x4000  }
.Ltmp0:
0x70: {  	[sflag:s17] =	ssyncset.done $0x0;
	(pc) =	sbr.rel @!p0 .LBB2_2-.Ltmp0, $4  }
0x71: {  	s24 =	sadd.s32 $0x178200, s25;
	[sflag:s17] =	ssyncadd.s32 $0xFFFFC000  }
0x72: {  	[hbm4b:s24+s2] =	stream.linear.scatter [tilespmem:s7], [sflag:$0x2], $0x18000, $0x38;
	[tilespmem:$0x18400] =	vst v63  }
0x73: {  	_ =	swait.ge [sflag:s3], $0x18000  }
0x74: {  	s25 =	sadd.s32 $0xFFFFFFFF, s31;
	[sflag:s3] =	ssyncset.done $0x0  }
.LBB2_1:
0x75: {  	p0 =	sne.s32 s25, $0x1;
	s25 =	sadd.s32 $0xFFFFFFFF, s25;
	[sflag:s3] =	ssyncadd.s32 $0xFFFE8000  }
0x76: {  	[tilespmem:s2], [sflag:$0x2] =	stream.linear.gather [hbm4b:s4+s2], $0x300, $0x38;
	[tilespmem:$0x18400] =	vst v63  }
0x77: {  	_ =	swait.ge [sflag:s3], $0x300  }
0x78: {  	[sflag:s3] =	ssyncset.done $0x0  }
0x79: {  	[sflag:s3] =	ssyncadd.s32 $0xFFFFFD00  }
0x7a: {  	[tilespmem:s7], [sflag:$0x1] =	stream.indirect.gather [hbm4b:s5+s6], $0x80, s2, s6, $0xb8;
	[tilespmem:$0x18400] =	vst v63  }
0x7b: {  	_ = 	snop  }
0x7c: {  	[tilespmem:s8], [sflag:$0x1] =	stream.indirect.gather [hbm4b:s5+s6], $0x80, s6, s6, $0xb8;
	[tilespmem:$0x18400] =	vst v63  }
0x7d: {  	_ = 	snop  }
0x7e: {  	[tilespmem:s10], [sflag:$0x1] =	stream.indirect.gather [hbm4b:s5+s6], $0x80, s9, s6, $0xb8;
	[tilespmem:$0x18400] =	vst v63  }
0x7f: {  	_ = 	snop  }
0x80: {  	[tilespmem:s12], [sflag:$0x1] =	stream.indirect.gather [hbm4b:s5+s6], $0x80, s11, s6, $0xb8;
	[tilespmem:$0x18400] =	vst v63  }
0x81: {  	_ = 	snop  }
0x82: {  	[tilespmem:s14], [sflag:$0x1] =	stream.indirect.gather [hbm4b:s5+s6], $0x80, s13, s6, $0xb8;
	[tilespmem:$0x18400] =	vst v63  }
0x83: {  	_ = 	snop  }
0x84: {  	[tilespmem:s16], [sflag:$0x1] =	stream.indirect.gather [hbm4b:s5+s6], $0x80, s15, s6, $0xb8;
	[tilespmem:$0x18400] =	vst v63  }
0x85: {  	_ =	swait.ge [sflag:s17], $0x4000  }
0x86: {  	[sflag:s17] =	ssyncset.done $0x0  }
0x87: {  	[sflag:s17] =	ssyncadd.s32 $0xFFFFC000  }
0x88: {  	_ =	swait.ge [sflag:s17], $0x4000  }
0x89: {  	[sflag:s17] =	ssyncset.done $0x0  }
0x8a: {  	[sflag:s17] =	ssyncadd.s32 $0xFFFFC000  }
0x8b: {  	_ =	swait.ge [sflag:s17], $0x4000  }
0x8c: {  	[sflag:s17] =	ssyncset.done $0x0  }
0x8d: {  	[sflag:s17] =	ssyncadd.s32 $0xFFFFC000  }
0x8e: {  	_ =	swait.ge [sflag:s17], $0x4000  }
0x8f: {  	[sflag:s17] =	ssyncset.done $0x0  }
0x90: {  	[sflag:s17] =	ssyncadd.s32 $0xFFFFC000  }
0x91: {  	_ =	swait.ge [sflag:s17], $0x4000  }
0x92: {  	[sflag:s17] =	ssyncset.done $0x0  }
0x93: {  	[sflag:s17] =	ssyncadd.s32 $0xFFFFC000  }
0x94: {  	_ =	swait.ge [sflag:s17], $0x4000  }
0x95: {  	[sflag:s17] =	ssyncset.done $0x0  }
0x96: {  	[sflag:s17] =	ssyncadd.s32 $0xFFFFC000  }
0x97: {  	[hbm4b:s18+s2] =	stream.linear.scatter [tilespmem:s7], [sflag:$0x2], $0x18000, $0x38;
	[tilespmem:$0x18400] =	vst v63  }
0x98: {  	_ =	swait.ge [sflag:s3], $0x18000  }
0x99: {  	[sflag:s3] =	ssyncset.done $0x0  }
0x9a: {  	[sflag:s3] =	ssyncadd.s32 $0xFFFE8000  }
0x9b: {  	[tilespmem:s2], [sflag:$0x2] =	stream.linear.gather [hbm4b:s19+s2], $0x300, $0x38;
	[tilespmem:$0x18400] =	vst v63  }
0x9c: {  	_ =	swait.ge [sflag:s3], $0x300  }
0x9d: {  	[sflag:s3] =	ssyncset.done $0x0  }
0x9e: {  	[sflag:s3] =	ssyncadd.s32 $0xFFFFFD00  }
0x9f: {  	[tilespmem:s7], [sflag:$0x1] =	stream.indirect.gather [hbm4b:s20+s6], $0x80, s2, s6, $0xb8;
	[tilespmem:$0x18400] =	vst v63  }
0xa0: {  	_ = 	snop  }
0xa1: {  	[tilespmem:s8], [sflag:$0x1] =	stream.indirect.gather [hbm4b:s20+s6], $0x80, s6, s6, $0xb8;
	[tilespmem:$0x18400] =	vst v63  }
0xa2: {  	_ = 	snop  }
0xa3: {  	[tilespmem:s10], [sflag:$0x1] =	stream.indirect.gather [hbm4b:s20+s6], $0x80, s9, s6, $0xb8;
	[tilespmem:$0x18400] =	vst v63  }
0xa4: {  	_ = 	snop  }
0xa5: {  	[tilespmem:s12], [sflag:$0x1] =	stream.indirect.gather [hbm4b:s20+s6], $0x80, s11, s6, $0xb8;
	[tilespmem:$0x18400] =	vst v63  }
0xa6: {  	_ = 	snop  }
0xa7: {  	[tilespmem:s14], [sflag:$0x1] =	stream.indirect.gather [hbm4b:s20+s6], $0x80, s13, s6, $0xb8;
	[tilespmem:$0x18400] =	vst v63  }
0xa8: {  	_ = 	snop  }
0xa9: {  	[tilespmem:s16], [sflag:$0x1] =	stream.indirect.gather [hbm4b:s20+s6], $0x80, s15, s6, $0xb8;
	[tilespmem:$0x18400] =	vst v63  }
0xaa: {  	_ =	swait.ge [sflag:s17], $0x4000  }
0xab: {  	[sflag:s17] =	ssyncset.done $0x0  }
0xac: {  	[sflag:s17] =	ssyncadd.s32 $0xFFFFC000  }
0xad: {  	_ =	swait.ge [sflag:s17], $0x4000  }
0xae: {  	[sflag:s17] =	ssyncset.done $0x0  }
0xaf: {  	[sflag:s17] =	ssyncadd.s32 $0xFFFFC000  }
0xb0: {  	_ =	swait.ge [sflag:s17], $0x4000  }
0xb1: {  	[sflag:s17] =	ssyncset.done $0x0  }
0xb2: {  	[sflag:s17] =	ssyncadd.s32 $0xFFFFC000  }
0xb3: {  	_ =	swait.ge [sflag:s17], $0x4000  }
0xb4: {  	[sflag:s17] =	ssyncset.done $0x0  }
0xb5: {  	[sflag:s17] =	ssyncadd.s32 $0xFFFFC000  }
0xb6: {  	_ =	swait.ge [sflag:s17], $0x4000  }
0xb7: {  	[sflag:s17] =	ssyncset.done $0x0  }
0xb8: {  	[sflag:s17] =	ssyncadd.s32 $0xFFFFC000  }
0xb9: {  	_ =	swait.ge [sflag:s17], $0x4000  }
0xba: {  	[sflag:s17] =	ssyncset.done $0x0  }
0xbb: {  	[sflag:s17] =	ssyncadd.s32 $0xFFFFC000  }
0xbc: {  	[hbm4b:s21+s2] =	stream.linear.scatter [tilespmem:s7], [sflag:$0x2], $0x18000, $0x38;
	[tilespmem:$0x18400] =	vst v63  }
0xbd: {  	_ =	swait.ge [sflag:s3], $0x18000  }
0xbe: {  	[sflag:s3] =	ssyncset.done $0x0  }
0xbf: {  	[sflag:s3] =	ssyncadd.s32 $0xFFFE8000  }
0xc0: {  	[tilespmem:s2], [sflag:$0x2] =	stream.linear.gather [hbm4b:s22+s2], $0x300, $0x38;
	[tilespmem:$0x18400] =	vst v63  }
0xc1: {  	_ =	swait.ge [sflag:s3], $0x300  }
0xc2: {  	[sflag:s3] =	ssyncset.done $0x0  }
0xc3: {  	[sflag:s3] =	ssyncadd.s32 $0xFFFFFD00  }
0xc4: {  	[tilespmem:s7], [sflag:$0x1] =	stream.indirect.gather [hbm4b:s23+s6], $0x80, s2, s6, $0xb8;
	[tilespmem:$0x18400] =	vst v63  }
0xc5: {  	_ = 	snop  }
0xc6: {  	[tilespmem:s8], [sflag:$0x1] =	stream.indirect.gather [hbm4b:s23+s6], $0x80, s6, s6, $0xb8;
	[tilespmem:$0x18400] =	vst v63  }
0xc7: {  	_ = 	snop  }
0xc8: {  	[tilespmem:s10], [sflag:$0x1] =	stream.indirect.gather [hbm4b:s23+s6], $0x80, s9, s6, $0xb8;
	[tilespmem:$0x18400] =	vst v63  }
0xc9: {  	_ = 	snop  }
0xca: {  	[tilespmem:s12], [sflag:$0x1] =	stream.indirect.gather [hbm4b:s23+s6], $0x80, s11, s6, $0xb8;
	[tilespmem:$0x18400] =	vst v63  }
0xcb: {  	_ = 	snop  }
0xcc: {  	[tilespmem:s14], [sflag:$0x1] =	stream.indirect.gather [hbm4b:s23+s6], $0x80, s13, s6, $0xb8;
	[tilespmem:$0x18400] =	vst v63  }
0xcd: {  	_ = 	snop  }
0xce: {  	[tilespmem:s16], [sflag:$0x1] =	stream.indirect.gather [hbm4b:s23+s6], $0x80, s15, s6, $0xb8;
	[tilespmem:$0x18400] =	vst v63  }
0xcf: {  	_ =	swait.ge [sflag:s17], $0x4000  }
0xd0: {  	[sflag:s17] =	ssyncset.done $0x0  }
0xd1: {  	[sflag:s17] =	ssyncadd.s32 $0xFFFFC000  }
0xd2: {  	_ =	swait.ge [sflag:s17], $0x4000  }
0xd3: {  	[sflag:s17] =	ssyncset.done $0x0  }
0xd4: {  	[sflag:s17] =	ssyncadd.s32 $0xFFFFC000  }
0xd5: {  	_ =	swait.ge [sflag:s17], $0x4000  }
0xd6: {  	[sflag:s17] =	ssyncset.done $0x0  }
0xd7: {  	[sflag:s17] =	ssyncadd.s32 $0xFFFFC000  }
0xd8: {  	_ =	swait.ge [sflag:s17], $0x4000  }
0xd9: {  	[sflag:s17] =	ssyncset.done $0x0  }
0xda: {  	[sflag:s17] =	ssyncadd.s32 $0xFFFFC000  }
0xdb: {  	_ =	swait.ge [sflag:s17], $0x4000  }
0xdc: {  	[sflag:s17] =	ssyncset.done $0x0  }
0xdd: {  	[sflag:s17] =	ssyncadd.s32 $0xFFFFC000  }
0xde: {  	_ =	swait.ge [sflag:s17], $0x4000  }
.Ltmp1:
0xdf: {  	[sflag:s17] =	ssyncset.done $0x0;
	(pc) =	sbr.rel @p0 .LBB2_1-.Ltmp1, $4  }
0xe0: {  	[sflag:s17] =	ssyncadd.s32 $0xFFFFC000  }
0xe1: {  	[hbm4b:s24+s2] =	stream.linear.scatter [tilespmem:s7], [sflag:$0x2], $0x18000, $0x38;
	[tilespmem:$0x18400] =	vst v63  }
0xe2: {  	_ =	swait.ge [sflag:s3], $0x18000  }
0xe3: {  	[sflag:s3] =	ssyncset.done $0x0  }
.LBB2_2:
0xe4: {  	[sflag:s3] =	ssyncadd.s32 $0xFFFE8000  }
0xe5: {  	_ =	sfence.sel $0x180000  }
0xe6: {  	[bflag:$0x0] =	sbarrier.arrive $0xFFFF  }
0xe7: {  	p0 =	sne.s32 s0, $0x0;
	_ =	strace $0x90000047  }
0xe8: {  	s0 =	sadd.s32 @!p0 $0x100000, s1;
	[bflag:$0x2] =	sbarrier.arrive $0xFFFF  }
0xe9: {  	[sflag:s0] =	ssyncadd.tile.s32 @!p0 $0x1;
	_ =	shalt  }
.Lfunc_end2:
_tile_overlayer_lowered:
.L_overlay_start_2:
0xea: {  	(tag) =	ssettag $0x2  }
0xeb: {  	s0 =	rddreg [dreg:$0x0];
	s2 =	stileid.u32  }
0xec: {  	s1 =	rddreg [dreg:$0x1];
	p0 =	sne.s32 s2, $0x0  }
0xed: {  	s3 =	rddreg [dreg:$0x2];
	[bflag:$0x3] =	sbarrier.arrive $0xFFFF;
	s2 =	simm.s32 @!p0 $0x1C02  }
0xee: {  	[timem:s3], [sflag:s2] =	dma.local @!p0 [hbm:s0], s1  }
0xef: {  	s0 =	simm.s32 @!p0 $0x2  }
0xf0: {  	_ =	swait.ge @!p0 [sflag:s0], s1  }
0xf1: {  	s1 =	ssub.s32 @!p0 $0x0, s1;
	[sflag:s0] =	ssyncset.done @!p0 $0x0  }
0xf2: {  	[sflag:s0] =	ssyncadd.s32 @!p0 s1  }
0xf3: {  	[bflag:$0x3] =	sbarrier.arrive $0xFFFF  }
0xf4: {  	_ =	shalt  }

</sc_bundles>
